<compile_context>
chip_gen: v7x
topology: tpu7x:2x2x1
jax: 0.10.2.dev20260603
libtpu: 0.0.44.dev20260713+nightly
codegen_flags: <defaults>
</compile_context>

<pallas_src>
import functools
import numpy as np
import jax
import jax.numpy as jnp
from jax import lax
from jax.experimental import pallas as pl
from jax.experimental.pallas import tpu as pltpu
from jax.experimental.pallas import tpu_sc as plsc

B = 2
D = 256
M = 8
L = 4
P = 4
DH = 32
SHAPES = ((128, 128), (64, 64), (32, 32), (16, 16))
LEN = sum(h * w for h, w in SHAPES)
ROWS = B * LEN
T = 256
NT = ROWS // T
TPB = LEN // T
NWORK = 32
RPW = ROWS // NWORK

_lanes = np.arange(M * L * P)
_m_ln = _lanes // (L * P)
_l_ln = (_lanes % (L * P)) // P
_W_np = np.array([w for h, w in SHAPES], np.float32)
_H_np = np.array([h for h, w in SHAPES], np.float32)
_start_np = np.concatenate([[0], np.cumsum([h * w for h, w in SHAPES[:-1]])]).astype(np.int64)

_WL_I = _W_np[_l_ln].astype(np.int32).reshape(1, 128)
_BASEP = (_m_ln.astype(np.int64) * LEN + _start_np[_l_ln]).astype(np.int32).reshape(1, 128)
_WM2 = (_W_np[_l_ln] - 2.0).reshape(1, 128).astype(np.float32)
_HM1 = (_H_np[_l_ln] - 1.0).reshape(1, 128).astype(np.float32)

_SX = np.zeros((8, 128), np.float32)
_SY = np.zeros((8, 128), np.float32)
for _ln in range(128):
    _SX[2 * _l_ln[_ln] + 0, _ln] = _W_np[_l_ln[_ln]]
    _SY[2 * _l_ln[_ln] + 1, _ln] = _H_np[_l_ln[_ln]]

_BLK = (_lanes[:, None] // 16 == _lanes[None, :] // 16).astype(np.float32)


def _prep_body(q_ref, x_ref, rp_ref, wval_ref, bval_ref, woffx_ref, woffy_ref,
               cbx_ref, cby_ref, wattn_ref, battn_ref, sx_ref, sy_ref, blk_ref,
               wl_ref, basep_ref, wm2_ref, hm1_ref,
               val_out, idx_out, w_out):
    q = q_ref[...]
    v = jnp.dot(x_ref[...], wval_ref[...], preferred_element_type=jnp.float32) + bval_ref[...]
    val_out[...] = v.astype(jnp.bfloat16)

    hi = jax.lax.Precision.HIGHEST
    gx = (jnp.dot(q, woffx_ref[...], preferred_element_type=jnp.float32, precision=hi)
          + jnp.dot(rp_ref[...], sx_ref[...], preferred_element_type=jnp.float32, precision=hi)
          + cbx_ref[...])
    gy = (jnp.dot(q, woffy_ref[...], preferred_element_type=jnp.float32, precision=hi)
          + jnp.dot(rp_ref[...], sy_ref[...], preferred_element_type=jnp.float32, precision=hi)
          + cby_ref[...])

    a = jnp.dot(q, wattn_ref[...], preferred_element_type=jnp.float32, precision=hi) + battn_ref[...]
    e = jnp.exp(a - jnp.max(a, axis=1, keepdims=True))
    aw = e / jnp.dot(e, blk_ref[...], preferred_element_type=jnp.float32)

    x0 = jnp.floor(gx)
    y0 = jnp.floor(gy)
    y1 = y0 + 1.0
    fx = gx - x0
    fy = gy - y0

    wm2 = wm2_ref[...]
    hm1 = hm1_ref[...]
    x0c = jnp.clip(x0, 0.0, wm2)
    y0c = jnp.clip(y0, 0.0, hm1)
    y1c = jnp.clip(y1, 0.0, hm1)

    wxs0 = jnp.where(x0c == x0, 1.0 - fx, jnp.where(x0c == x0 + 1.0, fx, 0.0))
    wxs1 = jnp.where(x0c == x0, fx, jnp.where(x0c == x0 - 1.0, 1.0 - fx, 0.0))
    wy0 = jnp.where((y0 >= 0.0) & (y0 <= hm1), (1.0 - fy), 0.0) * aw
    wy1 = jnp.where((y1 >= 0.0) & (y1 <= hm1), fy, 0.0) * aw

    b = pl.program_id(0) // TPB
    boff = (b * (M * LEN)).astype(jnp.int32)
    kbase = basep_ref[...] + boff + x0c.astype(jnp.int32)
    wl = wl_ref[...]
    k0 = kbase + y0c.astype(jnp.int32) * wl
    k1 = kbase + y1c.astype(jnp.int32) * wl

    idx_out[...] = jnp.concatenate([k0, k1], axis=1)
    w_out[...] = jnp.concatenate([wy0 * wxs0, wy1 * wxs0, wy0 * wxs1, wy1 * wxs1], axis=1)


def _prep(q2, x2, rp2, W_val, bval2, W_offx, W_offy, cbx, cby, W_attn, battn2,
          sx, sy, blk, wl, basep, wm2, hm1):
    row_spec = lambda cols: pl.BlockSpec((T, cols), lambda i: (i, 0))
    full_spec = lambda r, c: pl.BlockSpec((r, c), lambda i: (0, 0))
    return pl.pallas_call(
        _prep_body,
        grid=(NT,),
        in_specs=[
            row_spec(D), row_spec(D), row_spec(8),
            full_spec(D, D), full_spec(1, D),
            full_spec(D, 128), full_spec(D, 128),
            full_spec(1, 128), full_spec(1, 128),
            full_spec(D, 128), full_spec(1, 128),
            full_spec(8, 128), full_spec(8, 128), full_spec(128, 128),
            full_spec(1, 128), full_spec(1, 128), full_spec(1, 128), full_spec(1, 128),
        ],
        out_specs=[row_spec(D), row_spec(256), row_spec(512)],
        out_shape=[
            jax.ShapeDtypeStruct((ROWS, D), jnp.bfloat16),
            jax.ShapeDtypeStruct((ROWS, 256), jnp.int32),
            jax.ShapeDtypeStruct((ROWS, 512), jnp.float32),
        ],
    )(q2, x2, rp2, W_val, bval2, W_offx, W_offy, cbx, cby, W_attn, battn2,
      sx, sy, blk, wl, basep, wm2, hm1)



QC = 40
NCH = RPW // QC


@functools.cache
def _sample_fn():
    mesh = plsc.VectorSubcoreMesh(core_axis_name="c", subcore_axis_name="s",
                                  num_cores=2, num_subcores=16)

    @functools.partial(
        pl.kernel,
        out_type=jax.ShapeDtypeStruct((ROWS, D), jnp.float32),
        mesh=mesh,
        scratch_types=[
            pltpu.VMEM((2, QC, 256), jnp.int32),
            pltpu.VMEM((2, QC, 512), jnp.float32),
            pltpu.VMEM((2, 256, 64), jnp.bfloat16),
            pltpu.VMEM((QC, D), jnp.float32),
            pltpu.SemaphoreType.DMA,
            pltpu.SemaphoreType.DMA,
            pltpu.SemaphoreType.DMA,
        ],
        compiler_params=pltpu.CompilerParams(use_tc_tiling_on_sc=False,
                                             needs_layout_passes=False),
    )
    def _sample(value_hbm, idx_hbm, w_hbm, out_hbm,
                idxc, wc, rowb, outc, sem_ch, sem_g0, sem_g1):
        wid = lax.axis_index("s") * 2 + lax.axis_index("c")
        base = wid * RPW

        def fire_chunk(c):
            q0 = jnp.minimum(base + c * QC, ROWS - QC)
            s = lax.rem(c, 2)
            pltpu.async_copy(idx_hbm.at[pl.ds(q0, QC)], idxc.at[s], sem_ch)
            pltpu.async_copy(w_hbm.at[pl.ds(q0, QC)], wc.at[s], sem_ch)

        def wait_chunk():
            pltpu.make_async_copy(idx_hbm.at[pl.ds(0, QC)], idxc.at[0], sem_ch).wait()
            pltpu.make_async_copy(w_hbm.at[pl.ds(0, QC)], wc.at[0], sem_ch).wait()

        def fire_row(s, r, rb, sem):
            pltpu.async_copy(value_hbm.at[idxc.at[s, r]], rowb.at[rb], sem)

        def wait_row(rb, sem):
            pltpu.make_async_copy(value_hbm.at[pl.ds(0, 256)],
                                  rowb.at[rb], sem).wait()

        def accum_row(s, r, rb):
            himask = jnp.full((16,), -65536, jnp.int32)

            def half(v32):
                ev = plsc.bitcast(v32 << 16, jnp.float32)
                od = plsc.bitcast(v32 & himask, jnp.float32)
                return ev, od

            def mbody(m, carry):
                acc_e = jnp.zeros((16,), jnp.float32)
                acc_o = jnp.zeros((16,), jnp.float32)
                for t2 in range(2):
                    w0vec = wc[s, r, pl.ds(t2 * 128 + m * 16, 16)]
                    w1vec = wc[s, r, pl.ds(256 + t2 * 128 + m * 16, 16)]
                    for j in range(16):
                        w0 = w0vec[j]
                        w1 = w1vec[j]
                        pr = t2 * 128 + m * 16 + j
                        p0e, p0o = half(plsc.bitcast(rowb[rb, pr, 0:32], jnp.int32))
                        p1e, p1o = half(plsc.bitcast(rowb[rb, pr, 32:64], jnp.int32))
                        acc_e = acc_e + w0 * p0e + w1 * p1e
                        acc_o = acc_o + w0 * p0o + w1 * p1o
                outc[r, pl.ds(m * 32, 16)] = acc_e
                outc[r, pl.ds(m * 32 + 16, 16)] = acc_o
                return carry
            lax.fori_loop(0, M, mbody, 0)

        def chunk_body(c, carry):
            s = lax.rem(c, 2)
            def pair_body(p, carry2):
                fire_row(s, 2 * p + 1, 1, sem_g1)
                wait_row(0, sem_g0)
                accum_row(s, 2 * p, 0)

                @pl.when(2 * p + 2 < QC)
                def _():
                    fire_row(s, 2 * p + 2, 0, sem_g0)
                wait_row(1, sem_g1)
                accum_row(s, 2 * p + 1, 1)
                return carry2
            lax.fori_loop(0, QC // 2, pair_body, 0)
            pltpu.sync_copy(outc, out_hbm.at[pl.ds(base + c * QC, QC)])
            wait_chunk()
            fire_chunk(c + 2)
            fire_row(1 - s, 0, 0, sem_g0)
            return carry

        fire_chunk(jnp.int32(0))
        wait_chunk()
        fire_chunk(jnp.int32(1))
        fire_row(jnp.int32(0), jnp.int32(0), 0, sem_g0)
        lax.fori_loop(0, NCH, chunk_body, 0)
        wait_row(0, sem_g0)
        wait_chunk()

    return _sample



def _proj_body(o_ref, w_ref, b_ref, out_ref):
    out_ref[...] = (jnp.dot(o_ref[...], w_ref[...], preferred_element_type=jnp.float32)
                    + b_ref[...])


def _proj(o2, W_out, bout2):
    return pl.pallas_call(
        _proj_body,
        grid=(NT,),
        in_specs=[
            pl.BlockSpec((T, D), lambda i: (i, 0)),
            pl.BlockSpec((D, D), lambda i: (0, 0)),
            pl.BlockSpec((1, D), lambda i: (0, 0)),
        ],
        out_specs=pl.BlockSpec((T, D), lambda i: (i, 0)),
        out_shape=jax.ShapeDtypeStruct((ROWS, D), jnp.float32),
    )(o2, W_out, bout2)


def kernel(query, reference_points, input_flatten, input_spatial_shapes,
           input_level_start_index, W_off, b_off, W_attn, b_attn, W_val, b_val,
           W_out, b_out):
    q2 = query.reshape(ROWS, D)
    x2 = input_flatten.reshape(ROWS, D)
    rp2 = reference_points.reshape(ROWS, L * 2)
    W_offx = W_off[:, 0::2]
    W_offy = W_off[:, 1::2]
    cbx = (b_off[0::2] - 0.5).reshape(1, 128)
    cby = (b_off[1::2] - 0.5).reshape(1, 128)
    battn2 = b_attn.reshape(1, 128)
    bval2 = b_val.reshape(1, D)

    val_bf, idx_all, w_all = _prep(
        q2, x2, rp2, W_val, bval2, W_offx, W_offy, cbx, cby, W_attn, battn2,
        jnp.asarray(_SX), jnp.asarray(_SY), jnp.asarray(_BLK),
        jnp.asarray(_WL_I), jnp.asarray(_BASEP), jnp.asarray(_WM2), jnp.asarray(_HM1))

    vh = (val_bf.reshape(B, LEN, M, 2, 16).transpose(0, 2, 1, 4, 3)
          .reshape(B * M * LEN, 32))
    vh1 = jnp.concatenate([vh[1:], jnp.zeros((1, 32), jnp.bfloat16)], axis=0)
    tbl = jnp.concatenate([vh, vh1], axis=1)
    out_mid = _sample_fn()(tbl, idx_all, w_all)

    out = _proj(out_mid, W_out, b_out.reshape(1, D))
    return out.reshape(B, LEN, D)

# --- scband reference (transcript-rebuilt; emitter-appended) ---
"""Pipeline reference for scband-msdeform-attn-1159641170354 (READ-ONLY COPY).

The authoritative reference and input builder live on the scoring server;
editing this copy changes nothing except your own understanding.
"""

import math
import jax, jax.numpy as jnp
import numpy as np

B = 2
D_MODEL = 256
N_LEVELS = 4
N_HEADS = 8
N_POINTS = 4
SPATIAL_SHAPES = [(128, 128), (64, 64), (32, 32), (16, 16)]
LEN_IN = sum(h * w for h, w in SPATIAL_SHAPES)
LEN_Q = LEN_IN
HEAD_DIM = D_MODEL // N_HEADS


def _offset_bias():
    thetas = np.arange(N_HEADS, dtype=np.float32) * (2.0 * math.pi / N_HEADS)
    grid = np.stack([np.cos(thetas), np.sin(thetas)], -1)
    grid = grid / np.abs(grid).max(-1, keepdims=True)
    grid = np.tile(grid.reshape(N_HEADS, 1, 1, 2), (1, N_LEVELS, N_POINTS, 1)).copy()
    for i in range(N_POINTS):
        grid[:, :, i, :] *= i + 1
    return jnp.asarray(grid.reshape(-1), dtype=jnp.float32)


def setup_inputs(seed: int = 0):
    key = jax.random.key(seed)
    ks = jax.random.split(key, 8)
    d = D_MODEL
    s = 1.0 / np.sqrt(d)
    return {
        "query": jax.random.normal(ks[0], (B, LEN_Q, d), jnp.float32),
        "reference_points": jax.random.uniform(ks[1], (B, LEN_Q, N_LEVELS, 2), dtype=jnp.float32),
        "input_flatten": jax.random.normal(ks[2], (B, LEN_IN, d), jnp.float32),
        "input_spatial_shapes": jnp.asarray(SPATIAL_SHAPES, dtype=jnp.int32),
        "input_level_start_index": jnp.asarray(np.cumsum([0] + [h * w for h, w in SPATIAL_SHAPES[:-1]]), dtype=jnp.int32),
        "W_off": jax.random.normal(ks[3], (d, N_HEADS * N_LEVELS * N_POINTS * 2), jnp.float32) * 0.01,
        "b_off": _offset_bias(),
        "W_attn": jax.random.normal(ks[4], (d, N_HEADS * N_LEVELS * N_POINTS), jnp.float32) * 0.01,
        "b_attn": jnp.zeros((N_HEADS * N_LEVELS * N_POINTS,), jnp.float32),
        "W_val": jax.random.normal(ks[5], (d, d), jnp.float32) * s,
        "b_val": jnp.zeros((d,), jnp.float32),
        "W_out": jax.random.normal(ks[6], (d, d), jnp.float32) * s,
        "b_out": jnp.zeros((d,), jnp.float32),
    }


def _grid_sample_bilinear_zeros(img, grid):
    # img: (N, C, H, W); grid: (N, Hg, Wg, 2) in [-1, 1]; align_corners=False, zero padding
    N, C, H, W = img.shape
    gx = (grid[..., 0] + 1.0) * (W / 2.0) - 0.5
    gy = (grid[..., 1] + 1.0) * (H / 2.0) - 0.5
    x0 = jnp.floor(gx)
    y0 = jnp.floor(gy)
    x1 = x0 + 1.0
    y1 = y0 + 1.0
    wx1 = gx - x0
    wx0 = 1.0 - wx1
    wy1 = gy - y0
    wy0 = 1.0 - wy1
    flat = img.reshape(N, C, H * W)

    def gather(ix, iy):
        valid = (ix >= 0) & (ix <= W - 1) & (iy >= 0) & (iy <= H - 1)
        ixc = jnp.clip(ix, 0, W - 1).astype(jnp.int32)
        iyc = jnp.clip(iy, 0, H - 1).astype(jnp.int32)
        idx = (iyc * W + ixc).reshape(N, 1, -1)
        vals = jnp.take_along_axis(flat, idx, axis=2).reshape(N, C, ix.shape[1], ix.shape[2])
        return vals * valid[:, None, :, :].astype(img.dtype)

    out = (gather(x0, y0) * (wx0 * wy0)[:, None]
           + gather(x1, y0) * (wx1 * wy0)[:, None]
           + gather(x0, y1) * (wx0 * wy1)[:, None]
           + gather(x1, y1) * (wx1 * wy1)[:, None])
    return out


def reference(query, reference_points, input_flatten, input_spatial_shapes, input_level_start_index, W_off, b_off, W_attn, b_attn, W_val, b_val, W_out, b_out):
    Bq, Lq, d = query.shape
    M, L, P, Dh = N_HEADS, N_LEVELS, N_POINTS, HEAD_DIM
    value = (input_flatten @ W_val + b_val).reshape(Bq, input_flatten.shape[1], M, Dh)
    off = (query @ W_off + b_off).reshape(Bq, Lq, M, L, P, 2)
    aw = jax.nn.softmax((query @ W_attn + b_attn).reshape(Bq, Lq, M, L * P), axis=-1).reshape(Bq, Lq, M, L, P)
    normalizer = jnp.stack([input_spatial_shapes[..., 1], input_spatial_shapes[..., 0]], -1).astype(jnp.float32)
    loc = reference_points[:, :, None, :, None, :] + off / normalizer[None, None, None, :, None, :]
    grids = 2.0 * loc - 1.0
    sampled = []
    start = 0
    for lid, (H, W) in enumerate(SPATIAL_SHAPES):
        v_l = value[:, start:start + H * W]
        start += H * W
        v_l = jnp.transpose(v_l, (0, 2, 3, 1)).reshape(Bq * M, Dh, H, W)
        g_l = jnp.transpose(grids[:, :, :, lid], (0, 2, 1, 3, 4)).reshape(Bq * M, Lq, P, 2)
        sampled.append(_grid_sample_bilinear_zeros(v_l, g_l))
    stacked = jnp.stack(sampled, axis=-2).reshape(Bq * M, Dh, Lq, L * P)
    aw2 = jnp.transpose(aw, (0, 2, 1, 3, 4)).reshape(Bq * M, 1, Lq, L * P)
    out = (stacked * aw2).sum(-1).reshape(Bq, M * Dh, Lq)
    out = jnp.transpose(out, (0, 2, 1))
    return out @ W_out + b_out

if __name__ == "__main__":
    import jax
    _d = setup_inputs()
    print(jax.jit(kernel)(*tuple(_d.values())))

</pallas_src>

<mosaic_0001>
#map = affine_map<(d0, d1) -> (0, 0)>
module attributes {stable_mosaic.version = 14 : i64} {
  func.func @_sample(%arg0: i32, %arg1: i32, %arg2: memref<348160x64xbf16, #tpu.memory_space<hbm>>, %arg3: memref<43520x256xi32, #tpu.memory_space<hbm>>, %arg4: memref<43520x512xf32, #tpu.memory_space<hbm>>, %arg5: memref<43520x256xf32, #tpu.memory_space<hbm>>, %arg6: memref<2x40x256xi32, #tpu.memory_space<vmem>>, %arg7: memref<2x40x512xf32, #tpu.memory_space<vmem>>, %arg8: memref<2x256x64xbf16, #tpu.memory_space<vmem>>, %arg9: memref<40x256xf32, #tpu.memory_space<vmem>>, %arg10: memref<!tpu.dma_semaphore, #tpu.memory_space<semaphore_mem>>, %arg11: memref<!tpu.dma_semaphore, #tpu.memory_space<semaphore_mem>>, %arg12: memref<!tpu.dma_semaphore, #tpu.memory_space<semaphore_mem>>) attributes {dimension_semantics = [#tpu.dimension_semantics<core_parallel>, #tpu.dimension_semantics<subcore_parallel>], iteration_bounds = array<i64: 2, 16>, scalar_prefetch = 0 : i64, scratch_operands = 7 : i64, tpu.core_type = #tpu.core_type<sc_vector_subcore>, window_params = [{transform_indices = #map}, {transform_indices = #map}, {transform_indices = #map}, {transform_indices = #map}]} {
    %mul3A = arith.constant 2 : i32
    %mul3A_0 = arith.muli %arg1, %mul3A : i32
    %add3A = arith.addi %mul3A_0, %arg0 : i32
    %mul3A_1 = arith.constant 1360 : i32
    %mul3A_2 = arith.muli %add3A, %mul3A_1 : i32
    %mul3A_3 = arith.constant 0 : i32
    %mul3A_4 = arith.constant 40 : i32
    %mul3A_5 = arith.muli %mul3A_3, %mul3A_4 : i32
    %add3A_6 = arith.addi %mul3A_2, %mul3A_5 : i32
    %min3A = arith.constant 43480 : i32
    %min3A_7 = arith.minsi %add3A_6, %min3A : i32
    %rem3A = arith.constant 0 : i32
    %rem3A_8 = arith.constant 2 : i32
    %rem3A_9 = arith.remsi %rem3A, %rem3A_8 : i32
    %dma_start3A = arith.constant 0 : i32
    %dma_start3A_10 = arith.constant 0 : i32
    %dma_start3A_11 = tpu.memref_slice %arg6[%rem3A_9, %dma_start3A, %dma_start3A_10] : memref<2x40x256xi32, #tpu.memory_space<vmem>> -> memref<1x40x256xi32, #tpu.memory_space<vmem>>
    %dma_start3A_12 = tpu.memref_squeeze %dma_start3A_11 : memref<1x40x256xi32, #tpu.memory_space<vmem>> -> memref<40x256xi32, #tpu.memory_space<vmem>>
    %dma_start3A_13 = arith.constant 0 : i32
    %dma_start3A_14 = tpu.memref_slice %arg3[%min3A_7, %dma_start3A_13] : memref<43520x256xi32, #tpu.memory_space<hbm>> -> memref<40x256xi32, #tpu.memory_space<hbm>>
    %dma_start3A_15 = arith.constant 0 : i32
    %dma_start3A_16 = arith.constant 0 : i32
    %dma_start3A_17 = tpu.memref_slice %arg6[%rem3A_9, %dma_start3A_15, %dma_start3A_16] : memref<2x40x256xi32, #tpu.memory_space<vmem>> -> memref<1x40x256xi32, #tpu.memory_space<vmem>>
    %dma_start3A_18 = tpu.memref_squeeze %dma_start3A_17 : memref<1x40x256xi32, #tpu.memory_space<vmem>> -> memref<40x256xi32, #tpu.memory_space<vmem>>
    %dma_start3A_19 = arith.constant 0 : i32
    %dma_start3A_20 = tpu.memref_slice %arg3[%min3A_7, %dma_start3A_19] : memref<43520x256xi32, #tpu.memory_space<hbm>> -> memref<40x256xi32, #tpu.memory_space<hbm>>
    tpu.enqueue_dma source(%dma_start3A_20 : memref<40x256xi32, #tpu.memory_space<hbm>>) target(%dma_start3A_18 : memref<40x256xi32, #tpu.memory_space<vmem>>) target_semaphore(%arg10 : memref<!tpu.dma_semaphore, #tpu.memory_space<semaphore_mem>>)
    %dma_start3A_21 = arith.constant 0 : i32
    %dma_start3A_22 = arith.constant 0 : i32
    %dma_start3A_23 = tpu.memref_slice %arg7[%rem3A_9, %dma_start3A_21, %dma_start3A_22] : memref<2x40x512xf32, #tpu.memory_space<vmem>> -> memref<1x40x512xf32, #tpu.memory_space<vmem>>
    %dma_start3A_24 = tpu.memref_squeeze %dma_start3A_23 : memref<1x40x512xf32, #tpu.memory_space<vmem>> -> memref<40x512xf32, #tpu.memory_space<vmem>>
    %dma_start3A_25 = arith.constant 0 : i32
    %dma_start3A_26 = tpu.memref_slice %arg4[%min3A_7, %dma_start3A_25] : memref<43520x512xf32, #tpu.memory_space<hbm>> -> memref<40x512xf32, #tpu.memory_space<hbm>>
    %dma_start3A_27 = arith.constant 0 : i32
    %dma_start3A_28 = arith.constant 0 : i32
    %dma_start3A_29 = tpu.memref_slice %arg7[%rem3A_9, %dma_start3A_27, %dma_start3A_28] : memref<2x40x512xf32, #tpu.memory_space<vmem>> -> memref<1x40x512xf32, #tpu.memory_space<vmem>>
    %dma_start3A_30 = tpu.memref_squeeze %dma_start3A_29 : memref<1x40x512xf32, #tpu.memory_space<vmem>> -> memref<40x512xf32, #tpu.memory_space<vmem>>
    %dma_start3A_31 = arith.constant 0 : i32
    %dma_start3A_32 = tpu.memref_slice %arg4[%min3A_7, %dma_start3A_31] : memref<43520x512xf32, #tpu.memory_space<hbm>> -> memref<40x512xf32, #tpu.memory_space<hbm>>
    tpu.enqueue_dma source(%dma_start3A_32 : memref<40x512xf32, #tpu.memory_space<hbm>>) target(%dma_start3A_30 : memref<40x512xf32, #tpu.memory_space<vmem>>) target_semaphore(%arg10 : memref<!tpu.dma_semaphore, #tpu.memory_space<semaphore_mem>>)
    %dma_wait3A = arith.constant 0 : i32
    %dma_wait3A_33 = arith.constant 0 : i32
    %dma_wait3A_34 = arith.constant 0 : i32
    %dma_wait3A_35 = tpu.memref_slice %arg6[%dma_wait3A, %dma_wait3A_33, %dma_wait3A_34] : memref<2x40x256xi32, #tpu.memory_space<vmem>> -> memref<1x40x256xi32, #tpu.memory_space<vmem>>
    %dma_wait3A_36 = tpu.memref_squeeze %dma_wait3A_35 : memref<1x40x256xi32, #tpu.memory_space<vmem>> -> memref<40x256xi32, #tpu.memory_space<vmem>>
    %dma_wait3A_37 = arith.constant 0 : i32
    %dma_wait3A_38 = arith.constant 0 : i32
    %dma_wait3A_39 = tpu.memref_slice %arg3[%dma_wait3A_37, %dma_wait3A_38] : memref<43520x256xi32, #tpu.memory_space<hbm>> -> memref<40x256xi32, #tpu.memory_space<hbm>>
    %dma_wait3A_40 = arith.constant 0 : i32
    %dma_wait3A_41 = arith.constant 0 : i32
    %dma_wait3A_42 = tpu.memref_slice %arg6[%dma_wait3A, %dma_wait3A_40, %dma_wait3A_41] : memref<2x40x256xi32, #tpu.memory_space<vmem>> -> memref<1x40x256xi32, #tpu.memory_space<vmem>>
    %dma_wait3A_43 = tpu.memref_squeeze %dma_wait3A_42 : memref<1x40x256xi32, #tpu.memory_space<vmem>> -> memref<40x256xi32, #tpu.memory_space<vmem>>
    %dma_wait3A_44 = arith.constant 0 : i32
    %dma_wait3A_45 = arith.constant 0 : i32
    %dma_wait3A_46 = tpu.memref_slice %arg3[%dma_wait3A_44, %dma_wait3A_45] : memref<43520x256xi32, #tpu.memory_space<hbm>> -> memref<40x256xi32, #tpu.memory_space<hbm>>
    tpu.wait_dma2 semaphore(%arg10 : memref<!tpu.dma_semaphore, #tpu.memory_space<semaphore_mem>>) src(%dma_wait3A_46 : memref<40x256xi32, #tpu.memory_space<hbm>>) dst(%dma_wait3A_43 : memref<40x256xi32, #tpu.memory_space<vmem>>)
    %dma_wait3A_47 = arith.constant 0 : i32
    %dma_wait3A_48 = arith.constant 0 : i32
    %dma_wait3A_49 = arith.constant 0 : i32
    %dma_wait3A_50 = tpu.memref_slice %arg7[%dma_wait3A_47, %dma_wait3A_48, %dma_wait3A_49] : memref<2x40x512xf32, #tpu.memory_space<vmem>> -> memref<1x40x512xf32, #tpu.memory_space<vmem>>
    %dma_wait3A_51 = tpu.memref_squeeze %dma_wait3A_50 : memref<1x40x512xf32, #tpu.memory_space<vmem>> -> memref<40x512xf32, #tpu.memory_space<vmem>>
    %dma_wait3A_52 = arith.constant 0 : i32
    %dma_wait3A_53 = arith.constant 0 : i32
    %dma_wait3A_54 = tpu.memref_slice %arg4[%dma_wait3A_52, %dma_wait3A_53] : memref<43520x512xf32, #tpu.memory_space<hbm>> -> memref<40x512xf32, #tpu.memory_space<hbm>>
    %dma_wait3A_55 = arith.constant 0 : i32
    %dma_wait3A_56 = arith.constant 0 : i32
    %dma_wait3A_57 = tpu.memref_slice %arg7[%dma_wait3A_47, %dma_wait3A_55, %dma_wait3A_56] : memref<2x40x512xf32, #tpu.memory_space<vmem>> -> memref<1x40x512xf32, #tpu.memory_space<vmem>>
    %dma_wait3A_58 = tpu.memref_squeeze %dma_wait3A_57 : memref<1x40x512xf32, #tpu.memory_space<vmem>> -> memref<40x512xf32, #tpu.memory_space<vmem>>
    %dma_wait3A_59 = arith.constant 0 : i32
    %dma_wait3A_60 = arith.constant 0 : i32
    %dma_wait3A_61 = tpu.memref_slice %arg4[%dma_wait3A_59, %dma_wait3A_60] : memref<43520x512xf32, #tpu.memory_space<hbm>> -> memref<40x512xf32, #tpu.memory_space<hbm>>
    tpu.wait_dma2 semaphore(%arg10 : memref<!tpu.dma_semaphore, #tpu.memory_space<semaphore_mem>>) src(%dma_wait3A_61 : memref<40x512xf32, #tpu.memory_space<hbm>>) dst(%dma_wait3A_58 : memref<40x512xf32, #tpu.memory_space<vmem>>)
    %mul3A_62 = arith.constant 1 : i32
    %mul3A_63 = arith.constant 40 : i32
    %mul3A_64 = arith.muli %mul3A_62, %mul3A_63 : i32
    %add3A_65 = arith.addi %mul3A_2, %mul3A_64 : i32
    %min3A_66 = arith.constant 43480 : i32
    %min3A_67 = arith.minsi %add3A_65, %min3A_66 : i32
    %rem3A_68 = arith.constant 1 : i32
    %rem3A_69 = arith.constant 2 : i32
    %rem3A_70 = arith.remsi %rem3A_68, %rem3A_69 : i32
    %dma_start3A_71 = arith.constant 0 : i32
    %dma_start3A_72 = arith.constant 0 : i32
    %dma_start3A_73 = tpu.memref_slice %arg6[%rem3A_70, %dma_start3A_71, %dma_start3A_72] : memref<2x40x256xi32, #tpu.memory_space<vmem>> -> memref<1x40x256xi32, #tpu.memory_space<vmem>>
    %dma_start3A_74 = tpu.memref_squeeze %dma_start3A_73 : memref<1x40x256xi32, #tpu.memory_space<vmem>> -> memref<40x256xi32, #tpu.memory_space<vmem>>
    %dma_start3A_75 = arith.constant 0 : i32
    %dma_start3A_76 = tpu.memref_slice %arg3[%min3A_67, %dma_start3A_75] : memref<43520x256xi32, #tpu.memory_space<hbm>> -> memref<40x256xi32, #tpu.memory_space<hbm>>
    %dma_start3A_77 = arith.constant 0 : i32
    %dma_start3A_78 = arith.constant 0 : i32
    %dma_start3A_79 = tpu.memref_slice %arg6[%rem3A_70, %dma_start3A_77, %dma_start3A_78] : memref<2x40x256xi32, #tpu.memory_space<vmem>> -> memref<1x40x256xi32, #tpu.memory_space<vmem>>
    %dma_start3A_80 = tpu.memref_squeeze %dma_start3A_79 : memref<1x40x256xi32, #tpu.memory_space<vmem>> -> memref<40x256xi32, #tpu.memory_space<vmem>>
    %dma_start3A_81 = arith.constant 0 : i32
    %dma_start3A_82 = tpu.memref_slice %arg3[%min3A_67, %dma_start3A_81] : memref<43520x256xi32, #tpu.memory_space<hbm>> -> memref<40x256xi32, #tpu.memory_space<hbm>>
    tpu.enqueue_dma source(%dma_start3A_82 : memref<40x256xi32, #tpu.memory_space<hbm>>) target(%dma_start3A_80 : memref<40x256xi32, #tpu.memory_space<vmem>>) target_semaphore(%arg10 : memref<!tpu.dma_semaphore, #tpu.memory_space<semaphore_mem>>)
    %dma_start3A_83 = arith.constant 0 : i32
    %dma_start3A_84 = arith.constant 0 : i32
    %dma_start3A_85 = tpu.memref_slice %arg7[%rem3A_70, %dma_start3A_83, %dma_start3A_84] : memref<2x40x512xf32, #tpu.memory_space<vmem>> -> memref<1x40x512xf32, #tpu.memory_space<vmem>>
    %dma_start3A_86 = tpu.memref_squeeze %dma_start3A_85 : memref<1x40x512xf32, #tpu.memory_space<vmem>> -> memref<40x512xf32, #tpu.memory_space<vmem>>
    %dma_start3A_87 = arith.constant 0 : i32
    %dma_start3A_88 = tpu.memref_slice %arg4[%min3A_67, %dma_start3A_87] : memref<43520x512xf32, #tpu.memory_space<hbm>> -> memref<40x512xf32, #tpu.memory_space<hbm>>
    %dma_start3A_89 = arith.constant 0 : i32
    %dma_start3A_90 = arith.constant 0 : i32
    %dma_start3A_91 = tpu.memref_slice %arg7[%rem3A_70, %dma_start3A_89, %dma_start3A_90] : memref<2x40x512xf32, #tpu.memory_space<vmem>> -> memref<1x40x512xf32, #tpu.memory_space<vmem>>
    %dma_start3A_92 = tpu.memref_squeeze %dma_start3A_91 : memref<1x40x512xf32, #tpu.memory_space<vmem>> -> memref<40x512xf32, #tpu.memory_space<vmem>>
    %dma_start3A_93 = arith.constant 0 : i32
    %dma_start3A_94 = tpu.memref_slice %arg4[%min3A_67, %dma_start3A_93] : memref<43520x512xf32, #tpu.memory_space<hbm>> -> memref<40x512xf32, #tpu.memory_space<hbm>>
    tpu.enqueue_dma source(%dma_start3A_94 : memref<40x512xf32, #tpu.memory_space<hbm>>) target(%dma_start3A_92 : memref<40x512xf32, #tpu.memory_space<vmem>>) target_semaphore(%arg10 : memref<!tpu.dma_semaphore, #tpu.memory_space<semaphore_mem>>)
    %dma_start3A_95 = arith.constant 0 : i32
    %dma_start3A_96 = arith.constant 0 : i32
    %dma_start3A_97 = arith.constant 0 : i32
    %dma_start3A_98 = arith.constant 0 : i32
    %dma_start3A_99 = arith.constant 0 : i32
    %dma_start3A_100 = tpu.memref_slice %arg8[%dma_start3A_97, %dma_start3A_98, %dma_start3A_99] : memref<2x256x64xbf16, #tpu.memory_space<vmem>> -> memref<1x256x64xbf16, #tpu.memory_space<vmem>>
    %dma_start3A_101 = tpu.memref_squeeze %dma_start3A_100 : memref<1x256x64xbf16, #tpu.memory_space<vmem>> -> memref<256x64xbf16, #tpu.memory_space<vmem>>
    %dma_start3A_102 = arith.constant 0 : i32
    %dma_start3A_103 = tpu.memref_slice %arg6[%dma_start3A_95, %dma_start3A_96, %dma_start3A_102] : memref<2x40x256xi32, #tpu.memory_space<vmem>> -> memref<1x1x256xi32, #tpu.memory_space<vmem>>
    %dma_start3A_104 = tpu.memref_squeeze %dma_start3A_103 : memref<1x1x256xi32, #tpu.memory_space<vmem>> -> memref<256xi32, #tpu.memory_space<vmem>>
    %dma_start3A_105 = arith.constant 0 : i32
    %dma_start3A_106 = arith.constant 0 : i32
    %dma_start3A_107 = tpu.memref_slice %arg2[%dma_start3A_105, %dma_start3A_106] : memref<348160x64xbf16, #tpu.memory_space<hbm>> -> memref<348160x64xbf16, #tpu.memory_space<hbm>>
    tpu.enqueue_indirect_dma source(%dma_start3A_107 : memref<348160x64xbf16, #tpu.memory_space<hbm>>) target(%dma_start3A_101 : memref<256x64xbf16, #tpu.memory_space<vmem>>) offsets(%dma_start3A_104 : memref<256xi32, #tpu.memory_space<vmem>>) semaphore(%arg11 : memref<!tpu.dma_semaphore, #tpu.memory_space<semaphore_mem>>)
    %scan3A = arith.constant 0 : i32
    %scan3A_108 = arith.constant 0 : i32
    %scan3A_109 = arith.constant 34 : i32
    %scan3A_110 = arith.addi %scan3A_108, %scan3A_109 : i32
    %scan3A_111 = arith.constant 1 : i32
    scf.for %scan3A_158 = %scan3A_108 to %scan3A_110 step %scan3A_111  : i32 {
      %rem3A_159 = arith.constant 2 : i32
      %rem3A_160 = arith.remsi %scan3A_158, %rem3A_159 : i32
      %scan3A_161 = arith.constant 0 : i32
      %scan3A_162 = arith.constant 0 : i32
      %scan3A_163 = arith.constant 20 : i32
      %scan3A_164 = arith.addi %scan3A_162, %scan3A_163 : i32
      %scan3A_165 = arith.constant 1 : i32
      scf.for %scan3A_246 = %scan3A_162 to %scan3A_164 step %scan3A_165  : i32 {
        %mul3A_247 = arith.constant 2 : i32
        %mul3A_248 = arith.muli %mul3A_247, %scan3A_246 : i32
        %add3A_249 = arith.constant 1 : i32
        %add3A_250 = arith.addi %mul3A_248, %add3A_249 : i32
        %dma_start3A_251 = arith.constant 1 : i32
        %dma_start3A_252 = arith.constant 0 : i32
        %dma_start3A_253 = arith.constant 0 : i32
        %dma_start3A_254 = tpu.memref_slice %arg8[%dma_start3A_251, %dma_start3A_252, %dma_start3A_253] : memref<2x256x64xbf16, #tpu.memory_space<vmem>> -> memref<1x256x64xbf16, #tpu.memory_space<vmem>>
        %dma_start3A_255 = tpu.memref_squeeze %dma_start3A_254 : memref<1x256x64xbf16, #tpu.memory_space<vmem>> -> memref<256x64xbf16, #tpu.memory_space<vmem>>
        %dma_start3A_256 = arith.constant 0 : i32
        %dma_start3A_257 = tpu.memref_slice %arg6[%rem3A_160, %add3A_250, %dma_start3A_256] : memref<2x40x256xi32, #tpu.memory_space<vmem>> -> memref<1x1x256xi32, #tpu.memory_space<vmem>>
        %dma_start3A_258 = tpu.memref_squeeze %dma_start3A_257 : memref<1x1x256xi32, #tpu.memory_space<vmem>> -> memref<256xi32, #tpu.memory_space<vmem>>
        %dma_start3A_259 = arith.constant 0 : i32
        %dma_start3A_260 = arith.constant 0 : i32
        %dma_start3A_261 = tpu.memref_slice %arg2[%dma_start3A_259, %dma_start3A_260] : memref<348160x64xbf16, #tpu.memory_space<hbm>> -> memref<348160x64xbf16, #tpu.memory_space<hbm>>
        tpu.enqueue_indirect_dma source(%dma_start3A_261 : memref<348160x64xbf16, #tpu.memory_space<hbm>>) target(%dma_start3A_255 : memref<256x64xbf16, #tpu.memory_space<vmem>>) offsets(%dma_start3A_258 : memref<256xi32, #tpu.memory_space<vmem>>) semaphore(%arg12 : memref<!tpu.dma_semaphore, #tpu.memory_space<semaphore_mem>>)
        %dma_wait3A_262 = arith.constant 0 : i32
        %dma_wait3A_263 = arith.constant 0 : i32
        %dma_wait3A_264 = arith.constant 0 : i32
        %dma_wait3A_265 = tpu.memref_slice %arg8[%dma_wait3A_262, %dma_wait3A_263, %dma_wait3A_264] : memref<2x256x64xbf16, #tpu.memory_space<vmem>> -> memref<1x256x64xbf16, #tpu.memory_space<vmem>>
        %dma_wait3A_266 = tpu.memref_squeeze %dma_wait3A_265 : memref<1x256x64xbf16, #tpu.memory_space<vmem>> -> memref<256x64xbf16, #tpu.memory_space<vmem>>
        %dma_wait3A_267 = arith.constant 0 : i32
        %dma_wait3A_268 = arith.constant 0 : i32
        %dma_wait3A_269 = tpu.memref_slice %arg2[%dma_wait3A_267, %dma_wait3A_268] : memref<348160x64xbf16, #tpu.memory_space<hbm>> -> memref<256x64xbf16, #tpu.memory_space<hbm>>
        %dma_wait3A_270 = arith.constant 0 : i32
        %dma_wait3A_271 = arith.constant 0 : i32
        %dma_wait3A_272 = tpu.memref_slice %arg8[%dma_wait3A_262, %dma_wait3A_270, %dma_wait3A_271] : memref<2x256x64xbf16, #tpu.memory_space<vmem>> -> memref<1x256x64xbf16, #tpu.memory_space<vmem>>
        %dma_wait3A_273 = tpu.memref_squeeze %dma_wait3A_272 : memref<1x256x64xbf16, #tpu.memory_space<vmem>> -> memref<256x64xbf16, #tpu.memory_space<vmem>>
        %dma_wait3A_274 = arith.constant 0 : i32
        %dma_wait3A_275 = arith.constant 0 : i32
        %dma_wait3A_276 = tpu.memref_slice %arg2[%dma_wait3A_274, %dma_wait3A_275] : memref<348160x64xbf16, #tpu.memory_space<hbm>> -> memref<256x64xbf16, #tpu.memory_space<hbm>>
        tpu.wait_dma2 semaphore(%arg11 : memref<!tpu.dma_semaphore, #tpu.memory_space<semaphore_mem>>) src(%dma_wait3A_276 : memref<256x64xbf16, #tpu.memory_space<hbm>>) dst(%dma_wait3A_273 : memref<256x64xbf16, #tpu.memory_space<vmem>>)
        %mul3A_277 = arith.constant 2 : i32
        %mul3A_278 = arith.muli %mul3A_277, %scan3A_246 : i32
        %broadcast_in_dim3A = arith.constant -65536 : i32
        %broadcast_in_dim3A_279 = vector.broadcast %broadcast_in_dim3A : i32 to vector<16xi32>
        %scan3A_280 = arith.constant 0 : i32
        %scan3A_281 = arith.constant 0 : i32
        %scan3A_282 = arith.constant 8 : i32
        %scan3A_283 = arith.addi %scan3A_281, %scan3A_282 : i32
        %scan3A_284 = arith.constant 1 : i32
        scf.for %scan3A_319 = %scan3A_281 to %scan3A_283 step %scan3A_284  : i32 {
          %broadcast_in_dim3A_320 = arith.constant 0.000000e+00 : f32
          %broadcast_in_dim3A_321 = vector.broadcast %broadcast_in_dim3A_320 : f32 to vector<16xf32>
          %broadcast_in_dim3A_322 = arith.constant 0.000000e+00 : f32
          %broadcast_in_dim3A_323 = vector.broadcast %broadcast_in_dim3A_322 : f32 to vector<16xf32>
          %mul3A_324 = arith.constant 16 : i32
          %mul3A_325 = arith.muli %scan3A_319, %mul3A_324 : i32
          %add3A_326 = arith.constant 0 : i32
          %add3A_327 = arith.addi %add3A_326, %mul3A_325 : i32
          %get3A = arith.index_cast %rem3A_160 : i32 to index
          %get3A_328 = arith.index_cast %mul3A_278 : i32 to index
          %get3A_329 = arith.index_cast %add3A_327 : i32 to index
          %get3A_330 = tpu.vector_load %arg7[%get3A, %get3A_328, %get3A_329] {strides = array<i32>} : memref<2x40x512xf32, #tpu.memory_space<vmem>>, vector<16xf32>,
          %mul3A_331 = arith.constant 16 : i32
          %mul3A_332 = arith.muli %scan3A_319, %mul3A_331 : i32
          %add3A_333 = arith.constant 256 : i32
          %add3A_334 = arith.addi %add3A_333, %mul3A_332 : i32
          %get3A_335 = arith.index_cast %rem3A_160 : i32 to index
          %get3A_336 = arith.index_cast %mul3A_278 : i32 to index
          %get3A_337 = arith.index_cast %add3A_334 : i32 to index
          %get3A_338 = tpu.vector_load %arg7[%get3A_335, %get3A_336, %get3A_337] {strides = array<i32>} : memref<2x40x512xf32, #tpu.memory_space<vmem>>, vector<16xf32>,
          %slice3A = vector.extract_strided_slice %get3A_330 {offsets = [0], sizes = [1], strides = [1]} : vector<16xf32> to vector<1xf32>
          %squeeze3A = vector.extract %slice3A[0] : f32 from vector<1xf32>
          %slice3A_339 = vector.extract_strided_slice %get3A_338 {offsets = [0], sizes = [1], strides = [1]} : vector<16xf32> to vector<1xf32>
          %squeeze3A_340 = vector.extract %slice3A_339[0] : f32 from vector<1xf32>
          %mul3A_341 = arith.constant 16 : i32
          %mul3A_342 = arith.muli %scan3A_319, %mul3A_341 : i32
          %add3A_343 = arith.constant 0 : i32
          %add3A_344 = arith.addi %add3A_343, %mul3A_342 : i32
          %add3A_345 = arith.constant 0 : i32
          %add3A_346 = arith.addi %add3A_344, %add3A_345 : i32
          %get3A_347 = arith.constant 0 : i32
          %get3A_348 = arith.index_cast %get3A_347 : i32 to index
          %get3A_349 = arith.index_cast %add3A_346 : i32 to index
          %get3A_350 = arith.constant 0 : index
          %get3A_351 = tpu.vector_load %arg8[%get3A_348, %get3A_349, %get3A_350] {strides = array<i32>} : memref<2x256x64xbf16, #tpu.memory_space<vmem>>, vector<32xbf16>,
          %bitcast3A = vector.bitcast %get3A_351 : vector<32xbf16> to vector<16xi32>
          %shift_left3A = arith.constant 16 : i32
          %shift_left3A_352 = vector.broadcast %shift_left3A : i32 to vector<16xi32>
          %shift_left3A_353 = arith.shli %bitcast3A, %shift_left3A_352 : vector<16xi32>
          %bitcast3A_354 = vector.bitcast %shift_left3A_353 : vector<16xi32> to vector<16xf32>
          %and3A = arith.andi %bitcast3A, %broadcast_in_dim3A_279 : vector<16xi32>
          %bitcast3A_355 = vector.bitcast %and3A : vector<16xi32> to vector<16xf32>
          %get3A_356 = arith.constant 0 : i32
          %get3A_357 = arith.index_cast %get3A_356 : i32 to index
          %get3A_358 = arith.index_cast %add3A_346 : i32 to index
          %get3A_359 = arith.constant 32 : index
          %get3A_360 = tpu.vector_load %arg8[%get3A_357, %get3A_358, %get3A_359] {strides = array<i32>} : memref<2x256x64xbf16, #tpu.memory_space<vmem>>, vector<32xbf16>,
          %bitcast3A_361 = vector.bitcast %get3A_360 : vector<32xbf16> to vector<16xi32>
          %shift_left3A_362 = arith.constant 16 : i32
          %shift_left3A_363 = vector.broadcast %shift_left3A_362 : i32 to vector<16xi32>
          %shift_left3A_364 = arith.shli %bitcast3A_361, %shift_left3A_363 : vector<16xi32>
          %bitcast3A_365 = vector.bitcast %shift_left3A_364 : vector<16xi32> to vector<16xf32>
          %and3A_366 = arith.andi %bitcast3A_361, %broadcast_in_dim3A_279 : vector<16xi32>
          %bitcast3A_367 = vector.bitcast %and3A_366 : vector<16xi32> to vector<16xf32>
          %mul3A_368 = vector.broadcast %squeeze3A : f32 to vector<16xf32>
          %mul3A_369 = arith.mulf %mul3A_368, %bitcast3A_354 : vector<16xf32>
          %add3A_370 = arith.addf %broadcast_in_dim3A_321, %mul3A_369 : vector<16xf32>
          %mul3A_371 = vector.broadcast %squeeze3A_340 : f32 to vector<16xf32>
          %mul3A_372 = arith.mulf %mul3A_371, %bitcast3A_365 : vector<16xf32>
          %add3A_373 = arith.addf %add3A_370, %mul3A_372 : vector<16xf32>
          %mul3A_374 = vector.broadcast %squeeze3A : f32 to vector<16xf32>
          %mul3A_375 = arith.mulf %mul3A_374, %bitcast3A_355 : vector<16xf32>
          %add3A_376 = arith.addf %broadcast_in_dim3A_323, %mul3A_375 : vector<16xf32>
          %mul3A_377 = vector.broadcast %squeeze3A_340 : f32 to vector<16xf32>
          %mul3A_378 = arith.mulf %mul3A_377, %bitcast3A_367 : vector<16xf32>
          %add3A_379 = arith.addf %add3A_376, %mul3A_378 : vector<16xf32>
          %slice3A_380 = vector.extract_strided_slice %get3A_330 {offsets = [1], sizes = [1], strides = [1]} : vector<16xf32> to vector<1xf32>
          %squeeze3A_381 = vector.extract %slice3A_380[0] : f32 from vector<1xf32>
          %slice3A_382 = vector.extract_strided_slice %get3A_338 {offsets = [1], sizes = [1], strides = [1]} : vector<16xf32> to vector<1xf32>
          %squeeze3A_383 = vector.extract %slice3A_382[0] : f32 from vector<1xf32>
          %mul3A_384 = arith.constant 16 : i32
          %mul3A_385 = arith.muli %scan3A_319, %mul3A_384 : i32
          %add3A_386 = arith.constant 0 : i32
          %add3A_387 = arith.addi %add3A_386, %mul3A_385 : i32
          %add3A_388 = arith.constant 1 : i32
          %add3A_389 = arith.addi %add3A_387, %add3A_388 : i32
          %get3A_390 = arith.constant 0 : i32
          %get3A_391 = arith.index_cast %get3A_390 : i32 to index
          %get3A_392 = arith.index_cast %add3A_389 : i32 to index
          %get3A_393 = arith.constant 0 : index
          %get3A_394 = tpu.vector_load %arg8[%get3A_391, %get3A_392, %get3A_393] {strides = array<i32>} : memref<2x256x64xbf16, #tpu.memory_space<vmem>>, vector<32xbf16>,
          %bitcast3A_395 = vector.bitcast %get3A_394 : vector<32xbf16> to vector<16xi32>
          %shift_left3A_396 = arith.constant 16 : i32
          %shift_left3A_397 = vector.broadcast %shift_left3A_396 : i32 to vector<16xi32>
          %shift_left3A_398 = arith.shli %bitcast3A_395, %shift_left3A_397 : vector<16xi32>
          %bitcast3A_399 = vector.bitcast %shift_left3A_398 : vector<16xi32> to vector<16xf32>
          %and3A_400 = arith.andi %bitcast3A_395, %broadcast_in_dim3A_279 : vector<16xi32>
          %bitcast3A_401 = vector.bitcast %and3A_400 : vector<16xi32> to vector<16xf32>
          %get3A_402 = arith.constant 0 : i32
          %get3A_403 = arith.index_cast %get3A_402 : i32 to index
          %get3A_404 = arith.index_cast %add3A_389 : i32 to index
          %get3A_405 = arith.constant 32 : index
          %get3A_406 = tpu.vector_load %arg8[%get3A_403, %get3A_404, %get3A_405] {strides = array<i32>} : memref<2x256x64xbf16, #tpu.memory_space<vmem>>, vector<32xbf16>,
          %bitcast3A_407 = vector.bitcast %get3A_406 : vector<32xbf16> to vector<16xi32>
          %shift_left3A_408 = arith.constant 16 : i32
          %shift_left3A_409 = vector.broadcast %shift_left3A_408 : i32 to vector<16xi32>
          %shift_left3A_410 = arith.shli %bitcast3A_407, %shift_left3A_409 : vector<16xi32>
          %bitcast3A_411 = vector.bitcast %shift_left3A_410 : vector<16xi32> to vector<16xf32>
          %and3A_412 = arith.andi %bitcast3A_407, %broadcast_in_dim3A_279 : vector<16xi32>
          %bitcast3A_413 = vector.bitcast %and3A_412 : vector<16xi32> to vector<16xf32>
          %mul3A_414 = vector.broadcast %squeeze3A_381 : f32 to vector<16xf32>
          %mul3A_415 = arith.mulf %mul3A_414, %bitcast3A_399 : vector<16xf32>
          %add3A_416 = arith.addf %add3A_373, %mul3A_415 : vector<16xf32>
          %mul3A_417 = vector.broadcast %squeeze3A_383 : f32 to vector<16xf32>
          %mul3A_418 = arith.mulf %mul3A_417, %bitcast3A_411 : vector<16xf32>
          %add3A_419 = arith.addf %add3A_416, %mul3A_418 : vector<16xf32>
          %mul3A_420 = vector.broadcast %squeeze3A_381 : f32 to vector<16xf32>
          %mul3A_421 = arith.mulf %mul3A_420, %bitcast3A_401 : vector<16xf32>
          %add3A_422 = arith.addf %add3A_379, %mul3A_421 : vector<16xf32>
          %mul3A_423 = vector.broadcast %squeeze3A_383 : f32 to vector<16xf32>
          %mul3A_424 = arith.mulf %mul3A_423, %bitcast3A_413 : vector<16xf32>
          %add3A_425 = arith.addf %add3A_422, %mul3A_424 : vector<16xf32>
          %slice3A_426 = vector.extract_strided_slice %get3A_330 {offsets = [2], sizes = [1], strides = [1]} : vector<16xf32> to vector<1xf32>
          %squeeze3A_427 = vector.extract %slice3A_426[0] : f32 from vector<1xf32>
          %slice3A_428 = vector.extract_strided_slice %get3A_338 {offsets = [2], sizes = [1], strides = [1]} : vector<16xf32> to vector<1xf32>
          %squeeze3A_429 = vector.extract %slice3A_428[0] : f32 from vector<1xf32>
          %mul3A_430 = arith.constant 16 : i32
          %mul3A_431 = arith.muli %scan3A_319, %mul3A_430 : i32
          %add3A_432 = arith.constant 0 : i32
          %add3A_433 = arith.addi %add3A_432, %mul3A_431 : i32
          %add3A_434 = arith.constant 2 : i32
          %add3A_435 = arith.addi %add3A_433, %add3A_434 : i32
          %get3A_436 = arith.constant 0 : i32
          %get3A_437 = arith.index_cast %get3A_436 : i32 to index
          %get3A_438 = arith.index_cast %add3A_435 : i32 to index
          %get3A_439 = arith.constant 0 : index
          %get3A_440 = tpu.vector_load %arg8[%get3A_437, %get3A_438, %get3A_439] {strides = array<i32>} : memref<2x256x64xbf16, #tpu.memory_space<vmem>>, vector<32xbf16>,
          %bitcast3A_441 = vector.bitcast %get3A_440 : vector<32xbf16> to vector<16xi32>
          %shift_left3A_442 = arith.constant 16 : i32
          %shift_left3A_443 = vector.broadcast %shift_left3A_442 : i32 to vector<16xi32>
          %shift_left3A_444 = arith.shli %bitcast3A_441, %shift_left3A_443 : vector<16xi32>
          %bitcast3A_445 = vector.bitcast %shift_left3A_444 : vector<16xi32> to vector<16xf32>
          %and3A_446 = arith.andi %bitcast3A_441, %broadcast_in_dim3A_279 : vector<16xi32>
          %bitcast3A_447 = vector.bitcast %and3A_446 : vector<16xi32> to vector<16xf32>
          %get3A_448 = arith.constant 0 : i32
          %get3A_449 = arith.index_cast %get3A_448 : i32 to index
          %get3A_450 = arith.index_cast %add3A_435 : i32 to index
          %get3A_451 = arith.constant 32 : index
          %get3A_452 = tpu.vector_load %arg8[%get3A_449, %get3A_450, %get3A_451] {strides = array<i32>} : memref<2x256x64xbf16, #tpu.memory_space<vmem>>, vector<32xbf16>,
          %bitcast3A_453 = vector.bitcast %get3A_452 : vector<32xbf16> to vector<16xi32>
          %shift_left3A_454 = arith.constant 16 : i32
          %shift_left3A_455 = vector.broadcast %shift_left3A_454 : i32 to vector<16xi32>
          %shift_left3A_456 = arith.shli %bitcast3A_453, %shift_left3A_455 : vector<16xi32>
          %bitcast3A_457 = vector.bitcast %shift_left3A_456 : vector<16xi32> to vector<16xf32>
          %and3A_458 = arith.andi %bitcast3A_453, %broadcast_in_dim3A_279 : vector<16xi32>
          %bitcast3A_459 = vector.bitcast %and3A_458 : vector<16xi32> to vector<16xf32>
          %mul3A_460 = vector.broadcast %squeeze3A_427 : f32 to vector<16xf32>
          %mul3A_461 = arith.mulf %mul3A_460, %bitcast3A_445 : vector<16xf32>
          %add3A_462 = arith.addf %add3A_419, %mul3A_461 : vector<16xf32>
          %mul3A_463 = vector.broadcast %squeeze3A_429 : f32 to vector<16xf32>
          %mul3A_464 = arith.mulf %mul3A_463, %bitcast3A_457 : vector<16xf32>
          %add3A_465 = arith.addf %add3A_462, %mul3A_464 : vector<16xf32>
          %mul3A_466 = vector.broadcast %squeeze3A_427 : f32 to vector<16xf32>
          %mul3A_467 = arith.mulf %mul3A_466, %bitcast3A_447 : vector<16xf32>
          %add3A_468 = arith.addf %add3A_425, %mul3A_467 : vector<16xf32>
          %mul3A_469 = vector.broadcast %squeeze3A_429 : f32 to vector<16xf32>
          %mul3A_470 = arith.mulf %mul3A_469, %bitcast3A_459 : vector<16xf32>
          %add3A_471 = arith.addf %add3A_468, %mul3A_470 : vector<16xf32>
          %slice3A_472 = vector.extract_strided_slice %get3A_330 {offsets = [3], sizes = [1], strides = [1]} : vector<16xf32> to vector<1xf32>
          %squeeze3A_473 = vector.extract %slice3A_472[0] : f32 from vector<1xf32>
          %slice3A_474 = vector.extract_strided_slice %get3A_338 {offsets = [3], sizes = [1], strides = [1]} : vector<16xf32> to vector<1xf32>
          %squeeze3A_475 = vector.extract %slice3A_474[0] : f32 from vector<1xf32>
          %mul3A_476 = arith.constant 16 : i32
          %mul3A_477 = arith.muli %scan3A_319, %mul3A_476 : i32
          %add3A_478 = arith.constant 0 : i32
          %add3A_479 = arith.addi %add3A_478, %mul3A_477 : i32
          %add3A_480 = arith.constant 3 : i32
          %add3A_481 = arith.addi %add3A_479, %add3A_480 : i32
          %get3A_482 = arith.constant 0 : i32
          %get3A_483 = arith.index_cast %get3A_482 : i32 to index
          %get3A_484 = arith.index_cast %add3A_481 : i32 to index
          %get3A_485 = arith.constant 0 : index
          %get3A_486 = tpu.vector_load %arg8[%get3A_483, %get3A_484, %get3A_485] {strides = array<i32>} : memref<2x256x64xbf16, #tpu.memory_space<vmem>>, vector<32xbf16>,
          %bitcast3A_487 = vector.bitcast %get3A_486 : vector<32xbf16> to vector<16xi32>
          %shift_left3A_488 = arith.constant 16 : i32
          %shift_left3A_489 = vector.broadcast %shift_left3A_488 : i32 to vector<16xi32>
          %shift_left3A_490 = arith.shli %bitcast3A_487, %shift_left3A_489 : vector<16xi32>
          %bitcast3A_491 = vector.bitcast %shift_left3A_490 : vector<16xi32> to vector<16xf32>
          %and3A_492 = arith.andi %bitcast3A_487, %broadcast_in_dim3A_279 : vector<16xi32>
          %bitcast3A_493 = vector.bitcast %and3A_492 : vector<16xi32> to vector<16xf32>
          %get3A_494 = arith.constant 0 : i32
          %get3A_495 = arith.index_cast %get3A_494 : i32 to index
          %get3A_496 = arith.index_cast %add3A_481 : i32 to index
          %get3A_497 = arith.constant 32 : index
          %get3A_498 = tpu.vector_load %arg8[%get3A_495, %get3A_496, %get3A_497] {strides = array<i32>} : memref<2x256x64xbf16, #tpu.memory_space<vmem>>, vector<32xbf16>,
          %bitcast3A_499 = vector.bitcast %get3A_498 : vector<32xbf16> to vector<16xi32>
          %shift_left3A_500 = arith.constant 16 : i32
          %shift_left3A_501 = vector.broadcast %shift_left3A_500 : i32 to vector<16xi32>
          %shift_left3A_502 = arith.shli %bitcast3A_499, %shift_left3A_501 : vector<16xi32>
          %bitcast3A_503 = vector.bitcast %shift_left3A_502 : vector<16xi32> to vector<16xf32>
          %and3A_504 = arith.andi %bitcast3A_499, %broadcast_in_dim3A_279 : vector<16xi32>
          %bitcast3A_505 = vector.bitcast %and3A_504 : vector<16xi32> to vector<16xf32>
          %mul3A_506 = vector.broadcast %squeeze3A_473 : f32 to vector<16xf32>
          %mul3A_507 = arith.mulf %mul3A_506, %bitcast3A_491 : vector<16xf32>
          %add3A_508 = arith.addf %add3A_465, %mul3A_507 : vector<16xf32>
          %mul3A_509 = vector.broadcast %squeeze3A_475 : f32 to vector<16xf32>
          %mul3A_510 = arith.mulf %mul3A_509, %bitcast3A_503 : vector<16xf32>
          %add3A_511 = arith.addf %add3A_508, %mul3A_510 : vector<16xf32>
          %mul3A_512 = vector.broadcast %squeeze3A_473 : f32 to vector<16xf32>
          %mul3A_513 = arith.mulf %mul3A_512, %bitcast3A_493 : vector<16xf32>
          %add3A_514 = arith.addf %add3A_471, %mul3A_513 : vector<16xf32>
          %mul3A_515 = vector.broadcast %squeeze3A_475 : f32 to vector<16xf32>
          %mul3A_516 = arith.mulf %mul3A_515, %bitcast3A_505 : vector<16xf32>
          %add3A_517 = arith.addf %add3A_514, %mul3A_516 : vector<16xf32>
          %slice3A_518 = vector.extract_strided_slice %get3A_330 {offsets = [4], sizes = [1], strides = [1]} : vector<16xf32> to vector<1xf32>
          %squeeze3A_519 = vector.extract %slice3A_518[0] : f32 from vector<1xf32>
          %slice3A_520 = vector.extract_strided_slice %get3A_338 {offsets = [4], sizes = [1], strides = [1]} : vector<16xf32> to vector<1xf32>
          %squeeze3A_521 = vector.extract %slice3A_520[0] : f32 from vector<1xf32>
          %mul3A_522 = arith.constant 16 : i32
          %mul3A_523 = arith.muli %scan3A_319, %mul3A_522 : i32
          %add3A_524 = arith.constant 0 : i32
          %add3A_525 = arith.addi %add3A_524, %mul3A_523 : i32
          %add3A_526 = arith.constant 4 : i32
          %add3A_527 = arith.addi %add3A_525, %add3A_526 : i32
          %get3A_528 = arith.constant 0 : i32
          %get3A_529 = arith.index_cast %get3A_528 : i32 to index
          %get3A_530 = arith.index_cast %add3A_527 : i32 to index
          %get3A_531 = arith.constant 0 : index
          %get3A_532 = tpu.vector_load %arg8[%get3A_529, %get3A_530, %get3A_531] {strides = array<i32>} : memref<2x256x64xbf16, #tpu.memory_space<vmem>>, vector<32xbf16>,
          %bitcast3A_533 = vector.bitcast %get3A_532 : vector<32xbf16> to vector<16xi32>
          %shift_left3A_534 = arith.constant 16 : i32
          %shift_left3A_535 = vector.broadcast %shift_left3A_534 : i32 to vector<16xi32>
          %shift_left3A_536 = arith.shli %bitcast3A_533, %shift_left3A_535 : vector<16xi32>
          %bitcast3A_537 = vector.bitcast %shift_left3A_536 : vector<16xi32> to vector<16xf32>
          %and3A_538 = arith.andi %bitcast3A_533, %broadcast_in_dim3A_279 : vector<16xi32>
          %bitcast3A_539 = vector.bitcast %and3A_538 : vector<16xi32> to vector<16xf32>
          %get3A_540 = arith.constant 0 : i32
          %get3A_541 = arith.index_cast %get3A_540 : i32 to index
          %get3A_542 = arith.index_cast %add3A_527 : i32 to index
          %get3A_543 = arith.constant 32 : index
          %get3A_544 = tpu.vector_load %arg8[%get3A_541, %get3A_542, %get3A_543] {strides = array<i32>} : memref<2x256x64xbf16, #tpu.memory_space<vmem>>, vector<32xbf16>,
          %bitcast3A_545 = vector.bitcast %get3A_544 : vector<32xbf16> to vector<16xi32>
          %shift_left3A_546 = arith.constant 16 : i32
          %shift_left3A_547 = vector.broadcast %shift_left3A_546 : i32 to vector<16xi32>
          %shift_left3A_548 = arith.shli %bitcast3A_545, %shift_left3A_547 : vector<16xi32>
          %bitcast3A_549 = vector.bitcast %shift_left3A_548 : vector<16xi32> to vector<16xf32>
          %and3A_550 = arith.andi %bitcast3A_545, %broadcast_in_dim3A_279 : vector<16xi32>
          %bitcast3A_551 = vector.bitcast %and3A_550 : vector<16xi32> to vector<16xf32>
          %mul3A_552 = vector.broadcast %squeeze3A_519 : f32 to vector<16xf32>
          %mul3A_553 = arith.mulf %mul3A_552, %bitcast3A_537 : vector<16xf32>
          %add3A_554 = arith.addf %add3A_511, %mul3A_553 : vector<16xf32>
          %mul3A_555 = vector.broadcast %squeeze3A_521 : f32 to vector<16xf32>
          %mul3A_556 = arith.mulf %mul3A_555, %bitcast3A_549 : vector<16xf32>
          %add3A_557 = arith.addf %add3A_554, %mul3A_556 : vector<16xf32>
          %mul3A_558 = vector.broadcast %squeeze3A_519 : f32 to vector<16xf32>
          %mul3A_559 = arith.mulf %mul3A_558, %bitcast3A_539 : vector<16xf32>
          %add3A_560 = arith.addf %add3A_517, %mul3A_559 : vector<16xf32>
          %mul3A_561 = vector.broadcast %squeeze3A_521 : f32 to vector<16xf32>
          %mul3A_562 = arith.mulf %mul3A_561, %bitcast3A_551 : vector<16xf32>
          %add3A_563 = arith.addf %add3A_560, %mul3A_562 : vector<16xf32>
          %slice3A_564 = vector.extract_strided_slice %get3A_330 {offsets = [5], sizes = [1], strides = [1]} : vector<16xf32> to vector<1xf32>
          %squeeze3A_565 = vector.extract %slice3A_564[0] : f32 from vector<1xf32>
          %slice3A_566 = vector.extract_strided_slice %get3A_338 {offsets = [5], sizes = [1], strides = [1]} : vector<16xf32> to vector<1xf32>
          %squeeze3A_567 = vector.extract %slice3A_566[0] : f32 from vector<1xf32>
          %mul3A_568 = arith.constant 16 : i32
          %mul3A_569 = arith.muli %scan3A_319, %mul3A_568 : i32
          %add3A_570 = arith.constant 0 : i32
          %add3A_571 = arith.addi %add3A_570, %mul3A_569 : i32
          %add3A_572 = arith.constant 5 : i32
          %add3A_573 = arith.addi %add3A_571, %add3A_572 : i32
          %get3A_574 = arith.constant 0 : i32
          %get3A_575 = arith.index_cast %get3A_574 : i32 to index
          %get3A_576 = arith.index_cast %add3A_573 : i32 to index
          %get3A_577 = arith.constant 0 : index
          %get3A_578 = tpu.vector_load %arg8[%get3A_575, %get3A_576, %get3A_577] {strides = array<i32>} : memref<2x256x64xbf16, #tpu.memory_space<vmem>>, vector<32xbf16>,
          %bitcast3A_579 = vector.bitcast %get3A_578 : vector<32xbf16> to vector<16xi32>
          %shift_left3A_580 = arith.constant 16 : i32
          %shift_left3A_581 = vector.broadcast %shift_left3A_580 : i32 to vector<16xi32>
          %shift_left3A_582 = arith.shli %bitcast3A_579, %shift_left3A_581 : vector<16xi32>
          %bitcast3A_583 = vector.bitcast %shift_left3A_582 : vector<16xi32> to vector<16xf32>
          %and3A_584 = arith.andi %bitcast3A_579, %broadcast_in_dim3A_279 : vector<16xi32>
          %bitcast3A_585 = vector.bitcast %and3A_584 : vector<16xi32> to vector<16xf32>
          %get3A_586 = arith.constant 0 : i32
          %get3A_587 = arith.index_cast %get3A_586 : i32 to index
          %get3A_588 = arith.index_cast %add3A_573 : i32 to index
          %get3A_589 = arith.constant 32 : index
          %get3A_590 = tpu.vector_load %arg8[%get3A_587, %get3A_588, %get3A_589] {strides = array<i32>} : memref<2x256x64xbf16, #tpu.memory_space<vmem>>, vector<32xbf16>,
          %bitcast3A_591 = vector.bitcast %get3A_590 : vector<32xbf16> to vector<16xi32>
          %shift_left3A_592 = arith.constant 16 : i32
          %shift_left3A_593 = vector.broadcast %shift_left3A_592 : i32 to vector<16xi32>
          %shift_left3A_594 = arith.shli %bitcast3A_591, %shift_left3A_593 : vector<16xi32>
          %bitcast3A_595 = vector.bitcast %shift_left3A_594 : vector<16xi32> to vector<16xf32>
          %and3A_596 = arith.andi %bitcast3A_591, %broadcast_in_dim3A_279 : vector<16xi32>
          %bitcast3A_597 = vector.bitcast %and3A_596 : vector<16xi32> to vector<16xf32>
          %mul3A_598 = vector.broadcast %squeeze3A_565 : f32 to vector<16xf32>
          %mul3A_599 = arith.mulf %mul3A_598, %bitcast3A_583 : vector<16xf32>
          %add3A_600 = arith.addf %add3A_557, %mul3A_599 : vector<16xf32>
          %mul3A_601 = vector.broadcast %squeeze3A_567 : f32 to vector<16xf32>
          %mul3A_602 = arith.mulf %mul3A_601, %bitcast3A_595 : vector<16xf32>
          %add3A_603 = arith.addf %add3A_600, %mul3A_602 : vector<16xf32>
          %mul3A_604 = vector.broadcast %squeeze3A_565 : f32 to vector<16xf32>
          %mul3A_605 = arith.mulf %mul3A_604, %bitcast3A_585 : vector<16xf32>
          %add3A_606 = arith.addf %add3A_563, %mul3A_605 : vector<16xf32>
          %mul3A_607 = vector.broadcast %squeeze3A_567 : f32 to vector<16xf32>
          %mul3A_608 = arith.mulf %mul3A_607, %bitcast3A_597 : vector<16xf32>
          %add3A_609 = arith.addf %add3A_606, %mul3A_608 : vector<16xf32>
          %slice3A_610 = vector.extract_strided_slice %get3A_330 {offsets = [6], sizes = [1], strides = [1]} : vector<16xf32> to vector<1xf32>
          %squeeze3A_611 = vector.extract %slice3A_610[0] : f32 from vector<1xf32>
          %slice3A_612 = vector.extract_strided_slice %get3A_338 {offsets = [6], sizes = [1], strides = [1]} : vector<16xf32> to vector<1xf32>
          %squeeze3A_613 = vector.extract %slice3A_612[0] : f32 from vector<1xf32>
          %mul3A_614 = arith.constant 16 : i32
          %mul3A_615 = arith.muli %scan3A_319, %mul3A_614 : i32
          %add3A_616 = arith.constant 0 : i32
          %add3A_617 = arith.addi %add3A_616, %mul3A_615 : i32
          %add3A_618 = arith.constant 6 : i32
          %add3A_619 = arith.addi %add3A_617, %add3A_618 : i32
          %get3A_620 = arith.constant 0 : i32
          %get3A_621 = arith.index_cast %get3A_620 : i32 to index
          %get3A_622 = arith.index_cast %add3A_619 : i32 to index
          %get3A_623 = arith.constant 0 : index
          %get3A_624 = tpu.vector_load %arg8[%get3A_621, %get3A_622, %get3A_623] {strides = array<i32>} : memref<2x256x64xbf16, #tpu.memory_space<vmem>>, vector<32xbf16>,
          %bitcast3A_625 = vector.bitcast %get3A_624 : vector<32xbf16> to vector<16xi32>
          %shift_left3A_626 = arith.constant 16 : i32
          %shift_left3A_627 = vector.broadcast %shift_left3A_626 : i32 to vector<16xi32>
          %shift_left3A_628 = arith.shli %bitcast3A_625, %shift_left3A_627 : vector<16xi32>
          %bitcast3A_629 = vector.bitcast %shift_left3A_628 : vector<16xi32> to vector<16xf32>
          %and3A_630 = arith.andi %bitcast3A_625, %broadcast_in_dim3A_279 : vector<16xi32>
          %bitcast3A_631 = vector.bitcast %and3A_630 : vector<16xi32> to vector<16xf32>
          %get3A_632 = arith.constant 0 : i32
          %get3A_633 = arith.index_cast %get3A_632 : i32 to index
          %get3A_634 = arith.index_cast %add3A_619 : i32 to index
          %get3A_635 = arith.constant 32 : index
          %get3A_636 = tpu.vector_load %arg8[%get3A_633, %get3A_634, %get3A_635] {strides = array<i32>} : memref<2x256x64xbf16, #tpu.memory_space<vmem>>, vector<32xbf16>,
          %bitcast3A_637 = vector.bitcast %get3A_636 : vector<32xbf16> to vector<16xi32>
          %shift_left3A_638 = arith.constant 16 : i32
          %shift_left3A_639 = vector.broadcast %shift_left3A_638 : i32 to vector<16xi32>
          %shift_left3A_640 = arith.shli %bitcast3A_637, %shift_left3A_639 : vector<16xi32>
          %bitcast3A_641 = vector.bitcast %shift_left3A_640 : vector<16xi32> to vector<16xf32>
          %and3A_642 = arith.andi %bitcast3A_637, %broadcast_in_dim3A_279 : vector<16xi32>
          %bitcast3A_643 = vector.bitcast %and3A_642 : vector<16xi32> to vector<16xf32>
          %mul3A_644 = vector.broadcast %squeeze3A_611 : f32 to vector<16xf32>
          %mul3A_645 = arith.mulf %mul3A_644, %bitcast3A_629 : vector<16xf32>
          %add3A_646 = arith.addf %add3A_603, %mul3A_645 : vector<16xf32>
          %mul3A_647 = vector.broadcast %squeeze3A_613 : f32 to vector<16xf32>
          %mul3A_648 = arith.mulf %mul3A_647, %bitcast3A_641 : vector<16xf32>
          %add3A_649 = arith.addf %add3A_646, %mul3A_648 : vector<16xf32>
          %mul3A_650 = vector.broadcast %squeeze3A_611 : f32 to vector<16xf32>
          %mul3A_651 = arith.mulf %mul3A_650, %bitcast3A_631 : vector<16xf32>
          %add3A_652 = arith.addf %add3A_609, %mul3A_651 : vector<16xf32>
          %mul3A_653 = vector.broadcast %squeeze3A_613 : f32 to vector<16xf32>
          %mul3A_654 = arith.mulf %mul3A_653, %bitcast3A_643 : vector<16xf32>
          %add3A_655 = arith.addf %add3A_652, %mul3A_654 : vector<16xf32>
          %slice3A_656 = vector.extract_strided_slice %get3A_330 {offsets = [7], sizes = [1], strides = [1]} : vector<16xf32> to vector<1xf32>
          %squeeze3A_657 = vector.extract %slice3A_656[0] : f32 from vector<1xf32>
          %slice3A_658 = vector.extract_strided_slice %get3A_338 {offsets = [7], sizes = [1], strides = [1]} : vector<16xf32> to vector<1xf32>
          %squeeze3A_659 = vector.extract %slice3A_658[0] : f32 from vector<1xf32>
          %mul3A_660 = arith.constant 16 : i32
          %mul3A_661 = arith.muli %scan3A_319, %mul3A_660 : i32
          %add3A_662 = arith.constant 0 : i32
          %add3A_663 = arith.addi %add3A_662, %mul3A_661 : i32
          %add3A_664 = arith.constant 7 : i32
          %add3A_665 = arith.addi %add3A_663, %add3A_664 : i32
          %get3A_666 = arith.constant 0 : i32
          %get3A_667 = arith.index_cast %get3A_666 : i32 to index
          %get3A_668 = arith.index_cast %add3A_665 : i32 to index
          %get3A_669 = arith.constant 0 : index
          %get3A_670 = tpu.vector_load %arg8[%get3A_667, %get3A_668, %get3A_669] {strides = array<i32>} : memref<2x256x64xbf16, #tpu.memory_space<vmem>>, vector<32xbf16>,
          %bitcast3A_671 = vector.bitcast %get3A_670 : vector<32xbf16> to vector<16xi32>
          %shift_left3A_672 = arith.constant 16 : i32
          %shift_left3A_673 = vector.broadcast %shift_left3A_672 : i32 to vector<16xi32>
          %shift_left3A_674 = arith.shli %bitcast3A_671, %shift_left3A_673 : vector<16xi32>
          %bitcast3A_675 = vector.bitcast %shift_left3A_674 : vector<16xi32> to vector<16xf32>
          %and3A_676 = arith.andi %bitcast3A_671, %broadcast_in_dim3A_279 : vector<16xi32>
          %bitcast3A_677 = vector.bitcast %and3A_676 : vector<16xi32> to vector<16xf32>
          %get3A_678 = arith.constant 0 : i32
          %get3A_679 = arith.index_cast %get3A_678 : i32 to index
          %get3A_680 = arith.index_cast %add3A_665 : i32 to index
          %get3A_681 = arith.constant 32 : index
          %get3A_682 = tpu.vector_load %arg8[%get3A_679, %get3A_680, %get3A_681] {strides = array<i32>} : memref<2x256x64xbf16, #tpu.memory_space<vmem>>, vector<32xbf16>,
          %bitcast3A_683 = vector.bitcast %get3A_682 : vector<32xbf16> to vector<16xi32>
          %shift_left3A_684 = arith.constant 16 : i32
          %shift_left3A_685 = vector.broadcast %shift_left3A_684 : i32 to vector<16xi32>
          %shift_left3A_686 = arith.shli %bitcast3A_683, %shift_left3A_685 : vector<16xi32>
          %bitcast3A_687 = vector.bitcast %shift_left3A_686 : vector<16xi32> to vector<16xf32>
          %and3A_688 = arith.andi %bitcast3A_683, %broadcast_in_dim3A_279 : vector<16xi32>
          %bitcast3A_689 = vector.bitcast %and3A_688 : vector<16xi32> to vector<16xf32>
          %mul3A_690 = vector.broadcast %squeeze3A_657 : f32 to vector<16xf32>
          %mul3A_691 = arith.mulf %mul3A_690, %bitcast3A_675 : vector<16xf32>
          %add3A_692 = arith.addf %add3A_649, %mul3A_691 : vector<16xf32>
          %mul3A_693 = vector.broadcast %squeeze3A_659 : f32 to vector<16xf32>
          %mul3A_694 = arith.mulf %mul3A_693, %bitcast3A_687 : vector<16xf32>
          %add3A_695 = arith.addf %add3A_692, %mul3A_694 : vector<16xf32>
          %mul3A_696 = vector.broadcast %squeeze3A_657 : f32 to vector<16xf32>
          %mul3A_697 = arith.mulf %mul3A_696, %bitcast3A_677 : vector<16xf32>
          %add3A_698 = arith.addf %add3A_655, %mul3A_697 : vector<16xf32>
          %mul3A_699 = vector.broadcast %squeeze3A_659 : f32 to vector<16xf32>
          %mul3A_700 = arith.mulf %mul3A_699, %bitcast3A_689 : vector<16xf32>
          %add3A_701 = arith.addf %add3A_698, %mul3A_700 : vector<16xf32>
          %slice3A_702 = vector.extract_strided_slice %get3A_330 {offsets = [8], sizes = [1], strides = [1]} : vector<16xf32> to vector<1xf32>
          %squeeze3A_703 = vector.extract %slice3A_702[0] : f32 from vector<1xf32>
          %slice3A_704 = vector.extract_strided_slice %get3A_338 {offsets = [8], sizes = [1], strides = [1]} : vector<16xf32> to vector<1xf32>
          %squeeze3A_705 = vector.extract %slice3A_704[0] : f32 from vector<1xf32>
          %mul3A_706 = arith.constant 16 : i32
          %mul3A_707 = arith.muli %scan3A_319, %mul3A_706 : i32
          %add3A_708 = arith.constant 0 : i32
          %add3A_709 = arith.addi %add3A_708, %mul3A_707 : i32
          %add3A_710 = arith.constant 8 : i32
          %add3A_711 = arith.addi %add3A_709, %add3A_710 : i32
          %get3A_712 = arith.constant 0 : i32
          %get3A_713 = arith.index_cast %get3A_712 : i32 to index
          %get3A_714 = arith.index_cast %add3A_711 : i32 to index
          %get3A_715 = arith.constant 0 : index
          %get3A_716 = tpu.vector_load %arg8[%get3A_713, %get3A_714, %get3A_715] {strides = array<i32>} : memref<2x256x64xbf16, #tpu.memory_space<vmem>>, vector<32xbf16>,
          %bitcast3A_717 = vector.bitcast %get3A_716 : vector<32xbf16> to vector<16xi32>
          %shift_left3A_718 = arith.constant 16 : i32
          %shift_left3A_719 = vector.broadcast %shift_left3A_718 : i32 to vector<16xi32>
          %shift_left3A_720 = arith.shli %bitcast3A_717, %shift_left3A_719 : vector<16xi32>
          %bitcast3A_721 = vector.bitcast %shift_left3A_720 : vector<16xi32> to vector<16xf32>
          %and3A_722 = arith.andi %bitcast3A_717, %broadcast_in_dim3A_279 : vector<16xi32>
          %bitcast3A_723 = vector.bitcast %and3A_722 : vector<16xi32> to vector<16xf32>
          %get3A_724 = arith.constant 0 : i32
          %get3A_725 = arith.index_cast %get3A_724 : i32 to index
          %get3A_726 = arith.index_cast %add3A_711 : i32 to index
          %get3A_727 = arith.constant 32 : index
          %get3A_728 = tpu.vector_load %arg8[%get3A_725, %get3A_726, %get3A_727] {strides = array<i32>} : memref<2x256x64xbf16, #tpu.memory_space<vmem>>, vector<32xbf16>,
          %bitcast3A_729 = vector.bitcast %get3A_728 : vector<32xbf16> to vector<16xi32>
          %shift_left3A_730 = arith.constant 16 : i32
          %shift_left3A_731 = vector.broadcast %shift_left3A_730 : i32 to vector<16xi32>
          %shift_left3A_732 = arith.shli %bitcast3A_729, %shift_left3A_731 : vector<16xi32>
          %bitcast3A_733 = vector.bitcast %shift_left3A_732 : vector<16xi32> to vector<16xf32>
          %and3A_734 = arith.andi %bitcast3A_729, %broadcast_in_dim3A_279 : vector<16xi32>
          %bitcast3A_735 = vector.bitcast %and3A_734 : vector<16xi32> to vector<16xf32>
          %mul3A_736 = vector.broadcast %squeeze3A_703 : f32 to vector<16xf32>
          %mul3A_737 = arith.mulf %mul3A_736, %bitcast3A_721 : vector<16xf32>
          %add3A_738 = arith.addf %add3A_695, %mul3A_737 : vector<16xf32>
          %mul3A_739 = vector.broadcast %squeeze3A_705 : f32 to vector<16xf32>
          %mul3A_740 = arith.mulf %mul3A_739, %bitcast3A_733 : vector<16xf32>
          %add3A_741 = arith.addf %add3A_738, %mul3A_740 : vector<16xf32>
          %mul3A_742 = vector.broadcast %squeeze3A_703 : f32 to vector<16xf32>
          %mul3A_743 = arith.mulf %mul3A_742, %bitcast3A_723 : vector<16xf32>
          %add3A_744 = arith.addf %add3A_701, %mul3A_743 : vector<16xf32>
          %mul3A_745 = vector.broadcast %squeeze3A_705 : f32 to vector<16xf32>
          %mul3A_746 = arith.mulf %mul3A_745, %bitcast3A_735 : vector<16xf32>
          %add3A_747 = arith.addf %add3A_744, %mul3A_746 : vector<16xf32>
          %slice3A_748 = vector.extract_strided_slice %get3A_330 {offsets = [9], sizes = [1], strides = [1]} : vector<16xf32> to vector<1xf32>
          %squeeze3A_749 = vector.extract %slice3A_748[0] : f32 from vector<1xf32>
          %slice3A_750 = vector.extract_strided_slice %get3A_338 {offsets = [9], sizes = [1], strides = [1]} : vector<16xf32> to vector<1xf32>
          %squeeze3A_751 = vector.extract %slice3A_750[0] : f32 from vector<1xf32>
          %mul3A_752 = arith.constant 16 : i32
          %mul3A_753 = arith.muli %scan3A_319, %mul3A_752 : i32
          %add3A_754 = arith.constant 0 : i32
          %add3A_755 = arith.addi %add3A_754, %mul3A_753 : i32
          %add3A_756 = arith.constant 9 : i32
          %add3A_757 = arith.addi %add3A_755, %add3A_756 : i32
          %get3A_758 = arith.constant 0 : i32
          %get3A_759 = arith.index_cast %get3A_758 : i32 to index
          %get3A_760 = arith.index_cast %add3A_757 : i32 to index
          %get3A_761 = arith.constant 0 : index
          %get3A_762 = tpu.vector_load %arg8[%get3A_759, %get3A_760, %get3A_761] {strides = array<i32>} : memref<2x256x64xbf16, #tpu.memory_space<vmem>>, vector<32xbf16>,
          %bitcast3A_763 = vector.bitcast %get3A_762 : vector<32xbf16> to vector<16xi32>
          %shift_left3A_764 = arith.constant 16 : i32
          %shift_left3A_765 = vector.broadcast %shift_left3A_764 : i32 to vector<16xi32>
          %shift_left3A_766 = arith.shli %bitcast3A_763, %shift_left3A_765 : vector<16xi32>
          %bitcast3A_767 = vector.bitcast %shift_left3A_766 : vector<16xi32> to vector<16xf32>
          %and3A_768 = arith.andi %bitcast3A_763, %broadcast_in_dim3A_279 : vector<16xi32>
          %bitcast3A_769 = vector.bitcast %and3A_768 : vector<16xi32> to vector<16xf32>
          %get3A_770 = arith.constant 0 : i32
          %get3A_771 = arith.index_cast %get3A_770 : i32 to index
          %get3A_772 = arith.index_cast %add3A_757 : i32 to index
          %get3A_773 = arith.constant 32 : index
          %get3A_774 = tpu.vector_load %arg8[%get3A_771, %get3A_772, %get3A_773] {strides = array<i32>} : memref<2x256x64xbf16, #tpu.memory_space<vmem>>, vector<32xbf16>,
          %bitcast3A_775 = vector.bitcast %get3A_774 : vector<32xbf16> to vector<16xi32>
          %shift_left3A_776 = arith.constant 16 : i32
          %shift_left3A_777 = vector.broadcast %shift_left3A_776 : i32 to vector<16xi32>
          %shift_left3A_778 = arith.shli %bitcast3A_775, %shift_left3A_777 : vector<16xi32>
          %bitcast3A_779 = vector.bitcast %shift_left3A_778 : vector<16xi32> to vector<16xf32>
          %and3A_780 = arith.andi %bitcast3A_775, %broadcast_in_dim3A_279 : vector<16xi32>
          %bitcast3A_781 = vector.bitcast %and3A_780 : vector<16xi32> to vector<16xf32>
          %mul3A_782 = vector.broadcast %squeeze3A_749 : f32 to vector<16xf32>
          %mul3A_783 = arith.mulf %mul3A_782, %bitcast3A_767 : vector<16xf32>
          %add3A_784 = arith.addf %add3A_741, %mul3A_783 : vector<16xf32>
          %mul3A_785 = vector.broadcast %squeeze3A_751 : f32 to vector<16xf32>
          %mul3A_786 = arith.mulf %mul3A_785, %bitcast3A_779 : vector<16xf32>
          %add3A_787 = arith.addf %add3A_784, %mul3A_786 : vector<16xf32>
          %mul3A_788 = vector.broadcast %squeeze3A_749 : f32 to vector<16xf32>
          %mul3A_789 = arith.mulf %mul3A_788, %bitcast3A_769 : vector<16xf32>
          %add3A_790 = arith.addf %add3A_747, %mul3A_789 : vector<16xf32>
          %mul3A_791 = vector.broadcast %squeeze3A_751 : f32 to vector<16xf32>
          %mul3A_792 = arith.mulf %mul3A_791, %bitcast3A_781 : vector<16xf32>
          %add3A_793 = arith.addf %add3A_790, %mul3A_792 : vector<16xf32>
          %slice3A_794 = vector.extract_strided_slice %get3A_330 {offsets = [10], sizes = [1], strides = [1]} : vector<16xf32> to vector<1xf32>
          %squeeze3A_795 = vector.extract %slice3A_794[0] : f32 from vector<1xf32>
          %slice3A_796 = vector.extract_strided_slice %get3A_338 {offsets = [10], sizes = [1], strides = [1]} : vector<16xf32> to vector<1xf32>
          %squeeze3A_797 = vector.extract %slice3A_796[0] : f32 from vector<1xf32>
          %mul3A_798 = arith.constant 16 : i32
          %mul3A_799 = arith.muli %scan3A_319, %mul3A_798 : i32
          %add3A_800 = arith.constant 0 : i32
          %add3A_801 = arith.addi %add3A_800, %mul3A_799 : i32
          %add3A_802 = arith.constant 10 : i32
          %add3A_803 = arith.addi %add3A_801, %add3A_802 : i32
          %get3A_804 = arith.constant 0 : i32
          %get3A_805 = arith.index_cast %get3A_804 : i32 to index
          %get3A_806 = arith.index_cast %add3A_803 : i32 to index
          %get3A_807 = arith.constant 0 : index
          %get3A_808 = tpu.vector_load %arg8[%get3A_805, %get3A_806, %get3A_807] {strides = array<i32>} : memref<2x256x64xbf16, #tpu.memory_space<vmem>>, vector<32xbf16>,
          %bitcast3A_809 = vector.bitcast %get3A_808 : vector<32xbf16> to vector<16xi32>
          %shift_left3A_810 = arith.constant 16 : i32
          %shift_left3A_811 = vector.broadcast %shift_left3A_810 : i32 to vector<16xi32>
          %shift_left3A_812 = arith.shli %bitcast3A_809, %shift_left3A_811 : vector<16xi32>
          %bitcast3A_813 = vector.bitcast %shift_left3A_812 : vector<16xi32> to vector<16xf32>
          %and3A_814 = arith.andi %bitcast3A_809, %broadcast_in_dim3A_279 : vector<16xi32>
          %bitcast3A_815 = vector.bitcast %and3A_814 : vector<16xi32> to vector<16xf32>
          %get3A_816 = arith.constant 0 : i32
          %get3A_817 = arith.index_cast %get3A_816 : i32 to index
          %get3A_818 = arith.index_cast %add3A_803 : i32 to index
          %get3A_819 = arith.constant 32 : index
          %get3A_820 = tpu.vector_load %arg8[%get3A_817, %get3A_818, %get3A_819] {strides = array<i32>} : memref<2x256x64xbf16, #tpu.memory_space<vmem>>, vector<32xbf16>,
          %bitcast3A_821 = vector.bitcast %get3A_820 : vector<32xbf16> to vector<16xi32>
          %shift_left3A_822 = arith.constant 16 : i32
          %shift_left3A_823 = vector.broadcast %shift_left3A_822 : i32 to vector<16xi32>
          %shift_left3A_824 = arith.shli %bitcast3A_821, %shift_left3A_823 : vector<16xi32>
          %bitcast3A_825 = vector.bitcast %shift_left3A_824 : vector<16xi32> to vector<16xf32>
          %and3A_826 = arith.andi %bitcast3A_821, %broadcast_in_dim3A_279 : vector<16xi32>
          %bitcast3A_827 = vector.bitcast %and3A_826 : vector<16xi32> to vector<16xf32>
          %mul3A_828 = vector.broadcast %squeeze3A_795 : f32 to vector<16xf32>
          %mul3A_829 = arith.mulf %mul3A_828, %bitcast3A_813 : vector<16xf32>
          %add3A_830 = arith.addf %add3A_787, %mul3A_829 : vector<16xf32>
          %mul3A_831 = vector.broadcast %squeeze3A_797 : f32 to vector<16xf32>
          %mul3A_832 = arith.mulf %mul3A_831, %bitcast3A_825 : vector<16xf32>
          %add3A_833 = arith.addf %add3A_830, %mul3A_832 : vector<16xf32>
          %mul3A_834 = vector.broadcast %squeeze3A_795 : f32 to vector<16xf32>
          %mul3A_835 = arith.mulf %mul3A_834, %bitcast3A_815 : vector<16xf32>
          %add3A_836 = arith.addf %add3A_793, %mul3A_835 : vector<16xf32>
          %mul3A_837 = vector.broadcast %squeeze3A_797 : f32 to vector<16xf32>
          %mul3A_838 = arith.mulf %mul3A_837, %bitcast3A_827 : vector<16xf32>
          %add3A_839 = arith.addf %add3A_836, %mul3A_838 : vector<16xf32>
          %slice3A_840 = vector.extract_strided_slice %get3A_330 {offsets = [11], sizes = [1], strides = [1]} : vector<16xf32> to vector<1xf32>
          %squeeze3A_841 = vector.extract %slice3A_840[0] : f32 from vector<1xf32>
          %slice3A_842 = vector.extract_strided_slice %get3A_338 {offsets = [11], sizes = [1], strides = [1]} : vector<16xf32> to vector<1xf32>
          %squeeze3A_843 = vector.extract %slice3A_842[0] : f32 from vector<1xf32>
          %mul3A_844 = arith.constant 16 : i32
          %mul3A_845 = arith.muli %scan3A_319, %mul3A_844 : i32
          %add3A_846 = arith.constant 0 : i32
          %add3A_847 = arith.addi %add3A_846, %mul3A_845 : i32
          %add3A_848 = arith.constant 11 : i32
          %add3A_849 = arith.addi %add3A_847, %add3A_848 : i32
          %get3A_850 = arith.constant 0 : i32
          %get3A_851 = arith.index_cast %get3A_850 : i32 to index
          %get3A_852 = arith.index_cast %add3A_849 : i32 to index
          %get3A_853 = arith.constant 0 : index
          %get3A_854 = tpu.vector_load %arg8[%get3A_851, %get3A_852, %get3A_853] {strides = array<i32>} : memref<2x256x64xbf16, #tpu.memory_space<vmem>>, vector<32xbf16>,
          %bitcast3A_855 = vector.bitcast %get3A_854 : vector<32xbf16> to vector<16xi32>
          %shift_left3A_856 = arith.constant 16 : i32
          %shift_left3A_857 = vector.broadcast %shift_left3A_856 : i32 to vector<16xi32>
          %shift_left3A_858 = arith.shli %bitcast3A_855, %shift_left3A_857 : vector<16xi32>
          %bitcast3A_859 = vector.bitcast %shift_left3A_858 : vector<16xi32> to vector<16xf32>
          %and3A_860 = arith.andi %bitcast3A_855, %broadcast_in_dim3A_279 : vector<16xi32>
          %bitcast3A_861 = vector.bitcast %and3A_860 : vector<16xi32> to vector<16xf32>
          %get3A_862 = arith.constant 0 : i32
          %get3A_863 = arith.index_cast %get3A_862 : i32 to index
          %get3A_864 = arith.index_cast %add3A_849 : i32 to index
          %get3A_865 = arith.constant 32 : index
          %get3A_866 = tpu.vector_load %arg8[%get3A_863, %get3A_864, %get3A_865] {strides = array<i32>} : memref<2x256x64xbf16, #tpu.memory_space<vmem>>, vector<32xbf16>,
          %bitcast3A_867 = vector.bitcast %get3A_866 : vector<32xbf16> to vector<16xi32>
          %shift_left3A_868 = arith.constant 16 : i32
          %shift_left3A_869 = vector.broadcast %shift_left3A_868 : i32 to vector<16xi32>
          %shift_left3A_870 = arith.shli %bitcast3A_867, %shift_left3A_869 : vector<16xi32>
          %bitcast3A_871 = vector.bitcast %shift_left3A_870 : vector<16xi32> to vector<16xf32>
          %and3A_872 = arith.andi %bitcast3A_867, %broadcast_in_dim3A_279 : vector<16xi32>
          %bitcast3A_873 = vector.bitcast %and3A_872 : vector<16xi32> to vector<16xf32>
          %mul3A_874 = vector.broadcast %squeeze3A_841 : f32 to vector<16xf32>
          %mul3A_875 = arith.mulf %mul3A_874, %bitcast3A_859 : vector<16xf32>
          %add3A_876 = arith.addf %add3A_833, %mul3A_875 : vector<16xf32>
          %mul3A_877 = vector.broadcast %squeeze3A_843 : f32 to vector<16xf32>
          %mul3A_878 = arith.mulf %mul3A_877, %bitcast3A_871 : vector<16xf32>
          %add3A_879 = arith.addf %add3A_876, %mul3A_878 : vector<16xf32>
          %mul3A_880 = vector.broadcast %squeeze3A_841 : f32 to vector<16xf32>
          %mul3A_881 = arith.mulf %mul3A_880, %bitcast3A_861 : vector<16xf32>
          %add3A_882 = arith.addf %add3A_839, %mul3A_881 : vector<16xf32>
          %mul3A_883 = vector.broadcast %squeeze3A_843 : f32 to vector<16xf32>
          %mul3A_884 = arith.mulf %mul3A_883, %bitcast3A_873 : vector<16xf32>
          %add3A_885 = arith.addf %add3A_882, %mul3A_884 : vector<16xf32>
          %slice3A_886 = vector.extract_strided_slice %get3A_330 {offsets = [12], sizes = [1], strides = [1]} : vector<16xf32> to vector<1xf32>
          %squeeze3A_887 = vector.extract %slice3A_886[0] : f32 from vector<1xf32>
          %slice3A_888 = vector.extract_strided_slice %get3A_338 {offsets = [12], sizes = [1], strides = [1]} : vector<16xf32> to vector<1xf32>
          %squeeze3A_889 = vector.extract %slice3A_888[0] : f32 from vector<1xf32>
          %mul3A_890 = arith.constant 16 : i32
          %mul3A_891 = arith.muli %scan3A_319, %mul3A_890 : i32
          %add3A_892 = arith.constant 0 : i32
          %add3A_893 = arith.addi %add3A_892, %mul3A_891 : i32
          %add3A_894 = arith.constant 12 : i32
          %add3A_895 = arith.addi %add3A_893, %add3A_894 : i32
          %get3A_896 = arith.constant 0 : i32
          %get3A_897 = arith.index_cast %get3A_896 : i32 to index
          %get3A_898 = arith.index_cast %add3A_895 : i32 to index
          %get3A_899 = arith.constant 0 : index
          %get3A_900 = tpu.vector_load %arg8[%get3A_897, %get3A_898, %get3A_899] {strides = array<i32>} : memref<2x256x64xbf16, #tpu.memory_space<vmem>>, vector<32xbf16>,
          %bitcast3A_901 = vector.bitcast %get3A_900 : vector<32xbf16> to vector<16xi32>
          %shift_left3A_902 = arith.constant 16 : i32
          %shift_left3A_903 = vector.broadcast %shift_left3A_902 : i32 to vector<16xi32>
          %shift_left3A_904 = arith.shli %bitcast3A_901, %shift_left3A_903 : vector<16xi32>
          %bitcast3A_905 = vector.bitcast %shift_left3A_904 : vector<16xi32> to vector<16xf32>
          %and3A_906 = arith.andi %bitcast3A_901, %broadcast_in_dim3A_279 : vector<16xi32>
          %bitcast3A_907 = vector.bitcast %and3A_906 : vector<16xi32> to vector<16xf32>
          %get3A_908 = arith.constant 0 : i32
          %get3A_909 = arith.index_cast %get3A_908 : i32 to index
          %get3A_910 = arith.index_cast %add3A_895 : i32 to index
          %get3A_911 = arith.constant 32 : index
          %get3A_912 = tpu.vector_load %arg8[%get3A_909, %get3A_910, %get3A_911] {strides = array<i32>} : memref<2x256x64xbf16, #tpu.memory_space<vmem>>, vector<32xbf16>,
          %bitcast3A_913 = vector.bitcast %get3A_912 : vector<32xbf16> to vector<16xi32>
          %shift_left3A_914 = arith.constant 16 : i32
          %shift_left3A_915 = vector.broadcast %shift_left3A_914 : i32 to vector<16xi32>
          %shift_left3A_916 = arith.shli %bitcast3A_913, %shift_left3A_915 : vector<16xi32>
          %bitcast3A_917 = vector.bitcast %shift_left3A_916 : vector<16xi32> to vector<16xf32>
          %and3A_918 = arith.andi %bitcast3A_913, %broadcast_in_dim3A_279 : vector<16xi32>
          %bitcast3A_919 = vector.bitcast %and3A_918 : vector<16xi32> to vector<16xf32>
          %mul3A_920 = vector.broadcast %squeeze3A_887 : f32 to vector<16xf32>
          %mul3A_921 = arith.mulf %mul3A_920, %bitcast3A_905 : vector<16xf32>
          %add3A_922 = arith.addf %add3A_879, %mul3A_921 : vector<16xf32>
          %mul3A_923 = vector.broadcast %squeeze3A_889 : f32 to vector<16xf32>
          %mul3A_924 = arith.mulf %mul3A_923, %bitcast3A_917 : vector<16xf32>
          %add3A_925 = arith.addf %add3A_922, %mul3A_924 : vector<16xf32>
          %mul3A_926 = vector.broadcast %squeeze3A_887 : f32 to vector<16xf32>
          %mul3A_927 = arith.mulf %mul3A_926, %bitcast3A_907 : vector<16xf32>
          %add3A_928 = arith.addf %add3A_885, %mul3A_927 : vector<16xf32>
          %mul3A_929 = vector.broadcast %squeeze3A_889 : f32 to vector<16xf32>
          %mul3A_930 = arith.mulf %mul3A_929, %bitcast3A_919 : vector<16xf32>
          %add3A_931 = arith.addf %add3A_928, %mul3A_930 : vector<16xf32>
          %slice3A_932 = vector.extract_strided_slice %get3A_330 {offsets = [13], sizes = [1], strides = [1]} : vector<16xf32> to vector<1xf32>
          %squeeze3A_933 = vector.extract %slice3A_932[0] : f32 from vector<1xf32>
          %slice3A_934 = vector.extract_strided_slice %get3A_338 {offsets = [13], sizes = [1], strides = [1]} : vector<16xf32> to vector<1xf32>
          %squeeze3A_935 = vector.extract %slice3A_934[0] : f32 from vector<1xf32>
          %mul3A_936 = arith.constant 16 : i32
          %mul3A_937 = arith.muli %scan3A_319, %mul3A_936 : i32
          %add3A_938 = arith.constant 0 : i32
          %add3A_939 = arith.addi %add3A_938, %mul3A_937 : i32
          %add3A_940 = arith.constant 13 : i32
          %add3A_941 = arith.addi %add3A_939, %add3A_940 : i32
          %get3A_942 = arith.constant 0 : i32
          %get3A_943 = arith.index_cast %get3A_942 : i32 to index
          %get3A_944 = arith.index_cast %add3A_941 : i32 to index
          %get3A_945 = arith.constant 0 : index
          %get3A_946 = tpu.vector_load %arg8[%get3A_943, %get3A_944, %get3A_945] {strides = array<i32>} : memref<2x256x64xbf16, #tpu.memory_space<vmem>>, vector<32xbf16>,
          %bitcast3A_947 = vector.bitcast %get3A_946 : vector<32xbf16> to vector<16xi32>
          %shift_left3A_948 = arith.constant 16 : i32
          %shift_left3A_949 = vector.broadcast %shift_left3A_948 : i32 to vector<16xi32>
          %shift_left3A_950 = arith.shli %bitcast3A_947, %shift_left3A_949 : vector<16xi32>
          %bitcast3A_951 = vector.bitcast %shift_left3A_950 : vector<16xi32> to vector<16xf32>
          %and3A_952 = arith.andi %bitcast3A_947, %broadcast_in_dim3A_279 : vector<16xi32>
          %bitcast3A_953 = vector.bitcast %and3A_952 : vector<16xi32> to vector<16xf32>
          %get3A_954 = arith.constant 0 : i32
          %get3A_955 = arith.index_cast %get3A_954 : i32 to index
          %get3A_956 = arith.index_cast %add3A_941 : i32 to index
          %get3A_957 = arith.constant 32 : index
          %get3A_958 = tpu.vector_load %arg8[%get3A_955, %get3A_956, %get3A_957] {strides = array<i32>} : memref<2x256x64xbf16, #tpu.memory_space<vmem>>, vector<32xbf16>,
          %bitcast3A_959 = vector.bitcast %get3A_958 : vector<32xbf16> to vector<16xi32>
          %shift_left3A_960 = arith.constant 16 : i32
          %shift_left3A_961 = vector.broadcast %shift_left3A_960 : i32 to vector<16xi32>
          %shift_left3A_962 = arith.shli %bitcast3A_959, %shift_left3A_961 : vector<16xi32>
          %bitcast3A_963 = vector.bitcast %shift_left3A_962 : vector<16xi32> to vector<16xf32>
          %and3A_964 = arith.andi %bitcast3A_959, %broadcast_in_dim3A_279 : vector<16xi32>
          %bitcast3A_965 = vector.bitcast %and3A_964 : vector<16xi32> to vector<16xf32>
          %mul3A_966 = vector.broadcast %squeeze3A_933 : f32 to vector<16xf32>
          %mul3A_967 = arith.mulf %mul3A_966, %bitcast3A_951 : vector<16xf32>
          %add3A_968 = arith.addf %add3A_925, %mul3A_967 : vector<16xf32>
          %mul3A_969 = vector.broadcast %squeeze3A_935 : f32 to vector<16xf32>
          %mul3A_970 = arith.mulf %mul3A_969, %bitcast3A_963 : vector<16xf32>
          %add3A_971 = arith.addf %add3A_968, %mul3A_970 : vector<16xf32>
          %mul3A_972 = vector.broadcast %squeeze3A_933 : f32 to vector<16xf32>
          %mul3A_973 = arith.mulf %mul3A_972, %bitcast3A_953 : vector<16xf32>
          %add3A_974 = arith.addf %add3A_931, %mul3A_973 : vector<16xf32>
          %mul3A_975 = vector.broadcast %squeeze3A_935 : f32 to vector<16xf32>
          %mul3A_976 = arith.mulf %mul3A_975, %bitcast3A_965 : vector<16xf32>
          %add3A_977 = arith.addf %add3A_974, %mul3A_976 : vector<16xf32>
          %slice3A_978 = vector.extract_strided_slice %get3A_330 {offsets = [14], sizes = [1], strides = [1]} : vector<16xf32> to vector<1xf32>
          %squeeze3A_979 = vector.extract %slice3A_978[0] : f32 from vector<1xf32>
          %slice3A_980 = vector.extract_strided_slice %get3A_338 {offsets = [14], sizes = [1], strides = [1]} : vector<16xf32> to vector<1xf32>
          %squeeze3A_981 = vector.extract %slice3A_980[0] : f32 from vector<1xf32>
          %mul3A_982 = arith.constant 16 : i32
          %mul3A_983 = arith.muli %scan3A_319, %mul3A_982 : i32
          %add3A_984 = arith.constant 0 : i32
          %add3A_985 = arith.addi %add3A_984, %mul3A_983 : i32
          %add3A_986 = arith.constant 14 : i32
          %add3A_987 = arith.addi %add3A_985, %add3A_986 : i32
          %get3A_988 = arith.constant 0 : i32
          %get3A_989 = arith.index_cast %get3A_988 : i32 to index
          %get3A_990 = arith.index_cast %add3A_987 : i32 to index
          %get3A_991 = arith.constant 0 : index
          %get3A_992 = tpu.vector_load %arg8[%get3A_989, %get3A_990, %get3A_991] {strides = array<i32>} : memref<2x256x64xbf16, #tpu.memory_space<vmem>>, vector<32xbf16>,
          %bitcast3A_993 = vector.bitcast %get3A_992 : vector<32xbf16> to vector<16xi32>
          %shift_left3A_994 = arith.constant 16 : i32
          %shift_left3A_995 = vector.broadcast %shift_left3A_994 : i32 to vector<16xi32>
          %shift_left3A_996 = arith.shli %bitcast3A_993, %shift_left3A_995 : vector<16xi32>
          %bitcast3A_997 = vector.bitcast %shift_left3A_996 : vector<16xi32> to vector<16xf32>
          %and3A_998 = arith.andi %bitcast3A_993, %broadcast_in_dim3A_279 : vector<16xi32>
          %bitcast3A_999 = vector.bitcast %and3A_998 : vector<16xi32> to vector<16xf32>
          %get3A_1000 = arith.constant 0 : i32
          %get3A_1001 = arith.index_cast %get3A_1000 : i32 to index
          %get3A_1002 = arith.index_cast %add3A_987 : i32 to index
          %get3A_1003 = arith.constant 32 : index
          %get3A_1004 = tpu.vector_load %arg8[%get3A_1001, %get3A_1002, %get3A_1003] {strides = array<i32>} : memref<2x256x64xbf16, #tpu.memory_space<vmem>>, vector<32xbf16>,
          %bitcast3A_1005 = vector.bitcast %get3A_1004 : vector<32xbf16> to vector<16xi32>
          %shift_left3A_1006 = arith.constant 16 : i32
          %shift_left3A_1007 = vector.broadcast %shift_left3A_1006 : i32 to vector<16xi32>
          %shift_left3A_1008 = arith.shli %bitcast3A_1005, %shift_left3A_1007 : vector<16xi32>
          %bitcast3A_1009 = vector.bitcast %shift_left3A_1008 : vector<16xi32> to vector<16xf32>
          %and3A_1010 = arith.andi %bitcast3A_1005, %broadcast_in_dim3A_279 : vector<16xi32>
          %bitcast3A_1011 = vector.bitcast %and3A_1010 : vector<16xi32> to vector<16xf32>
          %mul3A_1012 = vector.broadcast %squeeze3A_979 : f32 to vector<16xf32>
          %mul3A_1013 = arith.mulf %mul3A_1012, %bitcast3A_997 : vector<16xf32>
          %add3A_1014 = arith.addf %add3A_971, %mul3A_1013 : vector<16xf32>
          %mul3A_1015 = vector.broadcast %squeeze3A_981 : f32 to vector<16xf32>
          %mul3A_1016 = arith.mulf %mul3A_1015, %bitcast3A_1009 : vector<16xf32>
          %add3A_1017 = arith.addf %add3A_1014, %mul3A_1016 : vector<16xf32>
          %mul3A_1018 = vector.broadcast %squeeze3A_979 : f32 to vector<16xf32>
          %mul3A_1019 = arith.mulf %mul3A_1018, %bitcast3A_999 : vector<16xf32>
          %add3A_1020 = arith.addf %add3A_977, %mul3A_1019 : vector<16xf32>
          %mul3A_1021 = vector.broadcast %squeeze3A_981 : f32 to vector<16xf32>
          %mul3A_1022 = arith.mulf %mul3A_1021, %bitcast3A_1011 : vector<16xf32>
          %add3A_1023 = arith.addf %add3A_1020, %mul3A_1022 : vector<16xf32>
          %slice3A_1024 = vector.extract_strided_slice %get3A_330 {offsets = [15], sizes = [1], strides = [1]} : vector<16xf32> to vector<1xf32>
          %squeeze3A_1025 = vector.extract %slice3A_1024[0] : f32 from vector<1xf32>
          %slice3A_1026 = vector.extract_strided_slice %get3A_338 {offsets = [15], sizes = [1], strides = [1]} : vector<16xf32> to vector<1xf32>
          %squeeze3A_1027 = vector.extract %slice3A_1026[0] : f32 from vector<1xf32>
          %mul3A_1028 = arith.constant 16 : i32
          %mul3A_1029 = arith.muli %scan3A_319, %mul3A_1028 : i32
          %add3A_1030 = arith.constant 0 : i32
          %add3A_1031 = arith.addi %add3A_1030, %mul3A_1029 : i32
          %add3A_1032 = arith.constant 15 : i32
          %add3A_1033 = arith.addi %add3A_1031, %add3A_1032 : i32
          %get3A_1034 = arith.constant 0 : i32
          %get3A_1035 = arith.index_cast %get3A_1034 : i32 to index
          %get3A_1036 = arith.index_cast %add3A_1033 : i32 to index
          %get3A_1037 = arith.constant 0 : index
          %get3A_1038 = tpu.vector_load %arg8[%get3A_1035, %get3A_1036, %get3A_1037] {strides = array<i32>} : memref<2x256x64xbf16, #tpu.memory_space<vmem>>, vector<32xbf16>,
          %bitcast3A_1039 = vector.bitcast %get3A_1038 : vector<32xbf16> to vector<16xi32>
          %shift_left3A_1040 = arith.constant 16 : i32
          %shift_left3A_1041 = vector.broadcast %shift_left3A_1040 : i32 to vector<16xi32>
          %shift_left3A_1042 = arith.shli %bitcast3A_1039, %shift_left3A_1041 : vector<16xi32>
          %bitcast3A_1043 = vector.bitcast %shift_left3A_1042 : vector<16xi32> to vector<16xf32>
          %and3A_1044 = arith.andi %bitcast3A_1039, %broadcast_in_dim3A_279 : vector<16xi32>
          %bitcast3A_1045 = vector.bitcast %and3A_1044 : vector<16xi32> to vector<16xf32>
          %get3A_1046 = arith.constant 0 : i32
          %get3A_1047 = arith.index_cast %get3A_1046 : i32 to index
          %get3A_1048 = arith.index_cast %add3A_1033 : i32 to index
          %get3A_1049 = arith.constant 32 : index
          %get3A_1050 = tpu.vector_load %arg8[%get3A_1047, %get3A_1048, %get3A_1049] {strides = array<i32>} : memref<2x256x64xbf16, #tpu.memory_space<vmem>>, vector<32xbf16>,
          %bitcast3A_1051 = vector.bitcast %get3A_1050 : vector<32xbf16> to vector<16xi32>
          %shift_left3A_1052 = arith.constant 16 : i32
          %shift_left3A_1053 = vector.broadcast %shift_left3A_1052 : i32 to vector<16xi32>
          %shift_left3A_1054 = arith.shli %bitcast3A_1051, %shift_left3A_1053 : vector<16xi32>
          %bitcast3A_1055 = vector.bitcast %shift_left3A_1054 : vector<16xi32> to vector<16xf32>
          %and3A_1056 = arith.andi %bitcast3A_1051, %broadcast_in_dim3A_279 : vector<16xi32>
          %bitcast3A_1057 = vector.bitcast %and3A_1056 : vector<16xi32> to vector<16xf32>
          %mul3A_1058 = vector.broadcast %squeeze3A_1025 : f32 to vector<16xf32>
          %mul3A_1059 = arith.mulf %mul3A_1058, %bitcast3A_1043 : vector<16xf32>
          %add3A_1060 = arith.addf %add3A_1017, %mul3A_1059 : vector<16xf32>
          %mul3A_1061 = vector.broadcast %squeeze3A_1027 : f32 to vector<16xf32>
          %mul3A_1062 = arith.mulf %mul3A_1061, %bitcast3A_1055 : vector<16xf32>
          %add3A_1063 = arith.addf %add3A_1060, %mul3A_1062 : vector<16xf32>
          %mul3A_1064 = vector.broadcast %squeeze3A_1025 : f32 to vector<16xf32>
          %mul3A_1065 = arith.mulf %mul3A_1064, %bitcast3A_1045 : vector<16xf32>
          %add3A_1066 = arith.addf %add3A_1023, %mul3A_1065 : vector<16xf32>
          %mul3A_1067 = vector.broadcast %squeeze3A_1027 : f32 to vector<16xf32>
          %mul3A_1068 = arith.mulf %mul3A_1067, %bitcast3A_1057 : vector<16xf32>
          %add3A_1069 = arith.addf %add3A_1066, %mul3A_1068 : vector<16xf32>
          %mul3A_1070 = arith.constant 16 : i32
          %mul3A_1071 = arith.muli %scan3A_319, %mul3A_1070 : i32
          %add3A_1072 = arith.constant 128 : i32
          %add3A_1073 = arith.addi %add3A_1072, %mul3A_1071 : i32
          %get3A_1074 = arith.index_cast %rem3A_160 : i32 to index
          %get3A_1075 = arith.index_cast %mul3A_278 : i32 to index
          %get3A_1076 = arith.index_cast %add3A_1073 : i32 to index
          %get3A_1077 = tpu.vector_load %arg7[%get3A_1074, %get3A_1075, %get3A_1076] {strides = array<i32>} : memref<2x40x512xf32, #tpu.memory_space<vmem>>, vector<16xf32>,
          %mul3A_1078 = arith.constant 16 : i32
          %mul3A_1079 = arith.muli %scan3A_319, %mul3A_1078 : i32
          %add3A_1080 = arith.constant 384 : i32
          %add3A_1081 = arith.addi %add3A_1080, %mul3A_1079 : i32
          %get3A_1082 = arith.index_cast %rem3A_160 : i32 to index
          %get3A_1083 = arith.index_cast %mul3A_278 : i32 to index
          %get3A_1084 = arith.index_cast %add3A_1081 : i32 to index
          %get3A_1085 = tpu.vector_load %arg7[%get3A_1082, %get3A_1083, %get3A_1084] {strides = array<i32>} : memref<2x40x512xf32, #tpu.memory_space<vmem>>, vector<16xf32>,
          %slice3A_1086 = vector.extract_strided_slice %get3A_1077 {offsets = [0], sizes = [1], strides = [1]} : vector<16xf32> to vector<1xf32>
          %squeeze3A_1087 = vector.extract %slice3A_1086[0] : f32 from vector<1xf32>
          %slice3A_1088 = vector.extract_strided_slice %get3A_1085 {offsets = [0], sizes = [1], strides = [1]} : vector<16xf32> to vector<1xf32>
          %squeeze3A_1089 = vector.extract %slice3A_1088[0] : f32 from vector<1xf32>
          %mul3A_1090 = arith.constant 16 : i32
          %mul3A_1091 = arith.muli %scan3A_319, %mul3A_1090 : i32
          %add3A_1092 = arith.constant 128 : i32
          %add3A_1093 = arith.addi %add3A_1092, %mul3A_1091 : i32
          %add3A_1094 = arith.constant 0 : i32
          %add3A_1095 = arith.addi %add3A_1093, %add3A_1094 : i32
          %get3A_1096 = arith.constant 0 : i32
          %get3A_1097 = arith.index_cast %get3A_1096 : i32 to index
          %get3A_1098 = arith.index_cast %add3A_1095 : i32 to index
          %get3A_1099 = arith.constant 0 : index
          %get3A_1100 = tpu.vector_load %arg8[%get3A_1097, %get3A_1098, %get3A_1099] {strides = array<i32>} : memref<2x256x64xbf16, #tpu.memory_space<vmem>>, vector<32xbf16>,
          %bitcast3A_1101 = vector.bitcast %get3A_1100 : vector<32xbf16> to vector<16xi32>
          %shift_left3A_1102 = arith.constant 16 : i32
          %shift_left3A_1103 = vector.broadcast %shift_left3A_1102 : i32 to vector<16xi32>
          %shift_left3A_1104 = arith.shli %bitcast3A_1101, %shift_left3A_1103 : vector<16xi32>
          %bitcast3A_1105 = vector.bitcast %shift_left3A_1104 : vector<16xi32> to vector<16xf32>
          %and3A_1106 = arith.andi %bitcast3A_1101, %broadcast_in_dim3A_279 : vector<16xi32>
          %bitcast3A_1107 = vector.bitcast %and3A_1106 : vector<16xi32> to vector<16xf32>
          %get3A_1108 = arith.constant 0 : i32
          %get3A_1109 = arith.index_cast %get3A_1108 : i32 to index
          %get3A_1110 = arith.index_cast %add3A_1095 : i32 to index
          %get3A_1111 = arith.constant 32 : index
          %get3A_1112 = tpu.vector_load %arg8[%get3A_1109, %get3A_1110, %get3A_1111] {strides = array<i32>} : memref<2x256x64xbf16, #tpu.memory_space<vmem>>, vector<32xbf16>,
          %bitcast3A_1113 = vector.bitcast %get3A_1112 : vector<32xbf16> to vector<16xi32>
          %shift_left3A_1114 = arith.constant 16 : i32
          %shift_left3A_1115 = vector.broadcast %shift_left3A_1114 : i32 to vector<16xi32>
          %shift_left3A_1116 = arith.shli %bitcast3A_1113, %shift_left3A_1115 : vector<16xi32>
          %bitcast3A_1117 = vector.bitcast %shift_left3A_1116 : vector<16xi32> to vector<16xf32>
          %and3A_1118 = arith.andi %bitcast3A_1113, %broadcast_in_dim3A_279 : vector<16xi32>
          %bitcast3A_1119 = vector.bitcast %and3A_1118 : vector<16xi32> to vector<16xf32>
          %mul3A_1120 = vector.broadcast %squeeze3A_1087 : f32 to vector<16xf32>
          %mul3A_1121 = arith.mulf %mul3A_1120, %bitcast3A_1105 : vector<16xf32>
          %add3A_1122 = arith.addf %add3A_1063, %mul3A_1121 : vector<16xf32>
          %mul3A_1123 = vector.broadcast %squeeze3A_1089 : f32 to vector<16xf32>
          %mul3A_1124 = arith.mulf %mul3A_1123, %bitcast3A_1117 : vector<16xf32>
          %add3A_1125 = arith.addf %add3A_1122, %mul3A_1124 : vector<16xf32>
          %mul3A_1126 = vector.broadcast %squeeze3A_1087 : f32 to vector<16xf32>
          %mul3A_1127 = arith.mulf %mul3A_1126, %bitcast3A_1107 : vector<16xf32>
          %add3A_1128 = arith.addf %add3A_1069, %mul3A_1127 : vector<16xf32>
          %mul3A_1129 = vector.broadcast %squeeze3A_1089 : f32 to vector<16xf32>
          %mul3A_1130 = arith.mulf %mul3A_1129, %bitcast3A_1119 : vector<16xf32>
          %add3A_1131 = arith.addf %add3A_1128, %mul3A_1130 : vector<16xf32>
          %slice3A_1132 = vector.extract_strided_slice %get3A_1077 {offsets = [1], sizes = [1], strides = [1]} : vector<16xf32> to vector<1xf32>
          %squeeze3A_1133 = vector.extract %slice3A_1132[0] : f32 from vector<1xf32>
          %slice3A_1134 = vector.extract_strided_slice %get3A_1085 {offsets = [1], sizes = [1], strides = [1]} : vector<16xf32> to vector<1xf32>
          %squeeze3A_1135 = vector.extract %slice3A_1134[0] : f32 from vector<1xf32>
          %mul3A_1136 = arith.constant 16 : i32
          %mul3A_1137 = arith.muli %scan3A_319, %mul3A_1136 : i32
          %add3A_1138 = arith.constant 128 : i32
          %add3A_1139 = arith.addi %add3A_1138, %mul3A_1137 : i32
          %add3A_1140 = arith.constant 1 : i32
          %add3A_1141 = arith.addi %add3A_1139, %add3A_1140 : i32
          %get3A_1142 = arith.constant 0 : i32
          %get3A_1143 = arith.index_cast %get3A_1142 : i32 to index
          %get3A_1144 = arith.index_cast %add3A_1141 : i32 to index
          %get3A_1145 = arith.constant 0 : index
          %get3A_1146 = tpu.vector_load %arg8[%get3A_1143, %get3A_1144, %get3A_1145] {strides = array<i32>} : memref<2x256x64xbf16, #tpu.memory_space<vmem>>, vector<32xbf16>,
          %bitcast3A_1147 = vector.bitcast %get3A_1146 : vector<32xbf16> to vector<16xi32>
          %shift_left3A_1148 = arith.constant 16 : i32
          %shift_left3A_1149 = vector.broadcast %shift_left3A_1148 : i32 to vector<16xi32>
          %shift_left3A_1150 = arith.shli %bitcast3A_1147, %shift_left3A_1149 : vector<16xi32>
          %bitcast3A_1151 = vector.bitcast %shift_left3A_1150 : vector<16xi32> to vector<16xf32>
          %and3A_1152 = arith.andi %bitcast3A_1147, %broadcast_in_dim3A_279 : vector<16xi32>
          %bitcast3A_1153 = vector.bitcast %and3A_1152 : vector<16xi32> to vector<16xf32>
          %get3A_1154 = arith.constant 0 : i32
          %get3A_1155 = arith.index_cast %get3A_1154 : i32 to index
          %get3A_1156 = arith.index_cast %add3A_1141 : i32 to index
          %get3A_1157 = arith.constant 32 : index
          %get3A_1158 = tpu.vector_load %arg8[%get3A_1155, %get3A_1156, %get3A_1157] {strides = array<i32>} : memref<2x256x64xbf16, #tpu.memory_space<vmem>>, vector<32xbf16>,
          %bitcast3A_1159 = vector.bitcast %get3A_1158 : vector<32xbf16> to vector<16xi32>
          %shift_left3A_1160 = arith.constant 16 : i32
          %shift_left3A_1161 = vector.broadcast %shift_left3A_1160 : i32 to vector<16xi32>
          %shift_left3A_1162 = arith.shli %bitcast3A_1159, %shift_left3A_1161 : vector<16xi32>
          %bitcast3A_1163 = vector.bitcast %shift_left3A_1162 : vector<16xi32> to vector<16xf32>
          %and3A_1164 = arith.andi %bitcast3A_1159, %broadcast_in_dim3A_279 : vector<16xi32>
          %bitcast3A_1165 = vector.bitcast %and3A_1164 : vector<16xi32> to vector<16xf32>
          %mul3A_1166 = vector.broadcast %squeeze3A_1133 : f32 to vector<16xf32>
          %mul3A_1167 = arith.mulf %mul3A_1166, %bitcast3A_1151 : vector<16xf32>
          %add3A_1168 = arith.addf %add3A_1125, %mul3A_1167 : vector<16xf32>
          %mul3A_1169 = vector.broadcast %squeeze3A_1135 : f32 to vector<16xf32>
          %mul3A_1170 = arith.mulf %mul3A_1169, %bitcast3A_1163 : vector<16xf32>
          %add3A_1171 = arith.addf %add3A_1168, %mul3A_1170 : vector<16xf32>
          %mul3A_1172 = vector.broadcast %squeeze3A_1133 : f32 to vector<16xf32>
          %mul3A_1173 = arith.mulf %mul3A_1172, %bitcast3A_1153 : vector<16xf32>
          %add3A_1174 = arith.addf %add3A_1131, %mul3A_1173 : vector<16xf32>
          %mul3A_1175 = vector.broadcast %squeeze3A_1135 : f32 to vector<16xf32>
          %mul3A_1176 = arith.mulf %mul3A_1175, %bitcast3A_1165 : vector<16xf32>
          %add3A_1177 = arith.addf %add3A_1174, %mul3A_1176 : vector<16xf32>
          %slice3A_1178 = vector.extract_strided_slice %get3A_1077 {offsets = [2], sizes = [1], strides = [1]} : vector<16xf32> to vector<1xf32>
          %squeeze3A_1179 = vector.extract %slice3A_1178[0] : f32 from vector<1xf32>
          %slice3A_1180 = vector.extract_strided_slice %get3A_1085 {offsets = [2], sizes = [1], strides = [1]} : vector<16xf32> to vector<1xf32>
          %squeeze3A_1181 = vector.extract %slice3A_1180[0] : f32 from vector<1xf32>
          %mul3A_1182 = arith.constant 16 : i32
          %mul3A_1183 = arith.muli %scan3A_319, %mul3A_1182 : i32
          %add3A_1184 = arith.constant 128 : i32
          %add3A_1185 = arith.addi %add3A_1184, %mul3A_1183 : i32
          %add3A_1186 = arith.constant 2 : i32
          %add3A_1187 = arith.addi %add3A_1185, %add3A_1186 : i32
          %get3A_1188 = arith.constant 0 : i32
          %get3A_1189 = arith.index_cast %get3A_1188 : i32 to index
          %get3A_1190 = arith.index_cast %add3A_1187 : i32 to index
          %get3A_1191 = arith.constant 0 : index
          %get3A_1192 = tpu.vector_load %arg8[%get3A_1189, %get3A_1190, %get3A_1191] {strides = array<i32>} : memref<2x256x64xbf16, #tpu.memory_space<vmem>>, vector<32xbf16>,
          %bitcast3A_1193 = vector.bitcast %get3A_1192 : vector<32xbf16> to vector<16xi32>
          %shift_left3A_1194 = arith.constant 16 : i32
          %shift_left3A_1195 = vector.broadcast %shift_left3A_1194 : i32 to vector<16xi32>
          %shift_left3A_1196 = arith.shli %bitcast3A_1193, %shift_left3A_1195 : vector<16xi32>
          %bitcast3A_1197 = vector.bitcast %shift_left3A_1196 : vector<16xi32> to vector<16xf32>
          %and3A_1198 = arith.andi %bitcast3A_1193, %broadcast_in_dim3A_279 : vector<16xi32>
          %bitcast3A_1199 = vector.bitcast %and3A_1198 : vector<16xi32> to vector<16xf32>
          %get3A_1200 = arith.constant 0 : i32
          %get3A_1201 = arith.index_cast %get3A_1200 : i32 to index
          %get3A_1202 = arith.index_cast %add3A_1187 : i32 to index
          %get3A_1203 = arith.constant 32 : index
          %get3A_1204 = tpu.vector_load %arg8[%get3A_1201, %get3A_1202, %get3A_1203] {strides = array<i32>} : memref<2x256x64xbf16, #tpu.memory_space<vmem>>, vector<32xbf16>,
          %bitcast3A_1205 = vector.bitcast %get3A_1204 : vector<32xbf16> to vector<16xi32>
          %shift_left3A_1206 = arith.constant 16 : i32
          %shift_left3A_1207 = vector.broadcast %shift_left3A_1206 : i32 to vector<16xi32>
          %shift_left3A_1208 = arith.shli %bitcast3A_1205, %shift_left3A_1207 : vector<16xi32>
          %bitcast3A_1209 = vector.bitcast %shift_left3A_1208 : vector<16xi32> to vector<16xf32>
          %and3A_1210 = arith.andi %bitcast3A_1205, %broadcast_in_dim3A_279 : vector<16xi32>
          %bitcast3A_1211 = vector.bitcast %and3A_1210 : vector<16xi32> to vector<16xf32>
          %mul3A_1212 = vector.broadcast %squeeze3A_1179 : f32 to vector<16xf32>
          %mul3A_1213 = arith.mulf %mul3A_1212, %bitcast3A_1197 : vector<16xf32>
          %add3A_1214 = arith.addf %add3A_1171, %mul3A_1213 : vector<16xf32>
          %mul3A_1215 = vector.broadcast %squeeze3A_1181 : f32 to vector<16xf32>
          %mul3A_1216 = arith.mulf %mul3A_1215, %bitcast3A_1209 : vector<16xf32>
          %add3A_1217 = arith.addf %add3A_1214, %mul3A_1216 : vector<16xf32>
          %mul3A_1218 = vector.broadcast %squeeze3A_1179 : f32 to vector<16xf32>
          %mul3A_1219 = arith.mulf %mul3A_1218, %bitcast3A_1199 : vector<16xf32>
          %add3A_1220 = arith.addf %add3A_1177, %mul3A_1219 : vector<16xf32>
          %mul3A_1221 = vector.broadcast %squeeze3A_1181 : f32 to vector<16xf32>
          %mul3A_1222 = arith.mulf %mul3A_1221, %bitcast3A_1211 : vector<16xf32>
          %add3A_1223 = arith.addf %add3A_1220, %mul3A_1222 : vector<16xf32>
          %slice3A_1224 = vector.extract_strided_slice %get3A_1077 {offsets = [3], sizes = [1], strides = [1]} : vector<16xf32> to vector<1xf32>
          %squeeze3A_1225 = vector.extract %slice3A_1224[0] : f32 from vector<1xf32>
          %slice3A_1226 = vector.extract_strided_slice %get3A_1085 {offsets = [3], sizes = [1], strides = [1]} : vector<16xf32> to vector<1xf32>
          %squeeze3A_1227 = vector.extract %slice3A_1226[0] : f32 from vector<1xf32>
          %mul3A_1228 = arith.constant 16 : i32
          %mul3A_1229 = arith.muli %scan3A_319, %mul3A_1228 : i32
          %add3A_1230 = arith.constant 128 : i32
          %add3A_1231 = arith.addi %add3A_1230, %mul3A_1229 : i32
          %add3A_1232 = arith.constant 3 : i32
          %add3A_1233 = arith.addi %add3A_1231, %add3A_1232 : i32
          %get3A_1234 = arith.constant 0 : i32
          %get3A_1235 = arith.index_cast %get3A_1234 : i32 to index
          %get3A_1236 = arith.index_cast %add3A_1233 : i32 to index
          %get3A_1237 = arith.constant 0 : index
          %get3A_1238 = tpu.vector_load %arg8[%get3A_1235, %get3A_1236, %get3A_1237] {strides = array<i32>} : memref<2x256x64xbf16, #tpu.memory_space<vmem>>, vector<32xbf16>,
          %bitcast3A_1239 = vector.bitcast %get3A_1238 : vector<32xbf16> to vector<16xi32>
          %shift_left3A_1240 = arith.constant 16 : i32
          %shift_left3A_1241 = vector.broadcast %shift_left3A_1240 : i32 to vector<16xi32>
          %shift_left3A_1242 = arith.shli %bitcast3A_1239, %shift_left3A_1241 : vector<16xi32>
          %bitcast3A_1243 = vector.bitcast %shift_left3A_1242 : vector<16xi32> to vector<16xf32>
          %and3A_1244 = arith.andi %bitcast3A_1239, %broadcast_in_dim3A_279 : vector<16xi32>
          %bitcast3A_1245 = vector.bitcast %and3A_1244 : vector<16xi32> to vector<16xf32>
          %get3A_1246 = arith.constant 0 : i32
          %get3A_1247 = arith.index_cast %get3A_1246 : i32 to index
          %get3A_1248 = arith.index_cast %add3A_1233 : i32 to index
          %get3A_1249 = arith.constant 32 : index
          %get3A_1250 = tpu.vector_load %arg8[%get3A_1247, %get3A_1248, %get3A_1249] {strides = array<i32>} : memref<2x256x64xbf16, #tpu.memory_space<vmem>>, vector<32xbf16>,
          %bitcast3A_1251 = vector.bitcast %get3A_1250 : vector<32xbf16> to vector<16xi32>
          %shift_left3A_1252 = arith.constant 16 : i32
          %shift_left3A_1253 = vector.broadcast %shift_left3A_1252 : i32 to vector<16xi32>
          %shift_left3A_1254 = arith.shli %bitcast3A_1251, %shift_left3A_1253 : vector<16xi32>
          %bitcast3A_1255 = vector.bitcast %shift_left3A_1254 : vector<16xi32> to vector<16xf32>
          %and3A_1256 = arith.andi %bitcast3A_1251, %broadcast_in_dim3A_279 : vector<16xi32>
          %bitcast3A_1257 = vector.bitcast %and3A_1256 : vector<16xi32> to vector<16xf32>
          %mul3A_1258 = vector.broadcast %squeeze3A_1225 : f32 to vector<16xf32>
          %mul3A_1259 = arith.mulf %mul3A_1258, %bitcast3A_1243 : vector<16xf32>
          %add3A_1260 = arith.addf %add3A_1217, %mul3A_1259 : vector<16xf32>
          %mul3A_1261 = vector.broadcast %squeeze3A_1227 : f32 to vector<16xf32>
          %mul3A_1262 = arith.mulf %mul3A_1261, %bitcast3A_1255 : vector<16xf32>
          %add3A_1263 = arith.addf %add3A_1260, %mul3A_1262 : vector<16xf32>
          %mul3A_1264 = vector.broadcast %squeeze3A_1225 : f32 to vector<16xf32>
          %mul3A_1265 = arith.mulf %mul3A_1264, %bitcast3A_1245 : vector<16xf32>
          %add3A_1266 = arith.addf %add3A_1223, %mul3A_1265 : vector<16xf32>
          %mul3A_1267 = vector.broadcast %squeeze3A_1227 : f32 to vector<16xf32>
          %mul3A_1268 = arith.mulf %mul3A_1267, %bitcast3A_1257 : vector<16xf32>
          %add3A_1269 = arith.addf %add3A_1266, %mul3A_1268 : vector<16xf32>
          %slice3A_1270 = vector.extract_strided_slice %get3A_1077 {offsets = [4], sizes = [1], strides = [1]} : vector<16xf32> to vector<1xf32>
          %squeeze3A_1271 = vector.extract %slice3A_1270[0] : f32 from vector<1xf32>
          %slice3A_1272 = vector.extract_strided_slice %get3A_1085 {offsets = [4], sizes = [1], strides = [1]} : vector<16xf32> to vector<1xf32>
          %squeeze3A_1273 = vector.extract %slice3A_1272[0] : f32 from vector<1xf32>
          %mul3A_1274 = arith.constant 16 : i32
          %mul3A_1275 = arith.muli %scan3A_319, %mul3A_1274 : i32
          %add3A_1276 = arith.constant 128 : i32
          %add3A_1277 = arith.addi %add3A_1276, %mul3A_1275 : i32
          %add3A_1278 = arith.constant 4 : i32
          %add3A_1279 = arith.addi %add3A_1277, %add3A_1278 : i32
          %get3A_1280 = arith.constant 0 : i32
          %get3A_1281 = arith.index_cast %get3A_1280 : i32 to index
          %get3A_1282 = arith.index_cast %add3A_1279 : i32 to index
          %get3A_1283 = arith.constant 0 : index
          %get3A_1284 = tpu.vector_load %arg8[%get3A_1281, %get3A_1282, %get3A_1283] {strides = array<i32>} : memref<2x256x64xbf16, #tpu.memory_space<vmem>>, vector<32xbf16>,
          %bitcast3A_1285 = vector.bitcast %get3A_1284 : vector<32xbf16> to vector<16xi32>
          %shift_left3A_1286 = arith.constant 16 : i32
          %shift_left3A_1287 = vector.broadcast %shift_left3A_1286 : i32 to vector<16xi32>
          %shift_left3A_1288 = arith.shli %bitcast3A_1285, %shift_left3A_1287 : vector<16xi32>
          %bitcast3A_1289 = vector.bitcast %shift_left3A_1288 : vector<16xi32> to vector<16xf32>
          %and3A_1290 = arith.andi %bitcast3A_1285, %broadcast_in_dim3A_279 : vector<16xi32>
          %bitcast3A_1291 = vector.bitcast %and3A_1290 : vector<16xi32> to vector<16xf32>
          %get3A_1292 = arith.constant 0 : i32
          %get3A_1293 = arith.index_cast %get3A_1292 : i32 to index
          %get3A_1294 = arith.index_cast %add3A_1279 : i32 to index
          %get3A_1295 = arith.constant 32 : index
          %get3A_1296 = tpu.vector_load %arg8[%get3A_1293, %get3A_1294, %get3A_1295] {strides = array<i32>} : memref<2x256x64xbf16, #tpu.memory_space<vmem>>, vector<32xbf16>,
          %bitcast3A_1297 = vector.bitcast %get3A_1296 : vector<32xbf16> to vector<16xi32>
          %shift_left3A_1298 = arith.constant 16 : i32
          %shift_left3A_1299 = vector.broadcast %shift_left3A_1298 : i32 to vector<16xi32>
          %shift_left3A_1300 = arith.shli %bitcast3A_1297, %shift_left3A_1299 : vector<16xi32>
          %bitcast3A_1301 = vector.bitcast %shift_left3A_1300 : vector<16xi32> to vector<16xf32>
          %and3A_1302 = arith.andi %bitcast3A_1297, %broadcast_in_dim3A_279 : vector<16xi32>
          %bitcast3A_1303 = vector.bitcast %and3A_1302 : vector<16xi32> to vector<16xf32>
          %mul3A_1304 = vector.broadcast %squeeze3A_1271 : f32 to vector<16xf32>
          %mul3A_1305 = arith.mulf %mul3A_1304, %bitcast3A_1289 : vector<16xf32>
          %add3A_1306 = arith.addf %add3A_1263, %mul3A_1305 : vector<16xf32>
          %mul3A_1307 = vector.broadcast %squeeze3A_1273 : f32 to vector<16xf32>
          %mul3A_1308 = arith.mulf %mul3A_1307, %bitcast3A_1301 : vector<16xf32>
          %add3A_1309 = arith.addf %add3A_1306, %mul3A_1308 : vector<16xf32>
          %mul3A_1310 = vector.broadcast %squeeze3A_1271 : f32 to vector<16xf32>
          %mul3A_1311 = arith.mulf %mul3A_1310, %bitcast3A_1291 : vector<16xf32>
          %add3A_1312 = arith.addf %add3A_1269, %mul3A_1311 : vector<16xf32>
          %mul3A_1313 = vector.broadcast %squeeze3A_1273 : f32 to vector<16xf32>
          %mul3A_1314 = arith.mulf %mul3A_1313, %bitcast3A_1303 : vector<16xf32>
          %add3A_1315 = arith.addf %add3A_1312, %mul3A_1314 : vector<16xf32>
          %slice3A_1316 = vector.extract_strided_slice %get3A_1077 {offsets = [5], sizes = [1], strides = [1]} : vector<16xf32> to vector<1xf32>
          %squeeze3A_1317 = vector.extract %slice3A_1316[0] : f32 from vector<1xf32>
          %slice3A_1318 = vector.extract_strided_slice %get3A_1085 {offsets = [5], sizes = [1], strides = [1]} : vector<16xf32> to vector<1xf32>
          %squeeze3A_1319 = vector.extract %slice3A_1318[0] : f32 from vector<1xf32>
          %mul3A_1320 = arith.constant 16 : i32
          %mul3A_1321 = arith.muli %scan3A_319, %mul3A_1320 : i32
          %add3A_1322 = arith.constant 128 : i32
          %add3A_1323 = arith.addi %add3A_1322, %mul3A_1321 : i32
          %add3A_1324 = arith.constant 5 : i32
          %add3A_1325 = arith.addi %add3A_1323, %add3A_1324 : i32
          %get3A_1326 = arith.constant 0 : i32
          %get3A_1327 = arith.index_cast %get3A_1326 : i32 to index
          %get3A_1328 = arith.index_cast %add3A_1325 : i32 to index
          %get3A_1329 = arith.constant 0 : index
          %get3A_1330 = tpu.vector_load %arg8[%get3A_1327, %get3A_1328, %get3A_1329] {strides = array<i32>} : memref<2x256x64xbf16, #tpu.memory_space<vmem>>, vector<32xbf16>,
          %bitcast3A_1331 = vector.bitcast %get3A_1330 : vector<32xbf16> to vector<16xi32>
          %shift_left3A_1332 = arith.constant 16 : i32
          %shift_left3A_1333 = vector.broadcast %shift_left3A_1332 : i32 to vector<16xi32>
          %shift_left3A_1334 = arith.shli %bitcast3A_1331, %shift_left3A_1333 : vector<16xi32>
          %bitcast3A_1335 = vector.bitcast %shift_left3A_1334 : vector<16xi32> to vector<16xf32>
          %and3A_1336 = arith.andi %bitcast3A_1331, %broadcast_in_dim3A_279 : vector<16xi32>
          %bitcast3A_1337 = vector.bitcast %and3A_1336 : vector<16xi32> to vector<16xf32>
          %get3A_1338 = arith.constant 0 : i32
          %get3A_1339 = arith.index_cast %get3A_1338 : i32 to index
          %get3A_1340 = arith.index_cast %add3A_1325 : i32 to index
          %get3A_1341 = arith.constant 32 : index
          %get3A_1342 = tpu.vector_load %arg8[%get3A_1339, %get3A_1340, %get3A_1341] {strides = array<i32>} : memref<2x256x64xbf16, #tpu.memory_space<vmem>>, vector<32xbf16>,
          %bitcast3A_1343 = vector.bitcast %get3A_1342 : vector<32xbf16> to vector<16xi32>
          %shift_left3A_1344 = arith.constant 16 : i32
          %shift_left3A_1345 = vector.broadcast %shift_left3A_1344 : i32 to vector<16xi32>
          %shift_left3A_1346 = arith.shli %bitcast3A_1343, %shift_left3A_1345 : vector<16xi32>
          %bitcast3A_1347 = vector.bitcast %shift_left3A_1346 : vector<16xi32> to vector<16xf32>
          %and3A_1348 = arith.andi %bitcast3A_1343, %broadcast_in_dim3A_279 : vector<16xi32>
          %bitcast3A_1349 = vector.bitcast %and3A_1348 : vector<16xi32> to vector<16xf32>
          %mul3A_1350 = vector.broadcast %squeeze3A_1317 : f32 to vector<16xf32>
          %mul3A_1351 = arith.mulf %mul3A_1350, %bitcast3A_1335 : vector<16xf32>
          %add3A_1352 = arith.addf %add3A_1309, %mul3A_1351 : vector<16xf32>
          %mul3A_1353 = vector.broadcast %squeeze3A_1319 : f32 to vector<16xf32>
          %mul3A_1354 = arith.mulf %mul3A_1353, %bitcast3A_1347 : vector<16xf32>
          %add3A_1355 = arith.addf %add3A_1352, %mul3A_1354 : vector<16xf32>
          %mul3A_1356 = vector.broadcast %squeeze3A_1317 : f32 to vector<16xf32>
          %mul3A_1357 = arith.mulf %mul3A_1356, %bitcast3A_1337 : vector<16xf32>
          %add3A_1358 = arith.addf %add3A_1315, %mul3A_1357 : vector<16xf32>
          %mul3A_1359 = vector.broadcast %squeeze3A_1319 : f32 to vector<16xf32>
          %mul3A_1360 = arith.mulf %mul3A_1359, %bitcast3A_1349 : vector<16xf32>
          %add3A_1361 = arith.addf %add3A_1358, %mul3A_1360 : vector<16xf32>
          %slice3A_1362 = vector.extract_strided_slice %get3A_1077 {offsets = [6], sizes = [1], strides = [1]} : vector<16xf32> to vector<1xf32>
          %squeeze3A_1363 = vector.extract %slice3A_1362[0] : f32 from vector<1xf32>
          %slice3A_1364 = vector.extract_strided_slice %get3A_1085 {offsets = [6], sizes = [1], strides = [1]} : vector<16xf32> to vector<1xf32>
          %squeeze3A_1365 = vector.extract %slice3A_1364[0] : f32 from vector<1xf32>
          %mul3A_1366 = arith.constant 16 : i32
          %mul3A_1367 = arith.muli %scan3A_319, %mul3A_1366 : i32
          %add3A_1368 = arith.constant 128 : i32
          %add3A_1369 = arith.addi %add3A_1368, %mul3A_1367 : i32
          %add3A_1370 = arith.constant 6 : i32
          %add3A_1371 = arith.addi %add3A_1369, %add3A_1370 : i32
          %get3A_1372 = arith.constant 0 : i32
          %get3A_1373 = arith.index_cast %get3A_1372 : i32 to index
          %get3A_1374 = arith.index_cast %add3A_1371 : i32 to index
          %get3A_1375 = arith.constant 0 : index
          %get3A_1376 = tpu.vector_load %arg8[%get3A_1373, %get3A_1374, %get3A_1375] {strides = array<i32>} : memref<2x256x64xbf16, #tpu.memory_space<vmem>>, vector<32xbf16>,
          %bitcast3A_1377 = vector.bitcast %get3A_1376 : vector<32xbf16> to vector<16xi32>
          %shift_left3A_1378 = arith.constant 16 : i32
          %shift_left3A_1379 = vector.broadcast %shift_left3A_1378 : i32 to vector<16xi32>
          %shift_left3A_1380 = arith.shli %bitcast3A_1377, %shift_left3A_1379 : vector<16xi32>
          %bitcast3A_1381 = vector.bitcast %shift_left3A_1380 : vector<16xi32> to vector<16xf32>
          %and3A_1382 = arith.andi %bitcast3A_1377, %broadcast_in_dim3A_279 : vector<16xi32>
          %bitcast3A_1383 = vector.bitcast %and3A_1382 : vector<16xi32> to vector<16xf32>
          %get3A_1384 = arith.constant 0 : i32
          %get3A_1385 = arith.index_cast %get3A_1384 : i32 to index
          %get3A_1386 = arith.index_cast %add3A_1371 : i32 to index
          %get3A_1387 = arith.constant 32 : index
          %get3A_1388 = tpu.vector_load %arg8[%get3A_1385, %get3A_1386, %get3A_1387] {strides = array<i32>} : memref<2x256x64xbf16, #tpu.memory_space<vmem>>, vector<32xbf16>,
          %bitcast3A_1389 = vector.bitcast %get3A_1388 : vector<32xbf16> to vector<16xi32>
          %shift_left3A_1390 = arith.constant 16 : i32
          %shift_left3A_1391 = vector.broadcast %shift_left3A_1390 : i32 to vector<16xi32>
          %shift_left3A_1392 = arith.shli %bitcast3A_1389, %shift_left3A_1391 : vector<16xi32>
          %bitcast3A_1393 = vector.bitcast %shift_left3A_1392 : vector<16xi32> to vector<16xf32>
          %and3A_1394 = arith.andi %bitcast3A_1389, %broadcast_in_dim3A_279 : vector<16xi32>
          %bitcast3A_1395 = vector.bitcast %and3A_1394 : vector<16xi32> to vector<16xf32>
          %mul3A_1396 = vector.broadcast %squeeze3A_1363 : f32 to vector<16xf32>
          %mul3A_1397 = arith.mulf %mul3A_1396, %bitcast3A_1381 : vector<16xf32>
          %add3A_1398 = arith.addf %add3A_1355, %mul3A_1397 : vector<16xf32>
          %mul3A_1399 = vector.broadcast %squeeze3A_1365 : f32 to vector<16xf32>
          %mul3A_1400 = arith.mulf %mul3A_1399, %bitcast3A_1393 : vector<16xf32>
          %add3A_1401 = arith.addf %add3A_1398, %mul3A_1400 : vector<16xf32>
          %mul3A_1402 = vector.broadcast %squeeze3A_1363 : f32 to vector<16xf32>
          %mul3A_1403 = arith.mulf %mul3A_1402, %bitcast3A_1383 : vector<16xf32>
          %add3A_1404 = arith.addf %add3A_1361, %mul3A_1403 : vector<16xf32>
          %mul3A_1405 = vector.broadcast %squeeze3A_1365 : f32 to vector<16xf32>
          %mul3A_1406 = arith.mulf %mul3A_1405, %bitcast3A_1395 : vector<16xf32>
          %add3A_1407 = arith.addf %add3A_1404, %mul3A_1406 : vector<16xf32>
          %slice3A_1408 = vector.extract_strided_slice %get3A_1077 {offsets = [7], sizes = [1], strides = [1]} : vector<16xf32> to vector<1xf32>
          %squeeze3A_1409 = vector.extract %slice3A_1408[0] : f32 from vector<1xf32>
          %slice3A_1410 = vector.extract_strided_slice %get3A_1085 {offsets = [7], sizes = [1], strides = [1]} : vector<16xf32> to vector<1xf32>
          %squeeze3A_1411 = vector.extract %slice3A_1410[0] : f32 from vector<1xf32>
          %mul3A_1412 = arith.constant 16 : i32
          %mul3A_1413 = arith.muli %scan3A_319, %mul3A_1412 : i32
          %add3A_1414 = arith.constant 128 : i32
          %add3A_1415 = arith.addi %add3A_1414, %mul3A_1413 : i32
          %add3A_1416 = arith.constant 7 : i32
          %add3A_1417 = arith.addi %add3A_1415, %add3A_1416 : i32
          %get3A_1418 = arith.constant 0 : i32
          %get3A_1419 = arith.index_cast %get3A_1418 : i32 to index
          %get3A_1420 = arith.index_cast %add3A_1417 : i32 to index
          %get3A_1421 = arith.constant 0 : index
          %get3A_1422 = tpu.vector_load %arg8[%get3A_1419, %get3A_1420, %get3A_1421] {strides = array<i32>} : memref<2x256x64xbf16, #tpu.memory_space<vmem>>, vector<32xbf16>,
          %bitcast3A_1423 = vector.bitcast %get3A_1422 : vector<32xbf16> to vector<16xi32>
          %shift_left3A_1424 = arith.constant 16 : i32
          %shift_left3A_1425 = vector.broadcast %shift_left3A_1424 : i32 to vector<16xi32>
          %shift_left3A_1426 = arith.shli %bitcast3A_1423, %shift_left3A_1425 : vector<16xi32>
          %bitcast3A_1427 = vector.bitcast %shift_left3A_1426 : vector<16xi32> to vector<16xf32>
          %and3A_1428 = arith.andi %bitcast3A_1423, %broadcast_in_dim3A_279 : vector<16xi32>
          %bitcast3A_1429 = vector.bitcast %and3A_1428 : vector<16xi32> to vector<16xf32>
          %get3A_1430 = arith.constant 0 : i32
          %get3A_1431 = arith.index_cast %get3A_1430 : i32 to index
          %get3A_1432 = arith.index_cast %add3A_1417 : i32 to index
          %get3A_1433 = arith.constant 32 : index
          %get3A_1434 = tpu.vector_load %arg8[%get3A_1431, %get3A_1432, %get3A_1433] {strides = array<i32>} : memref<2x256x64xbf16, #tpu.memory_space<vmem>>, vector<32xbf16>,
          %bitcast3A_1435 = vector.bitcast %get3A_1434 : vector<32xbf16> to vector<16xi32>
          %shift_left3A_1436 = arith.constant 16 : i32
          %shift_left3A_1437 = vector.broadcast %shift_left3A_1436 : i32 to vector<16xi32>
          %shift_left3A_1438 = arith.shli %bitcast3A_1435, %shift_left3A_1437 : vector<16xi32>
          %bitcast3A_1439 = vector.bitcast %shift_left3A_1438 : vector<16xi32> to vector<16xf32>
          %and3A_1440 = arith.andi %bitcast3A_1435, %broadcast_in_dim3A_279 : vector<16xi32>
          %bitcast3A_1441 = vector.bitcast %and3A_1440 : vector<16xi32> to vector<16xf32>
          %mul3A_1442 = vector.broadcast %squeeze3A_1409 : f32 to vector<16xf32>
          %mul3A_1443 = arith.mulf %mul3A_1442, %bitcast3A_1427 : vector<16xf32>
          %add3A_1444 = arith.addf %add3A_1401, %mul3A_1443 : vector<16xf32>
          %mul3A_1445 = vector.broadcast %squeeze3A_1411 : f32 to vector<16xf32>
          %mul3A_1446 = arith.mulf %mul3A_1445, %bitcast3A_1439 : vector<16xf32>
          %add3A_1447 = arith.addf %add3A_1444, %mul3A_1446 : vector<16xf32>
          %mul3A_1448 = vector.broadcast %squeeze3A_1409 : f32 to vector<16xf32>
          %mul3A_1449 = arith.mulf %mul3A_1448, %bitcast3A_1429 : vector<16xf32>
          %add3A_1450 = arith.addf %add3A_1407, %mul3A_1449 : vector<16xf32>
          %mul3A_1451 = vector.broadcast %squeeze3A_1411 : f32 to vector<16xf32>
          %mul3A_1452 = arith.mulf %mul3A_1451, %bitcast3A_1441 : vector<16xf32>
          %add3A_1453 = arith.addf %add3A_1450, %mul3A_1452 : vector<16xf32>
          %slice3A_1454 = vector.extract_strided_slice %get3A_1077 {offsets = [8], sizes = [1], strides = [1]} : vector<16xf32> to vector<1xf32>
          %squeeze3A_1455 = vector.extract %slice3A_1454[0] : f32 from vector<1xf32>
          %slice3A_1456 = vector.extract_strided_slice %get3A_1085 {offsets = [8], sizes = [1], strides = [1]} : vector<16xf32> to vector<1xf32>
          %squeeze3A_1457 = vector.extract %slice3A_1456[0] : f32 from vector<1xf32>
          %mul3A_1458 = arith.constant 16 : i32
          %mul3A_1459 = arith.muli %scan3A_319, %mul3A_1458 : i32
          %add3A_1460 = arith.constant 128 : i32
          %add3A_1461 = arith.addi %add3A_1460, %mul3A_1459 : i32
          %add3A_1462 = arith.constant 8 : i32
          %add3A_1463 = arith.addi %add3A_1461, %add3A_1462 : i32
          %get3A_1464 = arith.constant 0 : i32
          %get3A_1465 = arith.index_cast %get3A_1464 : i32 to index
          %get3A_1466 = arith.index_cast %add3A_1463 : i32 to index
          %get3A_1467 = arith.constant 0 : index
          %get3A_1468 = tpu.vector_load %arg8[%get3A_1465, %get3A_1466, %get3A_1467] {strides = array<i32>} : memref<2x256x64xbf16, #tpu.memory_space<vmem>>, vector<32xbf16>,
          %bitcast3A_1469 = vector.bitcast %get3A_1468 : vector<32xbf16> to vector<16xi32>
          %shift_left3A_1470 = arith.constant 16 : i32
          %shift_left3A_1471 = vector.broadcast %shift_left3A_1470 : i32 to vector<16xi32>
          %shift_left3A_1472 = arith.shli %bitcast3A_1469, %shift_left3A_1471 : vector<16xi32>
          %bitcast3A_1473 = vector.bitcast %shift_left3A_1472 : vector<16xi32> to vector<16xf32>
          %and3A_1474 = arith.andi %bitcast3A_1469, %broadcast_in_dim3A_279 : vector<16xi32>
          %bitcast3A_1475 = vector.bitcast %and3A_1474 : vector<16xi32> to vector<16xf32>
          %get3A_1476 = arith.constant 0 : i32
          %get3A_1477 = arith.index_cast %get3A_1476 : i32 to index
          %get3A_1478 = arith.index_cast %add3A_1463 : i32 to index
          %get3A_1479 = arith.constant 32 : index
          %get3A_1480 = tpu.vector_load %arg8[%get3A_1477, %get3A_1478, %get3A_1479] {strides = array<i32>} : memref<2x256x64xbf16, #tpu.memory_space<vmem>>, vector<32xbf16>,
          %bitcast3A_1481 = vector.bitcast %get3A_1480 : vector<32xbf16> to vector<16xi32>
          %shift_left3A_1482 = arith.constant 16 : i32
          %shift_left3A_1483 = vector.broadcast %shift_left3A_1482 : i32 to vector<16xi32>
          %shift_left3A_1484 = arith.shli %bitcast3A_1481, %shift_left3A_1483 : vector<16xi32>
          %bitcast3A_1485 = vector.bitcast %shift_left3A_1484 : vector<16xi32> to vector<16xf32>
          %and3A_1486 = arith.andi %bitcast3A_1481, %broadcast_in_dim3A_279 : vector<16xi32>
          %bitcast3A_1487 = vector.bitcast %and3A_1486 : vector<16xi32> to vector<16xf32>
          %mul3A_1488 = vector.broadcast %squeeze3A_1455 : f32 to vector<16xf32>
          %mul3A_1489 = arith.mulf %mul3A_1488, %bitcast3A_1473 : vector<16xf32>
          %add3A_1490 = arith.addf %add3A_1447, %mul3A_1489 : vector<16xf32>
          %mul3A_1491 = vector.broadcast %squeeze3A_1457 : f32 to vector<16xf32>
          %mul3A_1492 = arith.mulf %mul3A_1491, %bitcast3A_1485 : vector<16xf32>
          %add3A_1493 = arith.addf %add3A_1490, %mul3A_1492 : vector<16xf32>
          %mul3A_1494 = vector.broadcast %squeeze3A_1455 : f32 to vector<16xf32>
          %mul3A_1495 = arith.mulf %mul3A_1494, %bitcast3A_1475 : vector<16xf32>
          %add3A_1496 = arith.addf %add3A_1453, %mul3A_1495 : vector<16xf32>
          %mul3A_1497 = vector.broadcast %squeeze3A_1457 : f32 to vector<16xf32>
          %mul3A_1498 = arith.mulf %mul3A_1497, %bitcast3A_1487 : vector<16xf32>
          %add3A_1499 = arith.addf %add3A_1496, %mul3A_1498 : vector<16xf32>
          %slice3A_1500 = vector.extract_strided_slice %get3A_1077 {offsets = [9], sizes = [1], strides = [1]} : vector<16xf32> to vector<1xf32>
          %squeeze3A_1501 = vector.extract %slice3A_1500[0] : f32 from vector<1xf32>
          %slice3A_1502 = vector.extract_strided_slice %get3A_1085 {offsets = [9], sizes = [1], strides = [1]} : vector<16xf32> to vector<1xf32>
          %squeeze3A_1503 = vector.extract %slice3A_1502[0] : f32 from vector<1xf32>
          %mul3A_1504 = arith.constant 16 : i32
          %mul3A_1505 = arith.muli %scan3A_319, %mul3A_1504 : i32
          %add3A_1506 = arith.constant 128 : i32
          %add3A_1507 = arith.addi %add3A_1506, %mul3A_1505 : i32
          %add3A_1508 = arith.constant 9 : i32
          %add3A_1509 = arith.addi %add3A_1507, %add3A_1508 : i32
          %get3A_1510 = arith.constant 0 : i32
          %get3A_1511 = arith.index_cast %get3A_1510 : i32 to index
          %get3A_1512 = arith.index_cast %add3A_1509 : i32 to index
          %get3A_1513 = arith.constant 0 : index
          %get3A_1514 = tpu.vector_load %arg8[%get3A_1511, %get3A_1512, %get3A_1513] {strides = array<i32>} : memref<2x256x64xbf16, #tpu.memory_space<vmem>>, vector<32xbf16>,
          %bitcast3A_1515 = vector.bitcast %get3A_1514 : vector<32xbf16> to vector<16xi32>
          %shift_left3A_1516 = arith.constant 16 : i32
          %shift_left3A_1517 = vector.broadcast %shift_left3A_1516 : i32 to vector<16xi32>
          %shift_left3A_1518 = arith.shli %bitcast3A_1515, %shift_left3A_1517 : vector<16xi32>
          %bitcast3A_1519 = vector.bitcast %shift_left3A_1518 : vector<16xi32> to vector<16xf32>
          %and3A_1520 = arith.andi %bitcast3A_1515, %broadcast_in_dim3A_279 : vector<16xi32>
          %bitcast3A_1521 = vector.bitcast %and3A_1520 : vector<16xi32> to vector<16xf32>
          %get3A_1522 = arith.constant 0 : i32
          %get3A_1523 = arith.index_cast %get3A_1522 : i32 to index
          %get3A_1524 = arith.index_cast %add3A_1509 : i32 to index
          %get3A_1525 = arith.constant 32 : index
          %get3A_1526 = tpu.vector_load %arg8[%get3A_1523, %get3A_1524, %get3A_1525] {strides = array<i32>} : memref<2x256x64xbf16, #tpu.memory_space<vmem>>, vector<32xbf16>,
          %bitcast3A_1527 = vector.bitcast %get3A_1526 : vector<32xbf16> to vector<16xi32>
          %shift_left3A_1528 = arith.constant 16 : i32
          %shift_left3A_1529 = vector.broadcast %shift_left3A_1528 : i32 to vector<16xi32>
          %shift_left3A_1530 = arith.shli %bitcast3A_1527, %shift_left3A_1529 : vector<16xi32>
          %bitcast3A_1531 = vector.bitcast %shift_left3A_1530 : vector<16xi32> to vector<16xf32>
          %and3A_1532 = arith.andi %bitcast3A_1527, %broadcast_in_dim3A_279 : vector<16xi32>
          %bitcast3A_1533 = vector.bitcast %and3A_1532 : vector<16xi32> to vector<16xf32>
          %mul3A_1534 = vector.broadcast %squeeze3A_1501 : f32 to vector<16xf32>
          %mul3A_1535 = arith.mulf %mul3A_1534, %bitcast3A_1519 : vector<16xf32>
          %add3A_1536 = arith.addf %add3A_1493, %mul3A_1535 : vector<16xf32>
          %mul3A_1537 = vector.broadcast %squeeze3A_1503 : f32 to vector<16xf32>
          %mul3A_1538 = arith.mulf %mul3A_1537, %bitcast3A_1531 : vector<16xf32>
          %add3A_1539 = arith.addf %add3A_1536, %mul3A_1538 : vector<16xf32>
          %mul3A_1540 = vector.broadcast %squeeze3A_1501 : f32 to vector<16xf32>
          %mul3A_1541 = arith.mulf %mul3A_1540, %bitcast3A_1521 : vector<16xf32>
          %add3A_1542 = arith.addf %add3A_1499, %mul3A_1541 : vector<16xf32>
          %mul3A_1543 = vector.broadcast %squeeze3A_1503 : f32 to vector<16xf32>
          %mul3A_1544 = arith.mulf %mul3A_1543, %bitcast3A_1533 : vector<16xf32>
          %add3A_1545 = arith.addf %add3A_1542, %mul3A_1544 : vector<16xf32>
          %slice3A_1546 = vector.extract_strided_slice %get3A_1077 {offsets = [10], sizes = [1], strides = [1]} : vector<16xf32> to vector<1xf32>
          %squeeze3A_1547 = vector.extract %slice3A_1546[0] : f32 from vector<1xf32>
          %slice3A_1548 = vector.extract_strided_slice %get3A_1085 {offsets = [10], sizes = [1], strides = [1]} : vector<16xf32> to vector<1xf32>
          %squeeze3A_1549 = vector.extract %slice3A_1548[0] : f32 from vector<1xf32>
          %mul3A_1550 = arith.constant 16 : i32
          %mul3A_1551 = arith.muli %scan3A_319, %mul3A_1550 : i32
          %add3A_1552 = arith.constant 128 : i32
          %add3A_1553 = arith.addi %add3A_1552, %mul3A_1551 : i32
          %add3A_1554 = arith.constant 10 : i32
          %add3A_1555 = arith.addi %add3A_1553, %add3A_1554 : i32
          %get3A_1556 = arith.constant 0 : i32
          %get3A_1557 = arith.index_cast %get3A_1556 : i32 to index
          %get3A_1558 = arith.index_cast %add3A_1555 : i32 to index
          %get3A_1559 = arith.constant 0 : index
          %get3A_1560 = tpu.vector_load %arg8[%get3A_1557, %get3A_1558, %get3A_1559] {strides = array<i32>} : memref<2x256x64xbf16, #tpu.memory_space<vmem>>, vector<32xbf16>,
          %bitcast3A_1561 = vector.bitcast %get3A_1560 : vector<32xbf16> to vector<16xi32>
          %shift_left3A_1562 = arith.constant 16 : i32
          %shift_left3A_1563 = vector.broadcast %shift_left3A_1562 : i32 to vector<16xi32>
          %shift_left3A_1564 = arith.shli %bitcast3A_1561, %shift_left3A_1563 : vector<16xi32>
          %bitcast3A_1565 = vector.bitcast %shift_left3A_1564 : vector<16xi32> to vector<16xf32>
          %and3A_1566 = arith.andi %bitcast3A_1561, %broadcast_in_dim3A_279 : vector<16xi32>
          %bitcast3A_1567 = vector.bitcast %and3A_1566 : vector<16xi32> to vector<16xf32>
          %get3A_1568 = arith.constant 0 : i32
          %get3A_1569 = arith.index_cast %get3A_1568 : i32 to index
          %get3A_1570 = arith.index_cast %add3A_1555 : i32 to index
          %get3A_1571 = arith.constant 32 : index
          %get3A_1572 = tpu.vector_load %arg8[%get3A_1569, %get3A_1570, %get3A_1571] {strides = array<i32>} : memref<2x256x64xbf16, #tpu.memory_space<vmem>>, vector<32xbf16>,
          %bitcast3A_1573 = vector.bitcast %get3A_1572 : vector<32xbf16> to vector<16xi32>
          %shift_left3A_1574 = arith.constant 16 : i32
          %shift_left3A_1575 = vector.broadcast %shift_left3A_1574 : i32 to vector<16xi32>
          %shift_left3A_1576 = arith.shli %bitcast3A_1573, %shift_left3A_1575 : vector<16xi32>
          %bitcast3A_1577 = vector.bitcast %shift_left3A_1576 : vector<16xi32> to vector<16xf32>
          %and3A_1578 = arith.andi %bitcast3A_1573, %broadcast_in_dim3A_279 : vector<16xi32>
          %bitcast3A_1579 = vector.bitcast %and3A_1578 : vector<16xi32> to vector<16xf32>
          %mul3A_1580 = vector.broadcast %squeeze3A_1547 : f32 to vector<16xf32>
          %mul3A_1581 = arith.mulf %mul3A_1580, %bitcast3A_1565 : vector<16xf32>
          %add3A_1582 = arith.addf %add3A_1539, %mul3A_1581 : vector<16xf32>
          %mul3A_1583 = vector.broadcast %squeeze3A_1549 : f32 to vector<16xf32>
          %mul3A_1584 = arith.mulf %mul3A_1583, %bitcast3A_1577 : vector<16xf32>
          %add3A_1585 = arith.addf %add3A_1582, %mul3A_1584 : vector<16xf32>
          %mul3A_1586 = vector.broadcast %squeeze3A_1547 : f32 to vector<16xf32>
          %mul3A_1587 = arith.mulf %mul3A_1586, %bitcast3A_1567 : vector<16xf32>
          %add3A_1588 = arith.addf %add3A_1545, %mul3A_1587 : vector<16xf32>
          %mul3A_1589 = vector.broadcast %squeeze3A_1549 : f32 to vector<16xf32>
          %mul3A_1590 = arith.mulf %mul3A_1589, %bitcast3A_1579 : vector<16xf32>
          %add3A_1591 = arith.addf %add3A_1588, %mul3A_1590 : vector<16xf32>
          %slice3A_1592 = vector.extract_strided_slice %get3A_1077 {offsets = [11], sizes = [1], strides = [1]} : vector<16xf32> to vector<1xf32>
          %squeeze3A_1593 = vector.extract %slice3A_1592[0] : f32 from vector<1xf32>
          %slice3A_1594 = vector.extract_strided_slice %get3A_1085 {offsets = [11], sizes = [1], strides = [1]} : vector<16xf32> to vector<1xf32>
          %squeeze3A_1595 = vector.extract %slice3A_1594[0] : f32 from vector<1xf32>
          %mul3A_1596 = arith.constant 16 : i32
          %mul3A_1597 = arith.muli %scan3A_319, %mul3A_1596 : i32
          %add3A_1598 = arith.constant 128 : i32
          %add3A_1599 = arith.addi %add3A_1598, %mul3A_1597 : i32
          %add3A_1600 = arith.constant 11 : i32
          %add3A_1601 = arith.addi %add3A_1599, %add3A_1600 : i32
          %get3A_1602 = arith.constant 0 : i32
          %get3A_1603 = arith.index_cast %get3A_1602 : i32 to index
          %get3A_1604 = arith.index_cast %add3A_1601 : i32 to index
          %get3A_1605 = arith.constant 0 : index
          %get3A_1606 = tpu.vector_load %arg8[%get3A_1603, %get3A_1604, %get3A_1605] {strides = array<i32>} : memref<2x256x64xbf16, #tpu.memory_space<vmem>>, vector<32xbf16>,
          %bitcast3A_1607 = vector.bitcast %get3A_1606 : vector<32xbf16> to vector<16xi32>
          %shift_left3A_1608 = arith.constant 16 : i32
          %shift_left3A_1609 = vector.broadcast %shift_left3A_1608 : i32 to vector<16xi32>
          %shift_left3A_1610 = arith.shli %bitcast3A_1607, %shift_left3A_1609 : vector<16xi32>
          %bitcast3A_1611 = vector.bitcast %shift_left3A_1610 : vector<16xi32> to vector<16xf32>
          %and3A_1612 = arith.andi %bitcast3A_1607, %broadcast_in_dim3A_279 : vector<16xi32>
          %bitcast3A_1613 = vector.bitcast %and3A_1612 : vector<16xi32> to vector<16xf32>
          %get3A_1614 = arith.constant 0 : i32
          %get3A_1615 = arith.index_cast %get3A_1614 : i32 to index
          %get3A_1616 = arith.index_cast %add3A_1601 : i32 to index
          %get3A_1617 = arith.constant 32 : index
          %get3A_1618 = tpu.vector_load %arg8[%get3A_1615, %get3A_1616, %get3A_1617] {strides = array<i32>} : memref<2x256x64xbf16, #tpu.memory_space<vmem>>, vector<32xbf16>,
          %bitcast3A_1619 = vector.bitcast %get3A_1618 : vector<32xbf16> to vector<16xi32>
          %shift_left3A_1620 = arith.constant 16 : i32
          %shift_left3A_1621 = vector.broadcast %shift_left3A_1620 : i32 to vector<16xi32>
          %shift_left3A_1622 = arith.shli %bitcast3A_1619, %shift_left3A_1621 : vector<16xi32>
          %bitcast3A_1623 = vector.bitcast %shift_left3A_1622 : vector<16xi32> to vector<16xf32>
          %and3A_1624 = arith.andi %bitcast3A_1619, %broadcast_in_dim3A_279 : vector<16xi32>
          %bitcast3A_1625 = vector.bitcast %and3A_1624 : vector<16xi32> to vector<16xf32>
          %mul3A_1626 = vector.broadcast %squeeze3A_1593 : f32 to vector<16xf32>
          %mul3A_1627 = arith.mulf %mul3A_1626, %bitcast3A_1611 : vector<16xf32>
          %add3A_1628 = arith.addf %add3A_1585, %mul3A_1627 : vector<16xf32>
          %mul3A_1629 = vector.broadcast %squeeze3A_1595 : f32 to vector<16xf32>
          %mul3A_1630 = arith.mulf %mul3A_1629, %bitcast3A_1623 : vector<16xf32>
          %add3A_1631 = arith.addf %add3A_1628, %mul3A_1630 : vector<16xf32>
          %mul3A_1632 = vector.broadcast %squeeze3A_1593 : f32 to vector<16xf32>
          %mul3A_1633 = arith.mulf %mul3A_1632, %bitcast3A_1613 : vector<16xf32>
          %add3A_1634 = arith.addf %add3A_1591, %mul3A_1633 : vector<16xf32>
          %mul3A_1635 = vector.broadcast %squeeze3A_1595 : f32 to vector<16xf32>
          %mul3A_1636 = arith.mulf %mul3A_1635, %bitcast3A_1625 : vector<16xf32>
          %add3A_1637 = arith.addf %add3A_1634, %mul3A_1636 : vector<16xf32>
          %slice3A_1638 = vector.extract_strided_slice %get3A_1077 {offsets = [12], sizes = [1], strides = [1]} : vector<16xf32> to vector<1xf32>
          %squeeze3A_1639 = vector.extract %slice3A_1638[0] : f32 from vector<1xf32>
          %slice3A_1640 = vector.extract_strided_slice %get3A_1085 {offsets = [12], sizes = [1], strides = [1]} : vector<16xf32> to vector<1xf32>
          %squeeze3A_1641 = vector.extract %slice3A_1640[0] : f32 from vector<1xf32>
          %mul3A_1642 = arith.constant 16 : i32
          %mul3A_1643 = arith.muli %scan3A_319, %mul3A_1642 : i32
          %add3A_1644 = arith.constant 128 : i32
          %add3A_1645 = arith.addi %add3A_1644, %mul3A_1643 : i32
          %add3A_1646 = arith.constant 12 : i32
          %add3A_1647 = arith.addi %add3A_1645, %add3A_1646 : i32
          %get3A_1648 = arith.constant 0 : i32
          %get3A_1649 = arith.index_cast %get3A_1648 : i32 to index
          %get3A_1650 = arith.index_cast %add3A_1647 : i32 to index
          %get3A_1651 = arith.constant 0 : index
          %get3A_1652 = tpu.vector_load %arg8[%get3A_1649, %get3A_1650, %get3A_1651] {strides = array<i32>} : memref<2x256x64xbf16, #tpu.memory_space<vmem>>, vector<32xbf16>,
          %bitcast3A_1653 = vector.bitcast %get3A_1652 : vector<32xbf16> to vector<16xi32>
          %shift_left3A_1654 = arith.constant 16 : i32
          %shift_left3A_1655 = vector.broadcast %shift_left3A_1654 : i32 to vector<16xi32>
          %shift_left3A_1656 = arith.shli %bitcast3A_1653, %shift_left3A_1655 : vector<16xi32>
          %bitcast3A_1657 = vector.bitcast %shift_left3A_1656 : vector<16xi32> to vector<16xf32>
          %and3A_1658 = arith.andi %bitcast3A_1653, %broadcast_in_dim3A_279 : vector<16xi32>
          %bitcast3A_1659 = vector.bitcast %and3A_1658 : vector<16xi32> to vector<16xf32>
          %get3A_1660 = arith.constant 0 : i32
          %get3A_1661 = arith.index_cast %get3A_1660 : i32 to index
          %get3A_1662 = arith.index_cast %add3A_1647 : i32 to index
          %get3A_1663 = arith.constant 32 : index
          %get3A_1664 = tpu.vector_load %arg8[%get3A_1661, %get3A_1662, %get3A_1663] {strides = array<i32>} : memref<2x256x64xbf16, #tpu.memory_space<vmem>>, vector<32xbf16>,
          %bitcast3A_1665 = vector.bitcast %get3A_1664 : vector<32xbf16> to vector<16xi32>
          %shift_left3A_1666 = arith.constant 16 : i32
          %shift_left3A_1667 = vector.broadcast %shift_left3A_1666 : i32 to vector<16xi32>
          %shift_left3A_1668 = arith.shli %bitcast3A_1665, %shift_left3A_1667 : vector<16xi32>
          %bitcast3A_1669 = vector.bitcast %shift_left3A_1668 : vector<16xi32> to vector<16xf32>
          %and3A_1670 = arith.andi %bitcast3A_1665, %broadcast_in_dim3A_279 : vector<16xi32>
          %bitcast3A_1671 = vector.bitcast %and3A_1670 : vector<16xi32> to vector<16xf32>
          %mul3A_1672 = vector.broadcast %squeeze3A_1639 : f32 to vector<16xf32>
          %mul3A_1673 = arith.mulf %mul3A_1672, %bitcast3A_1657 : vector<16xf32>
          %add3A_1674 = arith.addf %add3A_1631, %mul3A_1673 : vector<16xf32>
          %mul3A_1675 = vector.broadcast %squeeze3A_1641 : f32 to vector<16xf32>
          %mul3A_1676 = arith.mulf %mul3A_1675, %bitcast3A_1669 : vector<16xf32>
          %add3A_1677 = arith.addf %add3A_1674, %mul3A_1676 : vector<16xf32>
          %mul3A_1678 = vector.broadcast %squeeze3A_1639 : f32 to vector<16xf32>
          %mul3A_1679 = arith.mulf %mul3A_1678, %bitcast3A_1659 : vector<16xf32>
          %add3A_1680 = arith.addf %add3A_1637, %mul3A_1679 : vector<16xf32>
          %mul3A_1681 = vector.broadcast %squeeze3A_1641 : f32 to vector<16xf32>
          %mul3A_1682 = arith.mulf %mul3A_1681, %bitcast3A_1671 : vector<16xf32>
          %add3A_1683 = arith.addf %add3A_1680, %mul3A_1682 : vector<16xf32>
          %slice3A_1684 = vector.extract_strided_slice %get3A_1077 {offsets = [13], sizes = [1], strides = [1]} : vector<16xf32> to vector<1xf32>
          %squeeze3A_1685 = vector.extract %slice3A_1684[0] : f32 from vector<1xf32>
          %slice3A_1686 = vector.extract_strided_slice %get3A_1085 {offsets = [13], sizes = [1], strides = [1]} : vector<16xf32> to vector<1xf32>
          %squeeze3A_1687 = vector.extract %slice3A_1686[0] : f32 from vector<1xf32>
          %mul3A_1688 = arith.constant 16 : i32
          %mul3A_1689 = arith.muli %scan3A_319, %mul3A_1688 : i32
          %add3A_1690 = arith.constant 128 : i32
          %add3A_1691 = arith.addi %add3A_1690, %mul3A_1689 : i32
          %add3A_1692 = arith.constant 13 : i32
          %add3A_1693 = arith.addi %add3A_1691, %add3A_1692 : i32
          %get3A_1694 = arith.constant 0 : i32
          %get3A_1695 = arith.index_cast %get3A_1694 : i32 to index
          %get3A_1696 = arith.index_cast %add3A_1693 : i32 to index
          %get3A_1697 = arith.constant 0 : index
          %get3A_1698 = tpu.vector_load %arg8[%get3A_1695, %get3A_1696, %get3A_1697] {strides = array<i32>} : memref<2x256x64xbf16, #tpu.memory_space<vmem>>, vector<32xbf16>,
          %bitcast3A_1699 = vector.bitcast %get3A_1698 : vector<32xbf16> to vector<16xi32>
          %shift_left3A_1700 = arith.constant 16 : i32
          %shift_left3A_1701 = vector.broadcast %shift_left3A_1700 : i32 to vector<16xi32>
          %shift_left3A_1702 = arith.shli %bitcast3A_1699, %shift_left3A_1701 : vector<16xi32>
          %bitcast3A_1703 = vector.bitcast %shift_left3A_1702 : vector<16xi32> to vector<16xf32>
          %and3A_1704 = arith.andi %bitcast3A_1699, %broadcast_in_dim3A_279 : vector<16xi32>
          %bitcast3A_1705 = vector.bitcast %and3A_1704 : vector<16xi32> to vector<16xf32>
          %get3A_1706 = arith.constant 0 : i32
          %get3A_1707 = arith.index_cast %get3A_1706 : i32 to index
          %get3A_1708 = arith.index_cast %add3A_1693 : i32 to index
          %get3A_1709 = arith.constant 32 : index
          %get3A_1710 = tpu.vector_load %arg8[%get3A_1707, %get3A_1708, %get3A_1709] {strides = array<i32>} : memref<2x256x64xbf16, #tpu.memory_space<vmem>>, vector<32xbf16>,
          %bitcast3A_1711 = vector.bitcast %get3A_1710 : vector<32xbf16> to vector<16xi32>
          %shift_left3A_1712 = arith.constant 16 : i32
          %shift_left3A_1713 = vector.broadcast %shift_left3A_1712 : i32 to vector<16xi32>
          %shift_left3A_1714 = arith.shli %bitcast3A_1711, %shift_left3A_1713 : vector<16xi32>
          %bitcast3A_1715 = vector.bitcast %shift_left3A_1714 : vector<16xi32> to vector<16xf32>
          %and3A_1716 = arith.andi %bitcast3A_1711, %broadcast_in_dim3A_279 : vector<16xi32>
          %bitcast3A_1717 = vector.bitcast %and3A_1716 : vector<16xi32> to vector<16xf32>
          %mul3A_1718 = vector.broadcast %squeeze3A_1685 : f32 to vector<16xf32>
          %mul3A_1719 = arith.mulf %mul3A_1718, %bitcast3A_1703 : vector<16xf32>
          %add3A_1720 = arith.addf %add3A_1677, %mul3A_1719 : vector<16xf32>
          %mul3A_1721 = vector.broadcast %squeeze3A_1687 : f32 to vector<16xf32>
          %mul3A_1722 = arith.mulf %mul3A_1721, %bitcast3A_1715 : vector<16xf32>
          %add3A_1723 = arith.addf %add3A_1720, %mul3A_1722 : vector<16xf32>
          %mul3A_1724 = vector.broadcast %squeeze3A_1685 : f32 to vector<16xf32>
          %mul3A_1725 = arith.mulf %mul3A_1724, %bitcast3A_1705 : vector<16xf32>
          %add3A_1726 = arith.addf %add3A_1683, %mul3A_1725 : vector<16xf32>
          %mul3A_1727 = vector.broadcast %squeeze3A_1687 : f32 to vector<16xf32>
          %mul3A_1728 = arith.mulf %mul3A_1727, %bitcast3A_1717 : vector<16xf32>
          %add3A_1729 = arith.addf %add3A_1726, %mul3A_1728 : vector<16xf32>
          %slice3A_1730 = vector.extract_strided_slice %get3A_1077 {offsets = [14], sizes = [1], strides = [1]} : vector<16xf32> to vector<1xf32>
          %squeeze3A_1731 = vector.extract %slice3A_1730[0] : f32 from vector<1xf32>
          %slice3A_1732 = vector.extract_strided_slice %get3A_1085 {offsets = [14], sizes = [1], strides = [1]} : vector<16xf32> to vector<1xf32>
          %squeeze3A_1733 = vector.extract %slice3A_1732[0] : f32 from vector<1xf32>
          %mul3A_1734 = arith.constant 16 : i32
          %mul3A_1735 = arith.muli %scan3A_319, %mul3A_1734 : i32
          %add3A_1736 = arith.constant 128 : i32
          %add3A_1737 = arith.addi %add3A_1736, %mul3A_1735 : i32
          %add3A_1738 = arith.constant 14 : i32
          %add3A_1739 = arith.addi %add3A_1737, %add3A_1738 : i32
          %get3A_1740 = arith.constant 0 : i32
          %get3A_1741 = arith.index_cast %get3A_1740 : i32 to index
          %get3A_1742 = arith.index_cast %add3A_1739 : i32 to index
          %get3A_1743 = arith.constant 0 : index
          %get3A_1744 = tpu.vector_load %arg8[%get3A_1741, %get3A_1742, %get3A_1743] {strides = array<i32>} : memref<2x256x64xbf16, #tpu.memory_space<vmem>>, vector<32xbf16>,
          %bitcast3A_1745 = vector.bitcast %get3A_1744 : vector<32xbf16> to vector<16xi32>
          %shift_left3A_1746 = arith.constant 16 : i32
          %shift_left3A_1747 = vector.broadcast %shift_left3A_1746 : i32 to vector<16xi32>
          %shift_left3A_1748 = arith.shli %bitcast3A_1745, %shift_left3A_1747 : vector<16xi32>
          %bitcast3A_1749 = vector.bitcast %shift_left3A_1748 : vector<16xi32> to vector<16xf32>
          %and3A_1750 = arith.andi %bitcast3A_1745, %broadcast_in_dim3A_279 : vector<16xi32>
          %bitcast3A_1751 = vector.bitcast %and3A_1750 : vector<16xi32> to vector<16xf32>
          %get3A_1752 = arith.constant 0 : i32
          %get3A_1753 = arith.index_cast %get3A_1752 : i32 to index
          %get3A_1754 = arith.index_cast %add3A_1739 : i32 to index
          %get3A_1755 = arith.constant 32 : index
          %get3A_1756 = tpu.vector_load %arg8[%get3A_1753, %get3A_1754, %get3A_1755] {strides = array<i32>} : memref<2x256x64xbf16, #tpu.memory_space<vmem>>, vector<32xbf16>,
          %bitcast3A_1757 = vector.bitcast %get3A_1756 : vector<32xbf16> to vector<16xi32>
          %shift_left3A_1758 = arith.constant 16 : i32
          %shift_left3A_1759 = vector.broadcast %shift_left3A_1758 : i32 to vector<16xi32>
          %shift_left3A_1760 = arith.shli %bitcast3A_1757, %shift_left3A_1759 : vector<16xi32>
          %bitcast3A_1761 = vector.bitcast %shift_left3A_1760 : vector<16xi32> to vector<16xf32>
          %and3A_1762 = arith.andi %bitcast3A_1757, %broadcast_in_dim3A_279 : vector<16xi32>
          %bitcast3A_1763 = vector.bitcast %and3A_1762 : vector<16xi32> to vector<16xf32>
          %mul3A_1764 = vector.broadcast %squeeze3A_1731 : f32 to vector<16xf32>
          %mul3A_1765 = arith.mulf %mul3A_1764, %bitcast3A_1749 : vector<16xf32>
          %add3A_1766 = arith.addf %add3A_1723, %mul3A_1765 : vector<16xf32>
          %mul3A_1767 = vector.broadcast %squeeze3A_1733 : f32 to vector<16xf32>
          %mul3A_1768 = arith.mulf %mul3A_1767, %bitcast3A_1761 : vector<16xf32>
          %add3A_1769 = arith.addf %add3A_1766, %mul3A_1768 : vector<16xf32>
          %mul3A_1770 = vector.broadcast %squeeze3A_1731 : f32 to vector<16xf32>
          %mul3A_1771 = arith.mulf %mul3A_1770, %bitcast3A_1751 : vector<16xf32>
          %add3A_1772 = arith.addf %add3A_1729, %mul3A_1771 : vector<16xf32>
          %mul3A_1773 = vector.broadcast %squeeze3A_1733 : f32 to vector<16xf32>
          %mul3A_1774 = arith.mulf %mul3A_1773, %bitcast3A_1763 : vector<16xf32>
          %add3A_1775 = arith.addf %add3A_1772, %mul3A_1774 : vector<16xf32>
          %slice3A_1776 = vector.extract_strided_slice %get3A_1077 {offsets = [15], sizes = [1], strides = [1]} : vector<16xf32> to vector<1xf32>
          %squeeze3A_1777 = vector.extract %slice3A_1776[0] : f32 from vector<1xf32>
          %slice3A_1778 = vector.extract_strided_slice %get3A_1085 {offsets = [15], sizes = [1], strides = [1]} : vector<16xf32> to vector<1xf32>
          %squeeze3A_1779 = vector.extract %slice3A_1778[0] : f32 from vector<1xf32>
          %mul3A_1780 = arith.constant 16 : i32
          %mul3A_1781 = arith.muli %scan3A_319, %mul3A_1780 : i32
          %add3A_1782 = arith.constant 128 : i32
          %add3A_1783 = arith.addi %add3A_1782, %mul3A_1781 : i32
          %add3A_1784 = arith.constant 15 : i32
          %add3A_1785 = arith.addi %add3A_1783, %add3A_1784 : i32
          %get3A_1786 = arith.constant 0 : i32
          %get3A_1787 = arith.index_cast %get3A_1786 : i32 to index
          %get3A_1788 = arith.index_cast %add3A_1785 : i32 to index
          %get3A_1789 = arith.constant 0 : index
          %get3A_1790 = tpu.vector_load %arg8[%get3A_1787, %get3A_1788, %get3A_1789] {strides = array<i32>} : memref<2x256x64xbf16, #tpu.memory_space<vmem>>, vector<32xbf16>,
          %bitcast3A_1791 = vector.bitcast %get3A_1790 : vector<32xbf16> to vector<16xi32>
          %shift_left3A_1792 = arith.constant 16 : i32
          %shift_left3A_1793 = vector.broadcast %shift_left3A_1792 : i32 to vector<16xi32>
          %shift_left3A_1794 = arith.shli %bitcast3A_1791, %shift_left3A_1793 : vector<16xi32>
          %bitcast3A_1795 = vector.bitcast %shift_left3A_1794 : vector<16xi32> to vector<16xf32>
          %and3A_1796 = arith.andi %bitcast3A_1791, %broadcast_in_dim3A_279 : vector<16xi32>
          %bitcast3A_1797 = vector.bitcast %and3A_1796 : vector<16xi32> to vector<16xf32>
          %get3A_1798 = arith.constant 0 : i32
          %get3A_1799 = arith.index_cast %get3A_1798 : i32 to index
          %get3A_1800 = arith.index_cast %add3A_1785 : i32 to index
          %get3A_1801 = arith.constant 32 : index
          %get3A_1802 = tpu.vector_load %arg8[%get3A_1799, %get3A_1800, %get3A_1801] {strides = array<i32>} : memref<2x256x64xbf16, #tpu.memory_space<vmem>>, vector<32xbf16>,
          %bitcast3A_1803 = vector.bitcast %get3A_1802 : vector<32xbf16> to vector<16xi32>
          %shift_left3A_1804 = arith.constant 16 : i32
          %shift_left3A_1805 = vector.broadcast %shift_left3A_1804 : i32 to vector<16xi32>
          %shift_left3A_1806 = arith.shli %bitcast3A_1803, %shift_left3A_1805 : vector<16xi32>
          %bitcast3A_1807 = vector.bitcast %shift_left3A_1806 : vector<16xi32> to vector<16xf32>
          %and3A_1808 = arith.andi %bitcast3A_1803, %broadcast_in_dim3A_279 : vector<16xi32>
          %bitcast3A_1809 = vector.bitcast %and3A_1808 : vector<16xi32> to vector<16xf32>
          %mul3A_1810 = vector.broadcast %squeeze3A_1777 : f32 to vector<16xf32>
          %mul3A_1811 = arith.mulf %mul3A_1810, %bitcast3A_1795 : vector<16xf32>
          %add3A_1812 = arith.addf %add3A_1769, %mul3A_1811 : vector<16xf32>
          %mul3A_1813 = vector.broadcast %squeeze3A_1779 : f32 to vector<16xf32>
          %mul3A_1814 = arith.mulf %mul3A_1813, %bitcast3A_1807 : vector<16xf32>
          %add3A_1815 = arith.addf %add3A_1812, %mul3A_1814 : vector<16xf32>
          %mul3A_1816 = vector.broadcast %squeeze3A_1777 : f32 to vector<16xf32>
          %mul3A_1817 = arith.mulf %mul3A_1816, %bitcast3A_1797 : vector<16xf32>
          %add3A_1818 = arith.addf %add3A_1775, %mul3A_1817 : vector<16xf32>
          %mul3A_1819 = vector.broadcast %squeeze3A_1779 : f32 to vector<16xf32>
          %mul3A_1820 = arith.mulf %mul3A_1819, %bitcast3A_1809 : vector<16xf32>
          %add3A_1821 = arith.addf %add3A_1818, %mul3A_1820 : vector<16xf32>
          %mul3A_1822 = arith.constant 32 : i32
          %mul3A_1823 = arith.muli %scan3A_319, %mul3A_1822 : i32
          %swap3A = arith.index_cast %mul3A_278 : i32 to index
          %swap3A_1824 = arith.index_cast %mul3A_1823 : i32 to index
          %swap3A_1825 = tpu.vector_load %arg9[%swap3A, %swap3A_1824] {strides = array<i32>} : memref<40x256xf32, #tpu.memory_space<vmem>>, vector<16xf32>,
          tpu.vector_store %arg9[%swap3A, %swap3A_1824], %add3A_1815 {strides = array<i32>} : memref<40x256xf32, #tpu.memory_space<vmem>>, vector<16xf32>,
          %mul3A_1826 = arith.constant 32 : i32
          %mul3A_1827 = arith.muli %scan3A_319, %mul3A_1826 : i32
          %add3A_1828 = arith.constant 16 : i32
          %add3A_1829 = arith.addi %mul3A_1827, %add3A_1828 : i32
          %swap3A_1830 = arith.index_cast %mul3A_278 : i32 to index
          %swap3A_1831 = arith.index_cast %add3A_1829 : i32 to index
          %swap3A_1832 = tpu.vector_load %arg9[%swap3A_1830, %swap3A_1831] {strides = array<i32>} : memref<40x256xf32, #tpu.memory_space<vmem>>, vector<16xf32>,
          tpu.vector_store %arg9[%swap3A_1830, %swap3A_1831], %add3A_1821 {strides = array<i32>} : memref<40x256xf32, #tpu.memory_space<vmem>>, vector<16xf32>,
        }
        %scan3A_285 = arith.constant 8 : i32
        %mul3A_286 = arith.constant 2 : i32
        %mul3A_287 = arith.muli %mul3A_286, %scan3A_246 : i32
        %add3A_288 = arith.constant 2 : i32
        %add3A_289 = arith.addi %mul3A_287, %add3A_288 : i32
        %lt3A = arith.constant 40 : i32
        %lt3A_290 = arith.cmpi slt, %add3A_289, %lt3A : i32
        %convert_element_type3A = arith.extui %lt3A_290 : i1 to i32
        %cond3A = arith.constant 0 : i32
        %cond3A_291 = arith.cmpi ne, %convert_element_type3A, %cond3A : i32
        scf.if %cond3A_291 {
          %mul3A_319 = arith.constant 2 : i32
          %mul3A_320 = arith.muli %mul3A_319, %scan3A_246 : i32
          %add3A_321 = arith.constant 2 : i32
          %add3A_322 = arith.addi %mul3A_320, %add3A_321 : i32
          %dma_start3A_323 = arith.constant 0 : i32
          %dma_start3A_324 = arith.constant 0 : i32
          %dma_start3A_325 = arith.constant 0 : i32
          %dma_start3A_326 = tpu.memref_slice %arg8[%dma_start3A_323, %dma_start3A_324, %dma_start3A_325] : memref<2x256x64xbf16, #tpu.memory_space<vmem>> -> memref<1x256x64xbf16, #tpu.memory_space<vmem>>
          %dma_start3A_327 = tpu.memref_squeeze %dma_start3A_326 : memref<1x256x64xbf16, #tpu.memory_space<vmem>> -> memref<256x64xbf16, #tpu.memory_space<vmem>>
          %dma_start3A_328 = arith.constant 0 : i32
          %dma_start3A_329 = tpu.memref_slice %arg6[%rem3A_160, %add3A_322, %dma_start3A_328] : memref<2x40x256xi32, #tpu.memory_space<vmem>> -> memref<1x1x256xi32, #tpu.memory_space<vmem>>
          %dma_start3A_330 = tpu.memref_squeeze %dma_start3A_329 : memref<1x1x256xi32, #tpu.memory_space<vmem>> -> memref<256xi32, #tpu.memory_space<vmem>>
          %dma_start3A_331 = arith.constant 0 : i32
          %dma_start3A_332 = arith.constant 0 : i32
          %dma_start3A_333 = tpu.memref_slice %arg2[%dma_start3A_331, %dma_start3A_332] : memref<348160x64xbf16, #tpu.memory_space<hbm>> -> memref<348160x64xbf16, #tpu.memory_space<hbm>>
          tpu.enqueue_indirect_dma source(%dma_start3A_333 : memref<348160x64xbf16, #tpu.memory_space<hbm>>) target(%dma_start3A_327 : memref<256x64xbf16, #tpu.memory_space<vmem>>) offsets(%dma_start3A_330 : memref<256xi32, #tpu.memory_space<vmem>>) semaphore(%arg11 : memref<!tpu.dma_semaphore, #tpu.memory_space<semaphore_mem>>)
        } else {
        }
        %dma_wait3A_292 = arith.constant 1 : i32
        %dma_wait3A_293 = arith.constant 0 : i32
        %dma_wait3A_294 = arith.constant 0 : i32
        %dma_wait3A_295 = tpu.memref_slice %arg8[%dma_wait3A_292, %dma_wait3A_293, %dma_wait3A_294] : memref<2x256x64xbf16, #tpu.memory_space<vmem>> -> memref<1x256x64xbf16, #tpu.memory_space<vmem>>
        %dma_wait3A_296 = tpu.memref_squeeze %dma_wait3A_295 : memref<1x256x64xbf16, #tpu.memory_space<vmem>> -> memref<256x64xbf16, #tpu.memory_space<vmem>>
        %dma_wait3A_297 = arith.constant 0 : i32
        %dma_wait3A_298 = arith.constant 0 : i32
        %dma_wait3A_299 = tpu.memref_slice %arg2[%dma_wait3A_297, %dma_wait3A_298] : memref<348160x64xbf16, #tpu.memory_space<hbm>> -> memref<256x64xbf16, #tpu.memory_space<hbm>>
        %dma_wait3A_300 = arith.constant 0 : i32
        %dma_wait3A_301 = arith.constant 0 : i32
        %dma_wait3A_302 = tpu.memref_slice %arg8[%dma_wait3A_292, %dma_wait3A_300, %dma_wait3A_301] : memref<2x256x64xbf16, #tpu.memory_space<vmem>> -> memref<1x256x64xbf16, #tpu.memory_space<vmem>>
        %dma_wait3A_303 = tpu.memref_squeeze %dma_wait3A_302 : memref<1x256x64xbf16, #tpu.memory_space<vmem>> -> memref<256x64xbf16, #tpu.memory_space<vmem>>
        %dma_wait3A_304 = arith.constant 0 : i32
        %dma_wait3A_305 = arith.constant 0 : i32
        %dma_wait3A_306 = tpu.memref_slice %arg2[%dma_wait3A_304, %dma_wait3A_305] : memref<348160x64xbf16, #tpu.memory_space<hbm>> -> memref<256x64xbf16, #tpu.memory_space<hbm>>
        tpu.wait_dma2 semaphore(%arg12 : memref<!tpu.dma_semaphore, #tpu.memory_space<semaphore_mem>>) src(%dma_wait3A_306 : memref<256x64xbf16, #tpu.memory_space<hbm>>) dst(%dma_wait3A_303 : memref<256x64xbf16, #tpu.memory_space<vmem>>)
        %mul3A_307 = arith.constant 2 : i32
        %mul3A_308 = arith.muli %mul3A_307, %scan3A_246 : i32
        %add3A_309 = arith.constant 1 : i32
        %add3A_310 = arith.addi %mul3A_308, %add3A_309 : i32
        %broadcast_in_dim3A_311 = arith.constant -65536 : i32
        %broadcast_in_dim3A_312 = vector.broadcast %broadcast_in_dim3A_311 : i32 to vector<16xi32>
        %scan3A_313 = arith.constant 0 : i32
        %scan3A_314 = arith.constant 0 : i32
        %scan3A_315 = arith.constant 8 : i32
        %scan3A_316 = arith.addi %scan3A_314, %scan3A_315 : i32
        %scan3A_317 = arith.constant 1 : i32
        scf.for %scan3A_319 = %scan3A_314 to %scan3A_316 step %scan3A_317  : i32 {
          %broadcast_in_dim3A_320 = arith.constant 0.000000e+00 : f32
          %broadcast_in_dim3A_321 = vector.broadcast %broadcast_in_dim3A_320 : f32 to vector<16xf32>
          %broadcast_in_dim3A_322 = arith.constant 0.000000e+00 : f32
          %broadcast_in_dim3A_323 = vector.broadcast %broadcast_in_dim3A_322 : f32 to vector<16xf32>
          %mul3A_324 = arith.constant 16 : i32
          %mul3A_325 = arith.muli %scan3A_319, %mul3A_324 : i32
          %add3A_326 = arith.constant 0 : i32
          %add3A_327 = arith.addi %add3A_326, %mul3A_325 : i32
          %get3A = arith.index_cast %rem3A_160 : i32 to index
          %get3A_328 = arith.index_cast %add3A_310 : i32 to index
          %get3A_329 = arith.index_cast %add3A_327 : i32 to index
          %get3A_330 = tpu.vector_load %arg7[%get3A, %get3A_328, %get3A_329] {strides = array<i32>} : memref<2x40x512xf32, #tpu.memory_space<vmem>>, vector<16xf32>,
          %mul3A_331 = arith.constant 16 : i32
          %mul3A_332 = arith.muli %scan3A_319, %mul3A_331 : i32
          %add3A_333 = arith.constant 256 : i32
          %add3A_334 = arith.addi %add3A_333, %mul3A_332 : i32
          %get3A_335 = arith.index_cast %rem3A_160 : i32 to index
          %get3A_336 = arith.index_cast %add3A_310 : i32 to index
          %get3A_337 = arith.index_cast %add3A_334 : i32 to index
          %get3A_338 = tpu.vector_load %arg7[%get3A_335, %get3A_336, %get3A_337] {strides = array<i32>} : memref<2x40x512xf32, #tpu.memory_space<vmem>>, vector<16xf32>,
          %slice3A = vector.extract_strided_slice %get3A_330 {offsets = [0], sizes = [1], strides = [1]} : vector<16xf32> to vector<1xf32>
          %squeeze3A = vector.extract %slice3A[0] : f32 from vector<1xf32>
          %slice3A_339 = vector.extract_strided_slice %get3A_338 {offsets = [0], sizes = [1], strides = [1]} : vector<16xf32> to vector<1xf32>
          %squeeze3A_340 = vector.extract %slice3A_339[0] : f32 from vector<1xf32>
          %mul3A_341 = arith.constant 16 : i32
          %mul3A_342 = arith.muli %scan3A_319, %mul3A_341 : i32
          %add3A_343 = arith.constant 0 : i32
          %add3A_344 = arith.addi %add3A_343, %mul3A_342 : i32
          %add3A_345 = arith.constant 0 : i32
          %add3A_346 = arith.addi %add3A_344, %add3A_345 : i32
          %get3A_347 = arith.constant 1 : i32
          %get3A_348 = arith.index_cast %get3A_347 : i32 to index
          %get3A_349 = arith.index_cast %add3A_346 : i32 to index
          %get3A_350 = arith.constant 0 : index
          %get3A_351 = tpu.vector_load %arg8[%get3A_348, %get3A_349, %get3A_350] {strides = array<i32>} : memref<2x256x64xbf16, #tpu.memory_space<vmem>>, vector<32xbf16>,
          %bitcast3A = vector.bitcast %get3A_351 : vector<32xbf16> to vector<16xi32>
          %shift_left3A = arith.constant 16 : i32
          %shift_left3A_352 = vector.broadcast %shift_left3A : i32 to vector<16xi32>
          %shift_left3A_353 = arith.shli %bitcast3A, %shift_left3A_352 : vector<16xi32>
          %bitcast3A_354 = vector.bitcast %shift_left3A_353 : vector<16xi32> to vector<16xf32>
          %and3A = arith.andi %bitcast3A, %broadcast_in_dim3A_312 : vector<16xi32>
          %bitcast3A_355 = vector.bitcast %and3A : vector<16xi32> to vector<16xf32>
          %get3A_356 = arith.constant 1 : i32
          %get3A_357 = arith.index_cast %get3A_356 : i32 to index
          %get3A_358 = arith.index_cast %add3A_346 : i32 to index
          %get3A_359 = arith.constant 32 : index
          %get3A_360 = tpu.vector_load %arg8[%get3A_357, %get3A_358, %get3A_359] {strides = array<i32>} : memref<2x256x64xbf16, #tpu.memory_space<vmem>>, vector<32xbf16>,
          %bitcast3A_361 = vector.bitcast %get3A_360 : vector<32xbf16> to vector<16xi32>
          %shift_left3A_362 = arith.constant 16 : i32
          %shift_left3A_363 = vector.broadcast %shift_left3A_362 : i32 to vector<16xi32>
          %shift_left3A_364 = arith.shli %bitcast3A_361, %shift_left3A_363 : vector<16xi32>
          %bitcast3A_365 = vector.bitcast %shift_left3A_364 : vector<16xi32> to vector<16xf32>
          %and3A_366 = arith.andi %bitcast3A_361, %broadcast_in_dim3A_312 : vector<16xi32>
          %bitcast3A_367 = vector.bitcast %and3A_366 : vector<16xi32> to vector<16xf32>
          %mul3A_368 = vector.broadcast %squeeze3A : f32 to vector<16xf32>
          %mul3A_369 = arith.mulf %mul3A_368, %bitcast3A_354 : vector<16xf32>
          %add3A_370 = arith.addf %broadcast_in_dim3A_321, %mul3A_369 : vector<16xf32>
          %mul3A_371 = vector.broadcast %squeeze3A_340 : f32 to vector<16xf32>
          %mul3A_372 = arith.mulf %mul3A_371, %bitcast3A_365 : vector<16xf32>
          %add3A_373 = arith.addf %add3A_370, %mul3A_372 : vector<16xf32>
          %mul3A_374 = vector.broadcast %squeeze3A : f32 to vector<16xf32>
          %mul3A_375 = arith.mulf %mul3A_374, %bitcast3A_355 : vector<16xf32>
          %add3A_376 = arith.addf %broadcast_in_dim3A_323, %mul3A_375 : vector<16xf32>
          %mul3A_377 = vector.broadcast %squeeze3A_340 : f32 to vector<16xf32>
          %mul3A_378 = arith.mulf %mul3A_377, %bitcast3A_367 : vector<16xf32>
          %add3A_379 = arith.addf %add3A_376, %mul3A_378 : vector<16xf32>
          %slice3A_380 = vector.extract_strided_slice %get3A_330 {offsets = [1], sizes = [1], strides = [1]} : vector<16xf32> to vector<1xf32>
          %squeeze3A_381 = vector.extract %slice3A_380[0] : f32 from vector<1xf32>
          %slice3A_382 = vector.extract_strided_slice %get3A_338 {offsets = [1], sizes = [1], strides = [1]} : vector<16xf32> to vector<1xf32>
          %squeeze3A_383 = vector.extract %slice3A_382[0] : f32 from vector<1xf32>
          %mul3A_384 = arith.constant 16 : i32
          %mul3A_385 = arith.muli %scan3A_319, %mul3A_384 : i32
          %add3A_386 = arith.constant 0 : i32
          %add3A_387 = arith.addi %add3A_386, %mul3A_385 : i32
          %add3A_388 = arith.constant 1 : i32
          %add3A_389 = arith.addi %add3A_387, %add3A_388 : i32
          %get3A_390 = arith.constant 1 : i32
          %get3A_391 = arith.index_cast %get3A_390 : i32 to index
          %get3A_392 = arith.index_cast %add3A_389 : i32 to index
          %get3A_393 = arith.constant 0 : index
          %get3A_394 = tpu.vector_load %arg8[%get3A_391, %get3A_392, %get3A_393] {strides = array<i32>} : memref<2x256x64xbf16, #tpu.memory_space<vmem>>, vector<32xbf16>,
          %bitcast3A_395 = vector.bitcast %get3A_394 : vector<32xbf16> to vector<16xi32>
          %shift_left3A_396 = arith.constant 16 : i32
          %shift_left3A_397 = vector.broadcast %shift_left3A_396 : i32 to vector<16xi32>
          %shift_left3A_398 = arith.shli %bitcast3A_395, %shift_left3A_397 : vector<16xi32>
          %bitcast3A_399 = vector.bitcast %shift_left3A_398 : vector<16xi32> to vector<16xf32>
          %and3A_400 = arith.andi %bitcast3A_395, %broadcast_in_dim3A_312 : vector<16xi32>
          %bitcast3A_401 = vector.bitcast %and3A_400 : vector<16xi32> to vector<16xf32>
          %get3A_402 = arith.constant 1 : i32
          %get3A_403 = arith.index_cast %get3A_402 : i32 to index
          %get3A_404 = arith.index_cast %add3A_389 : i32 to index
          %get3A_405 = arith.constant 32 : index
          %get3A_406 = tpu.vector_load %arg8[%get3A_403, %get3A_404, %get3A_405] {strides = array<i32>} : memref<2x256x64xbf16, #tpu.memory_space<vmem>>, vector<32xbf16>,
          %bitcast3A_407 = vector.bitcast %get3A_406 : vector<32xbf16> to vector<16xi32>
          %shift_left3A_408 = arith.constant 16 : i32
          %shift_left3A_409 = vector.broadcast %shift_left3A_408 : i32 to vector<16xi32>
          %shift_left3A_410 = arith.shli %bitcast3A_407, %shift_left3A_409 : vector<16xi32>
          %bitcast3A_411 = vector.bitcast %shift_left3A_410 : vector<16xi32> to vector<16xf32>
          %and3A_412 = arith.andi %bitcast3A_407, %broadcast_in_dim3A_312 : vector<16xi32>
          %bitcast3A_413 = vector.bitcast %and3A_412 : vector<16xi32> to vector<16xf32>
          %mul3A_414 = vector.broadcast %squeeze3A_381 : f32 to vector<16xf32>
          %mul3A_415 = arith.mulf %mul3A_414, %bitcast3A_399 : vector<16xf32>
          %add3A_416 = arith.addf %add3A_373, %mul3A_415 : vector<16xf32>
          %mul3A_417 = vector.broadcast %squeeze3A_383 : f32 to vector<16xf32>
          %mul3A_418 = arith.mulf %mul3A_417, %bitcast3A_411 : vector<16xf32>
          %add3A_419 = arith.addf %add3A_416, %mul3A_418 : vector<16xf32>
          %mul3A_420 = vector.broadcast %squeeze3A_381 : f32 to vector<16xf32>
          %mul3A_421 = arith.mulf %mul3A_420, %bitcast3A_401 : vector<16xf32>
          %add3A_422 = arith.addf %add3A_379, %mul3A_421 : vector<16xf32>
          %mul3A_423 = vector.broadcast %squeeze3A_383 : f32 to vector<16xf32>
          %mul3A_424 = arith.mulf %mul3A_423, %bitcast3A_413 : vector<16xf32>
          %add3A_425 = arith.addf %add3A_422, %mul3A_424 : vector<16xf32>
          %slice3A_426 = vector.extract_strided_slice %get3A_330 {offsets = [2], sizes = [1], strides = [1]} : vector<16xf32> to vector<1xf32>
          %squeeze3A_427 = vector.extract %slice3A_426[0] : f32 from vector<1xf32>
          %slice3A_428 = vector.extract_strided_slice %get3A_338 {offsets = [2], sizes = [1], strides = [1]} : vector<16xf32> to vector<1xf32>
          %squeeze3A_429 = vector.extract %slice3A_428[0] : f32 from vector<1xf32>
          %mul3A_430 = arith.constant 16 : i32
          %mul3A_431 = arith.muli %scan3A_319, %mul3A_430 : i32
          %add3A_432 = arith.constant 0 : i32
          %add3A_433 = arith.addi %add3A_432, %mul3A_431 : i32
          %add3A_434 = arith.constant 2 : i32
          %add3A_435 = arith.addi %add3A_433, %add3A_434 : i32
          %get3A_436 = arith.constant 1 : i32
          %get3A_437 = arith.index_cast %get3A_436 : i32 to index
          %get3A_438 = arith.index_cast %add3A_435 : i32 to index
          %get3A_439 = arith.constant 0 : index
          %get3A_440 = tpu.vector_load %arg8[%get3A_437, %get3A_438, %get3A_439] {strides = array<i32>} : memref<2x256x64xbf16, #tpu.memory_space<vmem>>, vector<32xbf16>,
          %bitcast3A_441 = vector.bitcast %get3A_440 : vector<32xbf16> to vector<16xi32>
          %shift_left3A_442 = arith.constant 16 : i32
          %shift_left3A_443 = vector.broadcast %shift_left3A_442 : i32 to vector<16xi32>
          %shift_left3A_444 = arith.shli %bitcast3A_441, %shift_left3A_443 : vector<16xi32>
          %bitcast3A_445 = vector.bitcast %shift_left3A_444 : vector<16xi32> to vector<16xf32>
          %and3A_446 = arith.andi %bitcast3A_441, %broadcast_in_dim3A_312 : vector<16xi32>
          %bitcast3A_447 = vector.bitcast %and3A_446 : vector<16xi32> to vector<16xf32>
          %get3A_448 = arith.constant 1 : i32
          %get3A_449 = arith.index_cast %get3A_448 : i32 to index
          %get3A_450 = arith.index_cast %add3A_435 : i32 to index
          %get3A_451 = arith.constant 32 : index
          %get3A_452 = tpu.vector_load %arg8[%get3A_449, %get3A_450, %get3A_451] {strides = array<i32>} : memref<2x256x64xbf16, #tpu.memory_space<vmem>>, vector<32xbf16>,
          %bitcast3A_453 = vector.bitcast %get3A_452 : vector<32xbf16> to vector<16xi32>
          %shift_left3A_454 = arith.constant 16 : i32
          %shift_left3A_455 = vector.broadcast %shift_left3A_454 : i32 to vector<16xi32>
          %shift_left3A_456 = arith.shli %bitcast3A_453, %shift_left3A_455 : vector<16xi32>
          %bitcast3A_457 = vector.bitcast %shift_left3A_456 : vector<16xi32> to vector<16xf32>
          %and3A_458 = arith.andi %bitcast3A_453, %broadcast_in_dim3A_312 : vector<16xi32>
          %bitcast3A_459 = vector.bitcast %and3A_458 : vector<16xi32> to vector<16xf32>
          %mul3A_460 = vector.broadcast %squeeze3A_427 : f32 to vector<16xf32>
          %mul3A_461 = arith.mulf %mul3A_460, %bitcast3A_445 : vector<16xf32>
          %add3A_462 = arith.addf %add3A_419, %mul3A_461 : vector<16xf32>
          %mul3A_463 = vector.broadcast %squeeze3A_429 : f32 to vector<16xf32>
          %mul3A_464 = arith.mulf %mul3A_463, %bitcast3A_457 : vector<16xf32>
          %add3A_465 = arith.addf %add3A_462, %mul3A_464 : vector<16xf32>
          %mul3A_466 = vector.broadcast %squeeze3A_427 : f32 to vector<16xf32>
          %mul3A_467 = arith.mulf %mul3A_466, %bitcast3A_447 : vector<16xf32>
          %add3A_468 = arith.addf %add3A_425, %mul3A_467 : vector<16xf32>
          %mul3A_469 = vector.broadcast %squeeze3A_429 : f32 to vector<16xf32>
          %mul3A_470 = arith.mulf %mul3A_469, %bitcast3A_459 : vector<16xf32>
          %add3A_471 = arith.addf %add3A_468, %mul3A_470 : vector<16xf32>
          %slice3A_472 = vector.extract_strided_slice %get3A_330 {offsets = [3], sizes = [1], strides = [1]} : vector<16xf32> to vector<1xf32>
          %squeeze3A_473 = vector.extract %slice3A_472[0] : f32 from vector<1xf32>
          %slice3A_474 = vector.extract_strided_slice %get3A_338 {offsets = [3], sizes = [1], strides = [1]} : vector<16xf32> to vector<1xf32>
          %squeeze3A_475 = vector.extract %slice3A_474[0] : f32 from vector<1xf32>
          %mul3A_476 = arith.constant 16 : i32
          %mul3A_477 = arith.muli %scan3A_319, %mul3A_476 : i32
          %add3A_478 = arith.constant 0 : i32
          %add3A_479 = arith.addi %add3A_478, %mul3A_477 : i32
          %add3A_480 = arith.constant 3 : i32
          %add3A_481 = arith.addi %add3A_479, %add3A_480 : i32
          %get3A_482 = arith.constant 1 : i32
          %get3A_483 = arith.index_cast %get3A_482 : i32 to index
          %get3A_484 = arith.index_cast %add3A_481 : i32 to index
          %get3A_485 = arith.constant 0 : index
          %get3A_486 = tpu.vector_load %arg8[%get3A_483, %get3A_484, %get3A_485] {strides = array<i32>} : memref<2x256x64xbf16, #tpu.memory_space<vmem>>, vector<32xbf16>,
          %bitcast3A_487 = vector.bitcast %get3A_486 : vector<32xbf16> to vector<16xi32>
          %shift_left3A_488 = arith.constant 16 : i32
          %shift_left3A_489 = vector.broadcast %shift_left3A_488 : i32 to vector<16xi32>
          %shift_left3A_490 = arith.shli %bitcast3A_487, %shift_left3A_489 : vector<16xi32>
          %bitcast3A_491 = vector.bitcast %shift_left3A_490 : vector<16xi32> to vector<16xf32>
          %and3A_492 = arith.andi %bitcast3A_487, %broadcast_in_dim3A_312 : vector<16xi32>
          %bitcast3A_493 = vector.bitcast %and3A_492 : vector<16xi32> to vector<16xf32>
          %get3A_494 = arith.constant 1 : i32
          %get3A_495 = arith.index_cast %get3A_494 : i32 to index
          %get3A_496 = arith.index_cast %add3A_481 : i32 to index
          %get3A_497 = arith.constant 32 : index
          %get3A_498 = tpu.vector_load %arg8[%get3A_495, %get3A_496, %get3A_497] {strides = array<i32>} : memref<2x256x64xbf16, #tpu.memory_space<vmem>>, vector<32xbf16>,
          %bitcast3A_499 = vector.bitcast %get3A_498 : vector<32xbf16> to vector<16xi32>
          %shift_left3A_500 = arith.constant 16 : i32
          %shift_left3A_501 = vector.broadcast %shift_left3A_500 : i32 to vector<16xi32>
          %shift_left3A_502 = arith.shli %bitcast3A_499, %shift_left3A_501 : vector<16xi32>
          %bitcast3A_503 = vector.bitcast %shift_left3A_502 : vector<16xi32> to vector<16xf32>
          %and3A_504 = arith.andi %bitcast3A_499, %broadcast_in_dim3A_312 : vector<16xi32>
          %bitcast3A_505 = vector.bitcast %and3A_504 : vector<16xi32> to vector<16xf32>
          %mul3A_506 = vector.broadcast %squeeze3A_473 : f32 to vector<16xf32>
          %mul3A_507 = arith.mulf %mul3A_506, %bitcast3A_491 : vector<16xf32>
          %add3A_508 = arith.addf %add3A_465, %mul3A_507 : vector<16xf32>
          %mul3A_509 = vector.broadcast %squeeze3A_475 : f32 to vector<16xf32>
          %mul3A_510 = arith.mulf %mul3A_509, %bitcast3A_503 : vector<16xf32>
          %add3A_511 = arith.addf %add3A_508, %mul3A_510 : vector<16xf32>
          %mul3A_512 = vector.broadcast %squeeze3A_473 : f32 to vector<16xf32>
          %mul3A_513 = arith.mulf %mul3A_512, %bitcast3A_493 : vector<16xf32>
          %add3A_514 = arith.addf %add3A_471, %mul3A_513 : vector<16xf32>
          %mul3A_515 = vector.broadcast %squeeze3A_475 : f32 to vector<16xf32>
          %mul3A_516 = arith.mulf %mul3A_515, %bitcast3A_505 : vector<16xf32>
          %add3A_517 = arith.addf %add3A_514, %mul3A_516 : vector<16xf32>
          %slice3A_518 = vector.extract_strided_slice %get3A_330 {offsets = [4], sizes = [1], strides = [1]} : vector<16xf32> to vector<1xf32>
          %squeeze3A_519 = vector.extract %slice3A_518[0] : f32 from vector<1xf32>
          %slice3A_520 = vector.extract_strided_slice %get3A_338 {offsets = [4], sizes = [1], strides = [1]} : vector<16xf32> to vector<1xf32>
          %squeeze3A_521 = vector.extract %slice3A_520[0] : f32 from vector<1xf32>
          %mul3A_522 = arith.constant 16 : i32
          %mul3A_523 = arith.muli %scan3A_319, %mul3A_522 : i32
          %add3A_524 = arith.constant 0 : i32
          %add3A_525 = arith.addi %add3A_524, %mul3A_523 : i32
          %add3A_526 = arith.constant 4 : i32
          %add3A_527 = arith.addi %add3A_525, %add3A_526 : i32
          %get3A_528 = arith.constant 1 : i32
          %get3A_529 = arith.index_cast %get3A_528 : i32 to index
          %get3A_530 = arith.index_cast %add3A_527 : i32 to index
          %get3A_531 = arith.constant 0 : index
          %get3A_532 = tpu.vector_load %arg8[%get3A_529, %get3A_530, %get3A_531] {strides = array<i32>} : memref<2x256x64xbf16, #tpu.memory_space<vmem>>, vector<32xbf16>,
          %bitcast3A_533 = vector.bitcast %get3A_532 : vector<32xbf16> to vector<16xi32>
          %shift_left3A_534 = arith.constant 16 : i32
          %shift_left3A_535 = vector.broadcast %shift_left3A_534 : i32 to vector<16xi32>
          %shift_left3A_536 = arith.shli %bitcast3A_533, %shift_left3A_535 : vector<16xi32>
          %bitcast3A_537 = vector.bitcast %shift_left3A_536 : vector<16xi32> to vector<16xf32>
          %and3A_538 = arith.andi %bitcast3A_533, %broadcast_in_dim3A_312 : vector<16xi32>
          %bitcast3A_539 = vector.bitcast %and3A_538 : vector<16xi32> to vector<16xf32>
          %get3A_540 = arith.constant 1 : i32
          %get3A_541 = arith.index_cast %get3A_540 : i32 to index
          %get3A_542 = arith.index_cast %add3A_527 : i32 to index
          %get3A_543 = arith.constant 32 : index
          %get3A_544 = tpu.vector_load %arg8[%get3A_541, %get3A_542, %get3A_543] {strides = array<i32>} : memref<2x256x64xbf16, #tpu.memory_space<vmem>>, vector<32xbf16>,
          %bitcast3A_545 = vector.bitcast %get3A_544 : vector<32xbf16> to vector<16xi32>
          %shift_left3A_546 = arith.constant 16 : i32
          %shift_left3A_547 = vector.broadcast %shift_left3A_546 : i32 to vector<16xi32>
          %shift_left3A_548 = arith.shli %bitcast3A_545, %shift_left3A_547 : vector<16xi32>
          %bitcast3A_549 = vector.bitcast %shift_left3A_548 : vector<16xi32> to vector<16xf32>
          %and3A_550 = arith.andi %bitcast3A_545, %broadcast_in_dim3A_312 : vector<16xi32>
          %bitcast3A_551 = vector.bitcast %and3A_550 : vector<16xi32> to vector<16xf32>
          %mul3A_552 = vector.broadcast %squeeze3A_519 : f32 to vector<16xf32>
          %mul3A_553 = arith.mulf %mul3A_552, %bitcast3A_537 : vector<16xf32>
          %add3A_554 = arith.addf %add3A_511, %mul3A_553 : vector<16xf32>
          %mul3A_555 = vector.broadcast %squeeze3A_521 : f32 to vector<16xf32>
          %mul3A_556 = arith.mulf %mul3A_555, %bitcast3A_549 : vector<16xf32>
          %add3A_557 = arith.addf %add3A_554, %mul3A_556 : vector<16xf32>
          %mul3A_558 = vector.broadcast %squeeze3A_519 : f32 to vector<16xf32>
          %mul3A_559 = arith.mulf %mul3A_558, %bitcast3A_539 : vector<16xf32>
          %add3A_560 = arith.addf %add3A_517, %mul3A_559 : vector<16xf32>
          %mul3A_561 = vector.broadcast %squeeze3A_521 : f32 to vector<16xf32>
          %mul3A_562 = arith.mulf %mul3A_561, %bitcast3A_551 : vector<16xf32>
          %add3A_563 = arith.addf %add3A_560, %mul3A_562 : vector<16xf32>
          %slice3A_564 = vector.extract_strided_slice %get3A_330 {offsets = [5], sizes = [1], strides = [1]} : vector<16xf32> to vector<1xf32>
          %squeeze3A_565 = vector.extract %slice3A_564[0] : f32 from vector<1xf32>
          %slice3A_566 = vector.extract_strided_slice %get3A_338 {offsets = [5], sizes = [1], strides = [1]} : vector<16xf32> to vector<1xf32>
          %squeeze3A_567 = vector.extract %slice3A_566[0] : f32 from vector<1xf32>
          %mul3A_568 = arith.constant 16 : i32
          %mul3A_569 = arith.muli %scan3A_319, %mul3A_568 : i32
          %add3A_570 = arith.constant 0 : i32
          %add3A_571 = arith.addi %add3A_570, %mul3A_569 : i32
          %add3A_572 = arith.constant 5 : i32
          %add3A_573 = arith.addi %add3A_571, %add3A_572 : i32
          %get3A_574 = arith.constant 1 : i32
          %get3A_575 = arith.index_cast %get3A_574 : i32 to index
          %get3A_576 = arith.index_cast %add3A_573 : i32 to index
          %get3A_577 = arith.constant 0 : index
          %get3A_578 = tpu.vector_load %arg8[%get3A_575, %get3A_576, %get3A_577] {strides = array<i32>} : memref<2x256x64xbf16, #tpu.memory_space<vmem>>, vector<32xbf16>,
          %bitcast3A_579 = vector.bitcast %get3A_578 : vector<32xbf16> to vector<16xi32>
          %shift_left3A_580 = arith.constant 16 : i32
          %shift_left3A_581 = vector.broadcast %shift_left3A_580 : i32 to vector<16xi32>
          %shift_left3A_582 = arith.shli %bitcast3A_579, %shift_left3A_581 : vector<16xi32>
          %bitcast3A_583 = vector.bitcast %shift_left3A_582 : vector<16xi32> to vector<16xf32>
          %and3A_584 = arith.andi %bitcast3A_579, %broadcast_in_dim3A_312 : vector<16xi32>
          %bitcast3A_585 = vector.bitcast %and3A_584 : vector<16xi32> to vector<16xf32>
          %get3A_586 = arith.constant 1 : i32
          %get3A_587 = arith.index_cast %get3A_586 : i32 to index
          %get3A_588 = arith.index_cast %add3A_573 : i32 to index
          %get3A_589 = arith.constant 32 : index
          %get3A_590 = tpu.vector_load %arg8[%get3A_587, %get3A_588, %get3A_589] {strides = array<i32>} : memref<2x256x64xbf16, #tpu.memory_space<vmem>>, vector<32xbf16>,
          %bitcast3A_591 = vector.bitcast %get3A_590 : vector<32xbf16> to vector<16xi32>
          %shift_left3A_592 = arith.constant 16 : i32
          %shift_left3A_593 = vector.broadcast %shift_left3A_592 : i32 to vector<16xi32>
          %shift_left3A_594 = arith.shli %bitcast3A_591, %shift_left3A_593 : vector<16xi32>
          %bitcast3A_595 = vector.bitcast %shift_left3A_594 : vector<16xi32> to vector<16xf32>
          %and3A_596 = arith.andi %bitcast3A_591, %broadcast_in_dim3A_312 : vector<16xi32>
          %bitcast3A_597 = vector.bitcast %and3A_596 : vector<16xi32> to vector<16xf32>
          %mul3A_598 = vector.broadcast %squeeze3A_565 : f32 to vector<16xf32>
          %mul3A_599 = arith.mulf %mul3A_598, %bitcast3A_583 : vector<16xf32>
          %add3A_600 = arith.addf %add3A_557, %mul3A_599 : vector<16xf32>
          %mul3A_601 = vector.broadcast %squeeze3A_567 : f32 to vector<16xf32>
          %mul3A_602 = arith.mulf %mul3A_601, %bitcast3A_595 : vector<16xf32>
          %add3A_603 = arith.addf %add3A_600, %mul3A_602 : vector<16xf32>
          %mul3A_604 = vector.broadcast %squeeze3A_565 : f32 to vector<16xf32>
          %mul3A_605 = arith.mulf %mul3A_604, %bitcast3A_585 : vector<16xf32>
          %add3A_606 = arith.addf %add3A_563, %mul3A_605 : vector<16xf32>
          %mul3A_607 = vector.broadcast %squeeze3A_567 : f32 to vector<16xf32>
          %mul3A_608 = arith.mulf %mul3A_607, %bitcast3A_597 : vector<16xf32>
          %add3A_609 = arith.addf %add3A_606, %mul3A_608 : vector<16xf32>
          %slice3A_610 = vector.extract_strided_slice %get3A_330 {offsets = [6], sizes = [1], strides = [1]} : vector<16xf32> to vector<1xf32>
          %squeeze3A_611 = vector.extract %slice3A_610[0] : f32 from vector<1xf32>
          %slice3A_612 = vector.extract_strided_slice %get3A_338 {offsets = [6], sizes = [1], strides = [1]} : vector<16xf32> to vector<1xf32>
          %squeeze3A_613 = vector.extract %slice3A_612[0] : f32 from vector<1xf32>
          %mul3A_614 = arith.constant 16 : i32
          %mul3A_615 = arith.muli %scan3A_319, %mul3A_614 : i32
          %add3A_616 = arith.constant 0 : i32
          %add3A_617 = arith.addi %add3A_616, %mul3A_615 : i32
          %add3A_618 = arith.constant 6 : i32
          %add3A_619 = arith.addi %add3A_617, %add3A_618 : i32
          %get3A_620 = arith.constant 1 : i32
          %get3A_621 = arith.index_cast %get3A_620 : i32 to index
          %get3A_622 = arith.index_cast %add3A_619 : i32 to index
          %get3A_623 = arith.constant 0 : index
          %get3A_624 = tpu.vector_load %arg8[%get3A_621, %get3A_622, %get3A_623] {strides = array<i32>} : memref<2x256x64xbf16, #tpu.memory_space<vmem>>, vector<32xbf16>,
          %bitcast3A_625 = vector.bitcast %get3A_624 : vector<32xbf16> to vector<16xi32>
          %shift_left3A_626 = arith.constant 16 : i32
          %shift_left3A_627 = vector.broadcast %shift_left3A_626 : i32 to vector<16xi32>
          %shift_left3A_628 = arith.shli %bitcast3A_625, %shift_left3A_627 : vector<16xi32>
          %bitcast3A_629 = vector.bitcast %shift_left3A_628 : vector<16xi32> to vector<16xf32>
          %and3A_630 = arith.andi %bitcast3A_625, %broadcast_in_dim3A_312 : vector<16xi32>
          %bitcast3A_631 = vector.bitcast %and3A_630 : vector<16xi32> to vector<16xf32>
          %get3A_632 = arith.constant 1 : i32
          %get3A_633 = arith.index_cast %get3A_632 : i32 to index
          %get3A_634 = arith.index_cast %add3A_619 : i32 to index
          %get3A_635 = arith.constant 32 : index
          %get3A_636 = tpu.vector_load %arg8[%get3A_633, %get3A_634, %get3A_635] {strides = array<i32>} : memref<2x256x64xbf16, #tpu.memory_space<vmem>>, vector<32xbf16>,
          %bitcast3A_637 = vector.bitcast %get3A_636 : vector<32xbf16> to vector<16xi32>
          %shift_left3A_638 = arith.constant 16 : i32
          %shift_left3A_639 = vector.broadcast %shift_left3A_638 : i32 to vector<16xi32>
          %shift_left3A_640 = arith.shli %bitcast3A_637, %shift_left3A_639 : vector<16xi32>
          %bitcast3A_641 = vector.bitcast %shift_left3A_640 : vector<16xi32> to vector<16xf32>
          %and3A_642 = arith.andi %bitcast3A_637, %broadcast_in_dim3A_312 : vector<16xi32>
          %bitcast3A_643 = vector.bitcast %and3A_642 : vector<16xi32> to vector<16xf32>
          %mul3A_644 = vector.broadcast %squeeze3A_611 : f32 to vector<16xf32>
          %mul3A_645 = arith.mulf %mul3A_644, %bitcast3A_629 : vector<16xf32>
          %add3A_646 = arith.addf %add3A_603, %mul3A_645 : vector<16xf32>
          %mul3A_647 = vector.broadcast %squeeze3A_613 : f32 to vector<16xf32>
          %mul3A_648 = arith.mulf %mul3A_647, %bitcast3A_641 : vector<16xf32>
          %add3A_649 = arith.addf %add3A_646, %mul3A_648 : vector<16xf32>
          %mul3A_650 = vector.broadcast %squeeze3A_611 : f32 to vector<16xf32>
          %mul3A_651 = arith.mulf %mul3A_650, %bitcast3A_631 : vector<16xf32>
          %add3A_652 = arith.addf %add3A_609, %mul3A_651 : vector<16xf32>
          %mul3A_653 = vector.broadcast %squeeze3A_613 : f32 to vector<16xf32>
          %mul3A_654 = arith.mulf %mul3A_653, %bitcast3A_643 : vector<16xf32>
          %add3A_655 = arith.addf %add3A_652, %mul3A_654 : vector<16xf32>
          %slice3A_656 = vector.extract_strided_slice %get3A_330 {offsets = [7], sizes = [1], strides = [1]} : vector<16xf32> to vector<1xf32>
          %squeeze3A_657 = vector.extract %slice3A_656[0] : f32 from vector<1xf32>
          %slice3A_658 = vector.extract_strided_slice %get3A_338 {offsets = [7], sizes = [1], strides = [1]} : vector<16xf32> to vector<1xf32>
          %squeeze3A_659 = vector.extract %slice3A_658[0] : f32 from vector<1xf32>
          %mul3A_660 = arith.constant 16 : i32
          %mul3A_661 = arith.muli %scan3A_319, %mul3A_660 : i32
          %add3A_662 = arith.constant 0 : i32
          %add3A_663 = arith.addi %add3A_662, %mul3A_661 : i32
          %add3A_664 = arith.constant 7 : i32
          %add3A_665 = arith.addi %add3A_663, %add3A_664 : i32
          %get3A_666 = arith.constant 1 : i32
          %get3A_667 = arith.index_cast %get3A_666 : i32 to index
          %get3A_668 = arith.index_cast %add3A_665 : i32 to index
          %get3A_669 = arith.constant 0 : index
          %get3A_670 = tpu.vector_load %arg8[%get3A_667, %get3A_668, %get3A_669] {strides = array<i32>} : memref<2x256x64xbf16, #tpu.memory_space<vmem>>, vector<32xbf16>,
          %bitcast3A_671 = vector.bitcast %get3A_670 : vector<32xbf16> to vector<16xi32>
          %shift_left3A_672 = arith.constant 16 : i32
          %shift_left3A_673 = vector.broadcast %shift_left3A_672 : i32 to vector<16xi32>
          %shift_left3A_674 = arith.shli %bitcast3A_671, %shift_left3A_673 : vector<16xi32>
          %bitcast3A_675 = vector.bitcast %shift_left3A_674 : vector<16xi32> to vector<16xf32>
          %and3A_676 = arith.andi %bitcast3A_671, %broadcast_in_dim3A_312 : vector<16xi32>
          %bitcast3A_677 = vector.bitcast %and3A_676 : vector<16xi32> to vector<16xf32>
          %get3A_678 = arith.constant 1 : i32
          %get3A_679 = arith.index_cast %get3A_678 : i32 to index
          %get3A_680 = arith.index_cast %add3A_665 : i32 to index
          %get3A_681 = arith.constant 32 : index
          %get3A_682 = tpu.vector_load %arg8[%get3A_679, %get3A_680, %get3A_681] {strides = array<i32>} : memref<2x256x64xbf16, #tpu.memory_space<vmem>>, vector<32xbf16>,
          %bitcast3A_683 = vector.bitcast %get3A_682 : vector<32xbf16> to vector<16xi32>
          %shift_left3A_684 = arith.constant 16 : i32
          %shift_left3A_685 = vector.broadcast %shift_left3A_684 : i32 to vector<16xi32>
          %shift_left3A_686 = arith.shli %bitcast3A_683, %shift_left3A_685 : vector<16xi32>
          %bitcast3A_687 = vector.bitcast %shift_left3A_686 : vector<16xi32> to vector<16xf32>
          %and3A_688 = arith.andi %bitcast3A_683, %broadcast_in_dim3A_312 : vector<16xi32>
          %bitcast3A_689 = vector.bitcast %and3A_688 : vector<16xi32> to vector<16xf32>
          %mul3A_690 = vector.broadcast %squeeze3A_657 : f32 to vector<16xf32>
          %mul3A_691 = arith.mulf %mul3A_690, %bitcast3A_675 : vector<16xf32>
          %add3A_692 = arith.addf %add3A_649, %mul3A_691 : vector<16xf32>
          %mul3A_693 = vector.broadcast %squeeze3A_659 : f32 to vector<16xf32>
          %mul3A_694 = arith.mulf %mul3A_693, %bitcast3A_687 : vector<16xf32>
          %add3A_695 = arith.addf %add3A_692, %mul3A_694 : vector<16xf32>
          %mul3A_696 = vector.broadcast %squeeze3A_657 : f32 to vector<16xf32>
          %mul3A_697 = arith.mulf %mul3A_696, %bitcast3A_677 : vector<16xf32>
          %add3A_698 = arith.addf %add3A_655, %mul3A_697 : vector<16xf32>
          %mul3A_699 = vector.broadcast %squeeze3A_659 : f32 to vector<16xf32>
          %mul3A_700 = arith.mulf %mul3A_699, %bitcast3A_689 : vector<16xf32>
          %add3A_701 = arith.addf %add3A_698, %mul3A_700 : vector<16xf32>
          %slice3A_702 = vector.extract_strided_slice %get3A_330 {offsets = [8], sizes = [1], strides = [1]} : vector<16xf32> to vector<1xf32>
          %squeeze3A_703 = vector.extract %slice3A_702[0] : f32 from vector<1xf32>
          %slice3A_704 = vector.extract_strided_slice %get3A_338 {offsets = [8], sizes = [1], strides = [1]} : vector<16xf32> to vector<1xf32>
          %squeeze3A_705 = vector.extract %slice3A_704[0] : f32 from vector<1xf32>
          %mul3A_706 = arith.constant 16 : i32
          %mul3A_707 = arith.muli %scan3A_319, %mul3A_706 : i32
          %add3A_708 = arith.constant 0 : i32
          %add3A_709 = arith.addi %add3A_708, %mul3A_707 : i32
          %add3A_710 = arith.constant 8 : i32
          %add3A_711 = arith.addi %add3A_709, %add3A_710 : i32
          %get3A_712 = arith.constant 1 : i32
          %get3A_713 = arith.index_cast %get3A_712 : i32 to index
          %get3A_714 = arith.index_cast %add3A_711 : i32 to index
          %get3A_715 = arith.constant 0 : index
          %get3A_716 = tpu.vector_load %arg8[%get3A_713, %get3A_714, %get3A_715] {strides = array<i32>} : memref<2x256x64xbf16, #tpu.memory_space<vmem>>, vector<32xbf16>,
          %bitcast3A_717 = vector.bitcast %get3A_716 : vector<32xbf16> to vector<16xi32>
          %shift_left3A_718 = arith.constant 16 : i32
          %shift_left3A_719 = vector.broadcast %shift_left3A_718 : i32 to vector<16xi32>
          %shift_left3A_720 = arith.shli %bitcast3A_717, %shift_left3A_719 : vector<16xi32>
          %bitcast3A_721 = vector.bitcast %shift_left3A_720 : vector<16xi32> to vector<16xf32>
          %and3A_722 = arith.andi %bitcast3A_717, %broadcast_in_dim3A_312 : vector<16xi32>
          %bitcast3A_723 = vector.bitcast %and3A_722 : vector<16xi32> to vector<16xf32>
          %get3A_724 = arith.constant 1 : i32
          %get3A_725 = arith.index_cast %get3A_724 : i32 to index
          %get3A_726 = arith.index_cast %add3A_711 : i32 to index
          %get3A_727 = arith.constant 32 : index
          %get3A_728 = tpu.vector_load %arg8[%get3A_725, %get3A_726, %get3A_727] {strides = array<i32>} : memref<2x256x64xbf16, #tpu.memory_space<vmem>>, vector<32xbf16>,
          %bitcast3A_729 = vector.bitcast %get3A_728 : vector<32xbf16> to vector<16xi32>
          %shift_left3A_730 = arith.constant 16 : i32
          %shift_left3A_731 = vector.broadcast %shift_left3A_730 : i32 to vector<16xi32>
          %shift_left3A_732 = arith.shli %bitcast3A_729, %shift_left3A_731 : vector<16xi32>
          %bitcast3A_733 = vector.bitcast %shift_left3A_732 : vector<16xi32> to vector<16xf32>
          %and3A_734 = arith.andi %bitcast3A_729, %broadcast_in_dim3A_312 : vector<16xi32>
          %bitcast3A_735 = vector.bitcast %and3A_734 : vector<16xi32> to vector<16xf32>
          %mul3A_736 = vector.broadcast %squeeze3A_703 : f32 to vector<16xf32>
          %mul3A_737 = arith.mulf %mul3A_736, %bitcast3A_721 : vector<16xf32>
          %add3A_738 = arith.addf %add3A_695, %mul3A_737 : vector<16xf32>
          %mul3A_739 = vector.broadcast %squeeze3A_705 : f32 to vector<16xf32>
          %mul3A_740 = arith.mulf %mul3A_739, %bitcast3A_733 : vector<16xf32>
          %add3A_741 = arith.addf %add3A_738, %mul3A_740 : vector<16xf32>
          %mul3A_742 = vector.broadcast %squeeze3A_703 : f32 to vector<16xf32>
          %mul3A_743 = arith.mulf %mul3A_742, %bitcast3A_723 : vector<16xf32>
          %add3A_744 = arith.addf %add3A_701, %mul3A_743 : vector<16xf32>
          %mul3A_745 = vector.broadcast %squeeze3A_705 : f32 to vector<16xf32>
          %mul3A_746 = arith.mulf %mul3A_745, %bitcast3A_735 : vector<16xf32>
          %add3A_747 = arith.addf %add3A_744, %mul3A_746 : vector<16xf32>
          %slice3A_748 = vector.extract_strided_slice %get3A_330 {offsets = [9], sizes = [1], strides = [1]} : vector<16xf32> to vector<1xf32>
          %squeeze3A_749 = vector.extract %slice3A_748[0] : f32 from vector<1xf32>
          %slice3A_750 = vector.extract_strided_slice %get3A_338 {offsets = [9], sizes = [1], strides = [1]} : vector<16xf32> to vector<1xf32>
          %squeeze3A_751 = vector.extract %slice3A_750[0] : f32 from vector<1xf32>
          %mul3A_752 = arith.constant 16 : i32
          %mul3A_753 = arith.muli %scan3A_319, %mul3A_752 : i32
          %add3A_754 = arith.constant 0 : i32
          %add3A_755 = arith.addi %add3A_754, %mul3A_753 : i32
          %add3A_756 = arith.constant 9 : i32
          %add3A_757 = arith.addi %add3A_755, %add3A_756 : i32
          %get3A_758 = arith.constant 1 : i32
          %get3A_759 = arith.index_cast %get3A_758 : i32 to index
          %get3A_760 = arith.index_cast %add3A_757 : i32 to index
          %get3A_761 = arith.constant 0 : index
          %get3A_762 = tpu.vector_load %arg8[%get3A_759, %get3A_760, %get3A_761] {strides = array<i32>} : memref<2x256x64xbf16, #tpu.memory_space<vmem>>, vector<32xbf16>,
          %bitcast3A_763 = vector.bitcast %get3A_762 : vector<32xbf16> to vector<16xi32>
          %shift_left3A_764 = arith.constant 16 : i32
          %shift_left3A_765 = vector.broadcast %shift_left3A_764 : i32 to vector<16xi32>
          %shift_left3A_766 = arith.shli %bitcast3A_763, %shift_left3A_765 : vector<16xi32>
          %bitcast3A_767 = vector.bitcast %shift_left3A_766 : vector<16xi32> to vector<16xf32>
          %and3A_768 = arith.andi %bitcast3A_763, %broadcast_in_dim3A_312 : vector<16xi32>
          %bitcast3A_769 = vector.bitcast %and3A_768 : vector<16xi32> to vector<16xf32>
          %get3A_770 = arith.constant 1 : i32
          %get3A_771 = arith.index_cast %get3A_770 : i32 to index
          %get3A_772 = arith.index_cast %add3A_757 : i32 to index
          %get3A_773 = arith.constant 32 : index
          %get3A_774 = tpu.vector_load %arg8[%get3A_771, %get3A_772, %get3A_773] {strides = array<i32>} : memref<2x256x64xbf16, #tpu.memory_space<vmem>>, vector<32xbf16>,
          %bitcast3A_775 = vector.bitcast %get3A_774 : vector<32xbf16> to vector<16xi32>
          %shift_left3A_776 = arith.constant 16 : i32
          %shift_left3A_777 = vector.broadcast %shift_left3A_776 : i32 to vector<16xi32>
          %shift_left3A_778 = arith.shli %bitcast3A_775, %shift_left3A_777 : vector<16xi32>
          %bitcast3A_779 = vector.bitcast %shift_left3A_778 : vector<16xi32> to vector<16xf32>
          %and3A_780 = arith.andi %bitcast3A_775, %broadcast_in_dim3A_312 : vector<16xi32>
          %bitcast3A_781 = vector.bitcast %and3A_780 : vector<16xi32> to vector<16xf32>
          %mul3A_782 = vector.broadcast %squeeze3A_749 : f32 to vector<16xf32>
          %mul3A_783 = arith.mulf %mul3A_782, %bitcast3A_767 : vector<16xf32>
          %add3A_784 = arith.addf %add3A_741, %mul3A_783 : vector<16xf32>
          %mul3A_785 = vector.broadcast %squeeze3A_751 : f32 to vector<16xf32>
          %mul3A_786 = arith.mulf %mul3A_785, %bitcast3A_779 : vector<16xf32>
          %add3A_787 = arith.addf %add3A_784, %mul3A_786 : vector<16xf32>
          %mul3A_788 = vector.broadcast %squeeze3A_749 : f32 to vector<16xf32>
          %mul3A_789 = arith.mulf %mul3A_788, %bitcast3A_769 : vector<16xf32>
          %add3A_790 = arith.addf %add3A_747, %mul3A_789 : vector<16xf32>
          %mul3A_791 = vector.broadcast %squeeze3A_751 : f32 to vector<16xf32>
          %mul3A_792 = arith.mulf %mul3A_791, %bitcast3A_781 : vector<16xf32>
          %add3A_793 = arith.addf %add3A_790, %mul3A_792 : vector<16xf32>
          %slice3A_794 = vector.extract_strided_slice %get3A_330 {offsets = [10], sizes = [1], strides = [1]} : vector<16xf32> to vector<1xf32>
          %squeeze3A_795 = vector.extract %slice3A_794[0] : f32 from vector<1xf32>
          %slice3A_796 = vector.extract_strided_slice %get3A_338 {offsets = [10], sizes = [1], strides = [1]} : vector<16xf32> to vector<1xf32>
          %squeeze3A_797 = vector.extract %slice3A_796[0] : f32 from vector<1xf32>
          %mul3A_798 = arith.constant 16 : i32
          %mul3A_799 = arith.muli %scan3A_319, %mul3A_798 : i32
          %add3A_800 = arith.constant 0 : i32
          %add3A_801 = arith.addi %add3A_800, %mul3A_799 : i32
          %add3A_802 = arith.constant 10 : i32
          %add3A_803 = arith.addi %add3A_801, %add3A_802 : i32
          %get3A_804 = arith.constant 1 : i32
          %get3A_805 = arith.index_cast %get3A_804 : i32 to index
          %get3A_806 = arith.index_cast %add3A_803 : i32 to index
          %get3A_807 = arith.constant 0 : index
          %get3A_808 = tpu.vector_load %arg8[%get3A_805, %get3A_806, %get3A_807] {strides = array<i32>} : memref<2x256x64xbf16, #tpu.memory_space<vmem>>, vector<32xbf16>,
          %bitcast3A_809 = vector.bitcast %get3A_808 : vector<32xbf16> to vector<16xi32>
          %shift_left3A_810 = arith.constant 16 : i32
          %shift_left3A_811 = vector.broadcast %shift_left3A_810 : i32 to vector<16xi32>
          %shift_left3A_812 = arith.shli %bitcast3A_809, %shift_left3A_811 : vector<16xi32>
          %bitcast3A_813 = vector.bitcast %shift_left3A_812 : vector<16xi32> to vector<16xf32>
          %and3A_814 = arith.andi %bitcast3A_809, %broadcast_in_dim3A_312 : vector<16xi32>
          %bitcast3A_815 = vector.bitcast %and3A_814 : vector<16xi32> to vector<16xf32>
          %get3A_816 = arith.constant 1 : i32
          %get3A_817 = arith.index_cast %get3A_816 : i32 to index
          %get3A_818 = arith.index_cast %add3A_803 : i32 to index
          %get3A_819 = arith.constant 32 : index
          %get3A_820 = tpu.vector_load %arg8[%get3A_817, %get3A_818, %get3A_819] {strides = array<i32>} : memref<2x256x64xbf16, #tpu.memory_space<vmem>>, vector<32xbf16>,
          %bitcast3A_821 = vector.bitcast %get3A_820 : vector<32xbf16> to vector<16xi32>
          %shift_left3A_822 = arith.constant 16 : i32
          %shift_left3A_823 = vector.broadcast %shift_left3A_822 : i32 to vector<16xi32>
          %shift_left3A_824 = arith.shli %bitcast3A_821, %shift_left3A_823 : vector<16xi32>
          %bitcast3A_825 = vector.bitcast %shift_left3A_824 : vector<16xi32> to vector<16xf32>
          %and3A_826 = arith.andi %bitcast3A_821, %broadcast_in_dim3A_312 : vector<16xi32>
          %bitcast3A_827 = vector.bitcast %and3A_826 : vector<16xi32> to vector<16xf32>
          %mul3A_828 = vector.broadcast %squeeze3A_795 : f32 to vector<16xf32>
          %mul3A_829 = arith.mulf %mul3A_828, %bitcast3A_813 : vector<16xf32>
          %add3A_830 = arith.addf %add3A_787, %mul3A_829 : vector<16xf32>
          %mul3A_831 = vector.broadcast %squeeze3A_797 : f32 to vector<16xf32>
          %mul3A_832 = arith.mulf %mul3A_831, %bitcast3A_825 : vector<16xf32>
          %add3A_833 = arith.addf %add3A_830, %mul3A_832 : vector<16xf32>
          %mul3A_834 = vector.broadcast %squeeze3A_795 : f32 to vector<16xf32>
          %mul3A_835 = arith.mulf %mul3A_834, %bitcast3A_815 : vector<16xf32>
          %add3A_836 = arith.addf %add3A_793, %mul3A_835 : vector<16xf32>
          %mul3A_837 = vector.broadcast %squeeze3A_797 : f32 to vector<16xf32>
          %mul3A_838 = arith.mulf %mul3A_837, %bitcast3A_827 : vector<16xf32>
          %add3A_839 = arith.addf %add3A_836, %mul3A_838 : vector<16xf32>
          %slice3A_840 = vector.extract_strided_slice %get3A_330 {offsets = [11], sizes = [1], strides = [1]} : vector<16xf32> to vector<1xf32>
          %squeeze3A_841 = vector.extract %slice3A_840[0] : f32 from vector<1xf32>
          %slice3A_842 = vector.extract_strided_slice %get3A_338 {offsets = [11], sizes = [1], strides = [1]} : vector<16xf32> to vector<1xf32>
          %squeeze3A_843 = vector.extract %slice3A_842[0] : f32 from vector<1xf32>
          %mul3A_844 = arith.constant 16 : i32
          %mul3A_845 = arith.muli %scan3A_319, %mul3A_844 : i32
          %add3A_846 = arith.constant 0 : i32
          %add3A_847 = arith.addi %add3A_846, %mul3A_845 : i32
          %add3A_848 = arith.constant 11 : i32
          %add3A_849 = arith.addi %add3A_847, %add3A_848 : i32
          %get3A_850 = arith.constant 1 : i32
          %get3A_851 = arith.index_cast %get3A_850 : i32 to index
          %get3A_852 = arith.index_cast %add3A_849 : i32 to index
          %get3A_853 = arith.constant 0 : index
          %get3A_854 = tpu.vector_load %arg8[%get3A_851, %get3A_852, %get3A_853] {strides = array<i32>} : memref<2x256x64xbf16, #tpu.memory_space<vmem>>, vector<32xbf16>,
          %bitcast3A_855 = vector.bitcast %get3A_854 : vector<32xbf16> to vector<16xi32>
          %shift_left3A_856 = arith.constant 16 : i32
          %shift_left3A_857 = vector.broadcast %shift_left3A_856 : i32 to vector<16xi32>
          %shift_left3A_858 = arith.shli %bitcast3A_855, %shift_left3A_857 : vector<16xi32>
          %bitcast3A_859 = vector.bitcast %shift_left3A_858 : vector<16xi32> to vector<16xf32>
          %and3A_860 = arith.andi %bitcast3A_855, %broadcast_in_dim3A_312 : vector<16xi32>
          %bitcast3A_861 = vector.bitcast %and3A_860 : vector<16xi32> to vector<16xf32>
          %get3A_862 = arith.constant 1 : i32
          %get3A_863 = arith.index_cast %get3A_862 : i32 to index
          %get3A_864 = arith.index_cast %add3A_849 : i32 to index
          %get3A_865 = arith.constant 32 : index
          %get3A_866 = tpu.vector_load %arg8[%get3A_863, %get3A_864, %get3A_865] {strides = array<i32>} : memref<2x256x64xbf16, #tpu.memory_space<vmem>>, vector<32xbf16>,
          %bitcast3A_867 = vector.bitcast %get3A_866 : vector<32xbf16> to vector<16xi32>
          %shift_left3A_868 = arith.constant 16 : i32
          %shift_left3A_869 = vector.broadcast %shift_left3A_868 : i32 to vector<16xi32>
          %shift_left3A_870 = arith.shli %bitcast3A_867, %shift_left3A_869 : vector<16xi32>
          %bitcast3A_871 = vector.bitcast %shift_left3A_870 : vector<16xi32> to vector<16xf32>
          %and3A_872 = arith.andi %bitcast3A_867, %broadcast_in_dim3A_312 : vector<16xi32>
          %bitcast3A_873 = vector.bitcast %and3A_872 : vector<16xi32> to vector<16xf32>
          %mul3A_874 = vector.broadcast %squeeze3A_841 : f32 to vector<16xf32>
          %mul3A_875 = arith.mulf %mul3A_874, %bitcast3A_859 : vector<16xf32>
          %add3A_876 = arith.addf %add3A_833, %mul3A_875 : vector<16xf32>
          %mul3A_877 = vector.broadcast %squeeze3A_843 : f32 to vector<16xf32>
          %mul3A_878 = arith.mulf %mul3A_877, %bitcast3A_871 : vector<16xf32>
          %add3A_879 = arith.addf %add3A_876, %mul3A_878 : vector<16xf32>
          %mul3A_880 = vector.broadcast %squeeze3A_841 : f32 to vector<16xf32>
          %mul3A_881 = arith.mulf %mul3A_880, %bitcast3A_861 : vector<16xf32>
          %add3A_882 = arith.addf %add3A_839, %mul3A_881 : vector<16xf32>
          %mul3A_883 = vector.broadcast %squeeze3A_843 : f32 to vector<16xf32>
          %mul3A_884 = arith.mulf %mul3A_883, %bitcast3A_873 : vector<16xf32>
          %add3A_885 = arith.addf %add3A_882, %mul3A_884 : vector<16xf32>
          %slice3A_886 = vector.extract_strided_slice %get3A_330 {offsets = [12], sizes = [1], strides = [1]} : vector<16xf32> to vector<1xf32>
          %squeeze3A_887 = vector.extract %slice3A_886[0] : f32 from vector<1xf32>
          %slice3A_888 = vector.extract_strided_slice %get3A_338 {offsets = [12], sizes = [1], strides = [1]} : vector<16xf32> to vector<1xf32>
          %squeeze3A_889 = vector.extract %slice3A_888[0] : f32 from vector<1xf32>
          %mul3A_890 = arith.constant 16 : i32
          %mul3A_891 = arith.muli %scan3A_319, %mul3A_890 : i32
          %add3A_892 = arith.constant 0 : i32
          %add3A_893 = arith.addi %add3A_892, %mul3A_891 : i32
          %add3A_894 = arith.constant 12 : i32
          %add3A_895 = arith.addi %add3A_893, %add3A_894 : i32
          %get3A_896 = arith.constant 1 : i32
          %get3A_897 = arith.index_cast %get3A_896 : i32 to index
          %get3A_898 = arith.index_cast %add3A_895 : i32 to index
          %get3A_899 = arith.constant 0 : index
          %get3A_900 = tpu.vector_load %arg8[%get3A_897, %get3A_898, %get3A_899] {strides = array<i32>} : memref<2x256x64xbf16, #tpu.memory_space<vmem>>, vector<32xbf16>,
          %bitcast3A_901 = vector.bitcast %get3A_900 : vector<32xbf16> to vector<16xi32>
          %shift_left3A_902 = arith.constant 16 : i32
          %shift_left3A_903 = vector.broadcast %shift_left3A_902 : i32 to vector<16xi32>
          %shift_left3A_904 = arith.shli %bitcast3A_901, %shift_left3A_903 : vector<16xi32>
          %bitcast3A_905 = vector.bitcast %shift_left3A_904 : vector<16xi32> to vector<16xf32>
          %and3A_906 = arith.andi %bitcast3A_901, %broadcast_in_dim3A_312 : vector<16xi32>
          %bitcast3A_907 = vector.bitcast %and3A_906 : vector<16xi32> to vector<16xf32>
          %get3A_908 = arith.constant 1 : i32
          %get3A_909 = arith.index_cast %get3A_908 : i32 to index
          %get3A_910 = arith.index_cast %add3A_895 : i32 to index
          %get3A_911 = arith.constant 32 : index
          %get3A_912 = tpu.vector_load %arg8[%get3A_909, %get3A_910, %get3A_911] {strides = array<i32>} : memref<2x256x64xbf16, #tpu.memory_space<vmem>>, vector<32xbf16>,
          %bitcast3A_913 = vector.bitcast %get3A_912 : vector<32xbf16> to vector<16xi32>
          %shift_left3A_914 = arith.constant 16 : i32
          %shift_left3A_915 = vector.broadcast %shift_left3A_914 : i32 to vector<16xi32>
          %shift_left3A_916 = arith.shli %bitcast3A_913, %shift_left3A_915 : vector<16xi32>
          %bitcast3A_917 = vector.bitcast %shift_left3A_916 : vector<16xi32> to vector<16xf32>
          %and3A_918 = arith.andi %bitcast3A_913, %broadcast_in_dim3A_312 : vector<16xi32>
          %bitcast3A_919 = vector.bitcast %and3A_918 : vector<16xi32> to vector<16xf32>
          %mul3A_920 = vector.broadcast %squeeze3A_887 : f32 to vector<16xf32>
          %mul3A_921 = arith.mulf %mul3A_920, %bitcast3A_905 : vector<16xf32>
          %add3A_922 = arith.addf %add3A_879, %mul3A_921 : vector<16xf32>
          %mul3A_923 = vector.broadcast %squeeze3A_889 : f32 to vector<16xf32>
          %mul3A_924 = arith.mulf %mul3A_923, %bitcast3A_917 : vector<16xf32>
          %add3A_925 = arith.addf %add3A_922, %mul3A_924 : vector<16xf32>
          %mul3A_926 = vector.broadcast %squeeze3A_887 : f32 to vector<16xf32>
          %mul3A_927 = arith.mulf %mul3A_926, %bitcast3A_907 : vector<16xf32>
          %add3A_928 = arith.addf %add3A_885, %mul3A_927 : vector<16xf32>
          %mul3A_929 = vector.broadcast %squeeze3A_889 : f32 to vector<16xf32>
          %mul3A_930 = arith.mulf %mul3A_929, %bitcast3A_919 : vector<16xf32>
          %add3A_931 = arith.addf %add3A_928, %mul3A_930 : vector<16xf32>
          %slice3A_932 = vector.extract_strided_slice %get3A_330 {offsets = [13], sizes = [1], strides = [1]} : vector<16xf32> to vector<1xf32>
          %squeeze3A_933 = vector.extract %slice3A_932[0] : f32 from vector<1xf32>
          %slice3A_934 = vector.extract_strided_slice %get3A_338 {offsets = [13], sizes = [1], strides = [1]} : vector<16xf32> to vector<1xf32>
          %squeeze3A_935 = vector.extract %slice3A_934[0] : f32 from vector<1xf32>
          %mul3A_936 = arith.constant 16 : i32
          %mul3A_937 = arith.muli %scan3A_319, %mul3A_936 : i32
          %add3A_938 = arith.constant 0 : i32
          %add3A_939 = arith.addi %add3A_938, %mul3A_937 : i32
          %add3A_940 = arith.constant 13 : i32
          %add3A_941 = arith.addi %add3A_939, %add3A_940 : i32
          %get3A_942 = arith.constant 1 : i32
          %get3A_943 = arith.index_cast %get3A_942 : i32 to index
          %get3A_944 = arith.index_cast %add3A_941 : i32 to index
          %get3A_945 = arith.constant 0 : index
          %get3A_946 = tpu.vector_load %arg8[%get3A_943, %get3A_944, %get3A_945] {strides = array<i32>} : memref<2x256x64xbf16, #tpu.memory_space<vmem>>, vector<32xbf16>,
          %bitcast3A_947 = vector.bitcast %get3A_946 : vector<32xbf16> to vector<16xi32>
          %shift_left3A_948 = arith.constant 16 : i32
          %shift_left3A_949 = vector.broadcast %shift_left3A_948 : i32 to vector<16xi32>
          %shift_left3A_950 = arith.shli %bitcast3A_947, %shift_left3A_949 : vector<16xi32>
          %bitcast3A_951 = vector.bitcast %shift_left3A_950 : vector<16xi32> to vector<16xf32>
          %and3A_952 = arith.andi %bitcast3A_947, %broadcast_in_dim3A_312 : vector<16xi32>
          %bitcast3A_953 = vector.bitcast %and3A_952 : vector<16xi32> to vector<16xf32>
          %get3A_954 = arith.constant 1 : i32
          %get3A_955 = arith.index_cast %get3A_954 : i32 to index
          %get3A_956 = arith.index_cast %add3A_941 : i32 to index
          %get3A_957 = arith.constant 32 : index
          %get3A_958 = tpu.vector_load %arg8[%get3A_955, %get3A_956, %get3A_957] {strides = array<i32>} : memref<2x256x64xbf16, #tpu.memory_space<vmem>>, vector<32xbf16>,
          %bitcast3A_959 = vector.bitcast %get3A_958 : vector<32xbf16> to vector<16xi32>
          %shift_left3A_960 = arith.constant 16 : i32
          %shift_left3A_961 = vector.broadcast %shift_left3A_960 : i32 to vector<16xi32>
          %shift_left3A_962 = arith.shli %bitcast3A_959, %shift_left3A_961 : vector<16xi32>
          %bitcast3A_963 = vector.bitcast %shift_left3A_962 : vector<16xi32> to vector<16xf32>
          %and3A_964 = arith.andi %bitcast3A_959, %broadcast_in_dim3A_312 : vector<16xi32>
          %bitcast3A_965 = vector.bitcast %and3A_964 : vector<16xi32> to vector<16xf32>
          %mul3A_966 = vector.broadcast %squeeze3A_933 : f32 to vector<16xf32>
          %mul3A_967 = arith.mulf %mul3A_966, %bitcast3A_951 : vector<16xf32>
          %add3A_968 = arith.addf %add3A_925, %mul3A_967 : vector<16xf32>
          %mul3A_969 = vector.broadcast %squeeze3A_935 : f32 to vector<16xf32>
          %mul3A_970 = arith.mulf %mul3A_969, %bitcast3A_963 : vector<16xf32>
          %add3A_971 = arith.addf %add3A_968, %mul3A_970 : vector<16xf32>
          %mul3A_972 = vector.broadcast %squeeze3A_933 : f32 to vector<16xf32>
          %mul3A_973 = arith.mulf %mul3A_972, %bitcast3A_953 : vector<16xf32>
          %add3A_974 = arith.addf %add3A_931, %mul3A_973 : vector<16xf32>
          %mul3A_975 = vector.broadcast %squeeze3A_935 : f32 to vector<16xf32>
          %mul3A_976 = arith.mulf %mul3A_975, %bitcast3A_965 : vector<16xf32>
          %add3A_977 = arith.addf %add3A_974, %mul3A_976 : vector<16xf32>
          %slice3A_978 = vector.extract_strided_slice %get3A_330 {offsets = [14], sizes = [1], strides = [1]} : vector<16xf32> to vector<1xf32>
          %squeeze3A_979 = vector.extract %slice3A_978[0] : f32 from vector<1xf32>
          %slice3A_980 = vector.extract_strided_slice %get3A_338 {offsets = [14], sizes = [1], strides = [1]} : vector<16xf32> to vector<1xf32>
          %squeeze3A_981 = vector.extract %slice3A_980[0] : f32 from vector<1xf32>
          %mul3A_982 = arith.constant 16 : i32
          %mul3A_983 = arith.muli %scan3A_319, %mul3A_982 : i32
          %add3A_984 = arith.constant 0 : i32
          %add3A_985 = arith.addi %add3A_984, %mul3A_983 : i32
          %add3A_986 = arith.constant 14 : i32
          %add3A_987 = arith.addi %add3A_985, %add3A_986 : i32
          %get3A_988 = arith.constant 1 : i32
          %get3A_989 = arith.index_cast %get3A_988 : i32 to index
          %get3A_990 = arith.index_cast %add3A_987 : i32 to index
          %get3A_991 = arith.constant 0 : index
          %get3A_992 = tpu.vector_load %arg8[%get3A_989, %get3A_990, %get3A_991] {strides = array<i32>} : memref<2x256x64xbf16, #tpu.memory_space<vmem>>, vector<32xbf16>,
          %bitcast3A_993 = vector.bitcast %get3A_992 : vector<32xbf16> to vector<16xi32>
          %shift_left3A_994 = arith.constant 16 : i32
          %shift_left3A_995 = vector.broadcast %shift_left3A_994 : i32 to vector<16xi32>
          %shift_left3A_996 = arith.shli %bitcast3A_993, %shift_left3A_995 : vector<16xi32>
          %bitcast3A_997 = vector.bitcast %shift_left3A_996 : vector<16xi32> to vector<16xf32>
          %and3A_998 = arith.andi %bitcast3A_993, %broadcast_in_dim3A_312 : vector<16xi32>
          %bitcast3A_999 = vector.bitcast %and3A_998 : vector<16xi32> to vector<16xf32>
          %get3A_1000 = arith.constant 1 : i32
          %get3A_1001 = arith.index_cast %get3A_1000 : i32 to index
          %get3A_1002 = arith.index_cast %add3A_987 : i32 to index
          %get3A_1003 = arith.constant 32 : index
          %get3A_1004 = tpu.vector_load %arg8[%get3A_1001, %get3A_1002, %get3A_1003] {strides = array<i32>} : memref<2x256x64xbf16, #tpu.memory_space<vmem>>, vector<32xbf16>,
          %bitcast3A_1005 = vector.bitcast %get3A_1004 : vector<32xbf16> to vector<16xi32>
          %shift_left3A_1006 = arith.constant 16 : i32
          %shift_left3A_1007 = vector.broadcast %shift_left3A_1006 : i32 to vector<16xi32>
          %shift_left3A_1008 = arith.shli %bitcast3A_1005, %shift_left3A_1007 : vector<16xi32>
          %bitcast3A_1009 = vector.bitcast %shift_left3A_1008 : vector<16xi32> to vector<16xf32>
          %and3A_1010 = arith.andi %bitcast3A_1005, %broadcast_in_dim3A_312 : vector<16xi32>
          %bitcast3A_1011 = vector.bitcast %and3A_1010 : vector<16xi32> to vector<16xf32>
          %mul3A_1012 = vector.broadcast %squeeze3A_979 : f32 to vector<16xf32>
          %mul3A_1013 = arith.mulf %mul3A_1012, %bitcast3A_997 : vector<16xf32>
          %add3A_1014 = arith.addf %add3A_971, %mul3A_1013 : vector<16xf32>
          %mul3A_1015 = vector.broadcast %squeeze3A_981 : f32 to vector<16xf32>
          %mul3A_1016 = arith.mulf %mul3A_1015, %bitcast3A_1009 : vector<16xf32>
          %add3A_1017 = arith.addf %add3A_1014, %mul3A_1016 : vector<16xf32>
          %mul3A_1018 = vector.broadcast %squeeze3A_979 : f32 to vector<16xf32>
          %mul3A_1019 = arith.mulf %mul3A_1018, %bitcast3A_999 : vector<16xf32>
          %add3A_1020 = arith.addf %add3A_977, %mul3A_1019 : vector<16xf32>
          %mul3A_1021 = vector.broadcast %squeeze3A_981 : f32 to vector<16xf32>
          %mul3A_1022 = arith.mulf %mul3A_1021, %bitcast3A_1011 : vector<16xf32>
          %add3A_1023 = arith.addf %add3A_1020, %mul3A_1022 : vector<16xf32>
          %slice3A_1024 = vector.extract_strided_slice %get3A_330 {offsets = [15], sizes = [1], strides = [1]} : vector<16xf32> to vector<1xf32>
          %squeeze3A_1025 = vector.extract %slice3A_1024[0] : f32 from vector<1xf32>
          %slice3A_1026 = vector.extract_strided_slice %get3A_338 {offsets = [15], sizes = [1], strides = [1]} : vector<16xf32> to vector<1xf32>
          %squeeze3A_1027 = vector.extract %slice3A_1026[0] : f32 from vector<1xf32>
          %mul3A_1028 = arith.constant 16 : i32
          %mul3A_1029 = arith.muli %scan3A_319, %mul3A_1028 : i32
          %add3A_1030 = arith.constant 0 : i32
          %add3A_1031 = arith.addi %add3A_1030, %mul3A_1029 : i32
          %add3A_1032 = arith.constant 15 : i32
          %add3A_1033 = arith.addi %add3A_1031, %add3A_1032 : i32
          %get3A_1034 = arith.constant 1 : i32
          %get3A_1035 = arith.index_cast %get3A_1034 : i32 to index
          %get3A_1036 = arith.index_cast %add3A_1033 : i32 to index
          %get3A_1037 = arith.constant 0 : index
          %get3A_1038 = tpu.vector_load %arg8[%get3A_1035, %get3A_1036, %get3A_1037] {strides = array<i32>} : memref<2x256x64xbf16, #tpu.memory_space<vmem>>, vector<32xbf16>,
          %bitcast3A_1039 = vector.bitcast %get3A_1038 : vector<32xbf16> to vector<16xi32>
          %shift_left3A_1040 = arith.constant 16 : i32
          %shift_left3A_1041 = vector.broadcast %shift_left3A_1040 : i32 to vector<16xi32>
          %shift_left3A_1042 = arith.shli %bitcast3A_1039, %shift_left3A_1041 : vector<16xi32>
          %bitcast3A_1043 = vector.bitcast %shift_left3A_1042 : vector<16xi32> to vector<16xf32>
          %and3A_1044 = arith.andi %bitcast3A_1039, %broadcast_in_dim3A_312 : vector<16xi32>
          %bitcast3A_1045 = vector.bitcast %and3A_1044 : vector<16xi32> to vector<16xf32>
          %get3A_1046 = arith.constant 1 : i32
          %get3A_1047 = arith.index_cast %get3A_1046 : i32 to index
          %get3A_1048 = arith.index_cast %add3A_1033 : i32 to index
          %get3A_1049 = arith.constant 32 : index
          %get3A_1050 = tpu.vector_load %arg8[%get3A_1047, %get3A_1048, %get3A_1049] {strides = array<i32>} : memref<2x256x64xbf16, #tpu.memory_space<vmem>>, vector<32xbf16>,
          %bitcast3A_1051 = vector.bitcast %get3A_1050 : vector<32xbf16> to vector<16xi32>
          %shift_left3A_1052 = arith.constant 16 : i32
          %shift_left3A_1053 = vector.broadcast %shift_left3A_1052 : i32 to vector<16xi32>
          %shift_left3A_1054 = arith.shli %bitcast3A_1051, %shift_left3A_1053 : vector<16xi32>
          %bitcast3A_1055 = vector.bitcast %shift_left3A_1054 : vector<16xi32> to vector<16xf32>
          %and3A_1056 = arith.andi %bitcast3A_1051, %broadcast_in_dim3A_312 : vector<16xi32>
          %bitcast3A_1057 = vector.bitcast %and3A_1056 : vector<16xi32> to vector<16xf32>
          %mul3A_1058 = vector.broadcast %squeeze3A_1025 : f32 to vector<16xf32>
          %mul3A_1059 = arith.mulf %mul3A_1058, %bitcast3A_1043 : vector<16xf32>
          %add3A_1060 = arith.addf %add3A_1017, %mul3A_1059 : vector<16xf32>
          %mul3A_1061 = vector.broadcast %squeeze3A_1027 : f32 to vector<16xf32>
          %mul3A_1062 = arith.mulf %mul3A_1061, %bitcast3A_1055 : vector<16xf32>
          %add3A_1063 = arith.addf %add3A_1060, %mul3A_1062 : vector<16xf32>
          %mul3A_1064 = vector.broadcast %squeeze3A_1025 : f32 to vector<16xf32>
          %mul3A_1065 = arith.mulf %mul3A_1064, %bitcast3A_1045 : vector<16xf32>
          %add3A_1066 = arith.addf %add3A_1023, %mul3A_1065 : vector<16xf32>
          %mul3A_1067 = vector.broadcast %squeeze3A_1027 : f32 to vector<16xf32>
          %mul3A_1068 = arith.mulf %mul3A_1067, %bitcast3A_1057 : vector<16xf32>
          %add3A_1069 = arith.addf %add3A_1066, %mul3A_1068 : vector<16xf32>
          %mul3A_1070 = arith.constant 16 : i32
          %mul3A_1071 = arith.muli %scan3A_319, %mul3A_1070 : i32
          %add3A_1072 = arith.constant 128 : i32
          %add3A_1073 = arith.addi %add3A_1072, %mul3A_1071 : i32
          %get3A_1074 = arith.index_cast %rem3A_160 : i32 to index
          %get3A_1075 = arith.index_cast %add3A_310 : i32 to index
          %get3A_1076 = arith.index_cast %add3A_1073 : i32 to index
          %get3A_1077 = tpu.vector_load %arg7[%get3A_1074, %get3A_1075, %get3A_1076] {strides = array<i32>} : memref<2x40x512xf32, #tpu.memory_space<vmem>>, vector<16xf32>,
          %mul3A_1078 = arith.constant 16 : i32
          %mul3A_1079 = arith.muli %scan3A_319, %mul3A_1078 : i32
          %add3A_1080 = arith.constant 384 : i32
          %add3A_1081 = arith.addi %add3A_1080, %mul3A_1079 : i32
          %get3A_1082 = arith.index_cast %rem3A_160 : i32 to index
          %get3A_1083 = arith.index_cast %add3A_310 : i32 to index
          %get3A_1084 = arith.index_cast %add3A_1081 : i32 to index
          %get3A_1085 = tpu.vector_load %arg7[%get3A_1082, %get3A_1083, %get3A_1084] {strides = array<i32>} : memref<2x40x512xf32, #tpu.memory_space<vmem>>, vector<16xf32>,
          %slice3A_1086 = vector.extract_strided_slice %get3A_1077 {offsets = [0], sizes = [1], strides = [1]} : vector<16xf32> to vector<1xf32>
          %squeeze3A_1087 = vector.extract %slice3A_1086[0] : f32 from vector<1xf32>
          %slice3A_1088 = vector.extract_strided_slice %get3A_1085 {offsets = [0], sizes = [1], strides = [1]} : vector<16xf32> to vector<1xf32>
          %squeeze3A_1089 = vector.extract %slice3A_1088[0] : f32 from vector<1xf32>
          %mul3A_1090 = arith.constant 16 : i32
          %mul3A_1091 = arith.muli %scan3A_319, %mul3A_1090 : i32
          %add3A_1092 = arith.constant 128 : i32
          %add3A_1093 = arith.addi %add3A_1092, %mul3A_1091 : i32
          %add3A_1094 = arith.constant 0 : i32
          %add3A_1095 = arith.addi %add3A_1093, %add3A_1094 : i32
          %get3A_1096 = arith.constant 1 : i32
          %get3A_1097 = arith.index_cast %get3A_1096 : i32 to index
          %get3A_1098 = arith.index_cast %add3A_1095 : i32 to index
          %get3A_1099 = arith.constant 0 : index
          %get3A_1100 = tpu.vector_load %arg8[%get3A_1097, %get3A_1098, %get3A_1099] {strides = array<i32>} : memref<2x256x64xbf16, #tpu.memory_space<vmem>>, vector<32xbf16>,
          %bitcast3A_1101 = vector.bitcast %get3A_1100 : vector<32xbf16> to vector<16xi32>
          %shift_left3A_1102 = arith.constant 16 : i32
          %shift_left3A_1103 = vector.broadcast %shift_left3A_1102 : i32 to vector<16xi32>
          %shift_left3A_1104 = arith.shli %bitcast3A_1101, %shift_left3A_1103 : vector<16xi32>
          %bitcast3A_1105 = vector.bitcast %shift_left3A_1104 : vector<16xi32> to vector<16xf32>
          %and3A_1106 = arith.andi %bitcast3A_1101, %broadcast_in_dim3A_312 : vector<16xi32>
          %bitcast3A_1107 = vector.bitcast %and3A_1106 : vector<16xi32> to vector<16xf32>
          %get3A_1108 = arith.constant 1 : i32
          %get3A_1109 = arith.index_cast %get3A_1108 : i32 to index
          %get3A_1110 = arith.index_cast %add3A_1095 : i32 to index
          %get3A_1111 = arith.constant 32 : index
          %get3A_1112 = tpu.vector_load %arg8[%get3A_1109, %get3A_1110, %get3A_1111] {strides = array<i32>} : memref<2x256x64xbf16, #tpu.memory_space<vmem>>, vector<32xbf16>,
          %bitcast3A_1113 = vector.bitcast %get3A_1112 : vector<32xbf16> to vector<16xi32>
          %shift_left3A_1114 = arith.constant 16 : i32
          %shift_left3A_1115 = vector.broadcast %shift_left3A_1114 : i32 to vector<16xi32>
          %shift_left3A_1116 = arith.shli %bitcast3A_1113, %shift_left3A_1115 : vector<16xi32>
          %bitcast3A_1117 = vector.bitcast %shift_left3A_1116 : vector<16xi32> to vector<16xf32>
          %and3A_1118 = arith.andi %bitcast3A_1113, %broadcast_in_dim3A_312 : vector<16xi32>
          %bitcast3A_1119 = vector.bitcast %and3A_1118 : vector<16xi32> to vector<16xf32>
          %mul3A_1120 = vector.broadcast %squeeze3A_1087 : f32 to vector<16xf32>
          %mul3A_1121 = arith.mulf %mul3A_1120, %bitcast3A_1105 : vector<16xf32>
          %add3A_1122 = arith.addf %add3A_1063, %mul3A_1121 : vector<16xf32>
          %mul3A_1123 = vector.broadcast %squeeze3A_1089 : f32 to vector<16xf32>
          %mul3A_1124 = arith.mulf %mul3A_1123, %bitcast3A_1117 : vector<16xf32>
          %add3A_1125 = arith.addf %add3A_1122, %mul3A_1124 : vector<16xf32>
          %mul3A_1126 = vector.broadcast %squeeze3A_1087 : f32 to vector<16xf32>
          %mul3A_1127 = arith.mulf %mul3A_1126, %bitcast3A_1107 : vector<16xf32>
          %add3A_1128 = arith.addf %add3A_1069, %mul3A_1127 : vector<16xf32>
          %mul3A_1129 = vector.broadcast %squeeze3A_1089 : f32 to vector<16xf32>
          %mul3A_1130 = arith.mulf %mul3A_1129, %bitcast3A_1119 : vector<16xf32>
          %add3A_1131 = arith.addf %add3A_1128, %mul3A_1130 : vector<16xf32>
          %slice3A_1132 = vector.extract_strided_slice %get3A_1077 {offsets = [1], sizes = [1], strides = [1]} : vector<16xf32> to vector<1xf32>
          %squeeze3A_1133 = vector.extract %slice3A_1132[0] : f32 from vector<1xf32>
          %slice3A_1134 = vector.extract_strided_slice %get3A_1085 {offsets = [1], sizes = [1], strides = [1]} : vector<16xf32> to vector<1xf32>
          %squeeze3A_1135 = vector.extract %slice3A_1134[0] : f32 from vector<1xf32>
          %mul3A_1136 = arith.constant 16 : i32
          %mul3A_1137 = arith.muli %scan3A_319, %mul3A_1136 : i32
          %add3A_1138 = arith.constant 128 : i32
          %add3A_1139 = arith.addi %add3A_1138, %mul3A_1137 : i32
          %add3A_1140 = arith.constant 1 : i32
          %add3A_1141 = arith.addi %add3A_1139, %add3A_1140 : i32
          %get3A_1142 = arith.constant 1 : i32
          %get3A_1143 = arith.index_cast %get3A_1142 : i32 to index
          %get3A_1144 = arith.index_cast %add3A_1141 : i32 to index
          %get3A_1145 = arith.constant 0 : index
          %get3A_1146 = tpu.vector_load %arg8[%get3A_1143, %get3A_1144, %get3A_1145] {strides = array<i32>} : memref<2x256x64xbf16, #tpu.memory_space<vmem>>, vector<32xbf16>,
          %bitcast3A_1147 = vector.bitcast %get3A_1146 : vector<32xbf16> to vector<16xi32>
          %shift_left3A_1148 = arith.constant 16 : i32
          %shift_left3A_1149 = vector.broadcast %shift_left3A_1148 : i32 to vector<16xi32>
          %shift_left3A_1150 = arith.shli %bitcast3A_1147, %shift_left3A_1149 : vector<16xi32>
          %bitcast3A_1151 = vector.bitcast %shift_left3A_1150 : vector<16xi32> to vector<16xf32>
          %and3A_1152 = arith.andi %bitcast3A_1147, %broadcast_in_dim3A_312 : vector<16xi32>
          %bitcast3A_1153 = vector.bitcast %and3A_1152 : vector<16xi32> to vector<16xf32>
          %get3A_1154 = arith.constant 1 : i32
          %get3A_1155 = arith.index_cast %get3A_1154 : i32 to index
          %get3A_1156 = arith.index_cast %add3A_1141 : i32 to index
          %get3A_1157 = arith.constant 32 : index
          %get3A_1158 = tpu.vector_load %arg8[%get3A_1155, %get3A_1156, %get3A_1157] {strides = array<i32>} : memref<2x256x64xbf16, #tpu.memory_space<vmem>>, vector<32xbf16>,
          %bitcast3A_1159 = vector.bitcast %get3A_1158 : vector<32xbf16> to vector<16xi32>
          %shift_left3A_1160 = arith.constant 16 : i32
          %shift_left3A_1161 = vector.broadcast %shift_left3A_1160 : i32 to vector<16xi32>
          %shift_left3A_1162 = arith.shli %bitcast3A_1159, %shift_left3A_1161 : vector<16xi32>
          %bitcast3A_1163 = vector.bitcast %shift_left3A_1162 : vector<16xi32> to vector<16xf32>
          %and3A_1164 = arith.andi %bitcast3A_1159, %broadcast_in_dim3A_312 : vector<16xi32>
          %bitcast3A_1165 = vector.bitcast %and3A_1164 : vector<16xi32> to vector<16xf32>
          %mul3A_1166 = vector.broadcast %squeeze3A_1133 : f32 to vector<16xf32>
          %mul3A_1167 = arith.mulf %mul3A_1166, %bitcast3A_1151 : vector<16xf32>
          %add3A_1168 = arith.addf %add3A_1125, %mul3A_1167 : vector<16xf32>
          %mul3A_1169 = vector.broadcast %squeeze3A_1135 : f32 to vector<16xf32>
          %mul3A_1170 = arith.mulf %mul3A_1169, %bitcast3A_1163 : vector<16xf32>
          %add3A_1171 = arith.addf %add3A_1168, %mul3A_1170 : vector<16xf32>
          %mul3A_1172 = vector.broadcast %squeeze3A_1133 : f32 to vector<16xf32>
          %mul3A_1173 = arith.mulf %mul3A_1172, %bitcast3A_1153 : vector<16xf32>
          %add3A_1174 = arith.addf %add3A_1131, %mul3A_1173 : vector<16xf32>
          %mul3A_1175 = vector.broadcast %squeeze3A_1135 : f32 to vector<16xf32>
          %mul3A_1176 = arith.mulf %mul3A_1175, %bitcast3A_1165 : vector<16xf32>
          %add3A_1177 = arith.addf %add3A_1174, %mul3A_1176 : vector<16xf32>
          %slice3A_1178 = vector.extract_strided_slice %get3A_1077 {offsets = [2], sizes = [1], strides = [1]} : vector<16xf32> to vector<1xf32>
          %squeeze3A_1179 = vector.extract %slice3A_1178[0] : f32 from vector<1xf32>
          %slice3A_1180 = vector.extract_strided_slice %get3A_1085 {offsets = [2], sizes = [1], strides = [1]} : vector<16xf32> to vector<1xf32>
          %squeeze3A_1181 = vector.extract %slice3A_1180[0] : f32 from vector<1xf32>
          %mul3A_1182 = arith.constant 16 : i32
          %mul3A_1183 = arith.muli %scan3A_319, %mul3A_1182 : i32
          %add3A_1184 = arith.constant 128 : i32
          %add3A_1185 = arith.addi %add3A_1184, %mul3A_1183 : i32
          %add3A_1186 = arith.constant 2 : i32
          %add3A_1187 = arith.addi %add3A_1185, %add3A_1186 : i32
          %get3A_1188 = arith.constant 1 : i32
          %get3A_1189 = arith.index_cast %get3A_1188 : i32 to index
          %get3A_1190 = arith.index_cast %add3A_1187 : i32 to index
          %get3A_1191 = arith.constant 0 : index
          %get3A_1192 = tpu.vector_load %arg8[%get3A_1189, %get3A_1190, %get3A_1191] {strides = array<i32>} : memref<2x256x64xbf16, #tpu.memory_space<vmem>>, vector<32xbf16>,
          %bitcast3A_1193 = vector.bitcast %get3A_1192 : vector<32xbf16> to vector<16xi32>
          %shift_left3A_1194 = arith.constant 16 : i32
          %shift_left3A_1195 = vector.broadcast %shift_left3A_1194 : i32 to vector<16xi32>
          %shift_left3A_1196 = arith.shli %bitcast3A_1193, %shift_left3A_1195 : vector<16xi32>
          %bitcast3A_1197 = vector.bitcast %shift_left3A_1196 : vector<16xi32> to vector<16xf32>
          %and3A_1198 = arith.andi %bitcast3A_1193, %broadcast_in_dim3A_312 : vector<16xi32>
          %bitcast3A_1199 = vector.bitcast %and3A_1198 : vector<16xi32> to vector<16xf32>
          %get3A_1200 = arith.constant 1 : i32
          %get3A_1201 = arith.index_cast %get3A_1200 : i32 to index
          %get3A_1202 = arith.index_cast %add3A_1187 : i32 to index
          %get3A_1203 = arith.constant 32 : index
          %get3A_1204 = tpu.vector_load %arg8[%get3A_1201, %get3A_1202, %get3A_1203] {strides = array<i32>} : memref<2x256x64xbf16, #tpu.memory_space<vmem>>, vector<32xbf16>,
          %bitcast3A_1205 = vector.bitcast %get3A_1204 : vector<32xbf16> to vector<16xi32>
          %shift_left3A_1206 = arith.constant 16 : i32
          %shift_left3A_1207 = vector.broadcast %shift_left3A_1206 : i32 to vector<16xi32>
          %shift_left3A_1208 = arith.shli %bitcast3A_1205, %shift_left3A_1207 : vector<16xi32>
          %bitcast3A_1209 = vector.bitcast %shift_left3A_1208 : vector<16xi32> to vector<16xf32>
          %and3A_1210 = arith.andi %bitcast3A_1205, %broadcast_in_dim3A_312 : vector<16xi32>
          %bitcast3A_1211 = vector.bitcast %and3A_1210 : vector<16xi32> to vector<16xf32>
          %mul3A_1212 = vector.broadcast %squeeze3A_1179 : f32 to vector<16xf32>
          %mul3A_1213 = arith.mulf %mul3A_1212, %bitcast3A_1197 : vector<16xf32>
          %add3A_1214 = arith.addf %add3A_1171, %mul3A_1213 : vector<16xf32>
          %mul3A_1215 = vector.broadcast %squeeze3A_1181 : f32 to vector<16xf32>
          %mul3A_1216 = arith.mulf %mul3A_1215, %bitcast3A_1209 : vector<16xf32>
          %add3A_1217 = arith.addf %add3A_1214, %mul3A_1216 : vector<16xf32>
          %mul3A_1218 = vector.broadcast %squeeze3A_1179 : f32 to vector<16xf32>
          %mul3A_1219 = arith.mulf %mul3A_1218, %bitcast3A_1199 : vector<16xf32>
          %add3A_1220 = arith.addf %add3A_1177, %mul3A_1219 : vector<16xf32>
          %mul3A_1221 = vector.broadcast %squeeze3A_1181 : f32 to vector<16xf32>
          %mul3A_1222 = arith.mulf %mul3A_1221, %bitcast3A_1211 : vector<16xf32>
          %add3A_1223 = arith.addf %add3A_1220, %mul3A_1222 : vector<16xf32>
          %slice3A_1224 = vector.extract_strided_slice %get3A_1077 {offsets = [3], sizes = [1], strides = [1]} : vector<16xf32> to vector<1xf32>
          %squeeze3A_1225 = vector.extract %slice3A_1224[0] : f32 from vector<1xf32>
          %slice3A_1226 = vector.extract_strided_slice %get3A_1085 {offsets = [3], sizes = [1], strides = [1]} : vector<16xf32> to vector<1xf32>
          %squeeze3A_1227 = vector.extract %slice3A_1226[0] : f32 from vector<1xf32>
          %mul3A_1228 = arith.constant 16 : i32
          %mul3A_1229 = arith.muli %scan3A_319, %mul3A_1228 : i32
          %add3A_1230 = arith.constant 128 : i32
          %add3A_1231 = arith.addi %add3A_1230, %mul3A_1229 : i32
          %add3A_1232 = arith.constant 3 : i32
          %add3A_1233 = arith.addi %add3A_1231, %add3A_1232 : i32
          %get3A_1234 = arith.constant 1 : i32
          %get3A_1235 = arith.index_cast %get3A_1234 : i32 to index
          %get3A_1236 = arith.index_cast %add3A_1233 : i32 to index
          %get3A_1237 = arith.constant 0 : index
          %get3A_1238 = tpu.vector_load %arg8[%get3A_1235, %get3A_1236, %get3A_1237] {strides = array<i32>} : memref<2x256x64xbf16, #tpu.memory_space<vmem>>, vector<32xbf16>,
          %bitcast3A_1239 = vector.bitcast %get3A_1238 : vector<32xbf16> to vector<16xi32>
          %shift_left3A_1240 = arith.constant 16 : i32
          %shift_left3A_1241 = vector.broadcast %shift_left3A_1240 : i32 to vector<16xi32>
          %shift_left3A_1242 = arith.shli %bitcast3A_1239, %shift_left3A_1241 : vector<16xi32>
          %bitcast3A_1243 = vector.bitcast %shift_left3A_1242 : vector<16xi32> to vector<16xf32>
          %and3A_1244 = arith.andi %bitcast3A_1239, %broadcast_in_dim3A_312 : vector<16xi32>
          %bitcast3A_1245 = vector.bitcast %and3A_1244 : vector<16xi32> to vector<16xf32>
          %get3A_1246 = arith.constant 1 : i32
          %get3A_1247 = arith.index_cast %get3A_1246 : i32 to index
          %get3A_1248 = arith.index_cast %add3A_1233 : i32 to index
          %get3A_1249 = arith.constant 32 : index
          %get3A_1250 = tpu.vector_load %arg8[%get3A_1247, %get3A_1248, %get3A_1249] {strides = array<i32>} : memref<2x256x64xbf16, #tpu.memory_space<vmem>>, vector<32xbf16>,
          %bitcast3A_1251 = vector.bitcast %get3A_1250 : vector<32xbf16> to vector<16xi32>
          %shift_left3A_1252 = arith.constant 16 : i32
          %shift_left3A_1253 = vector.broadcast %shift_left3A_1252 : i32 to vector<16xi32>
          %shift_left3A_1254 = arith.shli %bitcast3A_1251, %shift_left3A_1253 : vector<16xi32>
          %bitcast3A_1255 = vector.bitcast %shift_left3A_1254 : vector<16xi32> to vector<16xf32>
          %and3A_1256 = arith.andi %bitcast3A_1251, %broadcast_in_dim3A_312 : vector<16xi32>
          %bitcast3A_1257 = vector.bitcast %and3A_1256 : vector<16xi32> to vector<16xf32>
          %mul3A_1258 = vector.broadcast %squeeze3A_1225 : f32 to vector<16xf32>
          %mul3A_1259 = arith.mulf %mul3A_1258, %bitcast3A_1243 : vector<16xf32>
          %add3A_1260 = arith.addf %add3A_1217, %mul3A_1259 : vector<16xf32>
          %mul3A_1261 = vector.broadcast %squeeze3A_1227 : f32 to vector<16xf32>
          %mul3A_1262 = arith.mulf %mul3A_1261, %bitcast3A_1255 : vector<16xf32>
          %add3A_1263 = arith.addf %add3A_1260, %mul3A_1262 : vector<16xf32>
          %mul3A_1264 = vector.broadcast %squeeze3A_1225 : f32 to vector<16xf32>
          %mul3A_1265 = arith.mulf %mul3A_1264, %bitcast3A_1245 : vector<16xf32>
          %add3A_1266 = arith.addf %add3A_1223, %mul3A_1265 : vector<16xf32>
          %mul3A_1267 = vector.broadcast %squeeze3A_1227 : f32 to vector<16xf32>
          %mul3A_1268 = arith.mulf %mul3A_1267, %bitcast3A_1257 : vector<16xf32>
          %add3A_1269 = arith.addf %add3A_1266, %mul3A_1268 : vector<16xf32>
          %slice3A_1270 = vector.extract_strided_slice %get3A_1077 {offsets = [4], sizes = [1], strides = [1]} : vector<16xf32> to vector<1xf32>
          %squeeze3A_1271 = vector.extract %slice3A_1270[0] : f32 from vector<1xf32>
          %slice3A_1272 = vector.extract_strided_slice %get3A_1085 {offsets = [4], sizes = [1], strides = [1]} : vector<16xf32> to vector<1xf32>
          %squeeze3A_1273 = vector.extract %slice3A_1272[0] : f32 from vector<1xf32>
          %mul3A_1274 = arith.constant 16 : i32
          %mul3A_1275 = arith.muli %scan3A_319, %mul3A_1274 : i32
          %add3A_1276 = arith.constant 128 : i32
          %add3A_1277 = arith.addi %add3A_1276, %mul3A_1275 : i32
          %add3A_1278 = arith.constant 4 : i32
          %add3A_1279 = arith.addi %add3A_1277, %add3A_1278 : i32
          %get3A_1280 = arith.constant 1 : i32
          %get3A_1281 = arith.index_cast %get3A_1280 : i32 to index
          %get3A_1282 = arith.index_cast %add3A_1279 : i32 to index
          %get3A_1283 = arith.constant 0 : index
          %get3A_1284 = tpu.vector_load %arg8[%get3A_1281, %get3A_1282, %get3A_1283] {strides = array<i32>} : memref<2x256x64xbf16, #tpu.memory_space<vmem>>, vector<32xbf16>,
          %bitcast3A_1285 = vector.bitcast %get3A_1284 : vector<32xbf16> to vector<16xi32>
          %shift_left3A_1286 = arith.constant 16 : i32
          %shift_left3A_1287 = vector.broadcast %shift_left3A_1286 : i32 to vector<16xi32>
          %shift_left3A_1288 = arith.shli %bitcast3A_1285, %shift_left3A_1287 : vector<16xi32>
          %bitcast3A_1289 = vector.bitcast %shift_left3A_1288 : vector<16xi32> to vector<16xf32>
          %and3A_1290 = arith.andi %bitcast3A_1285, %broadcast_in_dim3A_312 : vector<16xi32>
          %bitcast3A_1291 = vector.bitcast %and3A_1290 : vector<16xi32> to vector<16xf32>
          %get3A_1292 = arith.constant 1 : i32
          %get3A_1293 = arith.index_cast %get3A_1292 : i32 to index
          %get3A_1294 = arith.index_cast %add3A_1279 : i32 to index
          %get3A_1295 = arith.constant 32 : index
          %get3A_1296 = tpu.vector_load %arg8[%get3A_1293, %get3A_1294, %get3A_1295] {strides = array<i32>} : memref<2x256x64xbf16, #tpu.memory_space<vmem>>, vector<32xbf16>,
          %bitcast3A_1297 = vector.bitcast %get3A_1296 : vector<32xbf16> to vector<16xi32>
          %shift_left3A_1298 = arith.constant 16 : i32
          %shift_left3A_1299 = vector.broadcast %shift_left3A_1298 : i32 to vector<16xi32>
          %shift_left3A_1300 = arith.shli %bitcast3A_1297, %shift_left3A_1299 : vector<16xi32>
          %bitcast3A_1301 = vector.bitcast %shift_left3A_1300 : vector<16xi32> to vector<16xf32>
          %and3A_1302 = arith.andi %bitcast3A_1297, %broadcast_in_dim3A_312 : vector<16xi32>
          %bitcast3A_1303 = vector.bitcast %and3A_1302 : vector<16xi32> to vector<16xf32>
          %mul3A_1304 = vector.broadcast %squeeze3A_1271 : f32 to vector<16xf32>
          %mul3A_1305 = arith.mulf %mul3A_1304, %bitcast3A_1289 : vector<16xf32>
          %add3A_1306 = arith.addf %add3A_1263, %mul3A_1305 : vector<16xf32>
          %mul3A_1307 = vector.broadcast %squeeze3A_1273 : f32 to vector<16xf32>
          %mul3A_1308 = arith.mulf %mul3A_1307, %bitcast3A_1301 : vector<16xf32>
          %add3A_1309 = arith.addf %add3A_1306, %mul3A_1308 : vector<16xf32>
          %mul3A_1310 = vector.broadcast %squeeze3A_1271 : f32 to vector<16xf32>
          %mul3A_1311 = arith.mulf %mul3A_1310, %bitcast3A_1291 : vector<16xf32>
          %add3A_1312 = arith.addf %add3A_1269, %mul3A_1311 : vector<16xf32>
          %mul3A_1313 = vector.broadcast %squeeze3A_1273 : f32 to vector<16xf32>
          %mul3A_1314 = arith.mulf %mul3A_1313, %bitcast3A_1303 : vector<16xf32>
          %add3A_1315 = arith.addf %add3A_1312, %mul3A_1314 : vector<16xf32>
          %slice3A_1316 = vector.extract_strided_slice %get3A_1077 {offsets = [5], sizes = [1], strides = [1]} : vector<16xf32> to vector<1xf32>
          %squeeze3A_1317 = vector.extract %slice3A_1316[0] : f32 from vector<1xf32>
          %slice3A_1318 = vector.extract_strided_slice %get3A_1085 {offsets = [5], sizes = [1], strides = [1]} : vector<16xf32> to vector<1xf32>
          %squeeze3A_1319 = vector.extract %slice3A_1318[0] : f32 from vector<1xf32>
          %mul3A_1320 = arith.constant 16 : i32
          %mul3A_1321 = arith.muli %scan3A_319, %mul3A_1320 : i32
          %add3A_1322 = arith.constant 128 : i32
          %add3A_1323 = arith.addi %add3A_1322, %mul3A_1321 : i32
          %add3A_1324 = arith.constant 5 : i32
          %add3A_1325 = arith.addi %add3A_1323, %add3A_1324 : i32
          %get3A_1326 = arith.constant 1 : i32
          %get3A_1327 = arith.index_cast %get3A_1326 : i32 to index
          %get3A_1328 = arith.index_cast %add3A_1325 : i32 to index
          %get3A_1329 = arith.constant 0 : index
          %get3A_1330 = tpu.vector_load %arg8[%get3A_1327, %get3A_1328, %get3A_1329] {strides = array<i32>} : memref<2x256x64xbf16, #tpu.memory_space<vmem>>, vector<32xbf16>,
          %bitcast3A_1331 = vector.bitcast %get3A_1330 : vector<32xbf16> to vector<16xi32>
          %shift_left3A_1332 = arith.constant 16 : i32
          %shift_left3A_1333 = vector.broadcast %shift_left3A_1332 : i32 to vector<16xi32>
          %shift_left3A_1334 = arith.shli %bitcast3A_1331, %shift_left3A_1333 : vector<16xi32>
          %bitcast3A_1335 = vector.bitcast %shift_left3A_1334 : vector<16xi32> to vector<16xf32>
          %and3A_1336 = arith.andi %bitcast3A_1331, %broadcast_in_dim3A_312 : vector<16xi32>
          %bitcast3A_1337 = vector.bitcast %and3A_1336 : vector<16xi32> to vector<16xf32>
          %get3A_1338 = arith.constant 1 : i32
          %get3A_1339 = arith.index_cast %get3A_1338 : i32 to index
          %get3A_1340 = arith.index_cast %add3A_1325 : i32 to index
          %get3A_1341 = arith.constant 32 : index
          %get3A_1342 = tpu.vector_load %arg8[%get3A_1339, %get3A_1340, %get3A_1341] {strides = array<i32>} : memref<2x256x64xbf16, #tpu.memory_space<vmem>>, vector<32xbf16>,
          %bitcast3A_1343 = vector.bitcast %get3A_1342 : vector<32xbf16> to vector<16xi32>
          %shift_left3A_1344 = arith.constant 16 : i32
          %shift_left3A_1345 = vector.broadcast %shift_left3A_1344 : i32 to vector<16xi32>
          %shift_left3A_1346 = arith.shli %bitcast3A_1343, %shift_left3A_1345 : vector<16xi32>
          %bitcast3A_1347 = vector.bitcast %shift_left3A_1346 : vector<16xi32> to vector<16xf32>
          %and3A_1348 = arith.andi %bitcast3A_1343, %broadcast_in_dim3A_312 : vector<16xi32>
          %bitcast3A_1349 = vector.bitcast %and3A_1348 : vector<16xi32> to vector<16xf32>
          %mul3A_1350 = vector.broadcast %squeeze3A_1317 : f32 to vector<16xf32>
          %mul3A_1351 = arith.mulf %mul3A_1350, %bitcast3A_1335 : vector<16xf32>
          %add3A_1352 = arith.addf %add3A_1309, %mul3A_1351 : vector<16xf32>
          %mul3A_1353 = vector.broadcast %squeeze3A_1319 : f32 to vector<16xf32>
          %mul3A_1354 = arith.mulf %mul3A_1353, %bitcast3A_1347 : vector<16xf32>
          %add3A_1355 = arith.addf %add3A_1352, %mul3A_1354 : vector<16xf32>
          %mul3A_1356 = vector.broadcast %squeeze3A_1317 : f32 to vector<16xf32>
          %mul3A_1357 = arith.mulf %mul3A_1356, %bitcast3A_1337 : vector<16xf32>
          %add3A_1358 = arith.addf %add3A_1315, %mul3A_1357 : vector<16xf32>
          %mul3A_1359 = vector.broadcast %squeeze3A_1319 : f32 to vector<16xf32>
          %mul3A_1360 = arith.mulf %mul3A_1359, %bitcast3A_1349 : vector<16xf32>
          %add3A_1361 = arith.addf %add3A_1358, %mul3A_1360 : vector<16xf32>
          %slice3A_1362 = vector.extract_strided_slice %get3A_1077 {offsets = [6], sizes = [1], strides = [1]} : vector<16xf32> to vector<1xf32>
          %squeeze3A_1363 = vector.extract %slice3A_1362[0] : f32 from vector<1xf32>
          %slice3A_1364 = vector.extract_strided_slice %get3A_1085 {offsets = [6], sizes = [1], strides = [1]} : vector<16xf32> to vector<1xf32>
          %squeeze3A_1365 = vector.extract %slice3A_1364[0] : f32 from vector<1xf32>
          %mul3A_1366 = arith.constant 16 : i32
          %mul3A_1367 = arith.muli %scan3A_319, %mul3A_1366 : i32
          %add3A_1368 = arith.constant 128 : i32
          %add3A_1369 = arith.addi %add3A_1368, %mul3A_1367 : i32
          %add3A_1370 = arith.constant 6 : i32
          %add3A_1371 = arith.addi %add3A_1369, %add3A_1370 : i32
          %get3A_1372 = arith.constant 1 : i32
          %get3A_1373 = arith.index_cast %get3A_1372 : i32 to index
          %get3A_1374 = arith.index_cast %add3A_1371 : i32 to index
          %get3A_1375 = arith.constant 0 : index
          %get3A_1376 = tpu.vector_load %arg8[%get3A_1373, %get3A_1374, %get3A_1375] {strides = array<i32>} : memref<2x256x64xbf16, #tpu.memory_space<vmem>>, vector<32xbf16>,
          %bitcast3A_1377 = vector.bitcast %get3A_1376 : vector<32xbf16> to vector<16xi32>
          %shift_left3A_1378 = arith.constant 16 : i32
          %shift_left3A_1379 = vector.broadcast %shift_left3A_1378 : i32 to vector<16xi32>
          %shift_left3A_1380 = arith.shli %bitcast3A_1377, %shift_left3A_1379 : vector<16xi32>
          %bitcast3A_1381 = vector.bitcast %shift_left3A_1380 : vector<16xi32> to vector<16xf32>
          %and3A_1382 = arith.andi %bitcast3A_1377, %broadcast_in_dim3A_312 : vector<16xi32>
          %bitcast3A_1383 = vector.bitcast %and3A_1382 : vector<16xi32> to vector<16xf32>
          %get3A_1384 = arith.constant 1 : i32
          %get3A_1385 = arith.index_cast %get3A_1384 : i32 to index
          %get3A_1386 = arith.index_cast %add3A_1371 : i32 to index
          %get3A_1387 = arith.constant 32 : index
          %get3A_1388 = tpu.vector_load %arg8[%get3A_1385, %get3A_1386, %get3A_1387] {strides = array<i32>} : memref<2x256x64xbf16, #tpu.memory_space<vmem>>, vector<32xbf16>,
          %bitcast3A_1389 = vector.bitcast %get3A_1388 : vector<32xbf16> to vector<16xi32>
          %shift_left3A_1390 = arith.constant 16 : i32
          %shift_left3A_1391 = vector.broadcast %shift_left3A_1390 : i32 to vector<16xi32>
          %shift_left3A_1392 = arith.shli %bitcast3A_1389, %shift_left3A_1391 : vector<16xi32>
          %bitcast3A_1393 = vector.bitcast %shift_left3A_1392 : vector<16xi32> to vector<16xf32>
          %and3A_1394 = arith.andi %bitcast3A_1389, %broadcast_in_dim3A_312 : vector<16xi32>
          %bitcast3A_1395 = vector.bitcast %and3A_1394 : vector<16xi32> to vector<16xf32>
          %mul3A_1396 = vector.broadcast %squeeze3A_1363 : f32 to vector<16xf32>
          %mul3A_1397 = arith.mulf %mul3A_1396, %bitcast3A_1381 : vector<16xf32>
          %add3A_1398 = arith.addf %add3A_1355, %mul3A_1397 : vector<16xf32>
          %mul3A_1399 = vector.broadcast %squeeze3A_1365 : f32 to vector<16xf32>
          %mul3A_1400 = arith.mulf %mul3A_1399, %bitcast3A_1393 : vector<16xf32>
          %add3A_1401 = arith.addf %add3A_1398, %mul3A_1400 : vector<16xf32>
          %mul3A_1402 = vector.broadcast %squeeze3A_1363 : f32 to vector<16xf32>
          %mul3A_1403 = arith.mulf %mul3A_1402, %bitcast3A_1383 : vector<16xf32>
          %add3A_1404 = arith.addf %add3A_1361, %mul3A_1403 : vector<16xf32>
          %mul3A_1405 = vector.broadcast %squeeze3A_1365 : f32 to vector<16xf32>
          %mul3A_1406 = arith.mulf %mul3A_1405, %bitcast3A_1395 : vector<16xf32>
          %add3A_1407 = arith.addf %add3A_1404, %mul3A_1406 : vector<16xf32>
          %slice3A_1408 = vector.extract_strided_slice %get3A_1077 {offsets = [7], sizes = [1], strides = [1]} : vector<16xf32> to vector<1xf32>
          %squeeze3A_1409 = vector.extract %slice3A_1408[0] : f32 from vector<1xf32>
          %slice3A_1410 = vector.extract_strided_slice %get3A_1085 {offsets = [7], sizes = [1], strides = [1]} : vector<16xf32> to vector<1xf32>
          %squeeze3A_1411 = vector.extract %slice3A_1410[0] : f32 from vector<1xf32>
          %mul3A_1412 = arith.constant 16 : i32
          %mul3A_1413 = arith.muli %scan3A_319, %mul3A_1412 : i32
          %add3A_1414 = arith.constant 128 : i32
          %add3A_1415 = arith.addi %add3A_1414, %mul3A_1413 : i32
          %add3A_1416 = arith.constant 7 : i32
          %add3A_1417 = arith.addi %add3A_1415, %add3A_1416 : i32
          %get3A_1418 = arith.constant 1 : i32
          %get3A_1419 = arith.index_cast %get3A_1418 : i32 to index
          %get3A_1420 = arith.index_cast %add3A_1417 : i32 to index
          %get3A_1421 = arith.constant 0 : index
          %get3A_1422 = tpu.vector_load %arg8[%get3A_1419, %get3A_1420, %get3A_1421] {strides = array<i32>} : memref<2x256x64xbf16, #tpu.memory_space<vmem>>, vector<32xbf16>,
          %bitcast3A_1423 = vector.bitcast %get3A_1422 : vector<32xbf16> to vector<16xi32>
          %shift_left3A_1424 = arith.constant 16 : i32
          %shift_left3A_1425 = vector.broadcast %shift_left3A_1424 : i32 to vector<16xi32>
          %shift_left3A_1426 = arith.shli %bitcast3A_1423, %shift_left3A_1425 : vector<16xi32>
          %bitcast3A_1427 = vector.bitcast %shift_left3A_1426 : vector<16xi32> to vector<16xf32>
          %and3A_1428 = arith.andi %bitcast3A_1423, %broadcast_in_dim3A_312 : vector<16xi32>
          %bitcast3A_1429 = vector.bitcast %and3A_1428 : vector<16xi32> to vector<16xf32>
          %get3A_1430 = arith.constant 1 : i32
          %get3A_1431 = arith.index_cast %get3A_1430 : i32 to index
          %get3A_1432 = arith.index_cast %add3A_1417 : i32 to index
          %get3A_1433 = arith.constant 32 : index
          %get3A_1434 = tpu.vector_load %arg8[%get3A_1431, %get3A_1432, %get3A_1433] {strides = array<i32>} : memref<2x256x64xbf16, #tpu.memory_space<vmem>>, vector<32xbf16>,
          %bitcast3A_1435 = vector.bitcast %get3A_1434 : vector<32xbf16> to vector<16xi32>
          %shift_left3A_1436 = arith.constant 16 : i32
          %shift_left3A_1437 = vector.broadcast %shift_left3A_1436 : i32 to vector<16xi32>
          %shift_left3A_1438 = arith.shli %bitcast3A_1435, %shift_left3A_1437 : vector<16xi32>
          %bitcast3A_1439 = vector.bitcast %shift_left3A_1438 : vector<16xi32> to vector<16xf32>
          %and3A_1440 = arith.andi %bitcast3A_1435, %broadcast_in_dim3A_312 : vector<16xi32>
          %bitcast3A_1441 = vector.bitcast %and3A_1440 : vector<16xi32> to vector<16xf32>
          %mul3A_1442 = vector.broadcast %squeeze3A_1409 : f32 to vector<16xf32>
          %mul3A_1443 = arith.mulf %mul3A_1442, %bitcast3A_1427 : vector<16xf32>
          %add3A_1444 = arith.addf %add3A_1401, %mul3A_1443 : vector<16xf32>
          %mul3A_1445 = vector.broadcast %squeeze3A_1411 : f32 to vector<16xf32>
          %mul3A_1446 = arith.mulf %mul3A_1445, %bitcast3A_1439 : vector<16xf32>
          %add3A_1447 = arith.addf %add3A_1444, %mul3A_1446 : vector<16xf32>
          %mul3A_1448 = vector.broadcast %squeeze3A_1409 : f32 to vector<16xf32>
          %mul3A_1449 = arith.mulf %mul3A_1448, %bitcast3A_1429 : vector<16xf32>
          %add3A_1450 = arith.addf %add3A_1407, %mul3A_1449 : vector<16xf32>
          %mul3A_1451 = vector.broadcast %squeeze3A_1411 : f32 to vector<16xf32>
          %mul3A_1452 = arith.mulf %mul3A_1451, %bitcast3A_1441 : vector<16xf32>
          %add3A_1453 = arith.addf %add3A_1450, %mul3A_1452 : vector<16xf32>
          %slice3A_1454 = vector.extract_strided_slice %get3A_1077 {offsets = [8], sizes = [1], strides = [1]} : vector<16xf32> to vector<1xf32>
          %squeeze3A_1455 = vector.extract %slice3A_1454[0] : f32 from vector<1xf32>
          %slice3A_1456 = vector.extract_strided_slice %get3A_1085 {offsets = [8], sizes = [1], strides = [1]} : vector<16xf32> to vector<1xf32>
          %squeeze3A_1457 = vector.extract %slice3A_1456[0] : f32 from vector<1xf32>
          %mul3A_1458 = arith.constant 16 : i32
          %mul3A_1459 = arith.muli %scan3A_319, %mul3A_1458 : i32
          %add3A_1460 = arith.constant 128 : i32
          %add3A_1461 = arith.addi %add3A_1460, %mul3A_1459 : i32
          %add3A_1462 = arith.constant 8 : i32
          %add3A_1463 = arith.addi %add3A_1461, %add3A_1462 : i32
          %get3A_1464 = arith.constant 1 : i32
          %get3A_1465 = arith.index_cast %get3A_1464 : i32 to index
          %get3A_1466 = arith.index_cast %add3A_1463 : i32 to index
          %get3A_1467 = arith.constant 0 : index
          %get3A_1468 = tpu.vector_load %arg8[%get3A_1465, %get3A_1466, %get3A_1467] {strides = array<i32>} : memref<2x256x64xbf16, #tpu.memory_space<vmem>>, vector<32xbf16>,
          %bitcast3A_1469 = vector.bitcast %get3A_1468 : vector<32xbf16> to vector<16xi32>
          %shift_left3A_1470 = arith.constant 16 : i32
          %shift_left3A_1471 = vector.broadcast %shift_left3A_1470 : i32 to vector<16xi32>
          %shift_left3A_1472 = arith.shli %bitcast3A_1469, %shift_left3A_1471 : vector<16xi32>
          %bitcast3A_1473 = vector.bitcast %shift_left3A_1472 : vector<16xi32> to vector<16xf32>
          %and3A_1474 = arith.andi %bitcast3A_1469, %broadcast_in_dim3A_312 : vector<16xi32>
          %bitcast3A_1475 = vector.bitcast %and3A_1474 : vector<16xi32> to vector<16xf32>
          %get3A_1476 = arith.constant 1 : i32
          %get3A_1477 = arith.index_cast %get3A_1476 : i32 to index
          %get3A_1478 = arith.index_cast %add3A_1463 : i32 to index
          %get3A_1479 = arith.constant 32 : index
          %get3A_1480 = tpu.vector_load %arg8[%get3A_1477, %get3A_1478, %get3A_1479] {strides = array<i32>} : memref<2x256x64xbf16, #tpu.memory_space<vmem>>, vector<32xbf16>,
          %bitcast3A_1481 = vector.bitcast %get3A_1480 : vector<32xbf16> to vector<16xi32>
          %shift_left3A_1482 = arith.constant 16 : i32
          %shift_left3A_1483 = vector.broadcast %shift_left3A_1482 : i32 to vector<16xi32>
          %shift_left3A_1484 = arith.shli %bitcast3A_1481, %shift_left3A_1483 : vector<16xi32>
          %bitcast3A_1485 = vector.bitcast %shift_left3A_1484 : vector<16xi32> to vector<16xf32>
          %and3A_1486 = arith.andi %bitcast3A_1481, %broadcast_in_dim3A_312 : vector<16xi32>
          %bitcast3A_1487 = vector.bitcast %and3A_1486 : vector<16xi32> to vector<16xf32>
          %mul3A_1488 = vector.broadcast %squeeze3A_1455 : f32 to vector<16xf32>
          %mul3A_1489 = arith.mulf %mul3A_1488, %bitcast3A_1473 : vector<16xf32>
          %add3A_1490 = arith.addf %add3A_1447, %mul3A_1489 : vector<16xf32>
          %mul3A_1491 = vector.broadcast %squeeze3A_1457 : f32 to vector<16xf32>
          %mul3A_1492 = arith.mulf %mul3A_1491, %bitcast3A_1485 : vector<16xf32>
          %add3A_1493 = arith.addf %add3A_1490, %mul3A_1492 : vector<16xf32>
          %mul3A_1494 = vector.broadcast %squeeze3A_1455 : f32 to vector<16xf32>
          %mul3A_1495 = arith.mulf %mul3A_1494, %bitcast3A_1475 : vector<16xf32>
          %add3A_1496 = arith.addf %add3A_1453, %mul3A_1495 : vector<16xf32>
          %mul3A_1497 = vector.broadcast %squeeze3A_1457 : f32 to vector<16xf32>
          %mul3A_1498 = arith.mulf %mul3A_1497, %bitcast3A_1487 : vector<16xf32>
          %add3A_1499 = arith.addf %add3A_1496, %mul3A_1498 : vector<16xf32>
          %slice3A_1500 = vector.extract_strided_slice %get3A_1077 {offsets = [9], sizes = [1], strides = [1]} : vector<16xf32> to vector<1xf32>
          %squeeze3A_1501 = vector.extract %slice3A_1500[0] : f32 from vector<1xf32>
          %slice3A_1502 = vector.extract_strided_slice %get3A_1085 {offsets = [9], sizes = [1], strides = [1]} : vector<16xf32> to vector<1xf32>
          %squeeze3A_1503 = vector.extract %slice3A_1502[0] : f32 from vector<1xf32>
          %mul3A_1504 = arith.constant 16 : i32
          %mul3A_1505 = arith.muli %scan3A_319, %mul3A_1504 : i32
          %add3A_1506 = arith.constant 128 : i32
          %add3A_1507 = arith.addi %add3A_1506, %mul3A_1505 : i32
          %add3A_1508 = arith.constant 9 : i32
          %add3A_1509 = arith.addi %add3A_1507, %add3A_1508 : i32
          %get3A_1510 = arith.constant 1 : i32
          %get3A_1511 = arith.index_cast %get3A_1510 : i32 to index
          %get3A_1512 = arith.index_cast %add3A_1509 : i32 to index
          %get3A_1513 = arith.constant 0 : index
          %get3A_1514 = tpu.vector_load %arg8[%get3A_1511, %get3A_1512, %get3A_1513] {strides = array<i32>} : memref<2x256x64xbf16, #tpu.memory_space<vmem>>, vector<32xbf16>,
          %bitcast3A_1515 = vector.bitcast %get3A_1514 : vector<32xbf16> to vector<16xi32>
          %shift_left3A_1516 = arith.constant 16 : i32
          %shift_left3A_1517 = vector.broadcast %shift_left3A_1516 : i32 to vector<16xi32>
          %shift_left3A_1518 = arith.shli %bitcast3A_1515, %shift_left3A_1517 : vector<16xi32>
          %bitcast3A_1519 = vector.bitcast %shift_left3A_1518 : vector<16xi32> to vector<16xf32>
          %and3A_1520 = arith.andi %bitcast3A_1515, %broadcast_in_dim3A_312 : vector<16xi32>
          %bitcast3A_1521 = vector.bitcast %and3A_1520 : vector<16xi32> to vector<16xf32>
          %get3A_1522 = arith.constant 1 : i32
          %get3A_1523 = arith.index_cast %get3A_1522 : i32 to index
          %get3A_1524 = arith.index_cast %add3A_1509 : i32 to index
          %get3A_1525 = arith.constant 32 : index
          %get3A_1526 = tpu.vector_load %arg8[%get3A_1523, %get3A_1524, %get3A_1525] {strides = array<i32>} : memref<2x256x64xbf16, #tpu.memory_space<vmem>>, vector<32xbf16>,
          %bitcast3A_1527 = vector.bitcast %get3A_1526 : vector<32xbf16> to vector<16xi32>
          %shift_left3A_1528 = arith.constant 16 : i32
          %shift_left3A_1529 = vector.broadcast %shift_left3A_1528 : i32 to vector<16xi32>
          %shift_left3A_1530 = arith.shli %bitcast3A_1527, %shift_left3A_1529 : vector<16xi32>
          %bitcast3A_1531 = vector.bitcast %shift_left3A_1530 : vector<16xi32> to vector<16xf32>
          %and3A_1532 = arith.andi %bitcast3A_1527, %broadcast_in_dim3A_312 : vector<16xi32>
          %bitcast3A_1533 = vector.bitcast %and3A_1532 : vector<16xi32> to vector<16xf32>
          %mul3A_1534 = vector.broadcast %squeeze3A_1501 : f32 to vector<16xf32>
          %mul3A_1535 = arith.mulf %mul3A_1534, %bitcast3A_1519 : vector<16xf32>
          %add3A_1536 = arith.addf %add3A_1493, %mul3A_1535 : vector<16xf32>
          %mul3A_1537 = vector.broadcast %squeeze3A_1503 : f32 to vector<16xf32>
          %mul3A_1538 = arith.mulf %mul3A_1537, %bitcast3A_1531 : vector<16xf32>
          %add3A_1539 = arith.addf %add3A_1536, %mul3A_1538 : vector<16xf32>
          %mul3A_1540 = vector.broadcast %squeeze3A_1501 : f32 to vector<16xf32>
          %mul3A_1541 = arith.mulf %mul3A_1540, %bitcast3A_1521 : vector<16xf32>
          %add3A_1542 = arith.addf %add3A_1499, %mul3A_1541 : vector<16xf32>
          %mul3A_1543 = vector.broadcast %squeeze3A_1503 : f32 to vector<16xf32>
          %mul3A_1544 = arith.mulf %mul3A_1543, %bitcast3A_1533 : vector<16xf32>
          %add3A_1545 = arith.addf %add3A_1542, %mul3A_1544 : vector<16xf32>
          %slice3A_1546 = vector.extract_strided_slice %get3A_1077 {offsets = [10], sizes = [1], strides = [1]} : vector<16xf32> to vector<1xf32>
          %squeeze3A_1547 = vector.extract %slice3A_1546[0] : f32 from vector<1xf32>
          %slice3A_1548 = vector.extract_strided_slice %get3A_1085 {offsets = [10], sizes = [1], strides = [1]} : vector<16xf32> to vector<1xf32>
          %squeeze3A_1549 = vector.extract %slice3A_1548[0] : f32 from vector<1xf32>
          %mul3A_1550 = arith.constant 16 : i32
          %mul3A_1551 = arith.muli %scan3A_319, %mul3A_1550 : i32
          %add3A_1552 = arith.constant 128 : i32
          %add3A_1553 = arith.addi %add3A_1552, %mul3A_1551 : i32
          %add3A_1554 = arith.constant 10 : i32
          %add3A_1555 = arith.addi %add3A_1553, %add3A_1554 : i32
          %get3A_1556 = arith.constant 1 : i32
          %get3A_1557 = arith.index_cast %get3A_1556 : i32 to index
          %get3A_1558 = arith.index_cast %add3A_1555 : i32 to index
          %get3A_1559 = arith.constant 0 : index
          %get3A_1560 = tpu.vector_load %arg8[%get3A_1557, %get3A_1558, %get3A_1559] {strides = array<i32>} : memref<2x256x64xbf16, #tpu.memory_space<vmem>>, vector<32xbf16>,
          %bitcast3A_1561 = vector.bitcast %get3A_1560 : vector<32xbf16> to vector<16xi32>
          %shift_left3A_1562 = arith.constant 16 : i32
          %shift_left3A_1563 = vector.broadcast %shift_left3A_1562 : i32 to vector<16xi32>
          %shift_left3A_1564 = arith.shli %bitcast3A_1561, %shift_left3A_1563 : vector<16xi32>
          %bitcast3A_1565 = vector.bitcast %shift_left3A_1564 : vector<16xi32> to vector<16xf32>
          %and3A_1566 = arith.andi %bitcast3A_1561, %broadcast_in_dim3A_312 : vector<16xi32>
          %bitcast3A_1567 = vector.bitcast %and3A_1566 : vector<16xi32> to vector<16xf32>
          %get3A_1568 = arith.constant 1 : i32
          %get3A_1569 = arith.index_cast %get3A_1568 : i32 to index
          %get3A_1570 = arith.index_cast %add3A_1555 : i32 to index
          %get3A_1571 = arith.constant 32 : index
          %get3A_1572 = tpu.vector_load %arg8[%get3A_1569, %get3A_1570, %get3A_1571] {strides = array<i32>} : memref<2x256x64xbf16, #tpu.memory_space<vmem>>, vector<32xbf16>,
          %bitcast3A_1573 = vector.bitcast %get3A_1572 : vector<32xbf16> to vector<16xi32>
          %shift_left3A_1574 = arith.constant 16 : i32
          %shift_left3A_1575 = vector.broadcast %shift_left3A_1574 : i32 to vector<16xi32>
          %shift_left3A_1576 = arith.shli %bitcast3A_1573, %shift_left3A_1575 : vector<16xi32>
          %bitcast3A_1577 = vector.bitcast %shift_left3A_1576 : vector<16xi32> to vector<16xf32>
          %and3A_1578 = arith.andi %bitcast3A_1573, %broadcast_in_dim3A_312 : vector<16xi32>
          %bitcast3A_1579 = vector.bitcast %and3A_1578 : vector<16xi32> to vector<16xf32>
          %mul3A_1580 = vector.broadcast %squeeze3A_1547 : f32 to vector<16xf32>
          %mul3A_1581 = arith.mulf %mul3A_1580, %bitcast3A_1565 : vector<16xf32>
          %add3A_1582 = arith.addf %add3A_1539, %mul3A_1581 : vector<16xf32>
          %mul3A_1583 = vector.broadcast %squeeze3A_1549 : f32 to vector<16xf32>
          %mul3A_1584 = arith.mulf %mul3A_1583, %bitcast3A_1577 : vector<16xf32>
          %add3A_1585 = arith.addf %add3A_1582, %mul3A_1584 : vector<16xf32>
          %mul3A_1586 = vector.broadcast %squeeze3A_1547 : f32 to vector<16xf32>
          %mul3A_1587 = arith.mulf %mul3A_1586, %bitcast3A_1567 : vector<16xf32>
          %add3A_1588 = arith.addf %add3A_1545, %mul3A_1587 : vector<16xf32>
          %mul3A_1589 = vector.broadcast %squeeze3A_1549 : f32 to vector<16xf32>
          %mul3A_1590 = arith.mulf %mul3A_1589, %bitcast3A_1579 : vector<16xf32>
          %add3A_1591 = arith.addf %add3A_1588, %mul3A_1590 : vector<16xf32>
          %slice3A_1592 = vector.extract_strided_slice %get3A_1077 {offsets = [11], sizes = [1], strides = [1]} : vector<16xf32> to vector<1xf32>
          %squeeze3A_1593 = vector.extract %slice3A_1592[0] : f32 from vector<1xf32>
          %slice3A_1594 = vector.extract_strided_slice %get3A_1085 {offsets = [11], sizes = [1], strides = [1]} : vector<16xf32> to vector<1xf32>
          %squeeze3A_1595 = vector.extract %slice3A_1594[0] : f32 from vector<1xf32>
          %mul3A_1596 = arith.constant 16 : i32
          %mul3A_1597 = arith.muli %scan3A_319, %mul3A_1596 : i32
          %add3A_1598 = arith.constant 128 : i32
          %add3A_1599 = arith.addi %add3A_1598, %mul3A_1597 : i32
          %add3A_1600 = arith.constant 11 : i32
          %add3A_1601 = arith.addi %add3A_1599, %add3A_1600 : i32
          %get3A_1602 = arith.constant 1 : i32
          %get3A_1603 = arith.index_cast %get3A_1602 : i32 to index
          %get3A_1604 = arith.index_cast %add3A_1601 : i32 to index
          %get3A_1605 = arith.constant 0 : index
          %get3A_1606 = tpu.vector_load %arg8[%get3A_1603, %get3A_1604, %get3A_1605] {strides = array<i32>} : memref<2x256x64xbf16, #tpu.memory_space<vmem>>, vector<32xbf16>,
          %bitcast3A_1607 = vector.bitcast %get3A_1606 : vector<32xbf16> to vector<16xi32>
          %shift_left3A_1608 = arith.constant 16 : i32
          %shift_left3A_1609 = vector.broadcast %shift_left3A_1608 : i32 to vector<16xi32>
          %shift_left3A_1610 = arith.shli %bitcast3A_1607, %shift_left3A_1609 : vector<16xi32>
          %bitcast3A_1611 = vector.bitcast %shift_left3A_1610 : vector<16xi32> to vector<16xf32>
          %and3A_1612 = arith.andi %bitcast3A_1607, %broadcast_in_dim3A_312 : vector<16xi32>
          %bitcast3A_1613 = vector.bitcast %and3A_1612 : vector<16xi32> to vector<16xf32>
          %get3A_1614 = arith.constant 1 : i32
          %get3A_1615 = arith.index_cast %get3A_1614 : i32 to index
          %get3A_1616 = arith.index_cast %add3A_1601 : i32 to index
          %get3A_1617 = arith.constant 32 : index
          %get3A_1618 = tpu.vector_load %arg8[%get3A_1615, %get3A_1616, %get3A_1617] {strides = array<i32>} : memref<2x256x64xbf16, #tpu.memory_space<vmem>>, vector<32xbf16>,
          %bitcast3A_1619 = vector.bitcast %get3A_1618 : vector<32xbf16> to vector<16xi32>
          %shift_left3A_1620 = arith.constant 16 : i32
          %shift_left3A_1621 = vector.broadcast %shift_left3A_1620 : i32 to vector<16xi32>
          %shift_left3A_1622 = arith.shli %bitcast3A_1619, %shift_left3A_1621 : vector<16xi32>
          %bitcast3A_1623 = vector.bitcast %shift_left3A_1622 : vector<16xi32> to vector<16xf32>
          %and3A_1624 = arith.andi %bitcast3A_1619, %broadcast_in_dim3A_312 : vector<16xi32>
          %bitcast3A_1625 = vector.bitcast %and3A_1624 : vector<16xi32> to vector<16xf32>
          %mul3A_1626 = vector.broadcast %squeeze3A_1593 : f32 to vector<16xf32>
          %mul3A_1627 = arith.mulf %mul3A_1626, %bitcast3A_1611 : vector<16xf32>
          %add3A_1628 = arith.addf %add3A_1585, %mul3A_1627 : vector<16xf32>
          %mul3A_1629 = vector.broadcast %squeeze3A_1595 : f32 to vector<16xf32>
          %mul3A_1630 = arith.mulf %mul3A_1629, %bitcast3A_1623 : vector<16xf32>
          %add3A_1631 = arith.addf %add3A_1628, %mul3A_1630 : vector<16xf32>
          %mul3A_1632 = vector.broadcast %squeeze3A_1593 : f32 to vector<16xf32>
          %mul3A_1633 = arith.mulf %mul3A_1632, %bitcast3A_1613 : vector<16xf32>
          %add3A_1634 = arith.addf %add3A_1591, %mul3A_1633 : vector<16xf32>
          %mul3A_1635 = vector.broadcast %squeeze3A_1595 : f32 to vector<16xf32>
          %mul3A_1636 = arith.mulf %mul3A_1635, %bitcast3A_1625 : vector<16xf32>
          %add3A_1637 = arith.addf %add3A_1634, %mul3A_1636 : vector<16xf32>
          %slice3A_1638 = vector.extract_strided_slice %get3A_1077 {offsets = [12], sizes = [1], strides = [1]} : vector<16xf32> to vector<1xf32>
          %squeeze3A_1639 = vector.extract %slice3A_1638[0] : f32 from vector<1xf32>
          %slice3A_1640 = vector.extract_strided_slice %get3A_1085 {offsets = [12], sizes = [1], strides = [1]} : vector<16xf32> to vector<1xf32>
          %squeeze3A_1641 = vector.extract %slice3A_1640[0] : f32 from vector<1xf32>
          %mul3A_1642 = arith.constant 16 : i32
          %mul3A_1643 = arith.muli %scan3A_319, %mul3A_1642 : i32
          %add3A_1644 = arith.constant 128 : i32
          %add3A_1645 = arith.addi %add3A_1644, %mul3A_1643 : i32
          %add3A_1646 = arith.constant 12 : i32
          %add3A_1647 = arith.addi %add3A_1645, %add3A_1646 : i32
          %get3A_1648 = arith.constant 1 : i32
          %get3A_1649 = arith.index_cast %get3A_1648 : i32 to index
          %get3A_1650 = arith.index_cast %add3A_1647 : i32 to index
          %get3A_1651 = arith.constant 0 : index
          %get3A_1652 = tpu.vector_load %arg8[%get3A_1649, %get3A_1650, %get3A_1651] {strides = array<i32>} : memref<2x256x64xbf16, #tpu.memory_space<vmem>>, vector<32xbf16>,
          %bitcast3A_1653 = vector.bitcast %get3A_1652 : vector<32xbf16> to vector<16xi32>
          %shift_left3A_1654 = arith.constant 16 : i32
          %shift_left3A_1655 = vector.broadcast %shift_left3A_1654 : i32 to vector<16xi32>
          %shift_left3A_1656 = arith.shli %bitcast3A_1653, %shift_left3A_1655 : vector<16xi32>
          %bitcast3A_1657 = vector.bitcast %shift_left3A_1656 : vector<16xi32> to vector<16xf32>
          %and3A_1658 = arith.andi %bitcast3A_1653, %broadcast_in_dim3A_312 : vector<16xi32>
          %bitcast3A_1659 = vector.bitcast %and3A_1658 : vector<16xi32> to vector<16xf32>
          %get3A_1660 = arith.constant 1 : i32
          %get3A_1661 = arith.index_cast %get3A_1660 : i32 to index
          %get3A_1662 = arith.index_cast %add3A_1647 : i32 to index
          %get3A_1663 = arith.constant 32 : index
          %get3A_1664 = tpu.vector_load %arg8[%get3A_1661, %get3A_1662, %get3A_1663] {strides = array<i32>} : memref<2x256x64xbf16, #tpu.memory_space<vmem>>, vector<32xbf16>,
          %bitcast3A_1665 = vector.bitcast %get3A_1664 : vector<32xbf16> to vector<16xi32>
          %shift_left3A_1666 = arith.constant 16 : i32
          %shift_left3A_1667 = vector.broadcast %shift_left3A_1666 : i32 to vector<16xi32>
          %shift_left3A_1668 = arith.shli %bitcast3A_1665, %shift_left3A_1667 : vector<16xi32>
          %bitcast3A_1669 = vector.bitcast %shift_left3A_1668 : vector<16xi32> to vector<16xf32>
          %and3A_1670 = arith.andi %bitcast3A_1665, %broadcast_in_dim3A_312 : vector<16xi32>
          %bitcast3A_1671 = vector.bitcast %and3A_1670 : vector<16xi32> to vector<16xf32>
          %mul3A_1672 = vector.broadcast %squeeze3A_1639 : f32 to vector<16xf32>
          %mul3A_1673 = arith.mulf %mul3A_1672, %bitcast3A_1657 : vector<16xf32>
          %add3A_1674 = arith.addf %add3A_1631, %mul3A_1673 : vector<16xf32>
          %mul3A_1675 = vector.broadcast %squeeze3A_1641 : f32 to vector<16xf32>
          %mul3A_1676 = arith.mulf %mul3A_1675, %bitcast3A_1669 : vector<16xf32>
          %add3A_1677 = arith.addf %add3A_1674, %mul3A_1676 : vector<16xf32>
          %mul3A_1678 = vector.broadcast %squeeze3A_1639 : f32 to vector<16xf32>
          %mul3A_1679 = arith.mulf %mul3A_1678, %bitcast3A_1659 : vector<16xf32>
          %add3A_1680 = arith.addf %add3A_1637, %mul3A_1679 : vector<16xf32>
          %mul3A_1681 = vector.broadcast %squeeze3A_1641 : f32 to vector<16xf32>
          %mul3A_1682 = arith.mulf %mul3A_1681, %bitcast3A_1671 : vector<16xf32>
          %add3A_1683 = arith.addf %add3A_1680, %mul3A_1682 : vector<16xf32>
          %slice3A_1684 = vector.extract_strided_slice %get3A_1077 {offsets = [13], sizes = [1], strides = [1]} : vector<16xf32> to vector<1xf32>
          %squeeze3A_1685 = vector.extract %slice3A_1684[0] : f32 from vector<1xf32>
          %slice3A_1686 = vector.extract_strided_slice %get3A_1085 {offsets = [13], sizes = [1], strides = [1]} : vector<16xf32> to vector<1xf32>
          %squeeze3A_1687 = vector.extract %slice3A_1686[0] : f32 from vector<1xf32>
          %mul3A_1688 = arith.constant 16 : i32
          %mul3A_1689 = arith.muli %scan3A_319, %mul3A_1688 : i32
          %add3A_1690 = arith.constant 128 : i32
          %add3A_1691 = arith.addi %add3A_1690, %mul3A_1689 : i32
          %add3A_1692 = arith.constant 13 : i32
          %add3A_1693 = arith.addi %add3A_1691, %add3A_1692 : i32
          %get3A_1694 = arith.constant 1 : i32
          %get3A_1695 = arith.index_cast %get3A_1694 : i32 to index
          %get3A_1696 = arith.index_cast %add3A_1693 : i32 to index
          %get3A_1697 = arith.constant 0 : index
          %get3A_1698 = tpu.vector_load %arg8[%get3A_1695, %get3A_1696, %get3A_1697] {strides = array<i32>} : memref<2x256x64xbf16, #tpu.memory_space<vmem>>, vector<32xbf16>,
          %bitcast3A_1699 = vector.bitcast %get3A_1698 : vector<32xbf16> to vector<16xi32>
          %shift_left3A_1700 = arith.constant 16 : i32
          %shift_left3A_1701 = vector.broadcast %shift_left3A_1700 : i32 to vector<16xi32>
          %shift_left3A_1702 = arith.shli %bitcast3A_1699, %shift_left3A_1701 : vector<16xi32>
          %bitcast3A_1703 = vector.bitcast %shift_left3A_1702 : vector<16xi32> to vector<16xf32>
          %and3A_1704 = arith.andi %bitcast3A_1699, %broadcast_in_dim3A_312 : vector<16xi32>
          %bitcast3A_1705 = vector.bitcast %and3A_1704 : vector<16xi32> to vector<16xf32>
          %get3A_1706 = arith.constant 1 : i32
          %get3A_1707 = arith.index_cast %get3A_1706 : i32 to index
          %get3A_1708 = arith.index_cast %add3A_1693 : i32 to index
          %get3A_1709 = arith.constant 32 : index
          %get3A_1710 = tpu.vector_load %arg8[%get3A_1707, %get3A_1708, %get3A_1709] {strides = array<i32>} : memref<2x256x64xbf16, #tpu.memory_space<vmem>>, vector<32xbf16>,
          %bitcast3A_1711 = vector.bitcast %get3A_1710 : vector<32xbf16> to vector<16xi32>
          %shift_left3A_1712 = arith.constant 16 : i32
          %shift_left3A_1713 = vector.broadcast %shift_left3A_1712 : i32 to vector<16xi32>
          %shift_left3A_1714 = arith.shli %bitcast3A_1711, %shift_left3A_1713 : vector<16xi32>
          %bitcast3A_1715 = vector.bitcast %shift_left3A_1714 : vector<16xi32> to vector<16xf32>
          %and3A_1716 = arith.andi %bitcast3A_1711, %broadcast_in_dim3A_312 : vector<16xi32>
          %bitcast3A_1717 = vector.bitcast %and3A_1716 : vector<16xi32> to vector<16xf32>
          %mul3A_1718 = vector.broadcast %squeeze3A_1685 : f32 to vector<16xf32>
          %mul3A_1719 = arith.mulf %mul3A_1718, %bitcast3A_1703 : vector<16xf32>
          %add3A_1720 = arith.addf %add3A_1677, %mul3A_1719 : vector<16xf32>
          %mul3A_1721 = vector.broadcast %squeeze3A_1687 : f32 to vector<16xf32>
          %mul3A_1722 = arith.mulf %mul3A_1721, %bitcast3A_1715 : vector<16xf32>
          %add3A_1723 = arith.addf %add3A_1720, %mul3A_1722 : vector<16xf32>
          %mul3A_1724 = vector.broadcast %squeeze3A_1685 : f32 to vector<16xf32>
          %mul3A_1725 = arith.mulf %mul3A_1724, %bitcast3A_1705 : vector<16xf32>
          %add3A_1726 = arith.addf %add3A_1683, %mul3A_1725 : vector<16xf32>
          %mul3A_1727 = vector.broadcast %squeeze3A_1687 : f32 to vector<16xf32>
          %mul3A_1728 = arith.mulf %mul3A_1727, %bitcast3A_1717 : vector<16xf32>
          %add3A_1729 = arith.addf %add3A_1726, %mul3A_1728 : vector<16xf32>
          %slice3A_1730 = vector.extract_strided_slice %get3A_1077 {offsets = [14], sizes = [1], strides = [1]} : vector<16xf32> to vector<1xf32>
          %squeeze3A_1731 = vector.extract %slice3A_1730[0] : f32 from vector<1xf32>
          %slice3A_1732 = vector.extract_strided_slice %get3A_1085 {offsets = [14], sizes = [1], strides = [1]} : vector<16xf32> to vector<1xf32>
          %squeeze3A_1733 = vector.extract %slice3A_1732[0] : f32 from vector<1xf32>
          %mul3A_1734 = arith.constant 16 : i32
          %mul3A_1735 = arith.muli %scan3A_319, %mul3A_1734 : i32
          %add3A_1736 = arith.constant 128 : i32
          %add3A_1737 = arith.addi %add3A_1736, %mul3A_1735 : i32
          %add3A_1738 = arith.constant 14 : i32
          %add3A_1739 = arith.addi %add3A_1737, %add3A_1738 : i32
          %get3A_1740 = arith.constant 1 : i32
          %get3A_1741 = arith.index_cast %get3A_1740 : i32 to index
          %get3A_1742 = arith.index_cast %add3A_1739 : i32 to index
          %get3A_1743 = arith.constant 0 : index
          %get3A_1744 = tpu.vector_load %arg8[%get3A_1741, %get3A_1742, %get3A_1743] {strides = array<i32>} : memref<2x256x64xbf16, #tpu.memory_space<vmem>>, vector<32xbf16>,
          %bitcast3A_1745 = vector.bitcast %get3A_1744 : vector<32xbf16> to vector<16xi32>
          %shift_left3A_1746 = arith.constant 16 : i32
          %shift_left3A_1747 = vector.broadcast %shift_left3A_1746 : i32 to vector<16xi32>
          %shift_left3A_1748 = arith.shli %bitcast3A_1745, %shift_left3A_1747 : vector<16xi32>
          %bitcast3A_1749 = vector.bitcast %shift_left3A_1748 : vector<16xi32> to vector<16xf32>
          %and3A_1750 = arith.andi %bitcast3A_1745, %broadcast_in_dim3A_312 : vector<16xi32>
          %bitcast3A_1751 = vector.bitcast %and3A_1750 : vector<16xi32> to vector<16xf32>
          %get3A_1752 = arith.constant 1 : i32
          %get3A_1753 = arith.index_cast %get3A_1752 : i32 to index
          %get3A_1754 = arith.index_cast %add3A_1739 : i32 to index
          %get3A_1755 = arith.constant 32 : index
          %get3A_1756 = tpu.vector_load %arg8[%get3A_1753, %get3A_1754, %get3A_1755] {strides = array<i32>} : memref<2x256x64xbf16, #tpu.memory_space<vmem>>, vector<32xbf16>,
          %bitcast3A_1757 = vector.bitcast %get3A_1756 : vector<32xbf16> to vector<16xi32>
          %shift_left3A_1758 = arith.constant 16 : i32
          %shift_left3A_1759 = vector.broadcast %shift_left3A_1758 : i32 to vector<16xi32>
          %shift_left3A_1760 = arith.shli %bitcast3A_1757, %shift_left3A_1759 : vector<16xi32>
          %bitcast3A_1761 = vector.bitcast %shift_left3A_1760 : vector<16xi32> to vector<16xf32>
          %and3A_1762 = arith.andi %bitcast3A_1757, %broadcast_in_dim3A_312 : vector<16xi32>
          %bitcast3A_1763 = vector.bitcast %and3A_1762 : vector<16xi32> to vector<16xf32>
          %mul3A_1764 = vector.broadcast %squeeze3A_1731 : f32 to vector<16xf32>
          %mul3A_1765 = arith.mulf %mul3A_1764, %bitcast3A_1749 : vector<16xf32>
          %add3A_1766 = arith.addf %add3A_1723, %mul3A_1765 : vector<16xf32>
          %mul3A_1767 = vector.broadcast %squeeze3A_1733 : f32 to vector<16xf32>
          %mul3A_1768 = arith.mulf %mul3A_1767, %bitcast3A_1761 : vector<16xf32>
          %add3A_1769 = arith.addf %add3A_1766, %mul3A_1768 : vector<16xf32>
          %mul3A_1770 = vector.broadcast %squeeze3A_1731 : f32 to vector<16xf32>
          %mul3A_1771 = arith.mulf %mul3A_1770, %bitcast3A_1751 : vector<16xf32>
          %add3A_1772 = arith.addf %add3A_1729, %mul3A_1771 : vector<16xf32>
          %mul3A_1773 = vector.broadcast %squeeze3A_1733 : f32 to vector<16xf32>
          %mul3A_1774 = arith.mulf %mul3A_1773, %bitcast3A_1763 : vector<16xf32>
          %add3A_1775 = arith.addf %add3A_1772, %mul3A_1774 : vector<16xf32>
          %slice3A_1776 = vector.extract_strided_slice %get3A_1077 {offsets = [15], sizes = [1], strides = [1]} : vector<16xf32> to vector<1xf32>
          %squeeze3A_1777 = vector.extract %slice3A_1776[0] : f32 from vector<1xf32>
          %slice3A_1778 = vector.extract_strided_slice %get3A_1085 {offsets = [15], sizes = [1], strides = [1]} : vector<16xf32> to vector<1xf32>
          %squeeze3A_1779 = vector.extract %slice3A_1778[0] : f32 from vector<1xf32>
          %mul3A_1780 = arith.constant 16 : i32
          %mul3A_1781 = arith.muli %scan3A_319, %mul3A_1780 : i32
          %add3A_1782 = arith.constant 128 : i32
          %add3A_1783 = arith.addi %add3A_1782, %mul3A_1781 : i32
          %add3A_1784 = arith.constant 15 : i32
          %add3A_1785 = arith.addi %add3A_1783, %add3A_1784 : i32
          %get3A_1786 = arith.constant 1 : i32
          %get3A_1787 = arith.index_cast %get3A_1786 : i32 to index
          %get3A_1788 = arith.index_cast %add3A_1785 : i32 to index
          %get3A_1789 = arith.constant 0 : index
          %get3A_1790 = tpu.vector_load %arg8[%get3A_1787, %get3A_1788, %get3A_1789] {strides = array<i32>} : memref<2x256x64xbf16, #tpu.memory_space<vmem>>, vector<32xbf16>,
          %bitcast3A_1791 = vector.bitcast %get3A_1790 : vector<32xbf16> to vector<16xi32>
          %shift_left3A_1792 = arith.constant 16 : i32
          %shift_left3A_1793 = vector.broadcast %shift_left3A_1792 : i32 to vector<16xi32>
          %shift_left3A_1794 = arith.shli %bitcast3A_1791, %shift_left3A_1793 : vector<16xi32>
          %bitcast3A_1795 = vector.bitcast %shift_left3A_1794 : vector<16xi32> to vector<16xf32>
          %and3A_1796 = arith.andi %bitcast3A_1791, %broadcast_in_dim3A_312 : vector<16xi32>
          %bitcast3A_1797 = vector.bitcast %and3A_1796 : vector<16xi32> to vector<16xf32>
          %get3A_1798 = arith.constant 1 : i32
          %get3A_1799 = arith.index_cast %get3A_1798 : i32 to index
          %get3A_1800 = arith.index_cast %add3A_1785 : i32 to index
          %get3A_1801 = arith.constant 32 : index
          %get3A_1802 = tpu.vector_load %arg8[%get3A_1799, %get3A_1800, %get3A_1801] {strides = array<i32>} : memref<2x256x64xbf16, #tpu.memory_space<vmem>>, vector<32xbf16>,
          %bitcast3A_1803 = vector.bitcast %get3A_1802 : vector<32xbf16> to vector<16xi32>
          %shift_left3A_1804 = arith.constant 16 : i32
          %shift_left3A_1805 = vector.broadcast %shift_left3A_1804 : i32 to vector<16xi32>
          %shift_left3A_1806 = arith.shli %bitcast3A_1803, %shift_left3A_1805 : vector<16xi32>
          %bitcast3A_1807 = vector.bitcast %shift_left3A_1806 : vector<16xi32> to vector<16xf32>
          %and3A_1808 = arith.andi %bitcast3A_1803, %broadcast_in_dim3A_312 : vector<16xi32>
          %bitcast3A_1809 = vector.bitcast %and3A_1808 : vector<16xi32> to vector<16xf32>
          %mul3A_1810 = vector.broadcast %squeeze3A_1777 : f32 to vector<16xf32>
          %mul3A_1811 = arith.mulf %mul3A_1810, %bitcast3A_1795 : vector<16xf32>
          %add3A_1812 = arith.addf %add3A_1769, %mul3A_1811 : vector<16xf32>
          %mul3A_1813 = vector.broadcast %squeeze3A_1779 : f32 to vector<16xf32>
          %mul3A_1814 = arith.mulf %mul3A_1813, %bitcast3A_1807 : vector<16xf32>
          %add3A_1815 = arith.addf %add3A_1812, %mul3A_1814 : vector<16xf32>
          %mul3A_1816 = vector.broadcast %squeeze3A_1777 : f32 to vector<16xf32>
          %mul3A_1817 = arith.mulf %mul3A_1816, %bitcast3A_1797 : vector<16xf32>
          %add3A_1818 = arith.addf %add3A_1775, %mul3A_1817 : vector<16xf32>
          %mul3A_1819 = vector.broadcast %squeeze3A_1779 : f32 to vector<16xf32>
          %mul3A_1820 = arith.mulf %mul3A_1819, %bitcast3A_1809 : vector<16xf32>
          %add3A_1821 = arith.addf %add3A_1818, %mul3A_1820 : vector<16xf32>
          %mul3A_1822 = arith.constant 32 : i32
          %mul3A_1823 = arith.muli %scan3A_319, %mul3A_1822 : i32
          %swap3A = arith.index_cast %add3A_310 : i32 to index
          %swap3A_1824 = arith.index_cast %mul3A_1823 : i32 to index
          %swap3A_1825 = tpu.vector_load %arg9[%swap3A, %swap3A_1824] {strides = array<i32>} : memref<40x256xf32, #tpu.memory_space<vmem>>, vector<16xf32>,
          tpu.vector_store %arg9[%swap3A, %swap3A_1824], %add3A_1815 {strides = array<i32>} : memref<40x256xf32, #tpu.memory_space<vmem>>, vector<16xf32>,
          %mul3A_1826 = arith.constant 32 : i32
          %mul3A_1827 = arith.muli %scan3A_319, %mul3A_1826 : i32
          %add3A_1828 = arith.constant 16 : i32
          %add3A_1829 = arith.addi %mul3A_1827, %add3A_1828 : i32
          %swap3A_1830 = arith.index_cast %add3A_310 : i32 to index
          %swap3A_1831 = arith.index_cast %add3A_1829 : i32 to index
          %swap3A_1832 = tpu.vector_load %arg9[%swap3A_1830, %swap3A_1831] {strides = array<i32>} : memref<40x256xf32, #tpu.memory_space<vmem>>, vector<16xf32>,
          tpu.vector_store %arg9[%swap3A_1830, %swap3A_1831], %add3A_1821 {strides = array<i32>} : memref<40x256xf32, #tpu.memory_space<vmem>>, vector<16xf32>,
        }
        %scan3A_318 = arith.constant 8 : i32
      }
      %scan3A_166 = arith.constant 20 : i32
      %mul3A_167 = arith.constant 40 : i32
      %mul3A_168 = arith.muli %scan3A_158, %mul3A_167 : i32
      %add3A_169 = arith.addi %mul3A_2, %mul3A_168 : i32
      "tpu.region"() ({
        %run_scoped3A = tpu.sem_alloc : memref<!tpu.dma_semaphore, #tpu.memory_space<semaphore_mem>>
        %dma_start3A_246 = arith.constant 0 : i32
        %dma_start3A_247 = tpu.memref_slice %arg5[%add3A_169, %dma_start3A_246] : memref<43520x256xf32, #tpu.memory_space<hbm>> -> memref<40x256xf32, #tpu.memory_space<hbm>>
        %dma_start3A_248 = arith.constant 0 : i32
        %dma_start3A_249 = tpu.memref_slice %arg5[%add3A_169, %dma_start3A_248] : memref<43520x256xf32, #tpu.memory_space<hbm>> -> memref<40x256xf32, #tpu.memory_space<hbm>>
        tpu.enqueue_dma source(%arg9 : memref<40x256xf32, #tpu.memory_space<vmem>>) target(%dma_start3A_249 : memref<40x256xf32, #tpu.memory_space<hbm>>) target_semaphore(%run_scoped3A : memref<!tpu.dma_semaphore, #tpu.memory_space<semaphore_mem>>)
        %dma_wait3A_250 = arith.constant 0 : i32
        %dma_wait3A_251 = tpu.memref_slice %arg5[%add3A_169, %dma_wait3A_250] : memref<43520x256xf32, #tpu.memory_space<hbm>> -> memref<40x256xf32, #tpu.memory_space<hbm>>
        %dma_wait3A_252 = arith.constant 0 : i32
        %dma_wait3A_253 = tpu.memref_slice %arg5[%add3A_169, %dma_wait3A_252] : memref<43520x256xf32, #tpu.memory_space<hbm>> -> memref<40x256xf32, #tpu.memory_space<hbm>>
        tpu.wait_dma2 semaphore(%run_scoped3A : memref<!tpu.dma_semaphore, #tpu.memory_space<semaphore_mem>>) src(%arg9 : memref<40x256xf32, #tpu.memory_space<vmem>>) dst(%dma_wait3A_253 : memref<40x256xf32, #tpu.memory_space<hbm>>)
        tpu.yield
      }) : () -> ()
      %dma_wait3A_170 = arith.constant 0 : i32
      %dma_wait3A_171 = arith.constant 0 : i32
      %dma_wait3A_172 = arith.constant 0 : i32
      %dma_wait3A_173 = tpu.memref_slice %arg6[%dma_wait3A_170, %dma_wait3A_171, %dma_wait3A_172] : memref<2x40x256xi32, #tpu.memory_space<vmem>> -> memref<1x40x256xi32, #tpu.memory_space<vmem>>
      %dma_wait3A_174 = tpu.memref_squeeze %dma_wait3A_173 : memref<1x40x256xi32, #tpu.memory_space<vmem>> -> memref<40x256xi32, #tpu.memory_space<vmem>>
      %dma_wait3A_175 = arith.constant 0 : i32
      %dma_wait3A_176 = arith.constant 0 : i32
      %dma_wait3A_177 = tpu.memref_slice %arg3[%dma_wait3A_175, %dma_wait3A_176] : memref<43520x256xi32, #tpu.memory_space<hbm>> -> memref<40x256xi32, #tpu.memory_space<hbm>>
      %dma_wait3A_178 = arith.constant 0 : i32
      %dma_wait3A_179 = arith.constant 0 : i32
      %dma_wait3A_180 = tpu.memref_slice %arg6[%dma_wait3A_170, %dma_wait3A_178, %dma_wait3A_179] : memref<2x40x256xi32, #tpu.memory_space<vmem>> -> memref<1x40x256xi32, #tpu.memory_space<vmem>>
      %dma_wait3A_181 = tpu.memref_squeeze %dma_wait3A_180 : memref<1x40x256xi32, #tpu.memory_space<vmem>> -> memref<40x256xi32, #tpu.memory_space<vmem>>
      %dma_wait3A_182 = arith.constant 0 : i32
      %dma_wait3A_183 = arith.constant 0 : i32
      %dma_wait3A_184 = tpu.memref_slice %arg3[%dma_wait3A_182, %dma_wait3A_183] : memref<43520x256xi32, #tpu.memory_space<hbm>> -> memref<40x256xi32, #tpu.memory_space<hbm>>
      tpu.wait_dma2 semaphore(%arg10 : memref<!tpu.dma_semaphore, #tpu.memory_space<semaphore_mem>>) src(%dma_wait3A_184 : memref<40x256xi32, #tpu.memory_space<hbm>>) dst(%dma_wait3A_181 : memref<40x256xi32, #tpu.memory_space<vmem>>)
      %dma_wait3A_185 = arith.constant 0 : i32
      %dma_wait3A_186 = arith.constant 0 : i32
      %dma_wait3A_187 = arith.constant 0 : i32
      %dma_wait3A_188 = tpu.memref_slice %arg7[%dma_wait3A_185, %dma_wait3A_186, %dma_wait3A_187] : memref<2x40x512xf32, #tpu.memory_space<vmem>> -> memref<1x40x512xf32, #tpu.memory_space<vmem>>
      %dma_wait3A_189 = tpu.memref_squeeze %dma_wait3A_188 : memref<1x40x512xf32, #tpu.memory_space<vmem>> -> memref<40x512xf32, #tpu.memory_space<vmem>>
      %dma_wait3A_190 = arith.constant 0 : i32
      %dma_wait3A_191 = arith.constant 0 : i32
      %dma_wait3A_192 = tpu.memref_slice %arg4[%dma_wait3A_190, %dma_wait3A_191] : memref<43520x512xf32, #tpu.memory_space<hbm>> -> memref<40x512xf32, #tpu.memory_space<hbm>>
      %dma_wait3A_193 = arith.constant 0 : i32
      %dma_wait3A_194 = arith.constant 0 : i32
      %dma_wait3A_195 = tpu.memref_slice %arg7[%dma_wait3A_185, %dma_wait3A_193, %dma_wait3A_194] : memref<2x40x512xf32, #tpu.memory_space<vmem>> -> memref<1x40x512xf32, #tpu.memory_space<vmem>>
      %dma_wait3A_196 = tpu.memref_squeeze %dma_wait3A_195 : memref<1x40x512xf32, #tpu.memory_space<vmem>> -> memref<40x512xf32, #tpu.memory_space<vmem>>
      %dma_wait3A_197 = arith.constant 0 : i32
      %dma_wait3A_198 = arith.constant 0 : i32
      %dma_wait3A_199 = tpu.memref_slice %arg4[%dma_wait3A_197, %dma_wait3A_198] : memref<43520x512xf32, #tpu.memory_space<hbm>> -> memref<40x512xf32, #tpu.memory_space<hbm>>
      tpu.wait_dma2 semaphore(%arg10 : memref<!tpu.dma_semaphore, #tpu.memory_space<semaphore_mem>>) src(%dma_wait3A_199 : memref<40x512xf32, #tpu.memory_space<hbm>>) dst(%dma_wait3A_196 : memref<40x512xf32, #tpu.memory_space<vmem>>)
      %add3A_200 = arith.constant 2 : i32
      %add3A_201 = arith.addi %scan3A_158, %add3A_200 : i32
      %mul3A_202 = arith.constant 40 : i32
      %mul3A_203 = arith.muli %add3A_201, %mul3A_202 : i32
      %add3A_204 = arith.addi %mul3A_2, %mul3A_203 : i32
      %min3A_205 = arith.constant 43480 : i32
      %min3A_206 = arith.minsi %add3A_204, %min3A_205 : i32
      %rem3A_207 = arith.constant 2 : i32
      %rem3A_208 = arith.remsi %add3A_201, %rem3A_207 : i32
      %dma_start3A_209 = arith.constant 0 : i32
      %dma_start3A_210 = arith.constant 0 : i32
      %dma_start3A_211 = tpu.memref_slice %arg6[%rem3A_208, %dma_start3A_209, %dma_start3A_210] : memref<2x40x256xi32, #tpu.memory_space<vmem>> -> memref<1x40x256xi32, #tpu.memory_space<vmem>>
      %dma_start3A_212 = tpu.memref_squeeze %dma_start3A_211 : memref<1x40x256xi32, #tpu.memory_space<vmem>> -> memref<40x256xi32, #tpu.memory_space<vmem>>
      %dma_start3A_213 = arith.constant 0 : i32
      %dma_start3A_214 = tpu.memref_slice %arg3[%min3A_206, %dma_start3A_213] : memref<43520x256xi32, #tpu.memory_space<hbm>> -> memref<40x256xi32, #tpu.memory_space<hbm>>
      %dma_start3A_215 = arith.constant 0 : i32
      %dma_start3A_216 = arith.constant 0 : i32
      %dma_start3A_217 = tpu.memref_slice %arg6[%rem3A_208, %dma_start3A_215, %dma_start3A_216] : memref<2x40x256xi32, #tpu.memory_space<vmem>> -> memref<1x40x256xi32, #tpu.memory_space<vmem>>
      %dma_start3A_218 = tpu.memref_squeeze %dma_start3A_217 : memref<1x40x256xi32, #tpu.memory_space<vmem>> -> memref<40x256xi32, #tpu.memory_space<vmem>>
      %dma_start3A_219 = arith.constant 0 : i32
      %dma_start3A_220 = tpu.memref_slice %arg3[%min3A_206, %dma_start3A_219] : memref<43520x256xi32, #tpu.memory_space<hbm>> -> memref<40x256xi32, #tpu.memory_space<hbm>>
      tpu.enqueue_dma source(%dma_start3A_220 : memref<40x256xi32, #tpu.memory_space<hbm>>) target(%dma_start3A_218 : memref<40x256xi32, #tpu.memory_space<vmem>>) target_semaphore(%arg10 : memref<!tpu.dma_semaphore, #tpu.memory_space<semaphore_mem>>)
      %dma_start3A_221 = arith.constant 0 : i32
      %dma_start3A_222 = arith.constant 0 : i32
      %dma_start3A_223 = tpu.memref_slice %arg7[%rem3A_208, %dma_start3A_221, %dma_start3A_222] : memref<2x40x512xf32, #tpu.memory_space<vmem>> -> memref<1x40x512xf32, #tpu.memory_space<vmem>>
      %dma_start3A_224 = tpu.memref_squeeze %dma_start3A_223 : memref<1x40x512xf32, #tpu.memory_space<vmem>> -> memref<40x512xf32, #tpu.memory_space<vmem>>
      %dma_start3A_225 = arith.constant 0 : i32
      %dma_start3A_226 = tpu.memref_slice %arg4[%min3A_206, %dma_start3A_225] : memref<43520x512xf32, #tpu.memory_space<hbm>> -> memref<40x512xf32, #tpu.memory_space<hbm>>
      %dma_start3A_227 = arith.constant 0 : i32
      %dma_start3A_228 = arith.constant 0 : i32
      %dma_start3A_229 = tpu.memref_slice %arg7[%rem3A_208, %dma_start3A_227, %dma_start3A_228] : memref<2x40x512xf32, #tpu.memory_space<vmem>> -> memref<1x40x512xf32, #tpu.memory_space<vmem>>
      %dma_start3A_230 = tpu.memref_squeeze %dma_start3A_229 : memref<1x40x512xf32, #tpu.memory_space<vmem>> -> memref<40x512xf32, #tpu.memory_space<vmem>>
      %dma_start3A_231 = arith.constant 0 : i32
      %dma_start3A_232 = tpu.memref_slice %arg4[%min3A_206, %dma_start3A_231] : memref<43520x512xf32, #tpu.memory_space<hbm>> -> memref<40x512xf32, #tpu.memory_space<hbm>>
      tpu.enqueue_dma source(%dma_start3A_232 : memref<40x512xf32, #tpu.memory_space<hbm>>) target(%dma_start3A_230 : memref<40x512xf32, #tpu.memory_space<vmem>>) target_semaphore(%arg10 : memref<!tpu.dma_semaphore, #tpu.memory_space<semaphore_mem>>)
      %sub3A = arith.constant 1 : i32
      %sub3A_233 = arith.subi %sub3A, %rem3A_160 : i32
      %dma_start3A_234 = arith.constant 0 : i32
      %dma_start3A_235 = arith.constant 0 : i32
      %dma_start3A_236 = arith.constant 0 : i32
      %dma_start3A_237 = arith.constant 0 : i32
      %dma_start3A_238 = tpu.memref_slice %arg8[%dma_start3A_235, %dma_start3A_236, %dma_start3A_237] : memref<2x256x64xbf16, #tpu.memory_space<vmem>> -> memref<1x256x64xbf16, #tpu.memory_space<vmem>>
      %dma_start3A_239 = tpu.memref_squeeze %dma_start3A_238 : memref<1x256x64xbf16, #tpu.memory_space<vmem>> -> memref<256x64xbf16, #tpu.memory_space<vmem>>
      %dma_start3A_240 = arith.constant 0 : i32
      %dma_start3A_241 = tpu.memref_slice %arg6[%sub3A_233, %dma_start3A_234, %dma_start3A_240] : memref<2x40x256xi32, #tpu.memory_space<vmem>> -> memref<1x1x256xi32, #tpu.memory_space<vmem>>
      %dma_start3A_242 = tpu.memref_squeeze %dma_start3A_241 : memref<1x1x256xi32, #tpu.memory_space<vmem>> -> memref<256xi32, #tpu.memory_space<vmem>>
      %dma_start3A_243 = arith.constant 0 : i32
      %dma_start3A_244 = arith.constant 0 : i32
      %dma_start3A_245 = tpu.memref_slice %arg2[%dma_start3A_243, %dma_start3A_244] : memref<348160x64xbf16, #tpu.memory_space<hbm>> -> memref<348160x64xbf16, #tpu.memory_space<hbm>>
      tpu.enqueue_indirect_dma source(%dma_start3A_245 : memref<348160x64xbf16, #tpu.memory_space<hbm>>) target(%dma_start3A_239 : memref<256x64xbf16, #tpu.memory_space<vmem>>) offsets(%dma_start3A_242 : memref<256xi32, #tpu.memory_space<vmem>>) semaphore(%arg11 : memref<!tpu.dma_semaphore, #tpu.memory_space<semaphore_mem>>)
    }
    %scan3A_112 = arith.constant 34 : i32
    %dma_wait3A_113 = arith.constant 0 : i32
    %dma_wait3A_114 = arith.constant 0 : i32
    %dma_wait3A_115 = arith.constant 0 : i32
    %dma_wait3A_116 = tpu.memref_slice %arg8[%dma_wait3A_113, %dma_wait3A_114, %dma_wait3A_115] : memref<2x256x64xbf16, #tpu.memory_space<vmem>> -> memref<1x256x64xbf16, #tpu.memory_space<vmem>>
    %dma_wait3A_117 = tpu.memref_squeeze %dma_wait3A_116 : memref<1x256x64xbf16, #tpu.memory_space<vmem>> -> memref<256x64xbf16, #tpu.memory_space<vmem>>
    %dma_wait3A_118 = arith.constant 0 : i32
    %dma_wait3A_119 = arith.constant 0 : i32
    %dma_wait3A_120 = tpu.memref_slice %arg2[%dma_wait3A_118, %dma_wait3A_119] : memref<348160x64xbf16, #tpu.memory_space<hbm>> -> memref<256x64xbf16, #tpu.memory_space<hbm>>
    %dma_wait3A_121 = arith.constant 0 : i32
    %dma_wait3A_122 = arith.constant 0 : i32
    %dma_wait3A_123 = tpu.memref_slice %arg8[%dma_wait3A_113, %dma_wait3A_121, %dma_wait3A_122] : memref<2x256x64xbf16, #tpu.memory_space<vmem>> -> memref<1x256x64xbf16, #tpu.memory_space<vmem>>
    %dma_wait3A_124 = tpu.memref_squeeze %dma_wait3A_123 : memref<1x256x64xbf16, #tpu.memory_space<vmem>> -> memref<256x64xbf16, #tpu.memory_space<vmem>>
    %dma_wait3A_125 = arith.constant 0 : i32
    %dma_wait3A_126 = arith.constant 0 : i32
    %dma_wait3A_127 = tpu.memref_slice %arg2[%dma_wait3A_125, %dma_wait3A_126] : memref<348160x64xbf16, #tpu.memory_space<hbm>> -> memref<256x64xbf16, #tpu.memory_space<hbm>>
    tpu.wait_dma2 semaphore(%arg11 : memref<!tpu.dma_semaphore, #tpu.memory_space<semaphore_mem>>) src(%dma_wait3A_127 : memref<256x64xbf16, #tpu.memory_space<hbm>>) dst(%dma_wait3A_124 : memref<256x64xbf16, #tpu.memory_space<vmem>>)
    %dma_wait3A_128 = arith.constant 0 : i32
    %dma_wait3A_129 = arith.constant 0 : i32
    %dma_wait3A_130 = arith.constant 0 : i32
    %dma_wait3A_131 = tpu.memref_slice %arg6[%dma_wait3A_128, %dma_wait3A_129, %dma_wait3A_130] : memref<2x40x256xi32, #tpu.memory_space<vmem>> -> memref<1x40x256xi32, #tpu.memory_space<vmem>>
    %dma_wait3A_132 = tpu.memref_squeeze %dma_wait3A_131 : memref<1x40x256xi32, #tpu.memory_space<vmem>> -> memref<40x256xi32, #tpu.memory_space<vmem>>
    %dma_wait3A_133 = arith.constant 0 : i32
    %dma_wait3A_134 = arith.constant 0 : i32
    %dma_wait3A_135 = tpu.memref_slice %arg3[%dma_wait3A_133, %dma_wait3A_134] : memref<43520x256xi32, #tpu.memory_space<hbm>> -> memref<40x256xi32, #tpu.memory_space<hbm>>
    %dma_wait3A_136 = arith.constant 0 : i32
    %dma_wait3A_137 = arith.constant 0 : i32
    %dma_wait3A_138 = tpu.memref_slice %arg6[%dma_wait3A_128, %dma_wait3A_136, %dma_wait3A_137] : memref<2x40x256xi32, #tpu.memory_space<vmem>> -> memref<1x40x256xi32, #tpu.memory_space<vmem>>
    %dma_wait3A_139 = tpu.memref_squeeze %dma_wait3A_138 : memref<1x40x256xi32, #tpu.memory_space<vmem>> -> memref<40x256xi32, #tpu.memory_space<vmem>>
    %dma_wait3A_140 = arith.constant 0 : i32
    %dma_wait3A_141 = arith.constant 0 : i32
    %dma_wait3A_142 = tpu.memref_slice %arg3[%dma_wait3A_140, %dma_wait3A_141] : memref<43520x256xi32, #tpu.memory_space<hbm>> -> memref<40x256xi32, #tpu.memory_space<hbm>>
    tpu.wait_dma2 semaphore(%arg10 : memref<!tpu.dma_semaphore, #tpu.memory_space<semaphore_mem>>) src(%dma_wait3A_142 : memref<40x256xi32, #tpu.memory_space<hbm>>) dst(%dma_wait3A_139 : memref<40x256xi32, #tpu.memory_space<vmem>>)
    %dma_wait3A_143 = arith.constant 0 : i32
    %dma_wait3A_144 = arith.constant 0 : i32
    %dma_wait3A_145 = arith.constant 0 : i32
    %dma_wait3A_146 = tpu.memref_slice %arg7[%dma_wait3A_143, %dma_wait3A_144, %dma_wait3A_145] : memref<2x40x512xf32, #tpu.memory_space<vmem>> -> memref<1x40x512xf32, #tpu.memory_space<vmem>>
    %dma_wait3A_147 = tpu.memref_squeeze %dma_wait3A_146 : memref<1x40x512xf32, #tpu.memory_space<vmem>> -> memref<40x512xf32, #tpu.memory_space<vmem>>
    %dma_wait3A_148 = arith.constant 0 : i32
    %dma_wait3A_149 = arith.constant 0 : i32
    %dma_wait3A_150 = tpu.memref_slice %arg4[%dma_wait3A_148, %dma_wait3A_149] : memref<43520x512xf32, #tpu.memory_space<hbm>> -> memref<40x512xf32, #tpu.memory_space<hbm>>
    %dma_wait3A_151 = arith.constant 0 : i32
    %dma_wait3A_152 = arith.constant 0 : i32
    %dma_wait3A_153 = tpu.memref_slice %arg7[%dma_wait3A_143, %dma_wait3A_151, %dma_wait3A_152] : memref<2x40x512xf32, #tpu.memory_space<vmem>> -> memref<1x40x512xf32, #tpu.memory_space<vmem>>
    %dma_wait3A_154 = tpu.memref_squeeze %dma_wait3A_153 : memref<1x40x512xf32, #tpu.memory_space<vmem>> -> memref<40x512xf32, #tpu.memory_space<vmem>>
    %dma_wait3A_155 = arith.constant 0 : i32
    %dma_wait3A_156 = arith.constant 0 : i32
    %dma_wait3A_157 = tpu.memref_slice %arg4[%dma_wait3A_155, %dma_wait3A_156] : memref<43520x512xf32, #tpu.memory_space<hbm>> -> memref<40x512xf32, #tpu.memory_space<hbm>>
    tpu.wait_dma2 semaphore(%arg10 : memref<!tpu.dma_semaphore, #tpu.memory_space<semaphore_mem>>) src(%dma_wait3A_157 : memref<40x512xf32, #tpu.memory_space<hbm>>) dst(%dma_wait3A_154 : memref<40x512xf32, #tpu.memory_space<vmem>>)
    return
  }
}

module attributes {stable_mosaic.version = 14 : i64} {
  func.func @_prep_body(%arg0: i32, %arg1: memref<256x256xf32, #tpu.memory_space<vmem>>, %arg2: memref<256x256xf32, #tpu.memory_space<vmem>>, %arg3: memref<256x8xf32, #tpu.memory_space<vmem>>, %arg4: memref<256x256xf32, #tpu.memory_space<vmem>>, %arg5: memref<1x256xf32, #tpu.memory_space<vmem>>, %arg6: memref<256x128xf32, #tpu.memory_space<vmem>>, %arg7: memref<256x128xf32, #tpu.memory_space<vmem>>, %arg8: memref<1x128xf32, #tpu.memory_space<vmem>>, %arg9: memref<1x128xf32, #tpu.memory_space<vmem>>, %arg10: memref<256x128xf32, #tpu.memory_space<vmem>>, %arg11: memref<1x128xf32, #tpu.memory_space<vmem>>, %arg12: memref<8x128xf32, #tpu.memory_space<vmem>>, %arg13: memref<8x128xf32, #tpu.memory_space<vmem>>, %arg14: memref<128x128xf32, #tpu.memory_space<vmem>>, %arg15: memref<1x128xi32, #tpu.memory_space<vmem>>, %arg16: memref<1x128xi32, #tpu.memory_space<vmem>>, %arg17: memref<1x128xf32, #tpu.memory_space<vmem>>, %arg18: memref<1x128xf32, #tpu.memory_space<vmem>>, %arg19: memref<256x256xbf16, #tpu.memory_space<vmem>>, %arg20: memref<256x256xi32, #tpu.memory_space<vmem>>, %arg21: memref<256x512xf32, #tpu.memory_space<vmem>>) attributes {dimension_semantics = [#tpu.dimension_semantics<arbitrary>], iteration_bounds = array<i64: 170>, scalar_prefetch = 0 : i64, scratch_operands = 0 : i64, tpu.core_type = #tpu.core_type<tc>, window_params = [{transform_indices = @transform_0, window_bounds = array<i64: 256, 256>}, {transform_indices = @transform_1, window_bounds = array<i64: 256, 256>}, {transform_indices = @transform_2, window_bounds = array<i64: 256, 8>}, {pipeline_mode = #tpu.pipeline_mode<synchronous>, transform_indices = @transform_3, window_bounds = array<i64: 256, 256>}, {pipeline_mode = #tpu.pipeline_mode<synchronous>, transform_indices = @transform_4, window_bounds = array<i64: 1, 256>}, {pipeline_mode = #tpu.pipeline_mode<synchronous>, transform_indices = @transform_5, window_bounds = array<i64: 256, 128>}, {pipeline_mode = #tpu.pipeline_mode<synchronous>, transform_indices = @transform_6, window_bounds = array<i64: 256, 128>}, {pipeline_mode = #tpu.pipeline_mode<synchronous>, transform_indices = @transform_7, window_bounds = array<i64: 1, 128>}, {pipeline_mode = #tpu.pipeline_mode<synchronous>, transform_indices = @transform_8, window_bounds = array<i64: 1, 128>}, {pipeline_mode = #tpu.pipeline_mode<synchronous>, transform_indices = @transform_9, window_bounds = array<i64: 256, 128>}, {pipeline_mode = #tpu.pipeline_mode<synchronous>, transform_indices = @transform_10, window_bounds = array<i64: 1, 128>}, {pipeline_mode = #tpu.pipeline_mode<synchronous>, transform_indices = @transform_11, window_bounds = array<i64: 8, 128>}, {pipeline_mode = #tpu.pipeline_mode<synchronous>, transform_indices = @transform_12, window_bounds = array<i64: 8, 128>}, {pipeline_mode = #tpu.pipeline_mode<synchronous>, transform_indices = @transform_13, window_bounds = array<i64: 128, 128>}, {pipeline_mode = #tpu.pipeline_mode<synchronous>, transform_indices = @transform_14, window_bounds = array<i64: 1, 128>}, {pipeline_mode = #tpu.pipeline_mode<synchronous>, transform_indices = @transform_15, window_bounds = array<i64: 1, 128>}, {pipeline_mode = #tpu.pipeline_mode<synchronous>, transform_indices = @transform_16, window_bounds = array<i64: 1, 128>}, {pipeline_mode = #tpu.pipeline_mode<synchronous>, transform_indices = @transform_17, window_bounds = array<i64: 1, 128>}, {transform_indices = @transform_18, window_bounds = array<i64: 256, 256>}, {transform_indices = @transform_19, window_bounds = array<i64: 256, 256>}, {transform_indices = @transform_20, window_bounds = array<i64: 256, 512>}]} {
    %get3A = arith.constant 0 : index
    %get3A_0 = arith.constant 0 : index
    %get3A_1 = vector.load %arg1[%get3A, %get3A_0] : memref<256x256xf32, #tpu.memory_space<vmem>>, vector<256x256xf32>
    %get3A_2 = arith.constant 0 : index
    %get3A_3 = arith.constant 0 : index
    %get3A_4 = vector.load %arg2[%get3A_2, %get3A_3] : memref<256x256xf32, #tpu.memory_space<vmem>>, vector<256x256xf32>
    %get3A_5 = arith.constant 0 : index
    %get3A_6 = arith.constant 0 : index
    %get3A_7 = vector.load %arg4[%get3A_5, %get3A_6] : memref<256x256xf32, #tpu.memory_space<vmem>>, vector<256x256xf32>
    %dot_general3A = arith.constant dense<0.000000e+00> : vector<256x256xf32>
    %dot_general3A_8 = tpu.matmul %get3A_4, %get3A_7, %dot_general3A {dimension_numbers = #tpu.dot_dimension_numbers<[1], [0], [0], [1], [0, 0, 1, 1], [], []>, transpose_lhs_hint = false} : vector<256x256xf32>, vector<256x256xf32>, vector<256x256xf32> -> vector<256x256xf32>
    %get3A_9 = arith.constant 0 : index
    %get3A_10 = arith.constant 0 : index
    %get3A_11 = vector.load %arg5[%get3A_9, %get3A_10] : memref<1x256xf32, #tpu.memory_space<vmem>>, vector<1x256xf32>
    %add3A = vector.broadcast %get3A_11 : vector<1x256xf32> to vector<256x256xf32>
    %add3A_12 = arith.addf %dot_general3A_8, %add3A : vector<256x256xf32>
    %convert_element_type3A = arith.truncf %add3A_12 : vector<256x256xf32> to vector<256x256xbf16>
    %swap3A = arith.constant 0 : index
    %swap3A_13 = arith.constant 0 : index
    %swap3A_14 = vector.load %arg19[%swap3A, %swap3A_13] : memref<256x256xbf16, #tpu.memory_space<vmem>>, vector<256x256xbf16>
    tpu.vector_store %arg19[%swap3A, %swap3A_13], %convert_element_type3A {strides = array<i32>} : memref<256x256xbf16, #tpu.memory_space<vmem>>, vector<256x256xbf16>,
    %get3A_15 = arith.constant 0 : index
    %get3A_16 = arith.constant 0 : index
    %get3A_17 = vector.load %arg6[%get3A_15, %get3A_16] : memref<256x128xf32, #tpu.memory_space<vmem>>, vector<256x128xf32>
    %dot_general3A_18 = arith.constant dense<0.000000e+00> : vector<256x128xf32>
    %dot_general3A_19 = tpu.matmul %get3A_1, %get3A_17, %dot_general3A_18 {dimension_numbers = #tpu.dot_dimension_numbers<[1], [0], [0], [1], [0, 0, 1, 1], [], []>, precision = #tpu.contract_precision<fp32>, transpose_lhs_hint = false} : vector<256x256xf32>, vector<256x128xf32>, vector<256x128xf32> -> vector<256x128xf32>
    %get3A_20 = arith.constant 0 : index
    %get3A_21 = arith.constant 0 : index
    %get3A_22 = vector.load %arg3[%get3A_20, %get3A_21] : memref<256x8xf32, #tpu.memory_space<vmem>>, vector<256x8xf32>
    %get3A_23 = arith.constant 0 : index
    %get3A_24 = arith.constant 0 : index
    %get3A_25 = vector.load %arg12[%get3A_23, %get3A_24] : memref<8x128xf32, #tpu.memory_space<vmem>>, vector<8x128xf32>
    %dot_general3A_26 = arith.constant dense<0.000000e+00> : vector<256x128xf32>
    %dot_general3A_27 = tpu.matmul %get3A_22, %get3A_25, %dot_general3A_26 {dimension_numbers = #tpu.dot_dimension_numbers<[1], [0], [0], [1], [0, 0, 1, 1], [], []>, precision = #tpu.contract_precision<fp32>, transpose_lhs_hint = false} : vector<256x8xf32>, vector<8x128xf32>, vector<256x128xf32> -> vector<256x128xf32>
    %add3A_28 = arith.addf %dot_general3A_19, %dot_general3A_27 : vector<256x128xf32>
    %get3A_29 = arith.constant 0 : index
    %get3A_30 = arith.constant 0 : index
    %get3A_31 = vector.load %arg8[%get3A_29, %get3A_30] : memref<1x128xf32, #tpu.memory_space<vmem>>, vector<1x128xf32>
    %add3A_32 = vector.broadcast %get3A_31 : vector<1x128xf32> to vector<256x128xf32>
    %add3A_33 = arith.addf %add3A_28, %add3A_32 : vector<256x128xf32>
    %get3A_34 = arith.constant 0 : index
    %get3A_35 = arith.constant 0 : index
    %get3A_36 = vector.load %arg7[%get3A_34, %get3A_35] : memref<256x128xf32, #tpu.memory_space<vmem>>, vector<256x128xf32>
    %dot_general3A_37 = arith.constant dense<0.000000e+00> : vector<256x128xf32>
    %dot_general3A_38 = tpu.matmul %get3A_1, %get3A_36, %dot_general3A_37 {dimension_numbers = #tpu.dot_dimension_numbers<[1], [0], [0], [1], [0, 0, 1, 1], [], []>, precision = #tpu.contract_precision<fp32>, transpose_lhs_hint = false} : vector<256x256xf32>, vector<256x128xf32>, vector<256x128xf32> -> vector<256x128xf32>
    %get3A_39 = arith.constant 0 : index
    %get3A_40 = arith.constant 0 : index
    %get3A_41 = vector.load %arg3[%get3A_39, %get3A_40] : memref<256x8xf32, #tpu.memory_space<vmem>>, vector<256x8xf32>
    %get3A_42 = arith.constant 0 : index
    %get3A_43 = arith.constant 0 : index
    %get3A_44 = vector.load %arg13[%get3A_42, %get3A_43] : memref<8x128xf32, #tpu.memory_space<vmem>>, vector<8x128xf32>
    %dot_general3A_45 = arith.constant dense<0.000000e+00> : vector<256x128xf32>
    %dot_general3A_46 = tpu.matmul %get3A_41, %get3A_44, %dot_general3A_45 {dimension_numbers = #tpu.dot_dimension_numbers<[1], [0], [0], [1], [0, 0, 1, 1], [], []>, precision = #tpu.contract_precision<fp32>, transpose_lhs_hint = false} : vector<256x8xf32>, vector<8x128xf32>, vector<256x128xf32> -> vector<256x128xf32>
    %add3A_47 = arith.addf %dot_general3A_38, %dot_general3A_46 : vector<256x128xf32>
    %get3A_48 = arith.constant 0 : index
    %get3A_49 = arith.constant 0 : index
    %get3A_50 = vector.load %arg9[%get3A_48, %get3A_49] : memref<1x128xf32, #tpu.memory_space<vmem>>, vector<1x128xf32>
    %add3A_51 = vector.broadcast %get3A_50 : vector<1x128xf32> to vector<256x128xf32>
    %add3A_52 = arith.addf %add3A_47, %add3A_51 : vector<256x128xf32>
    %get3A_53 = arith.constant 0 : index
    %get3A_54 = arith.constant 0 : index
    %get3A_55 = vector.load %arg10[%get3A_53, %get3A_54] : memref<256x128xf32, #tpu.memory_space<vmem>>, vector<256x128xf32>
    %dot_general3A_56 = arith.constant dense<0.000000e+00> : vector<256x128xf32>
    %dot_general3A_57 = tpu.matmul %get3A_1, %get3A_55, %dot_general3A_56 {dimension_numbers = #tpu.dot_dimension_numbers<[1], [0], [0], [1], [0, 0, 1, 1], [], []>, precision = #tpu.contract_precision<fp32>, transpose_lhs_hint = false} : vector<256x256xf32>, vector<256x128xf32>, vector<256x128xf32> -> vector<256x128xf32>
    %get3A_58 = arith.constant 0 : index
    %get3A_59 = arith.constant 0 : index
    %get3A_60 = vector.load %arg11[%get3A_58, %get3A_59] : memref<1x128xf32, #tpu.memory_space<vmem>>, vector<1x128xf32>
    %add3A_61 = vector.broadcast %get3A_60 : vector<1x128xf32> to vector<256x128xf32>
    %add3A_62 = arith.addf %dot_general3A_57, %add3A_61 : vector<256x128xf32>
    %reduce_max3A = arith.constant dense<0xFF800000> : vector<256xf32>
    %reduce_max3A_63 = vector.multi_reduction <maximumf>, %add3A_62, %reduce_max3A [1] : vector<256x128xf32> to vector<256xf32>
    %broadcast_in_dim3A = vector.shape_cast %reduce_max3A_63 : vector<256xf32> to vector<256x1xf32>
    %sub3A = vector.broadcast %broadcast_in_dim3A : vector<256x1xf32> to vector<256x128xf32>
    %sub3A_64 = arith.subf %add3A_62, %sub3A : vector<256x128xf32>
    %exp3A = math.exp %sub3A_64 : vector<256x128xf32>
    %get3A_65 = arith.constant 0 : index
    %get3A_66 = arith.constant 0 : index
    %get3A_67 = vector.load %arg14[%get3A_65, %get3A_66] : memref<128x128xf32, #tpu.memory_space<vmem>>, vector<128x128xf32>
    %dot_general3A_68 = arith.constant dense<0.000000e+00> : vector<256x128xf32>
    %dot_general3A_69 = tpu.matmul %exp3A, %get3A_67, %dot_general3A_68 {dimension_numbers = #tpu.dot_dimension_numbers<[1], [0], [0], [1], [0, 0, 1, 1], [], []>, transpose_lhs_hint = false} : vector<256x128xf32>, vector<128x128xf32>, vector<256x128xf32> -> vector<256x128xf32>
    %div3A = arith.divf %exp3A, %dot_general3A_69 : vector<256x128xf32>
    %floor3A = math.floor %add3A_33 : vector<256x128xf32>
    %floor3A_70 = math.floor %add3A_52 : vector<256x128xf32>
    %add3A_71 = arith.constant 1.000000e+00 : f32
    %add3A_72 = vector.broadcast %add3A_71 : f32 to vector<256x128xf32>
    %add3A_73 = arith.addf %floor3A_70, %add3A_72 : vector<256x128xf32>
    %sub3A_74 = arith.subf %add3A_33, %floor3A : vector<256x128xf32>
    %sub3A_75 = arith.subf %add3A_52, %floor3A_70 : vector<256x128xf32>
    %get3A_76 = arith.constant 0 : index
    %get3A_77 = arith.constant 0 : index
    %get3A_78 = vector.load %arg17[%get3A_76, %get3A_77] : memref<1x128xf32, #tpu.memory_space<vmem>>, vector<1x128xf32>
    %get3A_79 = arith.constant 0 : index
    %get3A_80 = arith.constant 0 : index
    %get3A_81 = vector.load %arg18[%get3A_79, %get3A_80] : memref<1x128xf32, #tpu.memory_space<vmem>>, vector<1x128xf32>
    %jit3A = arith.constant 0.000000e+00 : f32
    %max3A = vector.broadcast %jit3A : f32 to vector<256x128xf32>
    %max3A_82 = arith.maximumf %max3A, %floor3A : vector<256x128xf32>
    %min3A = vector.broadcast %get3A_78 : vector<1x128xf32> to vector<256x128xf32>
    %min3A_83 = arith.minimumf %min3A, %max3A_82 : vector<256x128xf32>
    %jit3A_84 = arith.constant 0.000000e+00 : f32
    %max3A_85 = vector.broadcast %jit3A_84 : f32 to vector<256x128xf32>
    %max3A_86 = arith.maximumf %max3A_85, %floor3A_70 : vector<256x128xf32>
    %min3A_87 = vector.broadcast %get3A_81 : vector<1x128xf32> to vector<256x128xf32>
    %min3A_88 = arith.minimumf %min3A_87, %max3A_86 : vector<256x128xf32>
    %jit3A_89 = arith.constant 0.000000e+00 : f32
    %max3A_90 = vector.broadcast %jit3A_89 : f32 to vector<256x128xf32>
    %max3A_91 = arith.maximumf %max3A_90, %add3A_73 : vector<256x128xf32>
    %min3A_92 = vector.broadcast %get3A_81 : vector<1x128xf32> to vector<256x128xf32>
    %min3A_93 = arith.minimumf %min3A_92, %max3A_91 : vector<256x128xf32>
    %eq3A = arith.cmpf oeq, %min3A_83, %floor3A : vector<256x128xf32>
    %sub3A_94 = arith.constant 1.000000e+00 : f32
    %sub3A_95 = vector.broadcast %sub3A_94 : f32 to vector<256x128xf32>
    %sub3A_96 = arith.subf %sub3A_95, %sub3A_74 : vector<256x128xf32>
    %add3A_97 = arith.constant 1.000000e+00 : f32
    %add3A_98 = vector.broadcast %add3A_97 : f32 to vector<256x128xf32>
    %add3A_99 = arith.addf %floor3A, %add3A_98 : vector<256x128xf32>
    %eq3A_100 = arith.cmpf oeq, %min3A_83, %add3A_99 : vector<256x128xf32>
    %jit3A_101 = arith.constant 0.000000e+00 : f32
    %broadcast_in_dim3A_102 = vector.broadcast %jit3A_101 : f32 to vector<256x128xf32>
    %select_n3A = arith.select %eq3A_100, %sub3A_74, %broadcast_in_dim3A_102 : vector<256x128xi1>, vector<256x128xf32>
    %select_n3A_103 = arith.select %eq3A, %sub3A_96, %select_n3A : vector<256x128xi1>, vector<256x128xf32>
    %eq3A_104 = arith.cmpf oeq, %min3A_83, %floor3A : vector<256x128xf32>
    %sub3A_105 = arith.constant 1.000000e+00 : f32
    %sub3A_106 = vector.broadcast %sub3A_105 : f32 to vector<256x128xf32>
    %sub3A_107 = arith.subf %floor3A, %sub3A_106 : vector<256x128xf32>
    %eq3A_108 = arith.cmpf oeq, %min3A_83, %sub3A_107 : vector<256x128xf32>
    %sub3A_109 = arith.constant 1.000000e+00 : f32
    %sub3A_110 = vector.broadcast %sub3A_109 : f32 to vector<256x128xf32>
    %sub3A_111 = arith.subf %sub3A_110, %sub3A_74 : vector<256x128xf32>
    %jit3A_112 = arith.constant 0.000000e+00 : f32
    %broadcast_in_dim3A_113 = vector.broadcast %jit3A_112 : f32 to vector<256x128xf32>
    %select_n3A_114 = arith.select %eq3A_108, %sub3A_111, %broadcast_in_dim3A_113 : vector<256x128xi1>, vector<256x128xf32>
    %select_n3A_115 = arith.select %eq3A_104, %sub3A_74, %select_n3A_114 : vector<256x128xi1>, vector<256x128xf32>
    %ge3A = arith.constant 0.000000e+00 : f32
    %ge3A_116 = vector.broadcast %ge3A : f32 to vector<256x128xf32>
    %ge3A_117 = arith.cmpf oge, %floor3A_70, %ge3A_116 : vector<256x128xf32>
    %le3A = vector.broadcast %get3A_81 : vector<1x128xf32> to vector<256x128xf32>
    %le3A_118 = arith.cmpf ole, %floor3A_70, %le3A : vector<256x128xf32>
    %and3A = arith.andi %ge3A_117, %le3A_118 : vector<256x128xi1>
    %sub3A_119 = arith.constant 1.000000e+00 : f32
    %sub3A_120 = vector.broadcast %sub3A_119 : f32 to vector<256x128xf32>
    %sub3A_121 = arith.subf %sub3A_120, %sub3A_75 : vector<256x128xf32>
    %jit3A_122 = arith.constant 0.000000e+00 : f32
    %broadcast_in_dim3A_123 = vector.broadcast %jit3A_122 : f32 to vector<256x128xf32>
    %select_n3A_124 = arith.select %and3A, %sub3A_121, %broadcast_in_dim3A_123 : vector<256x128xi1>, vector<256x128xf32>
    %mul3A = arith.mulf %select_n3A_124, %div3A : vector<256x128xf32>
    %ge3A_125 = arith.constant 0.000000e+00 : f32
    %ge3A_126 = vector.broadcast %ge3A_125 : f32 to vector<256x128xf32>
    %ge3A_127 = arith.cmpf oge, %add3A_73, %ge3A_126 : vector<256x128xf32>
    %le3A_128 = vector.broadcast %get3A_81 : vector<1x128xf32> to vector<256x128xf32>
    %le3A_129 = arith.cmpf ole, %add3A_73, %le3A_128 : vector<256x128xf32>
    %and3A_130 = arith.andi %ge3A_127, %le3A_129 : vector<256x128xi1>
    %jit3A_131 = arith.constant 0.000000e+00 : f32
    %broadcast_in_dim3A_132 = vector.broadcast %jit3A_131 : f32 to vector<256x128xf32>
    %select_n3A_133 = arith.select %and3A_130, %sub3A_75, %broadcast_in_dim3A_132 : vector<256x128xi1>, vector<256x128xf32>
    %mul3A_134 = arith.mulf %select_n3A_133, %div3A : vector<256x128xf32>
    %jit3A_135 = arith.constant 85 : i32
    %div3A_136 = arith.divsi %arg0, %jit3A_135 : i32
    %sign3A = arith.constant 0 : i32
    %sign3A_137 = arith.cmpi sgt, %arg0, %sign3A : i32
    %sign3A_138 = arith.extui %sign3A_137 : i1 to i32
    %sign3A_139 = arith.constant 0 : i32
    %sign3A_140 = arith.cmpi slt, %arg0, %sign3A_139 : i32
    %sign3A_141 = arith.extui %sign3A_140 : i1 to i32
    %sign3A_142 = arith.subi %sign3A_138, %sign3A_141 : i32
    %sign3A_143 = arith.constant 0 : i32
    %sign3A_144 = arith.cmpi sgt, %jit3A_135, %sign3A_143 : i32
    %sign3A_145 = arith.extui %sign3A_144 : i1 to i32
    %sign3A_146 = arith.constant 0 : i32
    %sign3A_147 = arith.cmpi slt, %jit3A_135, %sign3A_146 : i32
    %sign3A_148 = arith.extui %sign3A_147 : i1 to i32
    %sign3A_149 = arith.subi %sign3A_145, %sign3A_148 : i32
    %ne3A = arith.cmpi ne, %sign3A_142, %sign3A_149 : i32
    %rem3A = arith.remsi %arg0, %jit3A_135 : i32
    %ne3A_150 = arith.constant 0 : i32
    %ne3A_151 = arith.cmpi ne, %rem3A, %ne3A_150 : i32
    %and3A_152 = arith.andi %ne3A, %ne3A_151 : i1
    %sub3A_153 = arith.constant 1 : i32
    %sub3A_154 = arith.subi %div3A_136, %sub3A_153 : i32
    %select_n3A_155 = arith.select %and3A_152, %sub3A_154, %div3A_136 : i32
    %mul3A_156 = arith.constant 174080 : i32
    %mul3A_157 = arith.muli %select_n3A_155, %mul3A_156 : i32
    %get3A_158 = arith.constant 0 : index
    %get3A_159 = arith.constant 0 : index
    %get3A_160 = vector.load %arg16[%get3A_158, %get3A_159] : memref<1x128xi32, #tpu.memory_space<vmem>>, vector<1x128xi32>
    %add3A_161 = vector.broadcast %mul3A_157 : i32 to vector<1x128xi32>
    %add3A_162 = arith.addi %get3A_160, %add3A_161 : vector<1x128xi32>
    %convert_element_type3A_163 = arith.fptosi %min3A_83 : vector<256x128xf32> to vector<256x128xi32>
    %add3A_164 = vector.broadcast %add3A_162 : vector<1x128xi32> to vector<256x128xi32>
    %add3A_165 = arith.addi %add3A_164, %convert_element_type3A_163 : vector<256x128xi32>
    %get3A_166 = arith.constant 0 : index
    %get3A_167 = arith.constant 0 : index
    %get3A_168 = vector.load %arg15[%get3A_166, %get3A_167] : memref<1x128xi32, #tpu.memory_space<vmem>>, vector<1x128xi32>
    %convert_element_type3A_169 = arith.fptosi %min3A_88 : vector<256x128xf32> to vector<256x128xi32>
    %mul3A_170 = vector.broadcast %get3A_168 : vector<1x128xi32> to vector<256x128xi32>
    %mul3A_171 = arith.muli %convert_element_type3A_169, %mul3A_170 : vector<256x128xi32>
    %add3A_172 = arith.addi %add3A_165, %mul3A_171 : vector<256x128xi32>
    %convert_element_type3A_173 = arith.fptosi %min3A_93 : vector<256x128xf32> to vector<256x128xi32>
    %mul3A_174 = vector.broadcast %get3A_168 : vector<1x128xi32> to vector<256x128xi32>
    %mul3A_175 = arith.muli %convert_element_type3A_173, %mul3A_174 : vector<256x128xi32>
    %add3A_176 = arith.addi %add3A_165, %mul3A_175 : vector<256x128xi32>
    %concatenate3A = tpu.concatenate %add3A_172, %add3A_176 in 1 : vector<256x128xi32>, vector<256x128xi32> -> vector<256x256xi32>
    %swap3A_177 = arith.constant 0 : index
    %swap3A_178 = arith.constant 0 : index
    %swap3A_179 = vector.load %arg20[%swap3A_177, %swap3A_178] : memref<256x256xi32, #tpu.memory_space<vmem>>, vector<256x256xi32>
    tpu.vector_store %arg20[%swap3A_177, %swap3A_178], %concatenate3A {strides = array<i32>} : memref<256x256xi32, #tpu.memory_space<vmem>>, vector<256x256xi32>,
    %mul3A_180 = arith.mulf %mul3A, %select_n3A_103 : vector<256x128xf32>
    %mul3A_181 = arith.mulf %mul3A_134, %select_n3A_103 : vector<256x128xf32>
    %mul3A_182 = arith.mulf %mul3A, %select_n3A_115 : vector<256x128xf32>
    %mul3A_183 = arith.mulf %mul3A_134, %select_n3A_115 : vector<256x128xf32>
    %concatenate3A_184 = tpu.concatenate %mul3A_180, %mul3A_181, %mul3A_182, %mul3A_183 in 1 : vector<256x128xf32>, vector<256x128xf32>, vector<256x128xf32>, vector<256x128xf32> -> vector<256x512xf32>
    %swap3A_185 = arith.constant 0 : index
    %swap3A_186 = arith.constant 0 : index
    %swap3A_187 = vector.load %arg21[%swap3A_185, %swap3A_186] : memref<256x512xf32, #tpu.memory_space<vmem>>, vector<256x512xf32>
    tpu.vector_store %arg21[%swap3A_185, %swap3A_186], %concatenate3A_184 {strides = array<i32>} : memref<256x512xf32, #tpu.memory_space<vmem>>, vector<256x512xf32>,
    return
  }
  func.func @transform_0(%arg0: i32) -> (i32, i32) {
    %c0_i32 = arith.constant 0 : i32
    %c0_i32_0 = arith.constant 0 : i32
    return %arg0, %c0_i32 : i32, i32
  }
  func.func @transform_1(%arg0: i32) -> (i32, i32) {
    %c0_i32 = arith.constant 0 : i32
    %c0_i32_0 = arith.constant 0 : i32
    return %arg0, %c0_i32 : i32, i32
  }
  func.func @transform_2(%arg0: i32) -> (i32, i32) {
    %c0_i32 = arith.constant 0 : i32
    %c0_i32_0 = arith.constant 0 : i32
    return %arg0, %c0_i32 : i32, i32
  }
  func.func @transform_3(%arg0: i32) -> (i32, i32) {
    %c0_i32 = arith.constant 0 : i32
    %c0_i32_0 = arith.constant 0 : i32
    %c0_i32_1 = arith.constant 0 : i32
    return %c0_i32, %c0_i32_0 : i32, i32
  }
  func.func @transform_4(%arg0: i32) -> (i32, i32) {
    %c0_i32 = arith.constant 0 : i32
    %c0_i32_0 = arith.constant 0 : i32
    %c0_i32_1 = arith.constant 0 : i32
    return %c0_i32, %c0_i32_0 : i32, i32
  }
  func.func @transform_5(%arg0: i32) -> (i32, i32) {
    %c0_i32 = arith.constant 0 : i32
    %c0_i32_0 = arith.constant 0 : i32
    %c0_i32_1 = arith.constant 0 : i32
    return %c0_i32, %c0_i32_0 : i32, i32
  }
  func.func @transform_6(%arg0: i32) -> (i32, i32) {
    %c0_i32 = arith.constant 0 : i32
    %c0_i32_0 = arith.constant 0 : i32
    %c0_i32_1 = arith.constant 0 : i32
    return %c0_i32, %c0_i32_0 : i32, i32
  }
  func.func @transform_7(%arg0: i32) -> (i32, i32) {
    %c0_i32 = arith.constant 0 : i32
    %c0_i32_0 = arith.constant 0 : i32
    %c0_i32_1 = arith.constant 0 : i32
    return %c0_i32, %c0_i32_0 : i32, i32
  }
  func.func @transform_8(%arg0: i32) -> (i32, i32) {
    %c0_i32 = arith.constant 0 : i32
    %c0_i32_0 = arith.constant 0 : i32
    %c0_i32_1 = arith.constant 0 : i32
    return %c0_i32, %c0_i32_0 : i32, i32
  }
  func.func @transform_9(%arg0: i32) -> (i32, i32) {
    %c0_i32 = arith.constant 0 : i32
    %c0_i32_0 = arith.constant 0 : i32
    %c0_i32_1 = arith.constant 0 : i32
    return %c0_i32, %c0_i32_0 : i32, i32
  }
  func.func @transform_10(%arg0: i32) -> (i32, i32) {
    %c0_i32 = arith.constant 0 : i32
    %c0_i32_0 = arith.constant 0 : i32
    %c0_i32_1 = arith.constant 0 : i32
    return %c0_i32, %c0_i32_0 : i32, i32
  }
  func.func @transform_11(%arg0: i32) -> (i32, i32) {
    %c0_i32 = arith.constant 0 : i32
    %c0_i32_0 = arith.constant 0 : i32
    %c0_i32_1 = arith.constant 0 : i32
    return %c0_i32, %c0_i32_0 : i32, i32
  }
  func.func @transform_12(%arg0: i32) -> (i32, i32) {
    %c0_i32 = arith.constant 0 : i32
    %c0_i32_0 = arith.constant 0 : i32
    %c0_i32_1 = arith.constant 0 : i32
    return %c0_i32, %c0_i32_0 : i32, i32
  }
  func.func @transform_13(%arg0: i32) -> (i32, i32) {
    %c0_i32 = arith.constant 0 : i32
    %c0_i32_0 = arith.constant 0 : i32
    %c0_i32_1 = arith.constant 0 : i32
    return %c0_i32, %c0_i32_0 : i32, i32
  }
  func.func @transform_14(%arg0: i32) -> (i32, i32) {
    %c0_i32 = arith.constant 0 : i32
    %c0_i32_0 = arith.constant 0 : i32
    %c0_i32_1 = arith.constant 0 : i32
    return %c0_i32, %c0_i32_0 : i32, i32
  }
  func.func @transform_15(%arg0: i32) -> (i32, i32) {
    %c0_i32 = arith.constant 0 : i32
    %c0_i32_0 = arith.constant 0 : i32
    %c0_i32_1 = arith.constant 0 : i32
    return %c0_i32, %c0_i32_0 : i32, i32
  }
  func.func @transform_16(%arg0: i32) -> (i32, i32) {
    %c0_i32 = arith.constant 0 : i32
    %c0_i32_0 = arith.constant 0 : i32
    %c0_i32_1 = arith.constant 0 : i32
    return %c0_i32, %c0_i32_0 : i32, i32
  }
  func.func @transform_17(%arg0: i32) -> (i32, i32) {
    %c0_i32 = arith.constant 0 : i32
    %c0_i32_0 = arith.constant 0 : i32
    %c0_i32_1 = arith.constant 0 : i32
    return %c0_i32, %c0_i32_0 : i32, i32
  }
  func.func @transform_18(%arg0: i32) -> (i32, i32) {
    %c0_i32 = arith.constant 0 : i32
    %c0_i32_0 = arith.constant 0 : i32
    return %arg0, %c0_i32 : i32, i32
  }
  func.func @transform_19(%arg0: i32) -> (i32, i32) {
    %c0_i32 = arith.constant 0 : i32
    %c0_i32_0 = arith.constant 0 : i32
    return %arg0, %c0_i32 : i32, i32
  }
  func.func @transform_20(%arg0: i32) -> (i32, i32) {
    %c0_i32 = arith.constant 0 : i32
    %c0_i32_0 = arith.constant 0 : i32
    return %arg0, %c0_i32 : i32, i32
  }
}

module attributes {stable_mosaic.version = 14 : i64} {
  func.func @_proj_body(%arg0: i32, %arg1: memref<256x256xf32, #tpu.memory_space<vmem>>, %arg2: memref<256x256xf32, #tpu.memory_space<vmem>>, %arg3: memref<1x256xf32, #tpu.memory_space<vmem>>, %arg4: memref<256x256xf32, #tpu.memory_space<vmem>>) attributes {dimension_semantics = [#tpu.dimension_semantics<arbitrary>], iteration_bounds = array<i64: 170>, scalar_prefetch = 0 : i64, scratch_operands = 0 : i64, tpu.core_type = #tpu.core_type<tc>, window_params = [{transform_indices = @transform_0, window_bounds = array<i64: 256, 256>}, {pipeline_mode = #tpu.pipeline_mode<synchronous>, transform_indices = @transform_1, window_bounds = array<i64: 256, 256>}, {pipeline_mode = #tpu.pipeline_mode<synchronous>, transform_indices = @transform_2, window_bounds = array<i64: 1, 256>}, {transform_indices = @transform_3, window_bounds = array<i64: 256, 256>}]} {
    %get3A = arith.constant 0 : index
    %get3A_0 = arith.constant 0 : index
    %get3A_1 = vector.load %arg1[%get3A, %get3A_0] : memref<256x256xf32, #tpu.memory_space<vmem>>, vector<256x256xf32>
    %get3A_2 = arith.constant 0 : index
    %get3A_3 = arith.constant 0 : index
    %get3A_4 = vector.load %arg2[%get3A_2, %get3A_3] : memref<256x256xf32, #tpu.memory_space<vmem>>, vector<256x256xf32>
    %dot_general3A = arith.constant dense<0.000000e+00> : vector<256x256xf32>
    %dot_general3A_5 = tpu.matmul %get3A_1, %get3A_4, %dot_general3A {dimension_numbers = #tpu.dot_dimension_numbers<[1], [0], [0], [1], [0, 0, 1, 1], [], []>, transpose_lhs_hint = false} : vector<256x256xf32>, vector<256x256xf32>, vector<256x256xf32> -> vector<256x256xf32>
    %get3A_6 = arith.constant 0 : index
    %get3A_7 = arith.constant 0 : index
    %get3A_8 = vector.load %arg3[%get3A_6, %get3A_7] : memref<1x256xf32, #tpu.memory_space<vmem>>, vector<1x256xf32>
    %add3A = vector.broadcast %get3A_8 : vector<1x256xf32> to vector<256x256xf32>
    %add3A_9 = arith.addf %dot_general3A_5, %add3A : vector<256x256xf32>
    %swap3A = arith.constant 0 : index
    %swap3A_10 = arith.constant 0 : index
    %swap3A_11 = vector.load %arg4[%swap3A, %swap3A_10] : memref<256x256xf32, #tpu.memory_space<vmem>>, vector<256x256xf32>
    tpu.vector_store %arg4[%swap3A, %swap3A_10], %add3A_9 {strides = array<i32>} : memref<256x256xf32, #tpu.memory_space<vmem>>, vector<256x256xf32>,
    return
  }
  func.func @transform_0(%arg0: i32) -> (i32, i32) {
    %c0_i32 = arith.constant 0 : i32
    %c0_i32_0 = arith.constant 0 : i32
    return %arg0, %c0_i32 : i32, i32
  }
  func.func @transform_1(%arg0: i32) -> (i32, i32) {
    %c0_i32 = arith.constant 0 : i32
    %c0_i32_0 = arith.constant 0 : i32
    %c0_i32_1 = arith.constant 0 : i32
    return %c0_i32, %c0_i32_0 : i32, i32
  }
  func.func @transform_2(%arg0: i32) -> (i32, i32) {
    %c0_i32 = arith.constant 0 : i32
    %c0_i32_0 = arith.constant 0 : i32
    %c0_i32_1 = arith.constant 0 : i32
    return %c0_i32, %c0_i32_0 : i32, i32
  }
  func.func @transform_3(%arg0: i32) -> (i32, i32) {
    %c0_i32 = arith.constant 0 : i32
    %c0_i32_0 = arith.constant 0 : i32
    return %arg0, %c0_i32 : i32, i32
  }
}

</mosaic_0001>

<sc_bundles>
// kernel: kernel.5.cloned.1.call-start
scs
__scs_entry_jumppad:
0x0: {  	(pc) =	sbr.rel $0x88, $3  }
0x1: {  	(tag) =	ssettag $0x0;
	lr =	simm.s32 $0x1  }
0x2: {  	[smem:$0x3F96] =	sst lr;
	_ =	strace $0xD0000000  }
0x3: {  	_ = 	snop  }
0x4: {  	_ = 	snop  }
0x5: {  	_ = 	snop  }
0x6: {  	_ = 	snop  }
0x7: {  	_ = 	snop  }
__scs_overlays_trampoline_lowered:
0x8: {  	[smem:$0x3FA5] =	sst s0  }
0x9: {  	[smem:$0x3FA6] =	sst s1  }
0xa: {  	[smem:$0x3FA7] =	sst s2  }
0xb: {  	[smem:$0x3FA8] =	sst s3  }
0xc: {  	[smem:$0x3FA9] =	sst s4  }
0xd: {  	[smem:$0x3FAA] =	sst s5  }
0xe: {  	[smem:$0x3FAB] =	sst s6  }
0xf: {  	[smem:$0x3FAC] =	sst s7  }
0x10: {  	[smem:$0x3FAD] =	sst s8  }
0x11: {  	[smem:$0x3FAE] =	sst s9;
	s0 =	simm.s32 @!p0 $0x0  }
0x12: {  	s1 =	sld [smem:$0x3F94];
	s0 =	simm.s32 @p0 $0x1  }
0x13: {  	[smem:$0x3FAF] =	sst s0;
	s0 =	simm.s32 @!p1 $0x0  }
0x14: {  	s2 =	sld [smem:$0x3F93];
	s0 =	simm.s32 @p1 $0x1  }
0x15: {  	[smem:$0x3FB0] =	sst s0;
	s0 =	simm.s32 @!p2 $0x0  }
0x16: {  	s3 =	sld [smem:$0x3FDB];
	s0 =	simm.s32 @p2 $0x1  }
0x17: {  	s4 =	simm.s32 $0x1BF5;
	[smem:$0x3FB2] =	sst s0  }
0x18: {  	s0 =	sld [smem:$0x3F95];
	_ =	swait.ge [sflag:s4], $0x0  }
0x19: {  	s7 =	sld [smem:$0x3F96]  }
0x1a: {  	s8 =	sadd.s32 $0xFFFFE003, lr  }
0x1b: {  	s9 =	sadd.s32 $0xFFFFFEF7, lr;
	s5 =	simm.s32 $0xFFFFFFFF;
	p2 =	slt.u32 s8, $0xFFFFF086  }
0x1c: {  	p1 =	slt.u32 s9, $0xF7A;
	s5 =	simm.s32 @!p2 $0x0  }
0x1d: {  	s5 =	simm.s32 @p1 $0x1;
	p0 =	seq.s32 s7, s2  }
0x1e: {  	s7 =	smul.u32 @!p0 $0xF7A, s2;
	p2 =	seq.s32 @!p0 s5, $0x0  }
0x1f: {  	s9 =	smul.u32 $0xF7A, s1;
	s8 =	simm.s32 @!p0 $0x1BF5;
	p2 =	por !p2, p0  }
0x20: {  	[sflag:s8] =	ssyncset.s32 @!p0 $0xFFFFF086;
	s6 =	sadd.s32 @!p0 s3, s7;
	s7 =	simm.s32 @!p0 $0x108  }
0x21: {  	s3 =	sadd.s32 s3, s9;
	s6 =	sadd.s32 @!p0 $0x88, s6;
	s7 =	simm.s32 @p2 $0x1082  }
0x22: {  	[simem:s7], [sflag:s8] =	dma.local @!p0 [hbm:s6], $0xF7A  }
0x23: {  	s9 =	sor.u32 $0xD0000000, s2;
	s6 =	simm.s32 $0x108;
	_ =	swait.ge @!p0 [sflag:s8], $0x0  }
0x24: {  	s3 =	sadd.s32 $0x88, s3;
	s6 =	simm.s32 @!p1 $0x1082;
	[sflag:s4] =	ssyncset.s32 $0xFFFFF086  }
0x25: {  	[simem:s6], [sflag:s4] =	dma.local [hbm:s3], $0xF7A  }
0x26: {  	[smem:$0x3F96] =	sst s1;
	(tag) =	ssettag s2;
	_ =	strace s9  }
0x27: {  	s1 =	sld [smem:$0x3FA6]  }
0x28: {  	s2 =	sld [smem:$0x3FA7]  }
0x29: {  	s4 =	sld [smem:$0x3FA9]  }
0x2a: {  	p0 =	seq.s32 s5, $0x0;
	s5 =	sld [smem:$0x3FAA]  }
0x2b: {  	s6 =	sld [smem:$0x3FAB]  }
0x2c: {  	s7 =	sld [smem:$0x3FAC]  }
0x2d: {  	s3 =	simm.s32 $0x108;
	s8 =	sld [smem:$0x3FAD]  }
0x2e: {  	s3 =	simm.s32 @!p0 $0x1082;
	s9 =	sld [smem:$0x3FAE]  }
0x2f: {  	lr =	sadd.s32 s0, s3;
	s0 =	sld [smem:$0x3FA5]  }
0x30: {  	s3 =	sld [smem:$0x3FA8]  }
0x31: {  	[smem:$0x3FB1] =	sst s10  }
0x32: {  	s10 =	sld [smem:$0x3FAF];
	_ =	sdelay $0x3  }
0x33: {  	p0 =	seq.s32 s10, $0x1;
	s10 =	sld [smem:$0x3FB1];
	_ =	sdelay $0x3  }
0x34: {  	[smem:$0x3FB1] =	sst s10  }
0x35: {  	s10 =	sld [smem:$0x3FB0];
	_ =	sdelay $0x3  }
0x36: {  	p1 =	seq.s32 s10, $0x1;
	s10 =	sld [smem:$0x3FB1];
	_ =	sdelay $0x3  }
0x37: {  	[smem:$0x3FB1] =	sst s10  }
0x38: {  	s10 =	sld [smem:$0x3FB2]  }
0x39: {  	_ = 	snop;
	(pc) =	sbr.ind lr, $3  }
0x3a: {  	_ = 	snop  }
0x3b: {  	_ = 	snop  }
0x3c: {  	p2 =	seq.s32 s10, $0x1;
	s10 =	sld [smem:$0x3FB1]  }
0x3d: {  	_ =	shalt  }
0x3e: {  	_ =	shalt  }
0x3f: {  	_ =	shalt  }
0x40: {  	_ =	shalt  }
0x41: {  	_ =	shalt  }
0x42: {  	_ =	shalt  }
0x43: {  	_ =	shalt  }
0x44: {  	_ =	shalt  }
0x45: {  	_ =	shalt  }
0x46: {  	_ =	shalt  }
0x47: {  	_ =	shalt  }
0x48: {  	_ =	shalt  }
0x49: {  	_ =	shalt  }
0x4a: {  	_ =	shalt  }
0x4b: {  	_ =	shalt  }
0x4c: {  	_ =	shalt  }
0x4d: {  	_ =	shalt  }
0x4e: {  	_ =	shalt  }
0x4f: {  	_ =	shalt  }
0x50: {  	_ =	shalt  }
0x51: {  	_ =	shalt  }
0x52: {  	_ =	shalt  }
0x53: {  	_ =	shalt  }
0x54: {  	_ =	shalt  }
0x55: {  	_ =	shalt  }
0x56: {  	_ =	shalt  }
0x57: {  	_ =	shalt  }
0x58: {  	_ =	shalt  }
0x59: {  	_ =	shalt  }
0x5a: {  	_ =	shalt  }
0x5b: {  	_ =	shalt  }
0x5c: {  	_ =	shalt  }
0x5d: {  	_ =	shalt  }
0x5e: {  	_ =	shalt  }
0x5f: {  	_ =	shalt  }
0x60: {  	_ =	shalt  }
0x61: {  	_ =	shalt  }
0x62: {  	_ =	shalt  }
0x63: {  	_ =	shalt  }
0x64: {  	_ =	shalt  }
0x65: {  	_ =	shalt  }
0x66: {  	_ =	shalt  }
0x67: {  	_ =	shalt  }
0x68: {  	_ =	shalt  }
0x69: {  	_ =	shalt  }
0x6a: {  	_ =	shalt  }
0x6b: {  	_ =	shalt  }
0x6c: {  	_ =	shalt  }
0x6d: {  	_ =	shalt  }
0x6e: {  	_ =	shalt  }
0x6f: {  	_ =	shalt  }
0x70: {  	_ =	shalt  }
0x71: {  	_ =	shalt  }
0x72: {  	_ =	shalt  }
0x73: {  	_ =	shalt  }
0x74: {  	_ =	shalt  }
0x75: {  	_ =	shalt  }
0x76: {  	_ =	shalt  }
0x77: {  	_ =	shalt  }
0x78: {  	_ =	shalt  }
0x79: {  	_ =	shalt  }
0x7a: {  	_ =	shalt  }
0x7b: {  	_ =	shalt  }
0x7c: {  	_ =	shalt  }
0x7d: {  	_ =	shalt  }
0x7e: {  	_ =	shalt  }
0x7f: {  	_ =	shalt  }
0x80: {  	_ =	shalt  }
0x81: {  	_ =	shalt  }
0x82: {  	_ =	shalt  }
0x83: {  	_ =	shalt  }
0x84: {  	_ =	shalt  }
0x85: {  	_ =	shalt  }
0x86: {  	_ =	shalt  }
0x87: {  	_ =	shalt  }
.Lfunc_end0:
.L_simem_size_0:
called_computation.3_lowered:
.L_overlay_start_0:
0x88: {  	s2 =	sld [smem:$0x3FD9]  }
0x89: {  	s3 =	sld [smem:$0x3FFE];
	_ =	sdelay $0x1  }
0x8a: {  	s1 =	srdreg.scid  }
0x8b: {  	s0 =	sand.u32 $0x1, s1  }
0x8c: {  	s17 =	sshll.u32 s0, $0xA;
	s2 =	sadd.s32 s3, s2  }
0x8d: {  	s2 =	sadd.s32 s2, s17  }
0x8e: {  	[smem:$0x3FBD] =	sst s2  }
0x8f: {  	_ = 	snop  }
0x90: {  	s2 =	sld [smem:$0x3FD0];
	(tm) =	ssettm $0x1  }
0x91: {  	s18 =	sld [smem:$0x3FFB];
	_ =	sdelay $0x3  }
0x92: {  	_ =	strace s18  }
0x93: {  	s3 =	sld [smem:$0x3FFC];
	_ =	sdelay $0x3  }
0x94: {  	_ =	strace s3  }
0x95: {  	s3 =	sld [smem:$0x3FFD];
	_ =	sdelay $0x3  }
0x96: {  	_ =	strace s3  }
0x97: {  	_ =	strace $0x8FFFFFFF  }
0x98: {  	s19 =	sld [smem:$0x3FDB];
	_ =	sdelay $0x1  }
0x99: {  	s4 =	simm.s32 $_scs_section_size  }
0x9a: {  	s5 =	simm.s32 $_size__tile_overlayer_lowered;
	s6 =	simm.s32 $_tile_overlayer_lowered  }
0x9b: {  	s22 =	simm.s32 $0x1BFF;
	s21 =	sshll.u32 s6, $0x1;
	s3 =	sadd.s32 s4, s19  }
0x9c: {  	s7 =	simm.s32 $0x0;
	s20 =	sshll.u32 s5, $0x1;
	s5 =	sadd.s32 s21, s3  }
0x9d: {  	[timem:s7], [sflag:s22] =	dma.local [hbm:s5], s20  }
0x9e: {  	_ =	swait.ge [sflag:s22], s20  }
0x9f: {  	s4 =	ssub.s32 $0x0, s20;
	[sflag:s22] =	ssyncset.done $0x0  }
0xa0: {  	[sflag:s22] =	ssyncadd.s32 s4;
	_ =	sdelay $0x1  }
0xa1: {  	s23 =	simm.s32 $0x1B8B  }
0xa2: {  	_ =	swait.ge [sflag:s23], $0x1  }
0xa3: {  	[sflag:s23] =	ssyncset.done $0x0  }
0xa4: {  	s25 =	simm.s32 $0x1B8E;
	s24 =	sld [smem:$0x3FFE];
	[sflag:s23] =	ssyncadd.s32 $0xFFFFFFFF  }
0xa5: {  	s26 =	simm.s32 $execute0_lowered;
	[smem:$0x3FD2] =	sst s25  }
0xa6: {  	s5 =	sshll.u32 s26, $0x1;
	_ =	strace $0x8000004F;
	[dreg:$0x1] =	wrdreg $0xFFFFFFFF  }
0xa7: {  	s28 =	simm.s32 $_size_execute0_lowered;
	s3 =	sadd.s32 s3, s5;
	[dreg:$0x0] =	wrdreg $0x0  }
0xa8: {  	s5 =	sshll.u32 s28, $0x1;
	[dreg:$0x2] =	wrdreg s3  }
0xa9: {  	[dreg:$0x3] =	wrdreg s5  }
0xaa: {  	[dreg:$0x4] =	wrdreg $0xC0  }
0xab: {  	_ =	task [dreg:s7], $0x5FFFF  }
0xac: {  	[dreg:$0x1] =	wrdreg $0xFFFFFFFF  }
0xad: {  	[dreg:$0x0] =	wrdreg $0x60  }
0xae: {  	[dreg:$0x2] =	wrdreg s24  }
0xaf: {  	[dreg:$0x3] =	wrdreg s2  }
0xb0: {  	[dreg:$0x4] =	wrdreg $0x9  }
0xb1: {  	_ =	task.clear_ibuf [dreg:s7], $0x5FFFF;
	_ =	strace $0x9000004F  }
0xb2: {  	s29 =	simm.s32 $0x9;
	_ =	strace $0x80000051  }
0xb3: {  	_ =	swait.ge [sflag:s29], $0x1  }
0xb4: {  	[sflag:s29] =	ssyncadd.s32 $0xFFFFFFFF  }
0xb5: {  	_ =	strace $0x90000051  }
0xb6: {  	_ =	sfence  }
0xb7: {  	s30 =	sld [smem:$0x0];
	_ =	sdelay $0x2  }
0xb8: {  	s31 =	sshll.u32 s1, $0xD;
	s1 =	sshrl.u32 s1, $0x2  }
0xb9: {  	s3 =	sand.u32 $0x4000, s31;
	s1 =	sadd.s32 s1, s30  }
0xba: {  	s0 =	sor.u32 s3, s0;
	s1 =	sshll.u32 s1, $0x11  }
0xbb: {  	s0 =	sor.u32 s1, s0  }
0xbc: {  	s0 =	sadd.s32 $0x8F2B, s0  }
0xbd: {  	[sflag:s0] =	ssyncadd.remote.s32 $0x1  }
0xbe: {  	_ =	sfence.sel $0xFFFF  }
0xbf: {  	[dreg:$0x0] =	wrdreg $0xFFFFFFFF;
	(pc) =	sbr.abs _section_cstart, $3  }
0xc0: {  	[dreg:$0x1] =	wrdreg $0xFFFFFFFF  }
0xc1: {  	_ =	task.clear_ibuf [dreg:s7], $0x2FFFF;
	_ =	strace $0x9FFFFFFF  }
0xc2: {  	(tm) =	ssettm $0x7FFFFFFF  }
0xc3: {  	_ =	shalt  }
tec
execute0_lowered:
.L_overlay_start_1:
0x0: {  	(tag) =	ssettag $0x1  }
0x1: {  	s0 =	rddreg [dreg:$0x0]  }
0x2: {  	s2 =	rddreg [dreg:$0x1]  }
0x3: {  	s3 =	simm.s32 $0x0;
	s1 =	srdreg.scid;
	s4 =	stileid.u32  }
0x4: {  	s15 =	simm.s32 $0x1;
	s18 =	simm.s32 $0x100;
	s19 =	simm.s32 $0xF000  }
0x5: {  	s20 =	simm.s32 $0x11000;
	s21 =	simm.s32 $0x2;
	s22 =	simm.s32 $0x3  }
0x6: {  	s23 =	simm.s32 $0x13000;
	s1 =	sand.u32 $0x1, s1;
	s4 =	sshll.u32 s4, $0x1  }
0x7: {  	s24 =	simm.s32 $0x4;
	s5 =	sadd.s32 $0x3FEE00, s0;
	s8 =	sor.u32 s1, s4  }
0x8: {  	[smem:$0x7FF] =	sst s3;
	s7 =	sadd.s32 $0x6A6E00, s0;
	s6 =	smul.u32 $0x550, s8  }
0x9: {  	s25 =	simm.s32 $0x0;
	_ =	strace $0x80000050;
	s29 =	smul.u32 $0xAA00, s8  }
0xa: {  	s4 =	sadd.s32 $0x2E00, s0;
	s28 =	ssub.s32 $0x2, s1;
	s8 =	smul.u32 $0x15400, s8  }
0xb: {  	s9 =	sshrl.u32 s28, $0x1;
	s10 =	sadd.s32 $0x28, s6;
	s1 =	sadd.s32 s5, s29  }
0xc: {  	s8 =	sadd.s32 s7, s8;
	[dreg:$0x3] =	wrdreg s1;
	s30 =	sshll.u32 s10, $0x5  }
0xd: {  	[dreg:$0x4] =	wrdreg s8;
	s31 =	sshll.u32 s10, $0x6;
	s1 =	sadd.s32 s5, s30  }
0xe: {  	s0 =	ssub.s32 s28, s9;
	[dreg:$0x5] =	wrdreg s1;
	s1 =	sadd.s32 s7, s31  }
0xf: {  	s12 =	sadd.s32 $0x50, s6;
	s13 =	smax.u32 s0, $0x1;
	[dreg:$0x6] =	wrdreg s1  }
.LBB2_1:
0x10: {  	s0 =	rddreg [dreg:$0x3]  }
0x11: {  	[tilespmem:s3], [sflag:$0x1] =	stream.linear.gather [hbm4b:s0+s3], $0x2800, $0x38;
	[tilespmem:$0x15800] =	vst v63  }
0x12: {  	s26 =	rddreg [dreg:$0x4];
	s1 =	simm.s32 $0x5000  }
0x13: {  	[tilespmem:s1], [sflag:$0x1] =	stream.linear.gather [hbm4b:s26+s3], $0x5000, $0x38;
	[tilespmem:$0x15800] =	vst v63  }
0x14: {  	_ =	swait.ge [sflag:s15], $0x2800  }
0x15: {  	[sflag:s15] =	ssyncset.done $0x0  }
0x16: {  	[sflag:s15] =	ssyncadd.s32 $0xFFFFD800  }
0x17: {  	_ =	swait.ge [sflag:s15], $0x5000  }
0x18: {  	[sflag:s15] =	ssyncset.done $0x0  }
0x19: {  	s29 =	simm.s32 $0x2800;
	s28 =	rddreg [dreg:$0x5];
	[sflag:s15] =	ssyncadd.s32 $0xFFFFB000  }
0x1a: {  	[tilespmem:s29], [sflag:$0x1] =	stream.linear.gather [hbm4b:s28+s3], $0x2800, $0x38;
	[tilespmem:$0x15800] =	vst v63  }
0x1b: {  	s31 =	simm.s32 $0xA000;
	s30 =	rddreg [dreg:$0x6]  }
0x1c: {  	[tilespmem:s31], [sflag:$0x1] =	stream.linear.gather [hbm4b:s30+s3], $0x5000, $0x38;
	[tilespmem:$0x15800] =	vst v63  }
0x1d: {  	p0 =	por $0x0, $0x0;
	s26 =	simm.s32 $0x0  }
0x1e: {  	[tilespmem:s19], [sflag:$0x2] =	stream.indirect.gather [hbm4b:s4+s18], $0x20, s3, s18, $0xb8;
	[tilespmem:$0x15800] =	vst v63  }
.LBB2_2:
0x1f: {  	s28 =	sand.u32 $0x1, s26  }
0x20: {  	s0 =	simm.s32 $0x1;
	s1 =	smul.u32 $0x14000, s28  }
0x21: {  	s0 =	simm.s32 @!p0 $0x0;
	s8 =	smul.u32 $0xA000, s28  }
0x22: {  	s0 =	smul.u32 $0x14000, s0  }
0x23: {  	s14 =	simm.s32 $0x13000;
	s16 =	simm.s32 $0x13100;
	s1 =	sshrl.u32 s1, $0x2  }
0x24: {  	s30 =	sshrl.u32 s8, $0x2;
	s0 =	sshrl.u32 s0, $0x2;
	s29 =	sadd.s32 $0x5000, s1  }
0x25: {  	s1 =	simm.s32 $0x0;
	s31 =	sadd.s32 $0x5380, s0;
	s9 =	sadd.s32 $0x5100, s0  }
.LBB2_3:
0x26: {  	s0 =	sshll.u32 s1, $0x9  }
0x27: {  	s0 =	sadd.s32 s0, s30  }
0x28: {  	s0 =	sadd.s32 $0x100, s0  }
0x29: {  	[tilespmem:s20], [sflag:$0x3] =	stream.indirect.gather [hbm4b:s4+s18], $0x20, s0, s18, $0xb8;
	[tilespmem:$0x15800] =	vst v63  }
0x2a: {  	_ =	swait.ge [sflag:s21], $0x2000  }
0x2b: {  	s17 =	sshll.u32 s1, $0xB;
	s8 =	simm.s32 $0x10000;
	[sflag:s21] =	ssyncset.done $0x0  }
0x2c: {  	v0 =	vmov s14;
	s10 =	simm.s32 $0x0;
	s0 =	smov.u32 s9;
	[sflag:s21] =	ssyncadd.s32 $0xFFFFE000  }
.LBB2_4:
0x2d: {  	v1 =	vld [tilespmem:s0+$0xFFFFFF00]  }
0x2e: {  	v3 =	vld [tilespmem:s8+$0xFFFFF000]  }
0x2f: {  	v2 =	vld [tilespmem:s0+$0x0]  }
0x30: {  	v4 =	vld [tilespmem:s8+$0xFFFFF010]  }
0x31: {  	v6 =	vld [tilespmem:s8+$0xFFFFF020]  }
0x32: {  	v31 =	vld [tilespmem:s8+$0xFFFFF030]  }
0x33: {  	v33 =	vld [tilespmem:s8+$0xFFFFF040]  }
0x34: {  	v36 =	vld [tilespmem:s8+$0xFFFFF050]  }
0x35: {  	v38 =	vld [tilespmem:s8+$0xFFFFF060]  }
0x36: {  	v41 =	vld [tilespmem:s8+$0xFFFFF070]  }
0x37: {  	v47 =	vld [tilespmem:s8+$0xFFFFF080];
	v5 =	vbroadcast v1, $0x0;
	v7 =	vshll.u32 v3, $0x10;
	v3 =	vand.u32 $0xFFFF0000, v3  }
0x38: {  	v50 =	vld [tilespmem:s8+$0xFFFFF090];
	v8 =	vbroadcast v2, $0x0;
	v9 =	vshll.u32 v4, $0x10;
	v4 =	vand.u32 $0xFFFF0000, v4  }
0x39: {  	v52 =	vld [tilespmem:s8+$0xFFFFF0A0];
	v10 =	vbroadcast v1, $0x1;
	v32 =	vshll.u32 v6, $0x10;
	v6 =	vand.u32 $0xFFFF0000, v6  }
0x3a: {  	v56 =	vld [tilespmem:s8+$0xFFFFF0B0];
	v34 =	vbroadcast v2, $0x1;
	v35 =	vshll.u32 v31, $0x10;
	v37 =	vbroadcast v1, $0x2  }
0x3b: {  	v62 =	vld [tilespmem:s8+$0xFFFFF0C0];
	v39 =	vshll.u32 v33, $0x10;
	v40 =	vbroadcast v2, $0x2;
	v11 =	vshll.u32 v36, $0x10  }
0x3c: {  	v13 =	vld [tilespmem:s8+$0xFFFFF0D0];
	v43 =	vbroadcast v1, $0x3;
	v45 =	vshll.u32 v38, $0x10;
	v48 =	vbroadcast v2, $0x3  }
0x3d: {  	v16 =	vld [tilespmem:s8+$0xFFFFF0E0];
	v49 =	vshll.u32 v41, $0x10;
	v51 =	vbroadcast v1, $0x4;
	v53 =	vshll.u32 v47, $0x10  }
0x3e: {  	v54 =	vbroadcast v2, $0x4;
	v55 =	vshll.u32 v50, $0x10;
	v58 =	vbroadcast v1, $0x5  }
0x3f: {  	v20 =	vld [tilespmem:s8+$0xFFFFF0F0];
	v60 =	vshll.u32 v52, $0x10;
	v61 =	vand.u32 $0xFFFF0000, v52;
	v63 =	vbroadcast v2, $0x5  }
0x40: {  	v12 =	vshll.u32 v56, $0x10;
	v15 =	vbroadcast v1, $0x6;
	v17 =	vshll.u32 v62, $0x10  }
0x41: {  	v18 =	vbroadcast v2, $0x6;
	v19 =	vshll.u32 v13, $0x10;
	v22 =	vbroadcast v1, $0x7  }
0x42: {  	v24 =	vshll.u32 v16, $0x10;
	v27 =	vbroadcast v2, $0x7;
	v7 =	vmul.f32 v7, v5  }
0x43: {  	v29 =	vld [tilespmem:s8+$0xFFFFF110];
	v25 =	vand.u32 $0xFFFF0000, v16;
	v3 =	vmul.f32 v3, v5;
	v9 =	vmul.f32 v9, v8  }
0x44: {  	v28 =	vshll.u32 v20, $0x10;
	v4 =	vmul.f32 v4, v8;
	v8 =	vmul.f32 v32, v10  }
0x45: {  	v26 =	vld [tilespmem:s8+$0xFFFFF100];
	v6 =	vmul.f32 v6, v10;
	v5 =	vand.u32 $0xFFFF0000, v31;
	v10 =	vmul.f32 v35, v34  }
0x46: {  	v42 =	vmul.f32 v11, v40;
	v46 =	vmul.f32 v45, v43;
	v7 =	vadd.f32 $0.0e+00, v7  }
0x47: {  	v57 =	vmul.f32 v55, v54;
	v21 =	vmul.f32 v19, v18;
	v3 =	vadd.f32 $0.0e+00, v3  }
0x48: {  	v31 =	vbroadcast v1, $0x8;
	v32 =	vld [tilespmem:s8+$0xFFFFF120];
	v35 =	vshll.u32 v29, $0x10;
	v7 =	vadd.f32 v9, v7  }
0x49: {  	v3 =	vadd.f32 v4, v3;
	v4 =	vmul.f32 v5, v34;
	v9 =	vand.u32 $0xFFFF0000, v33  }
0x4a: {  	v33 =	vshll.u32 v26, $0x10;
	v34 =	vbroadcast v2, $0x8;
	v5 =	vmul.f32 v9, v37  }
0x4b: {  	v9 =	vand.u32 $0xFFFF0000, v41;
	v7 =	vadd.f32 v8, v7;
	v3 =	vadd.f32 v6, v3  }
0x4c: {  	v8 =	vand.u32 $0xFFFF0000, v36;
	v6 =	vand.u32 $0xFFFF0000, v38;
	v38 =	vbroadcast v1, $0x9  }
0x4d: {  	v41 =	vand.u32 $0xFFFF0000, v32;
	v44 =	vmul.f32 v8, v40;
	v6 =	vmul.f32 v6, v43  }
0x4e: {  	v7 =	vadd.f32 v10, v7;
	v3 =	vadd.f32 v4, v3;
	v4 =	vmul.f32 v39, v37  }
0x4f: {  	v8 =	vand.u32 $0xFFFF0000, v47;
	v40 =	vshll.u32 v32, $0x10;
	v43 =	vbroadcast v2, $0x9  }
0x50: {  	v52 =	vld [tilespmem:s8+$0xFFFFF170];
	v47 =	vbroadcast v1, $0xA;
	v10 =	vmul.f32 v49, v48;
	v4 =	vadd.f32 v4, v7  }
0x51: {  	v36 =	vld [tilespmem:s8+$0xFFFFF130];
	v37 =	vmul.f32 v35, v34;
	v3 =	vadd.f32 v5, v3;
	v5 =	vmul.f32 v9, v48  }
0x52: {  	v7 =	vand.u32 $0xFFFF0000, v50;
	v9 =	vand.u32 $0xFFFF0000, v62;
	v48 =	vld [tilespmem:s8+$0xFFFFF160];
	v4 =	vadd.f32 v42, v4  }
0x53: {  	v45 =	vld [tilespmem:s8+$0xFFFFF150];
	v50 =	vbroadcast v2, $0xA;
	v59 =	vmul.f32 v7, v54;
	v3 =	vadd.f32 v44, v3  }
0x54: {  	v7 =	vmul.f32 v60, v58;
	v54 =	vbroadcast v1, $0xB;
	v42 =	vld [tilespmem:s8+$0xFFFFF140];
	v4 =	vadd.f32 v46, v4  }
0x55: {  	v3 =	vadd.f32 v6, v3;
	v6 =	vmul.f32 v8, v51;
	v8 =	vand.u32 $0xFFFF0000, v56  }
0x56: {  	v60 =	vshll.u32 v52, $0x10;
	v44 =	vshll.u32 v36, $0x10;
	v14 =	vmul.f32 v8, v63  }
0x57: {  	v8 =	vand.u32 $0xFFFF0000, v26;
	v56 =	vshll.u32 v48, $0x10;
	v4 =	vadd.f32 v10, v4  }
0x58: {  	v3 =	vadd.f32 v5, v3;
	v5 =	vmul.f32 v53, v51;
	v10 =	vmul.f32 v12, v63  }
0x59: {  	v51 =	vshll.u32 v45, $0x10;
	v63 =	vbroadcast v1, $0xC;
	v12 =	vld [tilespmem:s8+$0xFFFFF1A0];
	v49 =	vshll.u32 v42, $0x10  }
0x5a: {  	v53 =	vmul.f32 v51, v50;
	v4 =	vadd.f32 v5, v4;
	v5 =	vmul.f32 v61, v58;
	v58 =	vld [tilespmem:s8+$0xFFFFF180]  }
0x5b: {  	v3 =	vadd.f32 v6, v3;
	v6 =	vmul.f32 v9, v15;
	v9 =	vand.u32 $0xFFFF0000, v20;
	v61 =	vld [tilespmem:s8+$0xFFFFF190]  }
0x5c: {  	v30 =	vmul.f32 v9, v27;
	v9 =	vand.u32 $0xFFFF0000, v42;
	v4 =	vadd.f32 v57, v4  }
0x5d: {  	v16 =	vld [tilespmem:s8+$0xFFFFF1B0];
	v3 =	vadd.f32 v59, v3;
	v57 =	vand.u32 $0xFFFF0000, v48;
	v59 =	vbroadcast v2, $0xB  }
0x5e: {  	v20 =	vshll.u32 v12, $0x10;
	v4 =	vadd.f32 v7, v4;
	v7 =	vand.u32 $0xFFFF0000, v13  }
0x5f: {  	v3 =	vadd.f32 v5, v3;
	v5 =	vmul.f32 v17, v15;
	v23 =	vmul.f32 v7, v18  }
0x60: {  	v7 =	vmul.f32 v24, v22;
	v13 =	vshll.u32 v58, $0x10;
	v15 =	vshll.u32 v61, $0x10  }
0x61: {  	v18 =	vbroadcast v1, $0xD;
	v4 =	vadd.f32 v10, v4;
	v3 =	vadd.f32 v14, v3  }
0x62: {  	v24 =	vshll.u32 v16, $0x10;
	v10 =	vmul.f32 v28, v27;
	v14 =	vbroadcast v2, $0xC;
	v28 =	vld [tilespmem:s8+$0xFFFFF1E0]  }
0x63: {  	v27 =	vbroadcast v1, $0xE;
	v4 =	vadd.f32 v5, v4;
	v3 =	vadd.f32 v6, v3  }
0x64: {  	v5 =	vmul.f32 v25, v22;
	v6 =	vmul.f32 v8, v31;
	v8 =	vand.u32 $0xFFFF0000, v36;
	v22 =	vld [tilespmem:s8+$0xFFFFF1C0]  }
0x65: {  	v17 =	vmul.f32 v15, v14;
	v25 =	vld [tilespmem:s8+$0xFFFFF1D0];
	v46 =	vmul.f32 v8, v43;
	v4 =	vadd.f32 v21, v4  }
0x66: {  	v32 =	vld [tilespmem:s8+$0xFFFFF1F0];
	v8 =	vand.u32 $0xFFFF0000, v58;
	v3 =	vadd.f32 v23, v3;
	v21 =	vand.u32 $0xFFFF0000, v12  }
0x67: {  	v23 =	vbroadcast v2, $0xD;
	v36 =	vshll.u32 v28, $0x10;
	v4 =	vadd.f32 v7, v4  }
0x68: {  	v3 =	vadd.f32 v5, v3;
	v5 =	vmul.f32 v33, v31;
	v7 =	vand.u32 $0xFFFF0000, v29  }
0x69: {  	v39 =	vmul.f32 v7, v34;
	v7 =	vmul.f32 v40, v38;
	v29 =	vshll.u32 v22, $0x10  }
0x6a: {  	v31 =	vshll.u32 v25, $0x10;
	v4 =	vadd.f32 v10, v4;
	v3 =	vadd.f32 v30, v3  }
0x6b: {  	v34 =	vbroadcast v1, $0xF;
	v1 =	vld [tilespmem:s0+$0xFFFFFF80];
	v40 =	vshll.u32 v32, $0x10;
	v10 =	vmul.f32 v44, v43  }
0x6c: {  	v30 =	vbroadcast v2, $0xE;
	v44 =	vld [tilespmem:s8+$0x20];
	v4 =	vadd.f32 v5, v4;
	v3 =	vadd.f32 v6, v3  }
0x6d: {  	v5 =	vmul.f32 v41, v38;
	v6 =	vmul.f32 v9, v47;
	v9 =	vand.u32 $0xFFFF0000, v52;
	v38 =	vld [tilespmem:s8+$0x0]  }
0x6e: {  	v33 =	vmul.f32 v31, v30;
	v41 =	vld [tilespmem:s8+$0x10];
	v62 =	vmul.f32 v9, v59;
	v4 =	vadd.f32 v37, v4  }
0x6f: {  	v9 =	vand.u32 $0xFFFF0000, v22;
	v3 =	vadd.f32 v39, v3;
	v37 =	vand.u32 $0xFFFF0000, v28  }
0x70: {  	v39 =	vbroadcast v2, $0xF;
	v2 =	vld [tilespmem:s0+$0x80];
	v43 =	vbroadcast v1, $0x0;
	v4 =	vadd.f32 v7, v4  }
0x71: {  	v3 =	vadd.f32 v5, v3;
	v5 =	vmul.f32 v49, v47;
	v7 =	vand.u32 $0xFFFF0000, v45  }
0x72: {  	v48 =	vld [tilespmem:s8+$0x30];
	v52 =	vshll.u32 v44, $0x10;
	v55 =	vmul.f32 v7, v50;
	v7 =	vmul.f32 v56, v54  }
0x73: {  	v45 =	vshll.u32 v38, $0x10;
	v47 =	vshll.u32 v41, $0x10;
	v4 =	vadd.f32 v10, v4  }
0x74: {  	v50 =	vbroadcast v1, $0x1;
	v3 =	vadd.f32 v46, v3;
	v10 =	vmul.f32 v60, v59  }
0x75: {  	v59 =	vbroadcast v1, $0x2;
	v60 =	vld [tilespmem:s8+$0x60];
	v46 =	vbroadcast v2, $0x0;
	v4 =	vadd.f32 v5, v4  }
0x76: {  	v3 =	vadd.f32 v6, v3;
	v6 =	vmul.f32 v8, v63;
	v8 =	vand.u32 $0xFFFF0000, v16  }
0x77: {  	v56 =	vshll.u32 v48, $0x10;
	v5 =	vmul.f32 v57, v54;
	v54 =	vld [tilespmem:s8+$0x40];
	v26 =	vmul.f32 v8, v23  }
0x78: {  	v57 =	vld [tilespmem:s8+$0x50];
	v8 =	vand.u32 $0xFFFF0000, v38;
	v49 =	vmul.f32 v47, v46;
	v4 =	vadd.f32 v53, v4  }
0x79: {  	v12 =	vld [tilespmem:s8+$0x70];
	v3 =	vadd.f32 v55, v3;
	v53 =	vand.u32 $0xFFFF0000, v44;
	v55 =	vbroadcast v2, $0x1  }
0x7a: {  	v16 =	vshll.u32 v60, $0x10;
	v4 =	vadd.f32 v7, v4;
	v7 =	vand.u32 $0xFFFF0000, v61  }
0x7b: {  	v3 =	vadd.f32 v5, v3;
	v5 =	vmul.f32 v13, v63;
	v19 =	vmul.f32 v7, v14  }
0x7c: {  	v7 =	vmul.f32 v20, v18;
	v61 =	vshll.u32 v54, $0x10;
	v4 =	vadd.f32 v10, v4  }
0x7d: {  	v63 =	vshll.u32 v57, $0x10;
	v14 =	vbroadcast v1, $0x3;
	v3 =	vadd.f32 v62, v3  }
0x7e: {  	v20 =	vshll.u32 v12, $0x10;
	v10 =	vmul.f32 v24, v23;
	v4 =	vadd.f32 v5, v4  }
0x7f: {  	v62 =	vbroadcast v2, $0x2;
	v23 =	vbroadcast v1, $0x4;
	v3 =	vadd.f32 v6, v3  }
0x80: {  	v24 =	vld [tilespmem:s8+$0xA0];
	v5 =	vmul.f32 v21, v18;
	v6 =	vmul.f32 v9, v27;
	v4 =	vadd.f32 v17, v4  }
0x81: {  	v9 =	vand.u32 $0xFFFF0000, v32;
	v13 =	vmul.f32 v63, v62;
	v18 =	vld [tilespmem:s8+$0x80];
	v3 =	vadd.f32 v19, v3  }
0x82: {  	v21 =	vld [tilespmem:s8+$0x90];
	v42 =	vmul.f32 v9, v39;
	v9 =	vand.u32 $0xFFFF0000, v54;
	v4 =	vadd.f32 v7, v4  }
0x83: {  	v28 =	vld [tilespmem:s8+$0xB0];
	v17 =	vand.u32 $0xFFFF0000, v60;
	v19 =	vbroadcast v2, $0x3;
	v3 =	vadd.f32 v5, v3  }
0x84: {  	v5 =	vmul.f32 v29, v27;
	v7 =	vand.u32 $0xFFFF0000, v25;
	v4 =	vadd.f32 v10, v4  }
0x85: {  	v32 =	vshll.u32 v24, $0x10;
	v35 =	vmul.f32 v7, v30;
	v3 =	vadd.f32 v26, v3  }
0x86: {  	v7 =	vmul.f32 v36, v34;
	v25 =	vshll.u32 v18, $0x10;
	v4 =	vadd.f32 v5, v4  }
0x87: {  	v27 =	vshll.u32 v21, $0x10;
	v30 =	vbroadcast v1, $0x5;
	v3 =	vadd.f32 v6, v3  }
0x88: {  	v36 =	vshll.u32 v28, $0x10;
	v10 =	vmul.f32 v40, v39;
	v4 =	vadd.f32 v33, v4  }
0x89: {  	v26 =	vbroadcast v2, $0x4;
	v5 =	vmul.f32 v37, v34;
	v3 =	vadd.f32 v35, v3  }
0x8a: {  	v39 =	vbroadcast v1, $0x6;
	v6 =	vmul.f32 v8, v43;
	v4 =	vadd.f32 v7, v4  }
0x8b: {  	v40 =	vld [tilespmem:s8+$0xE0];
	v8 =	vand.u32 $0xFFFF0000, v48;
	v29 =	vmul.f32 v27, v26;
	v3 =	vadd.f32 v5, v3  }
0x8c: {  	v34 =	vld [tilespmem:s8+$0xC0];
	v58 =	vmul.f32 v8, v55;
	v5 =	vmul.f32 v45, v43;
	v4 =	vadd.f32 v10, v4  }
0x8d: {  	v37 =	vld [tilespmem:s8+$0xD0];
	v8 =	vand.u32 $0xFFFF0000, v18;
	v18 =	vbroadcast v1, $0xA;
	v3 =	vadd.f32 v42, v3  }
0x8e: {  	v44 =	vld [tilespmem:s8+$0xF0];
	v33 =	vand.u32 $0xFFFF0000, v24;
	v7 =	vand.u32 $0xFFFF0000, v41;
	v4 =	vadd.f32 v5, v4  }
0x8f: {  	v35 =	vbroadcast v2, $0x5;
	v51 =	vmul.f32 v7, v46;
	v3 =	vadd.f32 v6, v3  }
0x90: {  	v48 =	vshll.u32 v40, $0x10;
	v7 =	vmul.f32 v52, v50;
	v4 =	vadd.f32 v49, v4  }
0x91: {  	v41 =	vshll.u32 v34, $0x10;
	v5 =	vmul.f32 v53, v50;
	v3 =	vadd.f32 v51, v3  }
0x92: {  	v43 =	vshll.u32 v37, $0x10;
	v10 =	vmul.f32 v56, v55;
	v4 =	vadd.f32 v7, v4  }
0x93: {  	v46 =	vbroadcast v1, $0x7;
	v52 =	vshll.u32 v44, $0x10;
	v3 =	vadd.f32 v5, v3  }
0x94: {  	v42 =	vbroadcast v2, $0x6;
	v5 =	vmul.f32 v61, v59;
	v4 =	vadd.f32 v10, v4  }
0x95: {  	v55 =	vbroadcast v1, $0x8;
	v6 =	vmul.f32 v9, v59;
	v3 =	vadd.f32 v58, v3  }
0x96: {  	v9 =	vand.u32 $0xFFFF0000, v12;
	v7 =	vand.u32 $0xFFFF0000, v57;
	v4 =	vadd.f32 v5, v4  }
0x97: {  	v45 =	vmul.f32 v43, v42;
	v15 =	vmul.f32 v7, v62;
	v3 =	vadd.f32 v6, v3  }
0x98: {  	v56 =	vld [tilespmem:s8+$0x120];
	v22 =	vmul.f32 v9, v19;
	v7 =	vmul.f32 v16, v14;
	v4 =	vadd.f32 v13, v4  }
0x99: {  	v50 =	vld [tilespmem:s8+$0x100];
	v9 =	vand.u32 $0xFFFF0000, v34;
	v5 =	vmul.f32 v17, v14;
	v3 =	vadd.f32 v15, v3  }
0x9a: {  	v53 =	vld [tilespmem:s8+$0x110];
	v34 =	vbroadcast v1, $0xC;
	v10 =	vmul.f32 v20, v19;
	v4 =	vadd.f32 v7, v4  }
0x9b: {  	v49 =	vand.u32 $0xFFFF0000, v40;
	v51 =	vbroadcast v2, $0x7;
	v3 =	vadd.f32 v5, v3  }
0x9c: {  	v40 =	vbroadcast v1, $0xD;
	v5 =	vmul.f32 v25, v23;
	v4 =	vadd.f32 v10, v4  }
0x9d: {  	v12 =	vand.u32 $0xFFFF0000, v56;
	v6 =	vmul.f32 v8, v23;
	v3 =	vadd.f32 v22, v3  }
0x9e: {  	v57 =	vshll.u32 v50, $0x10;
	v7 =	vand.u32 $0xFFFF0000, v21;
	v4 =	vadd.f32 v5, v4  }
0x9f: {  	v59 =	vshll.u32 v53, $0x10;
	v31 =	vmul.f32 v7, v26;
	v3 =	vadd.f32 v6, v3  }
0xa0: {  	v62 =	vbroadcast v1, $0x9;
	v7 =	vmul.f32 v32, v30;
	v4 =	vadd.f32 v29, v4  }
0xa1: {  	v58 =	vbroadcast v2, $0x8;
	v5 =	vmul.f32 v33, v30;
	v3 =	vadd.f32 v31, v3  }
0xa2: {  	v60 =	vld [tilespmem:s8+$0x130];
	v8 =	vand.u32 $0xFFFF0000, v28;
	v10 =	vmul.f32 v36, v35;
	v4 =	vadd.f32 v7, v4  }
0xa3: {  	v19 =	vld [tilespmem:s8+$0x160];
	v61 =	vmul.f32 v59, v58;
	v38 =	vmul.f32 v8, v35;
	v3 =	vadd.f32 v5, v3  }
0xa4: {  	v14 =	vbroadcast v2, $0x9;
	v5 =	vmul.f32 v41, v39;
	v4 =	vadd.f32 v10, v4  }
0xa5: {  	v8 =	vand.u32 $0xFFFF0000, v50;
	v6 =	vmul.f32 v9, v39;
	v3 =	vadd.f32 v38, v3  }
0xa6: {  	v50 =	vbroadcast v1, $0xE;
	v7 =	vand.u32 $0xFFFF0000, v37;
	v4 =	vadd.f32 v5, v4  }
0xa7: {  	v15 =	vshll.u32 v60, $0x10;
	v47 =	vmul.f32 v7, v42;
	v3 =	vadd.f32 v6, v3  }
0xa8: {  	v27 =	vshll.u32 v19, $0x10;
	v7 =	vmul.f32 v48, v46;
	v4 =	vadd.f32 v45, v4  }
0xa9: {  	v16 =	vld [tilespmem:s8+$0x150];
	v28 =	vand.u32 $0xFFFF0000, v19;
	v5 =	vmul.f32 v49, v46;
	v3 =	vadd.f32 v47, v3  }
0xaa: {  	v9 =	vand.u32 $0xFFFF0000, v44;
	v10 =	vmul.f32 v52, v51;
	v4 =	vadd.f32 v7, v4  }
0xab: {  	v13 =	vld [tilespmem:s8+$0x140];
	v21 =	vbroadcast v2, $0xA;
	v54 =	vmul.f32 v9, v51;
	v3 =	vadd.f32 v5, v3  }
0xac: {  	v25 =	vbroadcast v1, $0xB;
	v5 =	vmul.f32 v57, v55;
	v4 =	vadd.f32 v10, v4  }
0xad: {  	v1 =	vbroadcast v1, $0xF;
	v6 =	vmul.f32 v8, v55;
	v3 =	vadd.f32 v54, v3  }
0xae: {  	v22 =	vshll.u32 v16, $0x10;
	v7 =	vand.u32 $0xFFFF0000, v53;
	v4 =	vadd.f32 v5, v4  }
0xaf: {  	v63 =	vmul.f32 v7, v58;
	v10 =	vshll.u32 v56, $0x10;
	v3 =	vadd.f32 v6, v3  }
0xb0: {  	v23 =	vld [tilespmem:s8+$0x170];
	v20 =	vshll.u32 v13, $0x10;
	v7 =	vmul.f32 v10, v62;
	v4 =	vadd.f32 v61, v4  }
0xb1: {  	v35 =	vld [tilespmem:s8+$0x1A0];
	v24 =	vmul.f32 v22, v21;
	v5 =	vmul.f32 v12, v62;
	v3 =	vadd.f32 v63, v3  }
0xb2: {  	v8 =	vand.u32 $0xFFFF0000, v60;
	v10 =	vmul.f32 v15, v14;
	v4 =	vadd.f32 v7, v4  }
0xb3: {  	v30 =	vbroadcast v2, $0xB;
	v17 =	vmul.f32 v8, v14;
	v3 =	vadd.f32 v5, v3  }
0xb4: {  	v9 =	vand.u32 $0xFFFF0000, v13;
	v29 =	vld [tilespmem:s8+$0x180];
	v5 =	vmul.f32 v20, v18;
	v4 =	vadd.f32 v10, v4  }
0xb5: {  	v31 =	vshll.u32 v23, $0x10;
	v6 =	vmul.f32 v9, v18;
	v3 =	vadd.f32 v17, v3  }
0xb6: {  	v43 =	vshll.u32 v35, $0x10;
	v7 =	vand.u32 $0xFFFF0000, v16;
	v4 =	vadd.f32 v5, v4  }
0xb7: {  	v37 =	vbroadcast v2, $0xC;
	v41 =	vld [tilespmem:s8+$0x1C0];
	v26 =	vmul.f32 v7, v21;
	v3 =	vadd.f32 v6, v3  }
0xb8: {  	v32 =	vld [tilespmem:s8+$0x190];
	v44 =	vmul.f32 v43, v40;
	v7 =	vmul.f32 v27, v25;
	v4 =	vadd.f32 v24, v4  }
0xb9: {  	v36 =	vshll.u32 v29, $0x10;
	v5 =	vmul.f32 v28, v25;
	v3 =	vadd.f32 v26, v3  }
0xba: {  	v9 =	vand.u32 $0xFFFF0000, v23;
	v10 =	vmul.f32 v31, v30;
	v4 =	vadd.f32 v7, v4  }
0xbb: {  	v8 =	vand.u32 $0xFFFF0000, v29;
	v33 =	vmul.f32 v9, v30;
	v3 =	vadd.f32 v5, v3  }
0xbc: {  	v38 =	vld [tilespmem:s8+$0x1B0];
	v51 =	vshll.u32 v41, $0x10;
	v5 =	vmul.f32 v36, v34;
	v4 =	vadd.f32 v10, v4  }
0xbd: {  	v12 =	vshll.u32 v32, $0x10;
	v6 =	vmul.f32 v8, v34;
	v3 =	vadd.f32 v33, v3  }
0xbe: {  	v39 =	vmul.f32 v12, v37;
	v7 =	vand.u32 $0xFFFF0000, v32;
	v4 =	vadd.f32 v5, v4  }
0xbf: {  	v45 =	vbroadcast v2, $0xD;
	v42 =	vmul.f32 v7, v37;
	v3 =	vadd.f32 v6, v3  }
0xc0: {  	v46 =	vld [tilespmem:s8+$0x1D0];
	v47 =	vand.u32 $0xFFFF0000, v35;
	v52 =	vmul.f32 v51, v50;
	v4 =	vadd.f32 v39, v4  }
0xc1: {  	v48 =	vshll.u32 v38, $0x10;
	v6 =	vmul.f32 v47, v40;
	v3 =	vadd.f32 v42, v3  }
0xc2: {  	v13 =	vld [tilespmem:s8+$0x1E0];
	v11 =	vand.u32 $0xFFFF0000, v38;
	v49 =	vmul.f32 v48, v45;
	v4 =	vadd.f32 v44, v4  }
0xc3: {  	v53 =	vbroadcast v2, $0xE;
	v54 =	vmul.f32 v11, v45;
	v3 =	vadd.f32 v6, v3  }
0xc4: {  	v2 =	vbroadcast v2, $0xF;
	v58 =	vld [tilespmem:s8+$0x1F0];
	v56 =	vand.u32 $0xFFFF0000, v41;
	v4 =	vadd.f32 v49, v4  }
0xc5: {  	v55 =	vshll.u32 v46, $0x10;
	v59 =	vmul.f32 v56, v50;
	v3 =	vadd.f32 v54, v3  }
0xc6: {  	v60 =	vand.u32 $0xFFFF0000, v46;
	v57 =	vmul.f32 v55, v53;
	v4 =	vadd.f32 v52, v4  }
0xc7: {  	v61 =	vshll.u32 v13, $0x10;
	v5 =	vmul.f32 v60, v53;
	v3 =	vadd.f32 v59, v3  }
0xc8: {  	v62 =	vand.u32 $0xFFFF0000, v13;
	v6 =	vmul.f32 v61, v1;
	v4 =	vadd.f32 v57, v4  }
0xc9: {  	v63 =	vshll.u32 v58, $0x10;
	v1 =	vmul.f32 v62, v1;
	v3 =	vadd.f32 v5, v3  }
0xca: {  	p1 =	sne.s32 s10, $0x380;
	v7 =	vand.u32 $0xFFFF0000, v58;
	v5 =	vmul.f32 v63, v2;
	v4 =	vadd.f32 v6, v4  }
.Ltmp0:
0xcb: {  	v2 =	vmul.f32 v7, v2;
	v1 =	vadd.f32 v1, v3;
	(pc) =	sbr.rel @p1 .LBB2_4-.Ltmp0, $4  }
0xcc: {  	v3 =	vadd.f32 v5, v4  }
0xcd: {  	s11 =	sshra.s32 s10, $0x2;
	v1 =	vadd.f32 v2, v1  }
0xce: {  	[tilespmem:v0+s11+$0x0 ss:$0x1] =	vst.idx.msk $0xffff, v3  }
0xcf: {  	s10 =	sadd.s32 $0x80, s10;
	s0 =	sadd.s32 $0x10, s0;
	s8 =	sadd.s32 $0x200, s8;
	[tilespmem:v0+s11+$0x10 ss:$0x1] =	vst.idx.msk $0xffff, v1  }
0xd0: {  	p1 =	seq.s32 s1, $0x13  }
0xd1: {  	s0 =	sshrl.u32 @!p1 s17, $0x2  }
0xd2: {  	s0 =	sadd.s32 @!p1 s0, s30  }
0xd3: {  	s8 =	simm.s32 @!p1 $0x100;
	s10 =	simm.s32 @!p1 $0xF000;
	s0 =	sadd.s32 @!p1 $0x200, s0  }
0xd4: {  	[tilespmem:s10], [sflag:$0x2] =	stream.indirect.gather @!p1 [hbm4b:s4+s8], $0x20, s0, s8, $0xb8;
	[tilespmem:$0x15800] =	vst v63  }
0xd5: {  	_ =	swait.ge [sflag:s22], $0x2000  }
0xd6: {  	s17 =	simm.s32 $0x121F0;
	[sflag:s22] =	ssyncset.done $0x0  }
0xd7: {  	v0 =	vmov s16;
	s8 =	simm.s32 $0x0;
	s0 =	smov.u32 s31;
	[sflag:s22] =	ssyncadd.s32 $0xFFFFE000  }
.LBB2_6:
0xd8: {  	v1 =	vld [tilespmem:s0+$0xFFFFFE80]  }
0xd9: {  	v3 =	vld [tilespmem:s17+$0xFFFFEE10]  }
0xda: {  	v2 =	vld [tilespmem:s0+$0xFFFFFF80]  }
0xdb: {  	v4 =	vld [tilespmem:s17+$0xFFFFEE20]  }
0xdc: {  	v6 =	vld [tilespmem:s17+$0xFFFFEE30]  }
0xdd: {  	v31 =	vld [tilespmem:s17+$0xFFFFEE40]  }
0xde: {  	v33 =	vld [tilespmem:s17+$0xFFFFEE50]  }
0xdf: {  	v36 =	vld [tilespmem:s17+$0xFFFFEE60]  }
0xe0: {  	v38 =	vld [tilespmem:s17+$0xFFFFEE70]  }
0xe1: {  	v41 =	vld [tilespmem:s17+$0xFFFFEE80]  }
0xe2: {  	v47 =	vld [tilespmem:s17+$0xFFFFEE90];
	v5 =	vbroadcast v1, $0x0;
	v7 =	vshll.u32 v3, $0x10;
	v3 =	vand.u32 $0xFFFF0000, v3  }
0xe3: {  	v50 =	vld [tilespmem:s17+$0xFFFFEEA0];
	v8 =	vbroadcast v2, $0x0;
	v9 =	vshll.u32 v4, $0x10;
	v4 =	vand.u32 $0xFFFF0000, v4  }
0xe4: {  	v52 =	vld [tilespmem:s17+$0xFFFFEEB0];
	v10 =	vbroadcast v1, $0x1;
	v32 =	vshll.u32 v6, $0x10;
	v6 =	vand.u32 $0xFFFF0000, v6  }
0xe5: {  	v56 =	vld [tilespmem:s17+$0xFFFFEEC0];
	v34 =	vbroadcast v2, $0x1;
	v35 =	vshll.u32 v31, $0x10;
	v37 =	vbroadcast v1, $0x2  }
0xe6: {  	v62 =	vld [tilespmem:s17+$0xFFFFEED0];
	v39 =	vshll.u32 v33, $0x10;
	v40 =	vbroadcast v2, $0x2;
	v11 =	vshll.u32 v36, $0x10  }
0xe7: {  	v13 =	vld [tilespmem:s17+$0xFFFFEEE0];
	v43 =	vbroadcast v1, $0x3;
	v45 =	vshll.u32 v38, $0x10;
	v48 =	vbroadcast v2, $0x3  }
0xe8: {  	v16 =	vld [tilespmem:s17+$0xFFFFEEF0];
	v49 =	vshll.u32 v41, $0x10;
	v51 =	vbroadcast v1, $0x4;
	v53 =	vshll.u32 v47, $0x10  }
0xe9: {  	v54 =	vbroadcast v2, $0x4;
	v55 =	vshll.u32 v50, $0x10;
	v58 =	vbroadcast v1, $0x5  }
0xea: {  	v20 =	vld [tilespmem:s17+$0xFFFFEF00];
	v60 =	vshll.u32 v52, $0x10;
	v61 =	vand.u32 $0xFFFF0000, v52;
	v63 =	vbroadcast v2, $0x5  }
0xeb: {  	v12 =	vshll.u32 v56, $0x10;
	v15 =	vbroadcast v1, $0x6;
	v17 =	vshll.u32 v62, $0x10  }
0xec: {  	v18 =	vbroadcast v2, $0x6;
	v19 =	vshll.u32 v13, $0x10;
	v22 =	vbroadcast v1, $0x7  }
0xed: {  	v24 =	vshll.u32 v16, $0x10;
	v27 =	vbroadcast v2, $0x7;
	v7 =	vmul.f32 v7, v5  }
0xee: {  	v29 =	vld [tilespmem:s17+$0xFFFFEF20];
	v25 =	vand.u32 $0xFFFF0000, v16;
	v3 =	vmul.f32 v3, v5;
	v9 =	vmul.f32 v9, v8  }
0xef: {  	v28 =	vshll.u32 v20, $0x10;
	v4 =	vmul.f32 v4, v8;
	v8 =	vmul.f32 v32, v10  }
0xf0: {  	v26 =	vld [tilespmem:s17+$0xFFFFEF10];
	v6 =	vmul.f32 v6, v10;
	v5 =	vand.u32 $0xFFFF0000, v31;
	v10 =	vmul.f32 v35, v34  }
0xf1: {  	v42 =	vmul.f32 v11, v40;
	v46 =	vmul.f32 v45, v43;
	v7 =	vadd.f32 $0.0e+00, v7  }
0xf2: {  	v57 =	vmul.f32 v55, v54;
	v21 =	vmul.f32 v19, v18;
	v3 =	vadd.f32 $0.0e+00, v3  }
0xf3: {  	v31 =	vbroadcast v1, $0x8;
	v32 =	vld [tilespmem:s17+$0xFFFFEF30];
	v35 =	vshll.u32 v29, $0x10;
	v7 =	vadd.f32 v9, v7  }
0xf4: {  	v3 =	vadd.f32 v4, v3;
	v4 =	vmul.f32 v5, v34;
	v9 =	vand.u32 $0xFFFF0000, v33  }
0xf5: {  	v33 =	vshll.u32 v26, $0x10;
	v34 =	vbroadcast v2, $0x8;
	v5 =	vmul.f32 v9, v37  }
0xf6: {  	v9 =	vand.u32 $0xFFFF0000, v41;
	v7 =	vadd.f32 v8, v7;
	v3 =	vadd.f32 v6, v3  }
0xf7: {  	v8 =	vand.u32 $0xFFFF0000, v36;
	v6 =	vand.u32 $0xFFFF0000, v38;
	v38 =	vbroadcast v1, $0x9  }
0xf8: {  	v41 =	vand.u32 $0xFFFF0000, v32;
	v44 =	vmul.f32 v8, v40;
	v6 =	vmul.f32 v6, v43  }
0xf9: {  	v7 =	vadd.f32 v10, v7;
	v3 =	vadd.f32 v4, v3;
	v4 =	vmul.f32 v39, v37  }
0xfa: {  	v8 =	vand.u32 $0xFFFF0000, v47;
	v40 =	vshll.u32 v32, $0x10;
	v43 =	vbroadcast v2, $0x9  }
0xfb: {  	v52 =	vld [tilespmem:s17+$0xFFFFEF80];
	v47 =	vbroadcast v1, $0xA;
	v10 =	vmul.f32 v49, v48;
	v4 =	vadd.f32 v4, v7  }
0xfc: {  	v36 =	vld [tilespmem:s17+$0xFFFFEF40];
	v37 =	vmul.f32 v35, v34;
	v3 =	vadd.f32 v5, v3;
	v5 =	vmul.f32 v9, v48  }
0xfd: {  	v7 =	vand.u32 $0xFFFF0000, v50;
	v9 =	vand.u32 $0xFFFF0000, v62;
	v48 =	vld [tilespmem:s17+$0xFFFFEF70];
	v4 =	vadd.f32 v42, v4  }
0xfe: {  	v45 =	vld [tilespmem:s17+$0xFFFFEF60];
	v50 =	vbroadcast v2, $0xA;
	v59 =	vmul.f32 v7, v54;
	v3 =	vadd.f32 v44, v3  }
0xff: {  	v7 =	vmul.f32 v60, v58;
	v54 =	vbroadcast v1, $0xB;
	v42 =	vld [tilespmem:s17+$0xFFFFEF50];
	v4 =	vadd.f32 v46, v4  }
0x100: {  	v3 =	vadd.f32 v6, v3;
	v6 =	vmul.f32 v8, v51;
	v8 =	vand.u32 $0xFFFF0000, v56  }
0x101: {  	v60 =	vshll.u32 v52, $0x10;
	v44 =	vshll.u32 v36, $0x10;
	v14 =	vmul.f32 v8, v63  }
0x102: {  	v8 =	vand.u32 $0xFFFF0000, v26;
	v56 =	vshll.u32 v48, $0x10;
	v4 =	vadd.f32 v10, v4  }
0x103: {  	v3 =	vadd.f32 v5, v3;
	v5 =	vmul.f32 v53, v51;
	v10 =	vmul.f32 v12, v63  }
0x104: {  	v51 =	vshll.u32 v45, $0x10;
	v63 =	vbroadcast v1, $0xC;
	v12 =	vld [tilespmem:s17+$0xFFFFEFB0];
	v49 =	vshll.u32 v42, $0x10  }
0x105: {  	v53 =	vmul.f32 v51, v50;
	v4 =	vadd.f32 v5, v4;
	v5 =	vmul.f32 v61, v58;
	v58 =	vld [tilespmem:s17+$0xFFFFEF90]  }
0x106: {  	v3 =	vadd.f32 v6, v3;
	v6 =	vmul.f32 v9, v15;
	v9 =	vand.u32 $0xFFFF0000, v20;
	v61 =	vld [tilespmem:s17+$0xFFFFEFA0]  }
0x107: {  	v30 =	vmul.f32 v9, v27;
	v9 =	vand.u32 $0xFFFF0000, v42;
	v4 =	vadd.f32 v57, v4  }
0x108: {  	v16 =	vld [tilespmem:s17+$0xFFFFEFC0];
	v3 =	vadd.f32 v59, v3;
	v57 =	vand.u32 $0xFFFF0000, v48;
	v59 =	vbroadcast v2, $0xB  }
0x109: {  	v20 =	vshll.u32 v12, $0x10;
	v4 =	vadd.f32 v7, v4;
	v7 =	vand.u32 $0xFFFF0000, v13  }
0x10a: {  	v3 =	vadd.f32 v5, v3;
	v5 =	vmul.f32 v17, v15;
	v23 =	vmul.f32 v7, v18  }
0x10b: {  	v7 =	vmul.f32 v24, v22;
	v13 =	vshll.u32 v58, $0x10;
	v15 =	vshll.u32 v61, $0x10  }
0x10c: {  	v18 =	vbroadcast v1, $0xD;
	v4 =	vadd.f32 v10, v4;
	v3 =	vadd.f32 v14, v3  }
0x10d: {  	v24 =	vshll.u32 v16, $0x10;
	v10 =	vmul.f32 v28, v27;
	v14 =	vbroadcast v2, $0xC;
	v28 =	vld [tilespmem:s17+$0xFFFFEFF0]  }
0x10e: {  	v27 =	vbroadcast v1, $0xE;
	v4 =	vadd.f32 v5, v4;
	v3 =	vadd.f32 v6, v3  }
0x10f: {  	v5 =	vmul.f32 v25, v22;
	v6 =	vmul.f32 v8, v31;
	v8 =	vand.u32 $0xFFFF0000, v36;
	v22 =	vld [tilespmem:s17+$0xFFFFEFD0]  }
0x110: {  	v17 =	vmul.f32 v15, v14;
	v25 =	vld [tilespmem:s17+$0xFFFFEFE0];
	v46 =	vmul.f32 v8, v43;
	v4 =	vadd.f32 v21, v4  }
0x111: {  	v32 =	vld [tilespmem:s17+$0xFFFFF000];
	v8 =	vand.u32 $0xFFFF0000, v58;
	v3 =	vadd.f32 v23, v3;
	v21 =	vand.u32 $0xFFFF0000, v12  }
0x112: {  	v23 =	vbroadcast v2, $0xD;
	v36 =	vshll.u32 v28, $0x10;
	v4 =	vadd.f32 v7, v4  }
0x113: {  	v3 =	vadd.f32 v5, v3;
	v5 =	vmul.f32 v33, v31;
	v7 =	vand.u32 $0xFFFF0000, v29  }
0x114: {  	v39 =	vmul.f32 v7, v34;
	v7 =	vmul.f32 v40, v38;
	v29 =	vshll.u32 v22, $0x10  }
0x115: {  	v31 =	vshll.u32 v25, $0x10;
	v4 =	vadd.f32 v10, v4;
	v3 =	vadd.f32 v30, v3  }
0x116: {  	v34 =	vbroadcast v1, $0xF;
	v1 =	vld [tilespmem:s0+$0xFFFFFF00];
	v40 =	vshll.u32 v32, $0x10;
	v10 =	vmul.f32 v44, v43  }
0x117: {  	v30 =	vbroadcast v2, $0xE;
	v44 =	vld [tilespmem:s17+$0xFFFFFE30];
	v4 =	vadd.f32 v5, v4;
	v3 =	vadd.f32 v6, v3  }
0x118: {  	v5 =	vmul.f32 v41, v38;
	v6 =	vmul.f32 v9, v47;
	v9 =	vand.u32 $0xFFFF0000, v52;
	v38 =	vld [tilespmem:s17+$0xFFFFFE10]  }
0x119: {  	v33 =	vmul.f32 v31, v30;
	v41 =	vld [tilespmem:s17+$0xFFFFFE20];
	v62 =	vmul.f32 v9, v59;
	v4 =	vadd.f32 v37, v4  }
0x11a: {  	v9 =	vand.u32 $0xFFFF0000, v22;
	v3 =	vadd.f32 v39, v3;
	v37 =	vand.u32 $0xFFFF0000, v28  }
0x11b: {  	v39 =	vbroadcast v2, $0xF;
	v2 =	vld [tilespmem:s0+$0x0];
	v43 =	vbroadcast v1, $0x0;
	v4 =	vadd.f32 v7, v4  }
0x11c: {  	v3 =	vadd.f32 v5, v3;
	v5 =	vmul.f32 v49, v47;
	v7 =	vand.u32 $0xFFFF0000, v45  }
0x11d: {  	v48 =	vld [tilespmem:s17+$0xFFFFFE40];
	v52 =	vshll.u32 v44, $0x10;
	v55 =	vmul.f32 v7, v50;
	v7 =	vmul.f32 v56, v54  }
0x11e: {  	v45 =	vshll.u32 v38, $0x10;
	v47 =	vshll.u32 v41, $0x10;
	v4 =	vadd.f32 v10, v4  }
0x11f: {  	v50 =	vbroadcast v1, $0x1;
	v3 =	vadd.f32 v46, v3;
	v10 =	vmul.f32 v60, v59  }
0x120: {  	v59 =	vbroadcast v1, $0x2;
	v60 =	vld [tilespmem:s17+$0xFFFFFE70];
	v46 =	vbroadcast v2, $0x0;
	v4 =	vadd.f32 v5, v4  }
0x121: {  	v3 =	vadd.f32 v6, v3;
	v6 =	vmul.f32 v8, v63;
	v8 =	vand.u32 $0xFFFF0000, v16  }
0x122: {  	v56 =	vshll.u32 v48, $0x10;
	v5 =	vmul.f32 v57, v54;
	v54 =	vld [tilespmem:s17+$0xFFFFFE50];
	v26 =	vmul.f32 v8, v23  }
0x123: {  	v57 =	vld [tilespmem:s17+$0xFFFFFE60];
	v8 =	vand.u32 $0xFFFF0000, v38;
	v49 =	vmul.f32 v47, v46;
	v4 =	vadd.f32 v53, v4  }
0x124: {  	v12 =	vld [tilespmem:s17+$0xFFFFFE80];
	v3 =	vadd.f32 v55, v3;
	v53 =	vand.u32 $0xFFFF0000, v44;
	v55 =	vbroadcast v2, $0x1  }
0x125: {  	v16 =	vshll.u32 v60, $0x10;
	v4 =	vadd.f32 v7, v4;
	v7 =	vand.u32 $0xFFFF0000, v61  }
0x126: {  	v3 =	vadd.f32 v5, v3;
	v5 =	vmul.f32 v13, v63;
	v19 =	vmul.f32 v7, v14  }
0x127: {  	v7 =	vmul.f32 v20, v18;
	v61 =	vshll.u32 v54, $0x10;
	v4 =	vadd.f32 v10, v4  }
0x128: {  	v63 =	vshll.u32 v57, $0x10;
	v14 =	vbroadcast v1, $0x3;
	v3 =	vadd.f32 v62, v3  }
0x129: {  	v20 =	vshll.u32 v12, $0x10;
	v10 =	vmul.f32 v24, v23;
	v4 =	vadd.f32 v5, v4  }
0x12a: {  	v62 =	vbroadcast v2, $0x2;
	v23 =	vbroadcast v1, $0x4;
	v3 =	vadd.f32 v6, v3  }
0x12b: {  	v24 =	vld [tilespmem:s17+$0xFFFFFEB0];
	v5 =	vmul.f32 v21, v18;
	v6 =	vmul.f32 v9, v27;
	v4 =	vadd.f32 v17, v4  }
0x12c: {  	v9 =	vand.u32 $0xFFFF0000, v32;
	v13 =	vmul.f32 v63, v62;
	v18 =	vld [tilespmem:s17+$0xFFFFFE90];
	v3 =	vadd.f32 v19, v3  }
0x12d: {  	v21 =	vld [tilespmem:s17+$0xFFFFFEA0];
	v42 =	vmul.f32 v9, v39;
	v9 =	vand.u32 $0xFFFF0000, v54;
	v4 =	vadd.f32 v7, v4  }
0x12e: {  	v28 =	vld [tilespmem:s17+$0xFFFFFEC0];
	v17 =	vand.u32 $0xFFFF0000, v60;
	v19 =	vbroadcast v2, $0x3;
	v3 =	vadd.f32 v5, v3  }
0x12f: {  	v5 =	vmul.f32 v29, v27;
	v7 =	vand.u32 $0xFFFF0000, v25;
	v4 =	vadd.f32 v10, v4  }
0x130: {  	v32 =	vshll.u32 v24, $0x10;
	v35 =	vmul.f32 v7, v30;
	v3 =	vadd.f32 v26, v3  }
0x131: {  	v7 =	vmul.f32 v36, v34;
	v25 =	vshll.u32 v18, $0x10;
	v4 =	vadd.f32 v5, v4  }
0x132: {  	v27 =	vshll.u32 v21, $0x10;
	v30 =	vbroadcast v1, $0x5;
	v3 =	vadd.f32 v6, v3  }
0x133: {  	v36 =	vshll.u32 v28, $0x10;
	v10 =	vmul.f32 v40, v39;
	v4 =	vadd.f32 v33, v4  }
0x134: {  	v26 =	vbroadcast v2, $0x4;
	v5 =	vmul.f32 v37, v34;
	v3 =	vadd.f32 v35, v3  }
0x135: {  	v39 =	vbroadcast v1, $0x6;
	v6 =	vmul.f32 v8, v43;
	v4 =	vadd.f32 v7, v4  }
0x136: {  	v40 =	vld [tilespmem:s17+$0xFFFFFEF0];
	v8 =	vand.u32 $0xFFFF0000, v48;
	v29 =	vmul.f32 v27, v26;
	v3 =	vadd.f32 v5, v3  }
0x137: {  	v34 =	vld [tilespmem:s17+$0xFFFFFED0];
	v58 =	vmul.f32 v8, v55;
	v5 =	vmul.f32 v45, v43;
	v4 =	vadd.f32 v10, v4  }
0x138: {  	v37 =	vld [tilespmem:s17+$0xFFFFFEE0];
	v8 =	vand.u32 $0xFFFF0000, v18;
	v18 =	vbroadcast v1, $0xA;
	v3 =	vadd.f32 v42, v3  }
0x139: {  	v44 =	vld [tilespmem:s17+$0xFFFFFF00];
	v33 =	vand.u32 $0xFFFF0000, v24;
	v7 =	vand.u32 $0xFFFF0000, v41;
	v4 =	vadd.f32 v5, v4  }
0x13a: {  	v35 =	vbroadcast v2, $0x5;
	v51 =	vmul.f32 v7, v46;
	v3 =	vadd.f32 v6, v3  }
0x13b: {  	v48 =	vshll.u32 v40, $0x10;
	v7 =	vmul.f32 v52, v50;
	v4 =	vadd.f32 v49, v4  }
0x13c: {  	v41 =	vshll.u32 v34, $0x10;
	v5 =	vmul.f32 v53, v50;
	v3 =	vadd.f32 v51, v3  }
0x13d: {  	v43 =	vshll.u32 v37, $0x10;
	v10 =	vmul.f32 v56, v55;
	v4 =	vadd.f32 v7, v4  }
0x13e: {  	v46 =	vbroadcast v1, $0x7;
	v52 =	vshll.u32 v44, $0x10;
	v3 =	vadd.f32 v5, v3  }
0x13f: {  	v42 =	vbroadcast v2, $0x6;
	v5 =	vmul.f32 v61, v59;
	v4 =	vadd.f32 v10, v4  }
0x140: {  	v55 =	vbroadcast v1, $0x8;
	v6 =	vmul.f32 v9, v59;
	v3 =	vadd.f32 v58, v3  }
0x141: {  	v9 =	vand.u32 $0xFFFF0000, v12;
	v7 =	vand.u32 $0xFFFF0000, v57;
	v4 =	vadd.f32 v5, v4  }
0x142: {  	v45 =	vmul.f32 v43, v42;
	v15 =	vmul.f32 v7, v62;
	v3 =	vadd.f32 v6, v3  }
0x143: {  	v56 =	vld [tilespmem:s17+$0xFFFFFF30];
	v22 =	vmul.f32 v9, v19;
	v7 =	vmul.f32 v16, v14;
	v4 =	vadd.f32 v13, v4  }
0x144: {  	v50 =	vld [tilespmem:s17+$0xFFFFFF10];
	v9 =	vand.u32 $0xFFFF0000, v34;
	v5 =	vmul.f32 v17, v14;
	v3 =	vadd.f32 v15, v3  }
0x145: {  	v53 =	vld [tilespmem:s17+$0xFFFFFF20];
	v34 =	vbroadcast v1, $0xC;
	v10 =	vmul.f32 v20, v19;
	v4 =	vadd.f32 v7, v4  }
0x146: {  	v49 =	vand.u32 $0xFFFF0000, v40;
	v51 =	vbroadcast v2, $0x7;
	v3 =	vadd.f32 v5, v3  }
0x147: {  	v40 =	vbroadcast v1, $0xD;
	v5 =	vmul.f32 v25, v23;
	v4 =	vadd.f32 v10, v4  }
0x148: {  	v12 =	vand.u32 $0xFFFF0000, v56;
	v6 =	vmul.f32 v8, v23;
	v3 =	vadd.f32 v22, v3  }
0x149: {  	v57 =	vshll.u32 v50, $0x10;
	v7 =	vand.u32 $0xFFFF0000, v21;
	v4 =	vadd.f32 v5, v4  }
0x14a: {  	v59 =	vshll.u32 v53, $0x10;
	v31 =	vmul.f32 v7, v26;
	v3 =	vadd.f32 v6, v3  }
0x14b: {  	v62 =	vbroadcast v1, $0x9;
	v7 =	vmul.f32 v32, v30;
	v4 =	vadd.f32 v29, v4  }
0x14c: {  	v58 =	vbroadcast v2, $0x8;
	v5 =	vmul.f32 v33, v30;
	v3 =	vadd.f32 v31, v3  }
0x14d: {  	v60 =	vld [tilespmem:s17+$0xFFFFFF40];
	v8 =	vand.u32 $0xFFFF0000, v28;
	v10 =	vmul.f32 v36, v35;
	v4 =	vadd.f32 v7, v4  }
0x14e: {  	v19 =	vld [tilespmem:s17+$0xFFFFFF70];
	v61 =	vmul.f32 v59, v58;
	v38 =	vmul.f32 v8, v35;
	v3 =	vadd.f32 v5, v3  }
0x14f: {  	v14 =	vbroadcast v2, $0x9;
	v5 =	vmul.f32 v41, v39;
	v4 =	vadd.f32 v10, v4  }
0x150: {  	v8 =	vand.u32 $0xFFFF0000, v50;
	v6 =	vmul.f32 v9, v39;
	v3 =	vadd.f32 v38, v3  }
0x151: {  	v50 =	vbroadcast v1, $0xE;
	v7 =	vand.u32 $0xFFFF0000, v37;
	v4 =	vadd.f32 v5, v4  }
0x152: {  	v15 =	vshll.u32 v60, $0x10;
	v47 =	vmul.f32 v7, v42;
	v3 =	vadd.f32 v6, v3  }
0x153: {  	v27 =	vshll.u32 v19, $0x10;
	v7 =	vmul.f32 v48, v46;
	v4 =	vadd.f32 v45, v4  }
0x154: {  	v16 =	vld [tilespmem:s17+$0xFFFFFF60];
	v28 =	vand.u32 $0xFFFF0000, v19;
	v5 =	vmul.f32 v49, v46;
	v3 =	vadd.f32 v47, v3  }
0x155: {  	v9 =	vand.u32 $0xFFFF0000, v44;
	v10 =	vmul.f32 v52, v51;
	v4 =	vadd.f32 v7, v4  }
0x156: {  	v13 =	vld [tilespmem:s17+$0xFFFFFF50];
	v21 =	vbroadcast v2, $0xA;
	v54 =	vmul.f32 v9, v51;
	v3 =	vadd.f32 v5, v3  }
0x157: {  	v25 =	vbroadcast v1, $0xB;
	v5 =	vmul.f32 v57, v55;
	v4 =	vadd.f32 v10, v4  }
0x158: {  	v1 =	vbroadcast v1, $0xF;
	v6 =	vmul.f32 v8, v55;
	v3 =	vadd.f32 v54, v3  }
0x159: {  	v22 =	vshll.u32 v16, $0x10;
	v7 =	vand.u32 $0xFFFF0000, v53;
	v4 =	vadd.f32 v5, v4  }
0x15a: {  	v63 =	vmul.f32 v7, v58;
	v10 =	vshll.u32 v56, $0x10;
	v3 =	vadd.f32 v6, v3  }
0x15b: {  	v23 =	vld [tilespmem:s17+$0xFFFFFF80];
	v20 =	vshll.u32 v13, $0x10;
	v7 =	vmul.f32 v10, v62;
	v4 =	vadd.f32 v61, v4  }
0x15c: {  	v35 =	vld [tilespmem:s17+$0xFFFFFFB0];
	v24 =	vmul.f32 v22, v21;
	v5 =	vmul.f32 v12, v62;
	v3 =	vadd.f32 v63, v3  }
0x15d: {  	v8 =	vand.u32 $0xFFFF0000, v60;
	v10 =	vmul.f32 v15, v14;
	v4 =	vadd.f32 v7, v4  }
0x15e: {  	v30 =	vbroadcast v2, $0xB;
	v17 =	vmul.f32 v8, v14;
	v3 =	vadd.f32 v5, v3  }
0x15f: {  	v9 =	vand.u32 $0xFFFF0000, v13;
	v29 =	vld [tilespmem:s17+$0xFFFFFF90];
	v5 =	vmul.f32 v20, v18;
	v4 =	vadd.f32 v10, v4  }
0x160: {  	v31 =	vshll.u32 v23, $0x10;
	v6 =	vmul.f32 v9, v18;
	v3 =	vadd.f32 v17, v3  }
0x161: {  	v43 =	vshll.u32 v35, $0x10;
	v7 =	vand.u32 $0xFFFF0000, v16;
	v4 =	vadd.f32 v5, v4  }
0x162: {  	v37 =	vbroadcast v2, $0xC;
	v41 =	vld [tilespmem:s17+$0xFFFFFFD0];
	v26 =	vmul.f32 v7, v21;
	v3 =	vadd.f32 v6, v3  }
0x163: {  	v32 =	vld [tilespmem:s17+$0xFFFFFFA0];
	v44 =	vmul.f32 v43, v40;
	v7 =	vmul.f32 v27, v25;
	v4 =	vadd.f32 v24, v4  }
0x164: {  	v36 =	vshll.u32 v29, $0x10;
	v5 =	vmul.f32 v28, v25;
	v3 =	vadd.f32 v26, v3  }
0x165: {  	v9 =	vand.u32 $0xFFFF0000, v23;
	v10 =	vmul.f32 v31, v30;
	v4 =	vadd.f32 v7, v4  }
0x166: {  	v8 =	vand.u32 $0xFFFF0000, v29;
	v33 =	vmul.f32 v9, v30;
	v3 =	vadd.f32 v5, v3  }
0x167: {  	v38 =	vld [tilespmem:s17+$0xFFFFFFC0];
	v51 =	vshll.u32 v41, $0x10;
	v5 =	vmul.f32 v36, v34;
	v4 =	vadd.f32 v10, v4  }
0x168: {  	v12 =	vshll.u32 v32, $0x10;
	v6 =	vmul.f32 v8, v34;
	v3 =	vadd.f32 v33, v3  }
0x169: {  	v39 =	vmul.f32 v12, v37;
	v7 =	vand.u32 $0xFFFF0000, v32;
	v4 =	vadd.f32 v5, v4  }
0x16a: {  	v45 =	vbroadcast v2, $0xD;
	v42 =	vmul.f32 v7, v37;
	v3 =	vadd.f32 v6, v3  }
0x16b: {  	v46 =	vld [tilespmem:s17+$0xFFFFFFE0];
	v47 =	vand.u32 $0xFFFF0000, v35;
	v52 =	vmul.f32 v51, v50;
	v4 =	vadd.f32 v39, v4  }
0x16c: {  	v48 =	vshll.u32 v38, $0x10;
	v6 =	vmul.f32 v47, v40;
	v3 =	vadd.f32 v42, v3  }
0x16d: {  	v13 =	vld [tilespmem:s17+$0xFFFFFFF0];
	v11 =	vand.u32 $0xFFFF0000, v38;
	v49 =	vmul.f32 v48, v45;
	v4 =	vadd.f32 v44, v4  }
0x16e: {  	v53 =	vbroadcast v2, $0xE;
	v54 =	vmul.f32 v11, v45;
	v3 =	vadd.f32 v6, v3  }
0x16f: {  	v2 =	vbroadcast v2, $0xF;
	v58 =	vld [tilespmem:s17+$0x0];
	v56 =	vand.u32 $0xFFFF0000, v41;
	v4 =	vadd.f32 v49, v4  }
0x170: {  	v55 =	vshll.u32 v46, $0x10;
	v59 =	vmul.f32 v56, v50;
	v3 =	vadd.f32 v54, v3  }
0x171: {  	v60 =	vand.u32 $0xFFFF0000, v46;
	v57 =	vmul.f32 v55, v53;
	v4 =	vadd.f32 v52, v4  }
0x172: {  	v61 =	vshll.u32 v13, $0x10;
	v5 =	vmul.f32 v60, v53;
	v3 =	vadd.f32 v59, v3  }
0x173: {  	v62 =	vand.u32 $0xFFFF0000, v13;
	v6 =	vmul.f32 v61, v1;
	v4 =	vadd.f32 v57, v4  }
0x174: {  	v63 =	vshll.u32 v58, $0x10;
	v1 =	vmul.f32 v62, v1;
	v3 =	vadd.f32 v5, v3  }
0x175: {  	p1 =	sne.s32 s8, $0x380;
	v7 =	vand.u32 $0xFFFF0000, v58;
	v5 =	vmul.f32 v63, v2;
	v4 =	vadd.f32 v6, v4  }
.Ltmp1:
0x176: {  	v2 =	vmul.f32 v7, v2;
	v1 =	vadd.f32 v1, v3;
	(pc) =	sbr.rel @p1 .LBB2_6-.Ltmp1, $4  }
0x177: {  	v3 =	vadd.f32 v5, v4  }
0x178: {  	s10 =	sshra.s32 s8, $0x2;
	v1 =	vadd.f32 v2, v1  }
0x179: {  	[tilespmem:v0+s10+$0x0 ss:$0x1] =	vst.idx.msk $0xffff, v3  }
0x17a: {  	s8 =	sadd.s32 $0x80, s8;
	s0 =	sadd.s32 $0x10, s0;
	s17 =	sadd.s32 $0x200, s17;
	[tilespmem:v0+s10+$0x10 ss:$0x1] =	vst.idx.msk $0xffff, v1  }
0x17b: {  	s1 =	sadd.s32 $0x1, s1  }
0x17c: {  	p1 =	sne.s32 s1, $0x14  }
.Ltmp2:
0x17d: {  	_ = 	snop;
	(pc) =	sbr.rel @p1 .LBB2_3-.Ltmp2, $3  }
0x17e: {  	_ =	sdelay $0x1  }
0x17f: {  	s14 =	sadd.s32 $0x200, s14  }
0x180: {  	s9 =	sadd.s32 $0x400, s9;
	s16 =	sadd.s32 $0x200, s16;
	s31 =	sadd.s32 $0x400, s31  }
0x181: {  	s0 =	smul.u32 $0x28, s26;
	_ =	sdelay $0x1  }
0x182: {  	s1 =	sadd.s32 s6, s0  }
0x183: {  	s1 =	sshll.u32 s1, $0x5  }
0x184: {  	s1 =	sadd.s32 s2, s1  }
0x185: {  	[hbm4b:s1+s3] =	stream.linear.scatter [tilespmem:s23], [sflag:$0x4], $0x2800, $0x38;
	[tilespmem:$0x15800] =	vst v63  }
0x186: {  	_ =	swait.ge [sflag:s24], $0x2800  }
0x187: {  	[sflag:s24] =	ssyncset.done $0x0  }
0x188: {  	[sflag:s24] =	ssyncadd.s32 $0xFFFFD800  }
0x189: {  	_ =	swait.ge [sflag:s15], $0x2800  }
0x18a: {  	s0 =	sadd.s32 s0, s12;
	[sflag:s15] =	ssyncset.done $0x0  }
0x18b: {  	p1 =	slt.s32 s0, $0xA9D8;
	[sflag:s15] =	ssyncadd.s32 $0xFFFFD800  }
0x18c: {  	s0 =	simm.s32 @!p1 $0xA9D8;
	_ =	swait.ge [sflag:s15], $0x5000  }
0x18d: {  	s26 =	sadd.s32 $0x1, s26;
	s17 =	sshll.u32 s0, $0x5;
	[sflag:s15] =	ssyncset.done $0x0  }
0x18e: {  	p1 =	sne.s32 s26, $0x22;
	s1 =	sadd.s32 s5, s17;
	[sflag:s15] =	ssyncadd.s32 $0xFFFFB000  }
0x18f: {  	[tilespmem:s30], [sflag:$0x1] =	stream.linear.gather [hbm4b:s1+s3], $0x2800, $0x38;
	[tilespmem:$0x15800] =	vst v63  }
.Ltmp3:
0x190: {  	s0 =	sshll.u32 s0, $0x6;
	s30 =	sxor.u32 $0x1, s28;
	(pc) =	sbr.rel @p1 .LBB2_2-.Ltmp3, $4  }
0x191: {  	s0 =	sadd.s32 s7, s0;
	s1 =	smul.u32 $0xA000, s30  }
0x192: {  	[tilespmem:s29], [sflag:$0x1] =	stream.linear.gather [hbm4b:s0+s3], $0x5000, $0x38;
	[tilespmem:$0x15800] =	vst v63  }
0x193: {  	p0 =	por !p0, !p0;
	s31 =	sshrl.u32 s1, $0x2  }
0x194: {  	[tilespmem:s19], [sflag:$0x2] =	stream.indirect.gather [hbm4b:s4+s18], $0x20, s31, s18, $0xb8;
	[tilespmem:$0x15800] =	vst v63  }
0x195: {  	_ =	swait.ge [sflag:s21], $0x2000  }
0x196: {  	[sflag:s21] =	ssyncset.done $0x0  }
0x197: {  	s25 =	sadd.s32 $0x1, s25;
	[sflag:s21] =	ssyncadd.s32 $0xFFFFE000  }
0x198: {  	p0 =	sne.s32 s25, s13;
	_ =	swait.ge [sflag:s15], $0x2800  }
.Ltmp4:
0x199: {  	[sflag:s15] =	ssyncset.done $0x0;
	(pc) =	sbr.rel @p0 .LBB2_1-.Ltmp4, $4  }
0x19a: {  	[sflag:s15] =	ssyncadd.s32 $0xFFFFD800  }
0x19b: {  	_ =	swait.ge [sflag:s15], $0x5000  }
0x19c: {  	[sflag:s15] =	ssyncset.done $0x0  }
0x19d: {  	[sflag:s15] =	ssyncadd.s32 $0xFFFFB000  }
0x19e: {  	_ =	sfence.sel $0x180000  }
0x19f: {  	[bflag:$0x0] =	sbarrier.arrive $0xFFFF  }
0x1a0: {  	_ =	strace $0x90000050  }
0x1a1: {  	s0 =	stileid.u32;
	[bflag:$0x2] =	sbarrier.arrive $0xFFFF  }
0x1a2: {  	p0 =	sne.s32 s0, $0x0;
	s0 =	rddreg [dreg:$0x2]  }
0x1a3: {  	s0 =	sadd.s32 @!p0 $0x100000, s0  }
0x1a4: {  	[sflag:s0] =	ssyncadd.tile.s32 @!p0 $0x1;
	_ =	shalt  }
.Lfunc_end2:
_tile_overlayer_lowered:
.L_overlay_start_2:
0x1a5: {  	(tag) =	ssettag $0x2  }
0x1a6: {  	s0 =	rddreg [dreg:$0x0];
	s2 =	stileid.u32  }
0x1a7: {  	s1 =	rddreg [dreg:$0x1];
	p0 =	sne.s32 s2, $0x0  }
0x1a8: {  	s3 =	rddreg [dreg:$0x2];
	[bflag:$0x3] =	sbarrier.arrive $0xFFFF;
	s2 =	simm.s32 @!p0 $0x1C04  }
0x1a9: {  	[timem:s3], [sflag:s2] =	dma.local @!p0 [hbm:s0], s1  }
0x1aa: {  	s0 =	simm.s32 @!p0 $0x4  }
0x1ab: {  	_ =	swait.ge @!p0 [sflag:s0], s1  }
0x1ac: {  	s1 =	ssub.s32 @!p0 $0x0, s1;
	[sflag:s0] =	ssyncset.done @!p0 $0x0  }
0x1ad: {  	[sflag:s0] =	ssyncadd.s32 @!p0 s1  }
0x1ae: {  	[bflag:$0x3] =	sbarrier.arrive $0xFFFF  }
0x1af: {  	_ =	shalt  }

// kernel: sparse-core-data-format-call.1.cloned.1.call-start
scs
called_computation.1_lowered:
.L_overlay_start_0:
0x0: {  	s2 =	sld [smem:$0x3FD9]  }
0x1: {  	s3 =	sld [smem:$0x3FFE];
	_ =	sdelay $0x1  }
0x2: {  	s1 =	srdreg.scid  }
0x3: {  	s0 =	sand.u32 $0x1, s1  }
0x4: {  	s18 =	sshll.u32 s0, $0xA;
	s2 =	sadd.s32 s3, s2  }
0x5: {  	s2 =	sadd.s32 s2, s18  }
0x6: {  	[smem:$0x3FBD] =	sst s2  }
0x7: {  	_ = 	snop  }
0x8: {  	s2 =	sld [smem:$0x3FD0];
	(tm) =	ssettm $0x1  }
0x9: {  	s19 =	sld [smem:$0x3FFB];
	_ =	sdelay $0x3  }
0xa: {  	_ =	strace s19  }
0xb: {  	s3 =	sld [smem:$0x3FFC];
	_ =	sdelay $0x3  }
0xc: {  	_ =	strace s3  }
0xd: {  	s3 =	sld [smem:$0x3FFD];
	_ =	sdelay $0x3  }
0xe: {  	_ =	strace s3  }
0xf: {  	_ =	strace $0x8FFFFFFF  }
0x10: {  	s20 =	sld [smem:$0x3FDB];
	_ =	sdelay $0x1  }
0x11: {  	s4 =	simm.s32 $_scs_section_size  }
0x12: {  	s5 =	simm.s32 $_size__tile_overlayer_lowered;
	s6 =	simm.s32 $_tile_overlayer_lowered  }
0x13: {  	s23 =	simm.s32 $0x1BFF;
	s22 =	sshll.u32 s6, $0x1;
	s3 =	sadd.s32 s4, s20  }
0x14: {  	s7 =	simm.s32 $0x0;
	s21 =	sshll.u32 s5, $0x1;
	s5 =	sadd.s32 s22, s3  }
0x15: {  	[timem:s7], [sflag:s23] =	dma.local [hbm:s5], s21  }
0x16: {  	_ =	swait.ge [sflag:s23], s21  }
0x17: {  	s4 =	ssub.s32 $0x0, s21;
	[sflag:s23] =	ssyncset.done $0x0  }
0x18: {  	[sflag:s23] =	ssyncadd.s32 s4;
	_ =	sdelay $0x1  }
0x19: {  	s24 =	simm.s32 $0x1B8B  }
0x1a: {  	_ =	swait.ge [sflag:s24], $0x1  }
0x1b: {  	[sflag:s24] =	ssyncset.done $0x0  }
0x1c: {  	s26 =	simm.s32 $0x1B8E;
	s25 =	sld [smem:$0x3FFE];
	[sflag:s24] =	ssyncadd.s32 $0xFFFFFFFF  }
0x1d: {  	s27 =	simm.s32 $execute0_lowered;
	[smem:$0x3FD2] =	sst s26  }
0x1e: {  	s5 =	sshll.u32 s27, $0x1;
	_ =	strace $0x80000046;
	[dreg:$0x1] =	wrdreg $0xFFFFFFFF  }
0x1f: {  	s28 =	simm.s32 $_size_execute0_lowered;
	s3 =	sadd.s32 s3, s5;
	[dreg:$0x0] =	wrdreg $0x0  }
0x20: {  	s5 =	sshll.u32 s28, $0x1;
	[dreg:$0x2] =	wrdreg s3  }
0x21: {  	[dreg:$0x3] =	wrdreg s5  }
0x22: {  	[dreg:$0x4] =	wrdreg $0xC0  }
0x23: {  	_ =	task [dreg:s7], $0x5FFFF  }
0x24: {  	[dreg:$0x1] =	wrdreg $0xFFFFFFFF  }
0x25: {  	[dreg:$0x0] =	wrdreg $0x60  }
0x26: {  	[dreg:$0x2] =	wrdreg s2  }
0x27: {  	[dreg:$0x3] =	wrdreg s25  }
0x28: {  	[dreg:$0x4] =	wrdreg $0xA  }
0x29: {  	_ =	task.clear_ibuf [dreg:s7], $0x5FFFF;
	_ =	strace $0x90000046  }
0x2a: {  	s29 =	simm.s32 $0xA;
	_ =	strace $0x80000048  }
0x2b: {  	_ =	swait.ge [sflag:s29], $0x1  }
0x2c: {  	[sflag:s29] =	ssyncadd.s32 $0xFFFFFFFF  }
0x2d: {  	_ =	strace $0x90000048  }
0x2e: {  	_ =	sfence  }
0x2f: {  	s30 =	sld [smem:$0x0];
	_ =	sdelay $0x2  }
0x30: {  	s31 =	sshll.u32 s1, $0xD;
	s1 =	sshrl.u32 s1, $0x2  }
0x31: {  	s3 =	sand.u32 $0x4000, s31;
	s1 =	sadd.s32 s1, s30  }
0x32: {  	s0 =	sor.u32 s3, s0;
	s1 =	sshll.u32 s1, $0x11  }
0x33: {  	s0 =	sor.u32 s1, s0  }
0x34: {  	s0 =	sadd.s32 $0x8F2B, s0  }
0x35: {  	[sflag:s0] =	ssyncadd.remote.s32 $0x1  }
0x36: {  	_ =	sfence.sel $0xFFFF  }
0x37: {  	[dreg:$0x0] =	wrdreg $0xFFFFFFFF;
	(pc) =	sbr.abs _section_cstart, $3  }
0x38: {  	[dreg:$0x1] =	wrdreg $0xFFFFFFFF  }
0x39: {  	_ =	task.clear_ibuf [dreg:s7], $0x2FFFF;
	_ =	strace $0x9FFFFFFF  }
0x3a: {  	(tm) =	ssettm $0x7FFFFFFF  }
0x3b: {  	_ =	shalt  }
tec
execute0_lowered:
.L_overlay_start_1:
0x0: {  	(tag) =	ssettag $0x1  }
0x1: {  	s0 =	srdreg.scid  }
0x2: {  	s1 =	sshll.u32 s0, $0x4  }
0x3: {  	s2 =	rddreg [dreg:$0x0];
	s0 =	stileid.u32;
	s1 =	sand.u32 $0x10, s1  }
0x4: {  	s4 =	rddreg [dreg:$0x1];
	s7 =	simm.s32 $0x1;
	s1 =	sor.u32 s0, s1  }
0x5: {  	s8 =	simm.s32 $0x2;
	s9 =	simm.s32 $0x0;
	s3 =	sshll.u32 s1, $0x3  }
0x6: {  	s12 =	simm.s32 $0x0;
	s11 =	simm.s32 $0x0;
	s6 =	ssub.s32 $0x1540, s3  }
.Ltmp0:
0x7: {  	s4 =	sadd.s32 $0x3FEE00, s4;
	s5 =	sand.u32 $0xF8, s6;
	(pc) =	sbr.rel .LBB1_1-.Ltmp0, $4  }
0x8: {  	s1 =	rddreg [dreg:$0x2];
	_ =	strace $0x80000047;
	p0 =	sne.s32 s5, $0x0  }
0x9: {  	s6 =	sshrl.u32 s6, $0x8;
	s5 =	simm.s32 $0x1;
	s7 =	simm.s32 @!p0 $0x0  }
0xa: {  	s10 =	smov.u32 s3;
	[sflag:s5] =	ssyncpa.u1 $0x0;
	s6 =	sadd.s32 s7, s6  }
0xb: {  	[sflag:s8] =	ssyncpa.u1 $0x0;
	s8 =	simm.s32 $0x0;
	s7 =	sadd.s32 $0x1, s6  }
.LBB1_9:
0xc: {  	s14 =	sadd.s32 $0x100, s10  }
0xd: {  	p1 =	sgt.s32 s14, $0x153F  }
0xe: {  	s14 =	smov.u32 @p1 s3;
	p1 =	sne.s32 s11, s7  }
.Ltmp1:
0xf: {  	p0 =	slt.u32 s11, $0x2;
	(pc) =	sbr.rel @!p1 .LBB1_10-.Ltmp1, $4  }
0x10: {  	s13 =	simm.s32 @!p0 $0x2  }
0x11: {  	s15 =	sadd.s32 $0x1, s11;
	_ =	swait.ge @!p0 [sflag:s13], $0x4000  }
0x12: {  	s12 =	smov.u32 s10;
	s9 =	sadd.s32 $0x4000, s9;
	[sflag:s13] =	ssyncset.done @!p0 $0x0  }
0x13: {  	s11 =	smov.u32 s15;
	s10 =	smov.u32 s14;
	[sflag:s13] =	ssyncadd.s32 @!p0 $0xFFFFC000  }
.LBB1_1:
0x14: {  	p0 =	sge.u32 s11, s6  }
0x15: {  	s13 =	sxor.u32 @!p0 $0xFFFFFFFF, s11  }
0x16: {  	s31 =	sadd.s32 $0xFFFFFFFF, s11;
	s14 =	sshll.u32 @!p0 s10, $0x8;
	s13 =	sshll.u32 @!p0 s13, $0xE  }
0x17: {  	s15 =	simm.s32 @!p0 $0x0;
	s14 =	sadd.s32 @!p0 s2, s14;
	s13 =	sand.u32 @!p0 $0x4000, s13  }
0x18: {  	[tilespmem:s13], [sflag:$0x1] =	stream.linear.gather @!p0 [hbm4b:s14+s15], $0x4000, $0x38;
	[tilespmem:$0x10000] =	vst v63  }
0x19: {  	p0 =	sge.u32 s31, s6  }
.Ltmp2:
0x1a: {  	_ = 	snop;
	(pc) =	sbr.rel @p0 .LBB1_9-.Ltmp2, $1  }
0x1b: {  	_ =	sdelay $0x3  }
0x1c: {  	s13 =	sshll.u32 s9, $0x2;
	_ =	swait.ge [sflag:s5], $0x4000;
	s14 =	sshll.u32 s11, $0xE  }
0x1d: {  	s16 =	simm.s32 $0x0;
	s17 =	simm.s32 $0x0;
	s15 =	sand.u32 $0x10000, s13  }
0x1e: {  	[sflag:s5] =	ssyncset.done $0x0;
	s31 =	sand.u32 $0x4000, s14;
	s14 =	sshrl.u32 s15, $0x2  }
0x1f: {  	[sflag:s5] =	ssyncadd.s32 $0xFFFFC000;
	s13 =	sor.u32 $0x8000, s31;
	s15 =	sor.u32 $0x8000, s14  }
.LBB1_3:
0x20: {  	s18 =	sshra.s32 s16, $0x2  }
0x21: {  	v0 =	vmov s18;
	_ =	sdelay $0x3  }
0x22: {  	p1 =	por $0x1, $0x1;
	s18 =	simm.s32 $0x0  }
.LBB1_4:
0x23: {  	_ = 	snop  }
0x24: {  	s19 =	sshll.u32 s18, $0xA  }
0x25: {  	s19 =	sand.u32 $0x3FFFFC00, s19  }
0x26: {  	s19 =	sadd.s32 s19, s14  }
0x27: {  	v5 =	vld.idx.msk [tilespmem:v0+s19+$0x70 ss:$0x1], $0xffff  }
0x28: {  	v6 =	vld.idx.msk [tilespmem:v0+s19+$0x10 ss:$0x1], $0xffff  }
0x29: {  	v7 =	vld.idx.msk [tilespmem:v0+s19+$0x20 ss:$0x1], $0xffff  }
0x2a: {  	s31 =	sshll.u32 s18, $0x7;
	v1 =	vld.idx.msk [tilespmem:v0+s19+$0x30 ss:$0x1], $0xffff  }
0x2b: {  	s18 =	sand.u32 $0x3FFFFF80, s31;
	v2 =	vld.idx.msk [tilespmem:v0+s19+$0x40 ss:$0x1], $0xffff  }
0x2c: {  	s18 =	sadd.s32 s18, s15;
	v3 =	vld.idx.msk [tilespmem:v0+s19+$0x50 ss:$0x1], $0xffff  }
0x2d: {  	v4 =	vld.idx.msk [tilespmem:v0+s19+$0x60 ss:$0x1], $0xffff;
	[tilespmem:v0+s18+$0x70 ss:$0x1] =	vst.idx.msk $0xffff, v5  }
0x2e: {  	v5 =	vld.idx.msk [tilespmem:v0+s19+$0x0 ss:$0x1], $0xffff;
	[tilespmem:v0+s18+$0x10 ss:$0x1] =	vst.idx.msk $0xffff, v6;
	s19 =	sadd.s32 $0x80, s19  }
0x2f: {  	p0 =	por p1, p1;
	s20 =	simm.s32 $0x6;
	[tilespmem:v0+s18+$0x20 ss:$0x1] =	vst.idx.msk $0xffff, v7;
	v6 =	vld.idx.msk [tilespmem:v0+s19+$0x70 ss:$0x1], $0xffff  }
.LBB1_5:
0x30: {  	p1 =	sne.s32 s20, $0x1;
	v7 =	vld.idx.msk [tilespmem:v0+s19+$0x10 ss:$0x1], $0xffff;
	[tilespmem:v0+s18+$0x30 ss:$0x1] =	vst.idx.msk $0xffff, v1  }
0x31: {  	v8 =	vld.idx.msk [tilespmem:v0+s19+$0x20 ss:$0x1], $0xffff;
	[tilespmem:v0+s18+$0x40 ss:$0x1] =	vst.idx.msk $0xffff, v2  }
0x32: {  	v1 =	vld.idx.msk [tilespmem:v0+s19+$0x30 ss:$0x1], $0xffff;
	[tilespmem:v0+s18+$0x50 ss:$0x1] =	vst.idx.msk $0xffff, v3  }
.Ltmp3:
0x33: {  	v2 =	vld.idx.msk [tilespmem:v0+s19+$0x40 ss:$0x1], $0xffff;
	[tilespmem:v0+s18+$0x60 ss:$0x1] =	vst.idx.msk $0xffff, v4;
	(pc) =	sbr.rel @p1 .LBB1_5-.Ltmp3, $4  }
0x34: {  	v3 =	vld.idx.msk [tilespmem:v0+s19+$0x50 ss:$0x1], $0xffff;
	[tilespmem:v0+s18+$0x0 ss:$0x1] =	vst.idx.msk $0xffff, v5;
	s18 =	sadd.s32 $0x100, s18  }
0x35: {  	v4 =	vld.idx.msk [tilespmem:v0+s19+$0x60 ss:$0x1], $0xffff;
	[tilespmem:v0+s18+$0x70 ss:$0x1] =	vst.idx.msk $0xffff, v6  }
0x36: {  	v5 =	vld.idx.msk [tilespmem:v0+s19+$0x0 ss:$0x1], $0xffff;
	[tilespmem:v0+s18+$0x10 ss:$0x1] =	vst.idx.msk $0xffff, v7;
	s19 =	sadd.s32 $0x80, s19  }
0x37: {  	s20 =	sadd.s32 $0xFFFFFFFF, s20;
	v6 =	vld.idx.msk [tilespmem:v0+s19+$0x70 ss:$0x1], $0xffff;
	[tilespmem:v0+s18+$0x20 ss:$0x1] =	vst.idx.msk $0xffff, v8  }
0x38: {  	_ =	sdelay $0x3  }
0x39: {  	[tilespmem:v0+s18+$0x30 ss:$0x1] =	vst.idx.msk $0xffff, v1  }
0x3a: {  	v1 =	vld.idx.msk [tilespmem:v0+s19+$0x10 ss:$0x1], $0xffff;
	[tilespmem:v0+s18+$0x40 ss:$0x1] =	vst.idx.msk $0xffff, v2  }
0x3b: {  	v2 =	vld.idx.msk [tilespmem:v0+s19+$0x20 ss:$0x1], $0xffff;
	[tilespmem:v0+s18+$0x50 ss:$0x1] =	vst.idx.msk $0xffff, v3  }
0x3c: {  	v61 =	vld.idx.msk [tilespmem:v0+s19+$0x40 ss:$0x1], $0xffff;
	[tilespmem:v0+s18+$0x60 ss:$0x1] =	vst.idx.msk $0xffff, v4  }
0x3d: {  	s31 =	sadd.s32 $0x100, s18;
	v62 =	vld.idx.msk [tilespmem:v0+s19+$0x50 ss:$0x1], $0xffff;
	[tilespmem:v0+s18+$0x0 ss:$0x1] =	vst.idx.msk $0xffff, v5  }
0x3e: {  	v63 =	vld.idx.msk [tilespmem:v0+s19+$0x60 ss:$0x1], $0xffff;
	[tilespmem:v0+s31+$0x70 ss:$0x1] =	vst.idx.msk $0xffff, v6  }
0x3f: {  	v3 =	vld.idx.msk [tilespmem:v0+s19+$0x30 ss:$0x1], $0xffff;
	[tilespmem:v0+s31+$0x10 ss:$0x1] =	vst.idx.msk $0xffff, v1  }
0x40: {  	v1 =	vld.idx.msk [tilespmem:v0+s19+$0x0 ss:$0x1], $0xffff;
	[tilespmem:v0+s31+$0x20 ss:$0x1] =	vst.idx.msk $0xffff, v2  }
.Ltmp4:
0x41: {  	[tilespmem:v0+s31+$0x40 ss:$0x1] =	vst.idx.msk $0xffff, v61;
	(pc) =	sbr.rel @p0 .LBB1_4-.Ltmp4, $4  }
0x42: {  	[tilespmem:v0+s31+$0x50 ss:$0x1] =	vst.idx.msk $0xffff, v62  }
0x43: {  	[tilespmem:v0+s31+$0x60 ss:$0x1] =	vst.idx.msk $0xffff, v63  }
0x44: {  	[tilespmem:v0+s31+$0x30 ss:$0x1] =	vst.idx.msk $0xffff, v3  }
0x45: {  	p1 =	por $0x0, $0x0;
	s18 =	simm.s32 $0x1;
	[tilespmem:v0+s31+$0x0 ss:$0x1] =	vst.idx.msk $0xffff, v1  }
0x46: {  	s17 =	sadd.s32 $0x1, s17  }
0x47: {  	p0 =	sne.s32 s17, $0x8  }
.Ltmp5:
0x48: {  	_ = 	snop;
	(pc) =	sbr.rel @p0 .LBB1_3-.Ltmp5, $2  }
0x49: {  	_ =	sdelay $0x2  }
0x4a: {  	s16 =	sadd.s32 $0x2000, s16  }
.Ltmp6:
0x4b: {  	(pc) =	sbr.rel .LBB1_9-.Ltmp6, $4  }
0x4c: {  	_ = 	snop  }
0x4d: {  	s12 =	sshll.u32 s12, $0x8  }
0x4e: {  	s12 =	sadd.s32 s4, s12  }
0x4f: {  	[hbm4b:s12+s8] =	stream.linear.scatter [tilespmem:s13], [sflag:$0x2], $0x4000, $0x38;
	[tilespmem:$0x10000] =	vst v63  }
.LBB1_10:
0x50: {  	_ =	sfence.sel $0x180000  }
0x51: {  	s2 =	simm.s32 $0x1;
	[bflag:$0x0] =	sbarrier.arrive $0xFFFF  }
0x52: {  	s31 =	simm.s32 $0x2;
	[sflag:s2] =	ssyncpa.u1 $0x1  }
0x53: {  	[sflag:s31] =	ssyncpa.u1 $0x1  }
0x54: {  	p0 =	sne.s32 s0, $0x0;
	_ =	strace $0x90000047  }
0x55: {  	s0 =	sadd.s32 @!p0 $0x100000, s1;
	[bflag:$0x2] =	sbarrier.arrive $0xFFFF  }
0x56: {  	[sflag:s0] =	ssyncadd.tile.s32 @!p0 $0x1;
	_ =	shalt  }
.Lfunc_end1:
_tile_overlayer_lowered:
.L_overlay_start_2:
0x57: {  	(tag) =	ssettag $0x2  }
0x58: {  	s0 =	rddreg [dreg:$0x0];
	s2 =	stileid.u32  }
0x59: {  	s1 =	rddreg [dreg:$0x1];
	p0 =	sne.s32 s2, $0x0  }
0x5a: {  	s3 =	rddreg [dreg:$0x2];
	[bflag:$0x3] =	sbarrier.arrive $0xFFFF;
	s2 =	simm.s32 @!p0 $0x1C01  }
0x5b: {  	[timem:s3], [sflag:s2] =	dma.local @!p0 [hbm:s0], s1  }
0x5c: {  	s0 =	simm.s32 @!p0 $0x1  }
0x5d: {  	_ =	swait.ge @!p0 [sflag:s0], s1  }
0x5e: {  	s1 =	ssub.s32 @!p0 $0x0, s1;
	[sflag:s0] =	ssyncset.done @!p0 $0x0  }
0x5f: {  	[sflag:s0] =	ssyncadd.s32 @!p0 s1  }
0x60: {  	[bflag:$0x3] =	sbarrier.arrive $0xFFFF  }
0x61: {  	_ =	shalt  }

// kernel: sparse-core-data-format-call.2.cloned.1.call-start
scs
called_computation.2_lowered:
.L_overlay_start_0:
0x0: {  	s2 =	sld [smem:$0x3FD9]  }
0x1: {  	s3 =	sld [smem:$0x3FFE];
	_ =	sdelay $0x1  }
0x2: {  	s1 =	srdreg.scid  }
0x3: {  	s0 =	sand.u32 $0x1, s1  }
0x4: {  	s18 =	sshll.u32 s0, $0xA;
	s2 =	sadd.s32 s3, s2  }
0x5: {  	s2 =	sadd.s32 s2, s18  }
0x6: {  	[smem:$0x3FBD] =	sst s2  }
0x7: {  	_ = 	snop  }
0x8: {  	(tm) =	ssettm $0x1  }
0x9: {  	s19 =	sld [smem:$0x3FFB];
	_ =	sdelay $0x3  }
0xa: {  	_ =	strace s19  }
0xb: {  	s2 =	sld [smem:$0x3FFC];
	_ =	sdelay $0x3  }
0xc: {  	_ =	strace s2  }
0xd: {  	s2 =	sld [smem:$0x3FFD];
	_ =	sdelay $0x3  }
0xe: {  	_ =	strace s2  }
0xf: {  	_ =	strace $0x8FFFFFFF  }
0x10: {  	s20 =	sld [smem:$0x3FDB];
	_ =	sdelay $0x1  }
0x11: {  	s21 =	simm.s32 $_scs_section_size  }
0x12: {  	s4 =	simm.s32 $_size__tile_overlayer_lowered;
	s5 =	simm.s32 $_tile_overlayer_lowered  }
0x13: {  	s6 =	simm.s32 $0x1BFF;
	s22 =	sshll.u32 s5, $0x1;
	s3 =	sadd.s32 s21, s20  }
0x14: {  	s23 =	simm.s32 $0x0;
	s4 =	sshll.u32 s4, $0x1;
	s5 =	sadd.s32 s22, s3  }
0x15: {  	[timem:s23], [sflag:s6] =	dma.local [hbm:s5], s4  }
0x16: {  	_ =	swait.ge [sflag:s6], s4  }
0x17: {  	s4 =	ssub.s32 $0x0, s4;
	[sflag:s6] =	ssyncset.done $0x0  }
0x18: {  	[sflag:s6] =	ssyncadd.s32 s4;
	_ =	sdelay $0x1  }
0x19: {  	s24 =	simm.s32 $0x1B8B  }
0x1a: {  	_ =	swait.ge [sflag:s24], $0x1  }
0x1b: {  	[sflag:s24] =	ssyncset.done $0x0  }
0x1c: {  	[sflag:s24] =	ssyncadd.s32 $0xFFFFFFFF  }
0x1d: {  	s4 =	sld [smem:$0x0]  }
0x1e: {  	s5 =	sand.u32 $0xFFFFFFFE, s1  }
0x1f: {  	p0 =	sne.s32 s1, s5  }
0x20: {  	s5 =	sshll.u32 @p0 s5, $0xE  }
0x21: {  	s5 =	sadd.s32 @p0 $0x11B8D, s5;
	s6 =	sshll.u32 @p0 s4, $0x11  }
0x22: {  	s5 =	sor.u32 @p0 s6, s5  }
0x23: {  	[sflag:s5] =	ssyncadd.remote.s32 @p0 $0x1;
	_ =	sdelay $0x1  }
0x24: {  	s5 =	simm.s32 @p0 $0x1B8D  }
0x25: {  	_ =	swait.eq @p0 [sflag:s5], $0x1  }
0x26: {  	[sflag:s5] =	ssyncadd.s32 @p0 $0xFFFFFFFF  }
0x27: {  	s6 =	sshll.u32 @!p0 s1, $0xE  }
0x28: {  	s6 =	sor.u32 @!p0 $0x4000, s6;
	s5 =	simm.s32 @!p0 $0x1B8D  }
0x29: {  	s4 =	sshll.u32 @!p0 s4, $0x11;
	s6 =	sadd.s32 @!p0 $0x11B8D, s6;
	_ =	swait.eq @!p0 [sflag:s5], $0x1  }
0x2a: {  	s4 =	sor.u32 @!p0 s4, s6;
	[sflag:s5] =	ssyncadd.s32 @!p0 $0xFFFFFFFF  }
0x2b: {  	s26 =	simm.s32 $0x1B8E;
	s25 =	sld [smem:$0x3FFE];
	[sflag:s4] =	ssyncadd.remote.s32 @!p0 $0x1  }
0x2c: {  	s27 =	simm.s32 $execute0_lowered;
	[smem:$0x3FD2] =	sst s26  }
0x2d: {  	s5 =	sshll.u32 s27, $0x1;
	_ =	strace $0x80000049;
	[dreg:$0x1] =	wrdreg $0xFFFFFFFF  }
0x2e: {  	s28 =	simm.s32 $_size_execute0_lowered;
	s3 =	sadd.s32 s3, s5;
	[dreg:$0x0] =	wrdreg $0x0  }
0x2f: {  	s5 =	sshll.u32 s28, $0x1;
	[dreg:$0x2] =	wrdreg s3  }
0x30: {  	[dreg:$0x3] =	wrdreg s5  }
0x31: {  	[dreg:$0x4] =	wrdreg $0xC0  }
0x32: {  	_ =	task [dreg:s23], $0x5FFFF  }
0x33: {  	[dreg:$0x1] =	wrdreg $0xFFFFFFFF  }
0x34: {  	[dreg:$0x0] =	wrdreg $0x60  }
0x35: {  	[dreg:$0x2] =	wrdreg s25  }
0x36: {  	[dreg:$0x3] =	wrdreg $0xB  }
0x37: {  	_ =	task.clear_ibuf [dreg:s23], $0x4FFFF;
	_ =	strace $0x90000049  }
0x38: {  	s29 =	simm.s32 $0xB;
	_ =	strace $0x8000004B  }
0x39: {  	_ =	swait.ge [sflag:s29], $0x1  }
0x3a: {  	[sflag:s29] =	ssyncadd.s32 $0xFFFFFFFF  }
0x3b: {  	_ =	strace $0x9000004B  }
0x3c: {  	_ =	sfence  }
0x3d: {  	s30 =	sld [smem:$0x0];
	_ =	sdelay $0x2  }
0x3e: {  	s31 =	sshll.u32 s1, $0xD;
	s1 =	sshrl.u32 s1, $0x2  }
0x3f: {  	s4 =	sand.u32 $0x4000, s31;
	s1 =	sadd.s32 s1, s30  }
0x40: {  	s0 =	sor.u32 s4, s0;
	s1 =	sshll.u32 s1, $0x11  }
0x41: {  	s0 =	sor.u32 s1, s0  }
0x42: {  	s0 =	sadd.s32 $0x8F2B, s0  }
0x43: {  	[sflag:s0] =	ssyncadd.remote.s32 $0x1  }
0x44: {  	_ =	sfence.sel $0xFFFF  }
0x45: {  	[dreg:$0x0] =	wrdreg $0xFFFFFFFF;
	(pc) =	sbr.abs _section_cstart, $3  }
0x46: {  	[dreg:$0x1] =	wrdreg $0xFFFFFFFF  }
0x47: {  	_ =	task.clear_ibuf [dreg:s23], $0x2FFFF;
	_ =	strace $0x9FFFFFFF  }
0x48: {  	(tm) =	ssettm $0x7FFFFFFF  }
0x49: {  	_ =	shalt  }
tec
execute0_lowered:
.L_overlay_start_1:
0x0: {  	(tag) =	ssettag $0x1  }
0x1: {  	s0 =	srdreg.scid  }
0x2: {  	s1 =	sshll.u32 s0, $0x4  }
0x3: {  	s4 =	rddreg [dreg:$0x0];
	s0 =	stileid.u32;
	s1 =	sand.u32 $0x10, s1  }
0x4: {  	s7 =	simm.s32 $0x1;
	s8 =	simm.s32 $0x2;
	s2 =	sor.u32 s0, s1  }
0x5: {  	s9 =	simm.s32 $0x0;
	s12 =	simm.s32 $0x0;
	s2 =	sshll.u32 s2, $0x4  }
0x6: {  	s11 =	simm.s32 $0x0;
	s3 =	sadd.s32 $0x552E00, s4;
	s6 =	ssub.s32 $0x2A80, s2  }
.Ltmp0:
0x7: {  	s4 =	sadd.s32 $0x2E00, s4;
	s5 =	sand.u32 $0x1F0, s6;
	(pc) =	sbr.rel .LBB1_1-.Ltmp0, $4  }
0x8: {  	s1 =	rddreg [dreg:$0x1];
	_ =	strace $0x8000004A;
	p0 =	sne.s32 s5, $0x0  }
0x9: {  	s6 =	sshrl.u32 s6, $0x9;
	s5 =	simm.s32 $0x1;
	s7 =	simm.s32 @!p0 $0x0  }
0xa: {  	s10 =	smov.u32 s2;
	[sflag:s5] =	ssyncpa.u1 $0x0;
	s6 =	sadd.s32 s7, s6  }
0xb: {  	[sflag:s8] =	ssyncpa.u1 $0x0;
	s8 =	simm.s32 $0x0;
	s7 =	sadd.s32 $0x1, s6  }
.LBB1_7:
0xc: {  	s14 =	sadd.s32 $0x200, s10  }
0xd: {  	p1 =	sgt.s32 s14, $0x2A7F  }
0xe: {  	s14 =	smov.u32 @p1 s2;
	p1 =	sne.s32 s11, s7  }
.Ltmp1:
0xf: {  	p0 =	slt.u32 s11, $0x2;
	(pc) =	sbr.rel @!p1 .LBB1_8-.Ltmp1, $4  }
0x10: {  	s13 =	simm.s32 @!p0 $0x2  }
0x11: {  	s15 =	sadd.s32 $0x1, s11;
	_ =	swait.ge @!p0 [sflag:s13], $0x4000  }
0x12: {  	s12 =	smov.u32 s10;
	s9 =	sadd.s32 $0x8000, s9;
	[sflag:s13] =	ssyncset.done @!p0 $0x0  }
0x13: {  	s11 =	smov.u32 s15;
	s10 =	smov.u32 s14;
	[sflag:s13] =	ssyncadd.s32 @!p0 $0xFFFFC000  }
.LBB1_1:
0x14: {  	p0 =	sge.u32 s11, s6  }
0x15: {  	s13 =	sxor.u32 @!p0 $0xFFFFFFFF, s11  }
0x16: {  	s31 =	sadd.s32 $0xFFFFFFFF, s11;
	s14 =	sshll.u32 @!p0 s10, $0x7;
	s13 =	sshll.u32 @!p0 s13, $0xE  }
0x17: {  	s15 =	simm.s32 @!p0 $0x0;
	s14 =	sadd.s32 @!p0 s3, s14;
	s13 =	sand.u32 @!p0 $0x4000, s13  }
0x18: {  	[tilespmem:s13], [sflag:$0x1] =	stream.linear.gather @!p0 [hbm4b:s14+s15], $0x4000, $0x38;
	[tilespmem:$0x10000] =	vst v63  }
0x19: {  	p0 =	sge.u32 s31, s6  }
.Ltmp2:
0x1a: {  	_ = 	snop;
	(pc) =	sbr.rel @p0 .LBB1_7-.Ltmp2, $1  }
0x1b: {  	_ =	sdelay $0x3  }
0x1c: {  	s13 =	sshrl.u32 s9, $0x1;
	_ =	swait.ge [sflag:s5], $0x4000  }
0x1d: {  	s15 =	sshll.u32 s11, $0xE;
	s16 =	simm.s32 $0x0;
	s14 =	sand.u32 $0x4000, s13  }
0x1e: {  	[sflag:s5] =	ssyncset.done $0x0;
	s15 =	sand.u32 $0x4000, s15;
	s13 =	sor.u32 $0x200, s14  }
0x1f: {  	s14 =	sor.u32 $0x8080, s14;
	[sflag:s5] =	ssyncadd.s32 $0xFFFFC000;
	s15 =	sor.u32 $0x8000, s15  }
.LBB1_3:
0x20: {  	v0 =	vld [tilespmem:s13+$0xFFFFFE70]  }
0x21: {  	v1 =	vld [tilespmem:s13+$0x70]  }
0x22: {  	v2 =	vld [tilespmem:s13+$0x0]  }
0x23: {  	v3 =	vld [tilespmem:s13+$0xFFFFFE10]  }
0x24: {  	v4 =	vld [tilespmem:s13+$0x10]  }
0x25: {  	v5 =	vld [tilespmem:s13+$0xFFFFFE20]  }
0x26: {  	v7 =	vld [tilespmem:s13+$0x20]  }
0x27: {  	v11 =	vld [tilespmem:s13+$0x30];
	v6 =	vunpack.i.l.s16.s32 v0;
	v8 =	vunpack.i.u.s16.s32 v0;
	v9 =	vunpack.i.u.s16.s32 v1  }
0x28: {  	v10 =	vunpack.i.l.s16.s32 v1;
	v0 =	vunpack.i.u.s16.s32 v2;
	v1 =	vunpack.i.l.s16.s32 v2;
	v2 =	vld [tilespmem:s13+$0xFFFFFE30]  }
0x29: {  	v8 =	vpack.i.b32.b16 v9, v8;
	v9 =	vunpack.i.u.s16.s32 v3;
	v3 =	vunpack.i.l.s16.s32 v3  }
0x2a: {  	v12 =	vld [tilespmem:s13+$0xFFFFFE40];
	v6 =	vpack.i.b32.b16 v10, v6;
	[tilespmem:s14+$0x70] =	vst v8;
	v8 =	vunpack.i.u.s16.s32 v4;
	v4 =	vunpack.i.l.s16.s32 v4  }
0x2b: {  	v13 =	vld [tilespmem:s13+$0x40];
	v10 =	vunpack.i.u.s16.s32 v5;
	v5 =	vunpack.i.l.s16.s32 v5;
	[tilespmem:s14+$0xFFFFFFF0] =	vst v6;
	v3 =	vpack.i.b32.b16 v4, v3  }
0x2c: {  	v6 =	vunpack.i.l.s16.s32 v7;
	v4 =	vld [tilespmem:s13+$0xFFFFFE50];
	[tilespmem:s14+$0xFFFFFF90] =	vst v3;
	v3 =	vpack.i.b32.b16 v8, v9;
	v8 =	vunpack.i.u.s16.s32 v7  }
0x2d: {  	v7 =	vunpack.i.l.s16.s32 v11;
	[tilespmem:s14+$0x10] =	vst v3;
	v3 =	vpack.i.b32.b16 v6, v5;
	v9 =	vunpack.i.u.s16.s32 v2;
	v6 =	vld [tilespmem:s13+$0x50]  }
0x2e: {  	v5 =	vunpack.i.l.s16.s32 v2;
	v2 =	vld [tilespmem:s13+$0xFFFFFE60];
	[tilespmem:s14+$0xFFFFFFA0] =	vst v3;
	v3 =	vpack.i.b32.b16 v8, v10;
	v10 =	vunpack.i.u.s16.s32 v11  }
0x2f: {  	s19 =	simm.s32 $0x0;
	v11 =	vpack.i.b32.b16 v7, v5;
	v7 =	vunpack.i.u.s16.s32 v12;
	v8 =	vunpack.i.l.s16.s32 v12;
	[tilespmem:s14+$0x20] =	vst v3;
	v3 =	vld [tilespmem:s13+$0x60]  }
0x30: {  	s20 =	sadd.s32 $0x80, s13;
	s18 =	smov.u32 s14;
	s17 =	smov.u32 s14;
	v5 =	vld [tilespmem:s13+$0xFFFFFE00];
	[tilespmem:s14+$0xFFFFFFB0] =	vst v11;
	v10 =	vpack.i.b32.b16 v10, v9;
	v9 =	vunpack.i.u.s16.s32 v13;
	v11 =	vunpack.i.l.s16.s32 v13  }
.LBB1_4:
0x31: {  	v12 =	vld [tilespmem:s20+$0xFFFFFE70];
	[tilespmem:s18+$0x30] =	vst v10;
	v8 =	vpack.i.b32.b16 v11, v8;
	v10 =	vunpack.i.u.s16.s32 v4;
	v4 =	vunpack.i.l.s16.s32 v4  }
0x32: {  	s19 =	sadd.s32 $0x2, s19;
	v7 =	vpack.i.b32.b16 v9, v7;
	v11 =	vld [tilespmem:s20+$0x70];
	[tilespmem:s18+$0xFFFFFFC0] =	vst v8;
	v8 =	vunpack.i.u.s16.s32 v6;
	v6 =	vunpack.i.l.s16.s32 v6  }
0x33: {  	p0 =	slt.u32 s19, $0x6;
	v9 =	vld [tilespmem:s20+$0x0];
	[tilespmem:s18+$0x40] =	vst v7;
	v4 =	vpack.i.b32.b16 v6, v4;
	v6 =	vunpack.i.u.s16.s32 v2;
	v2 =	vunpack.i.l.s16.s32 v2  }
0x34: {  	v7 =	vld [tilespmem:s20+$0xFFFFFE10];
	[tilespmem:s18+$0xFFFFFFD0] =	vst v4;
	v4 =	vpack.i.b32.b16 v8, v10;
	v8 =	vunpack.i.u.s16.s32 v3;
	v3 =	vunpack.i.l.s16.s32 v3  }
0x35: {  	v10 =	vld [tilespmem:s20+$0x10];
	v13 =	vunpack.i.u.s16.s32 v5;
	v5 =	vunpack.i.l.s16.s32 v5;
	[tilespmem:s18+$0x50] =	vst v4;
	v2 =	vpack.i.b32.b16 v3, v2  }
0x36: {  	v3 =	vld [tilespmem:s20+$0xFFFFFE20];
	v4 =	vunpack.i.l.s16.s32 v12;
	v1 =	vpack.i.b32.b16 v1, v5;
	v5 =	vpack.i.b32.b16 v0, v13;
	[tilespmem:s18+$0xFFFFFFE0] =	vst v2  }
0x37: {  	v12 =	vunpack.i.u.s16.s32 v12;
	v2 =	vld [tilespmem:s20+$0x20];
	v13 =	vunpack.i.u.s16.s32 v11;
	v11 =	vunpack.i.l.s16.s32 v11;
	[tilespmem:s18+$0xFFFFFF80] =	vst v1  }
0x38: {  	s18 =	sadd.s32 $0x100, s18;
	v0 =	vunpack.i.u.s16.s32 v9;
	v1 =	vunpack.i.l.s16.s32 v9;
	v9 =	vld [tilespmem:s20+$0xFFFFFE30];
	v12 =	vpack.i.b32.b16 v13, v12;
	[tilespmem:s17+$0x0] =	vst v5  }
0x39: {  	v6 =	vpack.i.b32.b16 v8, v6;
	v5 =	vunpack.i.u.s16.s32 v7;
	v7 =	vunpack.i.l.s16.s32 v7;
	v13 =	vld [tilespmem:s20+$0x30];
	[tilespmem:s18+$0x70] =	vst v12  }
0x3a: {  	v4 =	vpack.i.b32.b16 v11, v4;
	v8 =	vunpack.i.u.s16.s32 v10;
	v10 =	vunpack.i.l.s16.s32 v10;
	v12 =	vld [tilespmem:s20+$0xFFFFFE40];
	[tilespmem:s17+$0x60] =	vst v6;
	s17 =	smov.u32 s18  }
0x3b: {  	v6 =	vpack.i.b32.b16 v10, v7;
	v7 =	vunpack.i.u.s16.s32 v3;
	v3 =	vunpack.i.l.s16.s32 v3;
	v11 =	vld [tilespmem:s20+$0x40];
	[tilespmem:s18+$0xFFFFFFF0] =	vst v4  }
.Ltmp3:
0x3c: {  	v5 =	vpack.i.b32.b16 v8, v5;
	[tilespmem:s18+$0xFFFFFF90] =	vst v6;
	v8 =	vunpack.i.u.s16.s32 v2;
	v2 =	vunpack.i.l.s16.s32 v2;
	v4 =	vld [tilespmem:s20+$0xFFFFFE50];
	(pc) =	sbr.rel @p0 .LBB1_4-.Ltmp3, $4  }
0x3d: {  	[tilespmem:s18+$0x10] =	vst v5;
	v2 =	vpack.i.b32.b16 v2, v3;
	v10 =	vunpack.i.u.s16.s32 v9;
	v3 =	vunpack.i.l.s16.s32 v9;
	v6 =	vld [tilespmem:s20+$0x50]  }
0x3e: {  	v5 =	vpack.i.b32.b16 v8, v7;
	[tilespmem:s18+$0xFFFFFFA0] =	vst v2;
	v9 =	vunpack.i.u.s16.s32 v13;
	v7 =	vunpack.i.l.s16.s32 v13;
	v2 =	vld [tilespmem:s20+$0xFFFFFE60]  }
0x3f: {  	[tilespmem:s18+$0x20] =	vst v5;
	v13 =	vpack.i.b32.b16 v7, v3;
	v7 =	vunpack.i.u.s16.s32 v12;
	v8 =	vunpack.i.l.s16.s32 v12;
	v3 =	vld [tilespmem:s20+$0x60]  }
0x40: {  	v10 =	vpack.i.b32.b16 v9, v10;
	v5 =	vld [tilespmem:s20+$0xFFFFFE00];
	[tilespmem:s18+$0xFFFFFFB0] =	vst v13;
	v9 =	vunpack.i.u.s16.s32 v11;
	v11 =	vunpack.i.l.s16.s32 v11;
	s20 =	sadd.s32 $0x80, s20  }
0x41: {  	[tilespmem:s18+$0x30] =	vst v10;
	v8 =	vpack.i.b32.b16 v11, v8  }
0x42: {  	v51 =	vunpack.i.l.s16.s32 v4;
	v7 =	vpack.i.b32.b16 v9, v7;
	[tilespmem:s18+$0xFFFFFFC0] =	vst v8;
	v52 =	vunpack.i.l.s16.s32 v6  }
0x43: {  	v53 =	vunpack.i.u.s16.s32 v4;
	s16 =	sadd.s32 $0x1, s16;
	v54 =	vunpack.i.u.s16.s32 v6;
	[tilespmem:s18+$0x40] =	vst v7;
	v55 =	vpack.i.b32.b16 v52, v51  }
0x44: {  	p0 =	sne.s32 s16, $0x10;
	v56 =	vunpack.i.l.s16.s32 v2;
	v4 =	vpack.i.b32.b16 v54, v53;
	[tilespmem:s18+$0xFFFFFFD0] =	vst v55;
	v57 =	vunpack.i.l.s16.s32 v3  }
.Ltmp4:
0x45: {  	[tilespmem:s18+$0x50] =	vst v4;
	v58 =	vunpack.i.l.s16.s32 v5;
	v59 =	vpack.i.b32.b16 v57, v56;
	(pc) =	sbr.rel @p0 .LBB1_3-.Ltmp4, $4  }
0x46: {  	v61 =	vunpack.i.u.s16.s32 v2;
	v62 =	vunpack.i.u.s16.s32 v3;
	v1 =	vpack.i.b32.b16 v1, v58;
	[tilespmem:s18+$0xFFFFFFE0] =	vst v59  }
0x47: {  	v60 =	vunpack.i.u.s16.s32 v5;
	v63 =	vpack.i.b32.b16 v62, v61;
	[tilespmem:s18+$0xFFFFFF80] =	vst v1  }
0x48: {  	v0 =	vpack.i.b32.b16 v0, v60;
	[tilespmem:s17+$0x60] =	vst v63  }
0x49: {  	s13 =	sadd.s32 $0x400, s13;
	s14 =	sadd.s32 $0x400, s14;
	[tilespmem:s17+$0x0] =	vst v0  }
.Ltmp5:
0x4a: {  	(pc) =	sbr.rel .LBB1_7-.Ltmp5, $4  }
0x4b: {  	_ = 	snop  }
0x4c: {  	s12 =	sshll.u32 s12, $0x7  }
0x4d: {  	s12 =	sadd.s32 s4, s12  }
0x4e: {  	[hbm4b:s12+s8] =	stream.linear.scatter [tilespmem:s15], [sflag:$0x2], $0x4000, $0x38;
	[tilespmem:$0x10000] =	vst v63  }
.LBB1_8:
0x4f: {  	_ =	sfence.sel $0x180000  }
0x50: {  	s2 =	simm.s32 $0x1;
	[bflag:$0x0] =	sbarrier.arrive $0xFFFF  }
0x51: {  	s31 =	simm.s32 $0x2;
	[sflag:s2] =	ssyncpa.u1 $0x1  }
0x52: {  	[sflag:s31] =	ssyncpa.u1 $0x1  }
0x53: {  	p0 =	sne.s32 s0, $0x0;
	_ =	strace $0x9000004A  }
0x54: {  	s0 =	sadd.s32 @!p0 $0x100000, s1;
	[bflag:$0x2] =	sbarrier.arrive $0xFFFF  }
0x55: {  	[sflag:s0] =	ssyncadd.tile.s32 @!p0 $0x1;
	_ =	shalt  }
.Lfunc_end1:
_tile_overlayer_lowered:
.L_overlay_start_2:
0x56: {  	(tag) =	ssettag $0x2  }
0x57: {  	s0 =	rddreg [dreg:$0x0];
	s2 =	stileid.u32  }
0x58: {  	s1 =	rddreg [dreg:$0x1];
	p0 =	sne.s32 s2, $0x0  }
0x59: {  	s3 =	rddreg [dreg:$0x2];
	[bflag:$0x3] =	sbarrier.arrive $0xFFFF;
	s2 =	simm.s32 @!p0 $0x1C01  }
0x5a: {  	[timem:s3], [sflag:s2] =	dma.local @!p0 [hbm:s0], s1  }
0x5b: {  	s0 =	simm.s32 @!p0 $0x1  }
0x5c: {  	_ =	swait.ge @!p0 [sflag:s0], s1  }
0x5d: {  	s1 =	ssub.s32 @!p0 $0x0, s1;
	[sflag:s0] =	ssyncset.done @!p0 $0x0  }
0x5e: {  	[sflag:s0] =	ssyncadd.s32 @!p0 s1  }
0x5f: {  	[bflag:$0x3] =	sbarrier.arrive $0xFFFF  }
0x60: {  	_ =	shalt  }

// kernel: sparse-core-data-format-call.cloned.1.call-start
scs
called_computation_lowered:
.L_overlay_start_0:
0x0: {  	s2 =	sld [smem:$0x3FD9]  }
0x1: {  	s3 =	sld [smem:$0x3FFE];
	_ =	sdelay $0x1  }
0x2: {  	s1 =	srdreg.scid  }
0x3: {  	s0 =	sand.u32 $0x1, s1  }
0x4: {  	s18 =	sshll.u32 s0, $0xA;
	s2 =	sadd.s32 s3, s2  }
0x5: {  	s2 =	sadd.s32 s2, s18  }
0x6: {  	[smem:$0x3FBD] =	sst s2  }
0x7: {  	_ = 	snop  }
0x8: {  	(tm) =	ssettm $0x1  }
0x9: {  	s19 =	sld [smem:$0x3FFB];
	_ =	sdelay $0x3  }
0xa: {  	_ =	strace s19  }
0xb: {  	s2 =	sld [smem:$0x3FFC];
	_ =	sdelay $0x3  }
0xc: {  	_ =	strace s2  }
0xd: {  	s2 =	sld [smem:$0x3FFD];
	_ =	sdelay $0x3  }
0xe: {  	_ =	strace s2  }
0xf: {  	_ =	strace $0x8FFFFFFF  }
0x10: {  	s20 =	sld [smem:$0x3FDB];
	_ =	sdelay $0x1  }
0x11: {  	s21 =	simm.s32 $_scs_section_size  }
0x12: {  	s4 =	simm.s32 $_size__tile_overlayer_lowered;
	s5 =	simm.s32 $_tile_overlayer_lowered  }
0x13: {  	s6 =	simm.s32 $0x1BFF;
	s22 =	sshll.u32 s5, $0x1;
	s3 =	sadd.s32 s21, s20  }
0x14: {  	s23 =	simm.s32 $0x0;
	s4 =	sshll.u32 s4, $0x1;
	s5 =	sadd.s32 s22, s3  }
0x15: {  	[timem:s23], [sflag:s6] =	dma.local [hbm:s5], s4  }
0x16: {  	_ =	swait.ge [sflag:s6], s4  }
0x17: {  	s4 =	ssub.s32 $0x0, s4;
	[sflag:s6] =	ssyncset.done $0x0  }
0x18: {  	[sflag:s6] =	ssyncadd.s32 s4;
	_ =	sdelay $0x1  }
0x19: {  	s24 =	simm.s32 $0x1B8B  }
0x1a: {  	_ =	swait.ge [sflag:s24], $0x1  }
0x1b: {  	[sflag:s24] =	ssyncset.done $0x0  }
0x1c: {  	[sflag:s24] =	ssyncadd.s32 $0xFFFFFFFF  }
0x1d: {  	s4 =	sld [smem:$0x0]  }
0x1e: {  	s5 =	sand.u32 $0xFFFFFFFE, s1  }
0x1f: {  	p0 =	sne.s32 s1, s5  }
0x20: {  	s5 =	sshll.u32 @p0 s5, $0xE  }
0x21: {  	s5 =	sadd.s32 @p0 $0x11B8D, s5;
	s6 =	sshll.u32 @p0 s4, $0x11  }
0x22: {  	s5 =	sor.u32 @p0 s6, s5  }
0x23: {  	[sflag:s5] =	ssyncadd.remote.s32 @p0 $0x1;
	_ =	sdelay $0x1  }
0x24: {  	s5 =	simm.s32 @p0 $0x1B8D  }
0x25: {  	_ =	swait.eq @p0 [sflag:s5], $0x1  }
0x26: {  	[sflag:s5] =	ssyncadd.s32 @p0 $0xFFFFFFFF  }
0x27: {  	s6 =	sshll.u32 @!p0 s1, $0xE  }
0x28: {  	s6 =	sor.u32 @!p0 $0x4000, s6;
	s5 =	simm.s32 @!p0 $0x1B8D  }
0x29: {  	s4 =	sshll.u32 @!p0 s4, $0x11;
	s6 =	sadd.s32 @!p0 $0x11B8D, s6;
	_ =	swait.eq @!p0 [sflag:s5], $0x1  }
0x2a: {  	s4 =	sor.u32 @!p0 s4, s6;
	[sflag:s5] =	ssyncadd.s32 @!p0 $0xFFFFFFFF  }
0x2b: {  	s26 =	simm.s32 $0x1B8E;
	s25 =	sld [smem:$0x3FFE];
	[sflag:s4] =	ssyncadd.remote.s32 @!p0 $0x1  }
0x2c: {  	s27 =	simm.s32 $execute0_lowered;
	[smem:$0x3FD2] =	sst s26  }
0x2d: {  	s5 =	sshll.u32 s27, $0x1;
	_ =	strace $0x8000004C;
	[dreg:$0x1] =	wrdreg $0xFFFFFFFF  }
0x2e: {  	s28 =	simm.s32 $_size_execute0_lowered;
	s3 =	sadd.s32 s3, s5;
	[dreg:$0x0] =	wrdreg $0x0  }
0x2f: {  	s5 =	sshll.u32 s28, $0x1;
	[dreg:$0x2] =	wrdreg s3  }
0x30: {  	[dreg:$0x3] =	wrdreg s5  }
0x31: {  	[dreg:$0x4] =	wrdreg $0xC0  }
0x32: {  	_ =	task [dreg:s23], $0x5FFFF  }
0x33: {  	[dreg:$0x1] =	wrdreg $0xFFFFFFFF  }
0x34: {  	[dreg:$0x0] =	wrdreg $0x60  }
0x35: {  	[dreg:$0x2] =	wrdreg s25  }
0x36: {  	[dreg:$0x3] =	wrdreg $0x9  }
0x37: {  	_ =	task.clear_ibuf [dreg:s23], $0x4FFFF;
	_ =	strace $0x9000004C  }
0x38: {  	s29 =	simm.s32 $0x9;
	_ =	strace $0x8000004E  }
0x39: {  	_ =	swait.ge [sflag:s29], $0x1  }
0x3a: {  	[sflag:s29] =	ssyncadd.s32 $0xFFFFFFFF  }
0x3b: {  	_ =	strace $0x9000004E  }
0x3c: {  	_ =	sfence  }
0x3d: {  	s30 =	sld [smem:$0x0];
	_ =	sdelay $0x2  }
0x3e: {  	s31 =	sshll.u32 s1, $0xD;
	s1 =	sshrl.u32 s1, $0x2  }
0x3f: {  	s4 =	sand.u32 $0x4000, s31;
	s1 =	sadd.s32 s1, s30  }
0x40: {  	s0 =	sor.u32 s4, s0;
	s1 =	sshll.u32 s1, $0x11  }
0x41: {  	s0 =	sor.u32 s1, s0  }
0x42: {  	s0 =	sadd.s32 $0x8F2B, s0  }
0x43: {  	[sflag:s0] =	ssyncadd.remote.s32 $0x1  }
0x44: {  	_ =	sfence.sel $0xFFFF  }
0x45: {  	[dreg:$0x0] =	wrdreg $0xFFFFFFFF;
	(pc) =	sbr.abs _section_cstart, $3  }
0x46: {  	[dreg:$0x1] =	wrdreg $0xFFFFFFFF  }
0x47: {  	_ =	task.clear_ibuf [dreg:s23], $0x2FFFF;
	_ =	strace $0x9FFFFFFF  }
0x48: {  	(tm) =	ssettm $0x7FFFFFFF  }
0x49: {  	_ =	shalt  }
tec
execute0_lowered:
.L_overlay_start_1:
0x0: {  	(tag) =	ssettag $0x1  }
0x1: {  	s0 =	srdreg.scid  }
0x2: {  	s1 =	sshll.u32 s0, $0x4  }
0x3: {  	s4 =	rddreg [dreg:$0x0];
	s0 =	stileid.u32;
	s1 =	sand.u32 $0x10, s1  }
0x4: {  	s7 =	simm.s32 $0x1;
	s8 =	simm.s32 $0x2;
	s2 =	sor.u32 s0, s1  }
0x5: {  	s9 =	simm.s32 $0x0;
	s12 =	simm.s32 $0x0;
	s2 =	sshll.u32 s2, $0x2  }
0x6: {  	s11 =	simm.s32 $0x0;
	s3 =	sadd.s32 $0x156E00, s4;
	s6 =	ssub.s32 $0x1540, s2  }
.Ltmp0:
0x7: {  	s4 =	sadd.s32 $0x6A6E00, s4;
	s5 =	sand.u32 $0x7C, s6;
	(pc) =	sbr.rel .LBB1_1-.Ltmp0, $4  }
0x8: {  	s1 =	rddreg [dreg:$0x1];
	_ =	strace $0x8000004D;
	p0 =	sne.s32 s5, $0x0  }
0x9: {  	s6 =	sshrl.u32 s6, $0x7;
	s5 =	simm.s32 $0x1;
	s7 =	simm.s32 @!p0 $0x0  }
0xa: {  	s10 =	smov.u32 s2;
	[sflag:s5] =	ssyncpa.u1 $0x0;
	s6 =	sadd.s32 s7, s6  }
0xb: {  	[sflag:s8] =	ssyncpa.u1 $0x0;
	s8 =	simm.s32 $0x0;
	s7 =	sadd.s32 $0x1, s6  }
.LBB1_9:
0xc: {  	s14 =	sadd.s32 $0x80, s10  }
0xd: {  	p1 =	sgt.s32 s14, $0x153F  }
0xe: {  	s14 =	smov.u32 @p1 s2;
	p1 =	sne.s32 s11, s7  }
.Ltmp1:
0xf: {  	p0 =	slt.u32 s11, $0x2;
	(pc) =	sbr.rel @!p1 .LBB1_10-.Ltmp1, $4  }
0x10: {  	s13 =	simm.s32 @!p0 $0x2  }
0x11: {  	s15 =	sadd.s32 $0x1, s11;
	_ =	swait.ge @!p0 [sflag:s13], $0x4000  }
0x12: {  	s12 =	smov.u32 s10;
	s9 =	sadd.s32 $0x4000, s9;
	[sflag:s13] =	ssyncset.done @!p0 $0x0  }
0x13: {  	s11 =	smov.u32 s15;
	s10 =	smov.u32 s14;
	[sflag:s13] =	ssyncadd.s32 @!p0 $0xFFFFC000  }
.LBB1_1:
0x14: {  	p0 =	sge.u32 s11, s6  }
0x15: {  	s13 =	sxor.u32 @!p0 $0xFFFFFFFF, s11  }
0x16: {  	s31 =	sadd.s32 $0xFFFFFFFF, s11;
	s14 =	sshll.u32 @!p0 s10, $0x9;
	s13 =	sshll.u32 @!p0 s13, $0xE  }
0x17: {  	s15 =	simm.s32 @!p0 $0x0;
	s14 =	sadd.s32 @!p0 s3, s14;
	s13 =	sand.u32 @!p0 $0x4000, s13  }
0x18: {  	[tilespmem:s13], [sflag:$0x1] =	stream.linear.gather @!p0 [hbm4b:s14+s15], $0x4000, $0x38;
	[tilespmem:$0x10000] =	vst v63  }
0x19: {  	p0 =	sge.u32 s31, s6  }
.Ltmp2:
0x1a: {  	_ = 	snop;
	(pc) =	sbr.rel @p0 .LBB1_9-.Ltmp2, $1  }
0x1b: {  	_ =	sdelay $0x3  }
0x1c: {  	s14 =	sand.u32 $0x4000, s9  }
0x1d: {  	_ =	swait.ge [sflag:s5], $0x4000;
	s15 =	sshll.u32 s11, $0xE;
	s16 =	simm.s32 $0x0  }
0x1e: {  	s13 =	sor.u32 $0x40, s14;
	[sflag:s5] =	ssyncset.done $0x0;
	s15 =	sand.u32 $0x4000, s15  }
0x1f: {  	s14 =	sor.u32 $0x8040, s14;
	[sflag:s5] =	ssyncadd.s32 $0xFFFFC000;
	s15 =	sor.u32 $0x8000, s15  }
.LBB1_3:
0x20: {  	s17 =	smov.u32 s14;
	s18 =	smov.u32 s13;
	s19 =	simm.s32 $0x0  }
.LBB1_4:
0x21: {  	v0 =	vmov s17;
	v2 =	vld [tilespmem:s18+$0x30]  }
0x22: {  	v4 =	vld [tilespmem:s18+$0xFFFFFFD0]  }
0x23: {  	v6 =	vld [tilespmem:s18+$0xFFFFFFE0]  }
0x24: {  	v7 =	vld [tilespmem:s18+$0xFFFFFFF0]  }
0x25: {  	s20 =	simm.s32 $0x0;
	v1 =	vld [tilespmem:s18+$0x0]  }
0x26: {  	v3 =	vld [tilespmem:s18+$0x10];
	[tilespmem:v0+s20+$0x30 ss:$0x1] =	vst.idx.msk $0xffff, v2  }
0x27: {  	v5 =	vld [tilespmem:s18+$0x20];
	[tilespmem:v0+s20+$0xFFFFFFD0 ss:$0x1] =	vst.idx.msk $0xffff, v4  }
0x28: {  	s21 =	sadd.s32 $0x80, s18;
	v2 =	vld [tilespmem:s18+$0xFFFFFFC0];
	[tilespmem:v0+s20+$0xFFFFFFE0 ss:$0x1] =	vst.idx.msk $0xffff, v6  }
0x29: {  	s22 =	simm.s32 $0x800;
	s23 =	simm.s32 $0x1000;
	v4 =	vld [tilespmem:s21+$0x30];
	[tilespmem:v0+s20+$0xFFFFFFF0 ss:$0x1] =	vst.idx.msk $0xffff, v7  }
.LBB1_5:
0x2a: {  	p0 =	sne.s32 s23, $0x3800;
	v6 =	vld [tilespmem:s21+$0xFFFFFFD0];
	[tilespmem:v0+s20+$0x0 ss:$0x1] =	vst.idx.msk $0xffff, v1  }
0x2b: {  	v7 =	vld [tilespmem:s21+$0xFFFFFFE0];
	[tilespmem:v0+s20+$0x10 ss:$0x1] =	vst.idx.msk $0xffff, v3  }
0x2c: {  	v8 =	vld [tilespmem:s21+$0xFFFFFFF0];
	[tilespmem:v0+s20+$0x20 ss:$0x1] =	vst.idx.msk $0xffff, v5  }
.Ltmp3:
0x2d: {  	v1 =	vld [tilespmem:s21+$0x0];
	[tilespmem:v0+s20+$0xFFFFFFC0 ss:$0x1] =	vst.idx.msk $0xffff, v2;
	s20 =	sshra.s32 s22, $0x2;
	s22 =	smov.u32 s23;
	(pc) =	sbr.rel @p0 .LBB1_5-.Ltmp3, $4  }
0x2e: {  	v3 =	vld [tilespmem:s21+$0x10];
	[tilespmem:v0+s20+$0x30 ss:$0x1] =	vst.idx.msk $0xffff, v4  }
0x2f: {  	[tilespmem:v0+s20+$0xFFFFFFD0 ss:$0x1] =	vst.idx.msk $0xffff, v6;
	v5 =	vld [tilespmem:s21+$0x20]  }
0x30: {  	v2 =	vld [tilespmem:s21+$0xFFFFFFC0];
	[tilespmem:v0+s20+$0xFFFFFFE0 ss:$0x1] =	vst.idx.msk $0xffff, v7;
	s21 =	sadd.s32 $0x80, s21  }
0x31: {  	s23 =	sadd.s32 $0x800, s23;
	v4 =	vld [tilespmem:s21+$0x30];
	[tilespmem:v0+s20+$0xFFFFFFF0 ss:$0x1] =	vst.idx.msk $0xffff, v8  }
0x32: {  	_ =	sdelay $0x3  }
0x33: {  	v6 =	vld [tilespmem:s21+$0xFFFFFFD0];
	[tilespmem:v0+s20+$0x0 ss:$0x1] =	vst.idx.msk $0xffff, v1  }
0x34: {  	v58 =	vld [tilespmem:s21+$0xFFFFFFE0];
	[tilespmem:v0+s20+$0x10 ss:$0x1] =	vst.idx.msk $0xffff, v3  }
0x35: {  	v59 =	vld [tilespmem:s21+$0xFFFFFFF0];
	[tilespmem:v0+s20+$0x20 ss:$0x1] =	vst.idx.msk $0xffff, v5  }
0x36: {  	s22 =	sshra.s32 s22, $0x2;
	v60 =	vld [tilespmem:s21+$0x0];
	[tilespmem:v0+s20+$0xFFFFFFC0 ss:$0x1] =	vst.idx.msk $0xffff, v2  }
0x37: {  	v61 =	vld [tilespmem:s21+$0x10];
	[tilespmem:v0+s22+$0x30 ss:$0x1] =	vst.idx.msk $0xffff, v4  }
0x38: {  	v62 =	vld [tilespmem:s21+$0x20];
	s19 =	sadd.s32 $0x1, s19;
	[tilespmem:v0+s22+$0xFFFFFFD0 ss:$0x1] =	vst.idx.msk $0xffff, v6  }
0x39: {  	v63 =	vld [tilespmem:s21+$0xFFFFFFC0];
	p0 =	sne.s32 s19, $0x4;
	[tilespmem:v0+s22+$0xFFFFFFE0 ss:$0x1] =	vst.idx.msk $0xffff, v58  }
.Ltmp4:
0x3a: {  	[tilespmem:v0+s22+$0xFFFFFFF0 ss:$0x1] =	vst.idx.msk $0xffff, v59;
	(pc) =	sbr.rel @p0 .LBB1_4-.Ltmp4, $4  }
0x3b: {  	[tilespmem:v0+s22+$0x0 ss:$0x1] =	vst.idx.msk $0xffff, v60  }
0x3c: {  	[tilespmem:v0+s22+$0x10 ss:$0x1] =	vst.idx.msk $0xffff, v61  }
0x3d: {  	[tilespmem:v0+s22+$0x20 ss:$0x1] =	vst.idx.msk $0xffff, v62  }
0x3e: {  	s18 =	sadd.s32 $0x400, s18;
	s17 =	sadd.s32 $0x80, s17;
	[tilespmem:v0+s22+$0xFFFFFFC0 ss:$0x1] =	vst.idx.msk $0xffff, v63  }
0x3f: {  	s16 =	sadd.s32 $0x1, s16  }
0x40: {  	p0 =	sne.s32 s16, $0x4  }
.Ltmp5:
0x41: {  	_ = 	snop;
	(pc) =	sbr.rel @p0 .LBB1_3-.Ltmp5, $2  }
0x42: {  	_ =	sdelay $0x2  }
0x43: {  	s13 =	sadd.s32 $0x1000, s13;
	s14 =	sadd.s32 $0x1000, s14  }
.Ltmp6:
0x44: {  	(pc) =	sbr.rel .LBB1_9-.Ltmp6, $4  }
0x45: {  	_ = 	snop  }
0x46: {  	s12 =	sshll.u32 s12, $0x9  }
0x47: {  	s12 =	sadd.s32 s4, s12  }
0x48: {  	[hbm4b:s12+s8] =	stream.linear.scatter [tilespmem:s15], [sflag:$0x2], $0x4000, $0x38;
	[tilespmem:$0x10000] =	vst v63  }
.LBB1_10:
0x49: {  	_ =	sfence.sel $0x180000  }
0x4a: {  	s2 =	simm.s32 $0x1;
	[bflag:$0x0] =	sbarrier.arrive $0xFFFF  }
0x4b: {  	s31 =	simm.s32 $0x2;
	[sflag:s2] =	ssyncpa.u1 $0x1  }
0x4c: {  	[sflag:s31] =	ssyncpa.u1 $0x1  }
0x4d: {  	p0 =	sne.s32 s0, $0x0;
	_ =	strace $0x9000004D  }
0x4e: {  	s0 =	sadd.s32 @!p0 $0x100000, s1;
	[bflag:$0x2] =	sbarrier.arrive $0xFFFF  }
0x4f: {  	[sflag:s0] =	ssyncadd.tile.s32 @!p0 $0x1;
	_ =	shalt  }
.Lfunc_end1:
_tile_overlayer_lowered:
.L_overlay_start_2:
0x50: {  	(tag) =	ssettag $0x2  }
0x51: {  	s0 =	rddreg [dreg:$0x0];
	s2 =	stileid.u32  }
0x52: {  	s1 =	rddreg [dreg:$0x1];
	p0 =	sne.s32 s2, $0x0  }
0x53: {  	s3 =	rddreg [dreg:$0x2];
	[bflag:$0x3] =	sbarrier.arrive $0xFFFF;
	s2 =	simm.s32 @!p0 $0x1C01  }
0x54: {  	[timem:s3], [sflag:s2] =	dma.local @!p0 [hbm:s0], s1  }
0x55: {  	s0 =	simm.s32 @!p0 $0x1  }
0x56: {  	_ =	swait.ge @!p0 [sflag:s0], s1  }
0x57: {  	s1 =	ssub.s32 @!p0 $0x0, s1;
	[sflag:s0] =	ssyncset.done @!p0 $0x0  }
0x58: {  	[sflag:s0] =	ssyncadd.s32 @!p0 s1  }
0x59: {  	[bflag:$0x3] =	sbarrier.arrive $0xFFFF  }
0x5a: {  	_ =	shalt  }

</sc_bundles>
